<compile_context>
chip_gen: v7x
topology: tpu7x:2x2x1
jax: 0.10.2.dev20260603
libtpu: 0.0.44.dev20260713+nightly
codegen_flags: <defaults>
</compile_context>

<pallas_src>
import jax
import jax.numpy as jnp
from jax import lax
from jax.experimental import pallas as pl
from jax.experimental.pallas import tpu as pltpu
from jax.experimental.pallas import tpu_sc as plsc

NC = 2
NS = 16
NW = NC * NS
CH = 100
BN = 1024


def _deg_body(col3, cnt_out, colbuf, ones_v, zb, d0, d1, deg_sh):
    dsem = (d0, d1)
    cid = lax.axis_index("c")
    sid = lax.axis_index("s")
    wid = sid * NC + cid
    npad = deg_sh.shape[0]
    pt = npad // NS

    for i in range(ones_v.shape[0] // 16):
        ones_v[pl.ds(i * 16, 16)] = jnp.full((16,), 1.0, jnp.float32)

    def zloop(i, c):
        zb[pl.ds(i * 16, 16)] = jnp.zeros((16,), jnp.float32)
        return c

    lax.fori_loop(0, pt // 16, zloop, 0)
    pltpu.sync_copy(zb, deg_sh.at[pl.ds(sid * pt, pt)])
    plsc.subcore_barrier()

    ones = ones_v.at[pl.ds(0, colbuf.shape[1])]

    def sloop(s, c):
        pltpu.sync_copy(col3.at[wid, s], colbuf)

        def eloop(k, c2):
            for b in range(2):
                cc = 2 * k + b

                @pl.when(cc >= 2)
                def _():
                    pltpu.make_async_copy(ones, deg_sh.at[colbuf.at[cc]],
                                          dsem[b]).wait()

                pltpu.async_copy(ones, deg_sh.at[colbuf.at[cc]], dsem[b],
                                 add=True)
            return c2

        lax.fori_loop(0, colbuf.shape[0] // 2, eloop, 0)
        for b in range(2):
            nc2 = colbuf.shape[0] - 2 + b
            pltpu.make_async_copy(ones, deg_sh.at[colbuf.at[nc2]],
                                  dsem[b]).wait()
        return c

    lax.fori_loop(0, col3.shape[1], sloop, 0)
    plsc.subcore_barrier()
    pltpu.sync_copy(deg_sh.at[pl.ds(sid * pt, pt)],
                    cnt_out.at[cid, pl.ds(sid * pt, pt)])


def _deg_call(col3, npad):
    return pl.kernel(
        _deg_body,
        out_type=jax.ShapeDtypeStruct((NC, npad), jnp.float32),
        mesh=plsc.VectorSubcoreMesh(core_axis_name="c", subcore_axis_name="s",
                                    num_cores=NC, num_subcores=NS),
        scratch_types=[
            pltpu.VMEM(col3.shape[2:], jnp.int32),
            pltpu.VMEM((128,), jnp.float32),
            pltpu.VMEM((npad // NS,), jnp.float32),
            pltpu.SemaphoreType.DMA,
            pltpu.SemaphoreType.DMA,
            pltpu.VMEM_SHARED((npad,), jnp.float32),
        ],
    )(col3)


NBUF = 2


def _scat_body(g, row3, col3, out, rowbuf, colbuf,
               b0, b1, g0, g1, s0, s1, acc_sh):
    bufs = (b0, b1)
    gsem = (g0, g1)
    ssem = (s0, s1)
    cid = lax.axis_index("c")
    sid = lax.axis_index("s")
    wid = sid * NC + cid
    npad = acc_sh.shape[0]
    pt = npad // NS
    zrows = b0.shape[0]
    nsec = row3.shape[1]

    def zloop(i, c):
        for j in range(b0.shape[1] // 16):
            b0[i, pl.ds(j * 16, 16)] = jnp.zeros((16,), jnp.float32)
        return c

    lax.fori_loop(0, zrows, zloop, 0)
    zstep = 80
    for k in range(pt // zstep):
        pltpu.sync_copy(b0.at[pl.ds(0, zstep)],
                        acc_sh.at[pl.ds(sid * pt + k * zstep, zstep)])
    plsc.subcore_barrier()

    ns = rowbuf.shape[0]
    np4 = ns // NBUF

    def sloop(s, c):
        pltpu.sync_copy(row3.at[wid, s], rowbuf)
        pltpu.sync_copy(col3.at[wid, s], colbuf)
        for b in range(NBUF):
            pltpu.async_copy(g.at[rowbuf.at[b]], bufs[b], gsem[b])

        def qloop(j, c2):
            for b in range(NBUF):
                cc = NBUF * j + b
                pltpu.make_async_copy(g.at[rowbuf.at[cc]], bufs[b],
                                      gsem[b]).wait()
                pltpu.async_copy(bufs[b], acc_sh.at[colbuf.at[cc]],
                                 ssem[b], add=True)

                @pl.when(j < np4 - 1)
                def _():
                    pltpu.make_async_copy(bufs[b], acc_sh.at[colbuf.at[cc]],
                                          ssem[b]).wait()
                    pltpu.async_copy(g.at[rowbuf.at[cc + NBUF]], bufs[b],
                                     gsem[b])
            return c2

        lax.fori_loop(0, np4, qloop, 0)
        for b in range(NBUF):
            pltpu.make_async_copy(bufs[b], acc_sh.at[colbuf.at[ns - NBUF + b]],
                                  ssem[b]).wait()
        return c

    lax.fori_loop(0, nsec, sloop, 0)
    plsc.subcore_barrier()
    pltpu.sync_copy(acc_sh.at[pl.ds(sid * pt, pt)],
                    out.at[cid, pl.ds(sid * pt, pt)])


def _scat_call(g, row3, col3):
    npad, d = g.shape
    ns = row3.shape[2]
    ch = row3.shape[3]
    return pl.kernel(
        _scat_body,
        out_type=jax.ShapeDtypeStruct((NC, npad, d), jnp.float32),
        mesh=plsc.VectorSubcoreMesh(core_axis_name="c", subcore_axis_name="s",
                                    num_cores=NC, num_subcores=NS),
        scratch_types=[
            pltpu.VMEM((ns, ch), jnp.int32),
            pltpu.VMEM((ns, ch), jnp.int32),
        ] + [pltpu.VMEM((ch, d), jnp.float32)] * NBUF
          + [pltpu.SemaphoreType.DMA] * (2 * NBUF)
          + [pltpu.VMEM_SHARED((npad, d), jnp.float32)],
    )(g, row3, col3)


def _scale1_body(x_ref, w_ref, cnt_ref, g_ref):
    deg = cnt_ref[0] + cnt_ref[1] + 1.0
    dis = lax.rsqrt(deg)
    h = jnp.dot(x_ref[...], w_ref[...], preferred_element_type=jnp.float32)
    g_ref[...] = h * dis[:, None]


def _dense2_body(s_ref, g1_ref, cnt_ref, b_ref, w_ref, g2_ref):
    deg = cnt_ref[0] + cnt_ref[1] + 1.0
    dis = lax.rsqrt(deg)[:, None]
    t = (s_ref[0] + s_ref[1] + g1_ref[...]) * dis + b_ref[...]
    z = jnp.maximum(t, 0.0)
    g2_ref[...] = jnp.dot(z, w_ref[...],
                          preferred_element_type=jnp.float32) * dis


def _final_body(s_ref, g2_ref, cnt_ref, b_ref, out_ref):
    deg = cnt_ref[0] + cnt_ref[1] + 1.0
    dis = lax.rsqrt(deg)[:, None]
    out_ref[...] = (s_ref[0] + s_ref[1] + g2_ref[...]) * dis + b_ref[...]


def _scale1(x, W, cnt):
    npad, d = x.shape
    return pl.pallas_call(
        _scale1_body,
        grid=(npad // BN,),
        in_specs=[
            pl.BlockSpec((BN, d), lambda i: (i, 0)),
            pl.BlockSpec((d, d), lambda i: (0, 0)),
            pl.BlockSpec((NC, BN), lambda i: (0, i)),
        ],
        out_specs=pl.BlockSpec((BN, d), lambda i: (i, 0)),
        out_shape=jax.ShapeDtypeStruct((npad, d), jnp.float32),
    )(x, W, cnt)


def _dense2(s, g1, cnt, b, W):
    npad, d = g1.shape
    return pl.pallas_call(
        _dense2_body,
        grid=(npad // BN,),
        in_specs=[
            pl.BlockSpec((NC, BN, d), lambda i: (0, i, 0)),
            pl.BlockSpec((BN, d), lambda i: (i, 0)),
            pl.BlockSpec((NC, BN), lambda i: (0, i)),
            pl.BlockSpec((1, d), lambda i: (0, 0)),
            pl.BlockSpec((d, d), lambda i: (0, 0)),
        ],
        out_specs=pl.BlockSpec((BN, d), lambda i: (i, 0)),
        out_shape=jax.ShapeDtypeStruct((npad, d), jnp.float32),
    )(s, g1, cnt, b, W)


def _final(s, g2, cnt, b):
    npad, d = g2.shape
    return pl.pallas_call(
        _final_body,
        grid=(npad // BN,),
        in_specs=[
            pl.BlockSpec((NC, BN, d), lambda i: (0, i, 0)),
            pl.BlockSpec((BN, d), lambda i: (i, 0)),
            pl.BlockSpec((NC, BN), lambda i: (0, i)),
            pl.BlockSpec((1, d), lambda i: (0, 0)),
        ],
        out_specs=pl.BlockSpec((BN, d), lambda i: (i, 0)),
        out_shape=jax.ShapeDtypeStruct((npad, d), jnp.float32),
    )(s, g2, cnt, b)


def kernel(x, edge_index, W1, b1, W2, b2):
    n, d = x.shape
    e = edge_index.shape[1]
    epw = e // NW
    nsec = 5
    npad = -(-n // BN) * BN
    epp = -(-epw // (nsec * CH)) * (nsec * CH)
    ns = epp // CH // nsec
    row_w = edge_index[0].reshape(NW, epw)
    col_w = edge_index[1].reshape(NW, epw)
    row_w = jnp.pad(row_w, ((0, 0), (0, epp - epw)))
    col_w = jnp.pad(col_w, ((0, 0), (0, epp - epw)),
                    constant_values=npad - 1)
    row3 = row_w.reshape(NW, nsec, ns, CH)
    col3 = col_w.reshape(NW, nsec, ns, CH)
    xp = jnp.pad(x, ((0, npad - n), (0, 0)))

    cnt = _deg_call(col3, npad)
    g1 = _scale1(xp, W1, cnt)
    s1 = _scat_call(g1, row3, col3)
    g2 = _dense2(s1, g1, cnt, b1.reshape(1, d), W2)
    s2 = _scat_call(g2, row3, col3)
    return _final(s2, g2, cnt, b2.reshape(1, d))[:n]

# --- scband reference (transcript-rebuilt; emitter-appended) ---
"""Pipeline reference for scband-graph-auto-encoder-30760555774419 (READ-ONLY COPY).

The authoritative reference and input builder live on the scoring server;
editing this copy changes nothing except your own understanding.
"""

import jax, jax.numpy as jnp
import numpy as np

N = 10000
E = 320000
D_IN = 128
D_HID = 128
D_OUT = 128


def gcn_conv(x, edge_index, W, b, num_nodes):
    # Faithful PyG GCNConv: add self-loops, symmetric normalization, propagate.
    row = edge_index[0]
    col = edge_index[1]
    loop = jnp.arange(num_nodes, dtype=row.dtype)
    row = jnp.concatenate([row, loop])
    col = jnp.concatenate([col, loop])
    ew = jnp.ones(row.shape[0], dtype=x.dtype)
    deg = jax.ops.segment_sum(ew, col, num_segments=num_nodes)
    deg_inv_sqrt = jnp.where(deg > 0, deg ** -0.5, 0.0)
    norm = deg_inv_sqrt[row] * ew * deg_inv_sqrt[col]
    h = x @ W  # linear transform
    msg = h[row] * norm[:, None]  # gather + scale (message)
    out = jax.ops.segment_sum(msg, col, num_segments=num_nodes)  # scatter-add aggregate
    return out + b


def setup_inputs(seed: int = 0) -> dict:
    key = jax.random.key(seed)
    ks = jax.random.split(key, 6)
    x = jax.random.normal(ks[0], (N, D_IN), dtype=jnp.float32)
    edge_index = jax.random.randint(ks[1], (2, E), 0, N, dtype=jnp.int32)
    W1 = jax.random.normal(ks[2], (D_IN, D_HID), dtype=jnp.float32) * (1.0 / np.sqrt(D_IN))
    b1 = jnp.zeros((D_HID,), dtype=jnp.float32)
    W2 = jax.random.normal(ks[3], (D_HID, D_OUT), dtype=jnp.float32) * (1.0 / np.sqrt(D_HID))
    b2 = jnp.zeros((D_OUT,), dtype=jnp.float32)
    return {"x": x, "edge_index": edge_index, "W1": W1, "b1": b1, "W2": W2, "b2": b2}


def reference(x, edge_index, W1, b1, W2, b2):
    # GraphAutoEncoder.forward == GCNEncoder.forward (edge_weight=None)
    h = gcn_conv(x, edge_index, W1, b1, N)
    h = jax.nn.relu(h)
    z = gcn_conv(h, edge_index, W2, b2, N)
    return z

if __name__ == "__main__":
    import jax
    _d = setup_inputs()
    print(jax.jit(kernel)(*tuple(_d.values())))

</pallas_src>

<mosaic_0001>
#map = affine_map<(d0, d1) -> (0, 0, 0, 0)>
#map1 = affine_map<(d0, d1) -> (0, 0)>
module attributes {stable_mosaic.version = 14 : i64} {
  func.func @_deg_body(%arg0: i32, %arg1: i32, %arg2: memref<32x5x20x100xi32, #tpu.memory_space<hbm>>, %arg3: memref<2x10240xf32, #tpu.memory_space<hbm>>, %arg4: memref<20x100xi32, #tpu.memory_space<vmem>>, %arg5: memref<128xf32, #tpu.memory_space<vmem>>, %arg6: memref<640xf32, #tpu.memory_space<vmem>>, %arg7: memref<!tpu.dma_semaphore, #tpu.memory_space<semaphore_mem>>, %arg8: memref<!tpu.dma_semaphore, #tpu.memory_space<semaphore_mem>>, %arg9: memref<10240xf32, #tpu.memory_space<vmem_shared>>) attributes {dimension_semantics = [#tpu.dimension_semantics<core_parallel>, #tpu.dimension_semantics<subcore_parallel>], iteration_bounds = array<i64: 2, 16>, scalar_prefetch = 0 : i64, scratch_operands = 6 : i64, tpu.core_type = #tpu.core_type<sc_vector_subcore>, window_params = [{transform_indices = #map}, {transform_indices = #map1}]} {
    %mul3A = arith.constant 2 : i32
    %mul3A_0 = arith.muli %arg1, %mul3A : i32
    %add3A = arith.addi %mul3A_0, %arg0 : i32
    %broadcast_in_dim3A = arith.constant 1.000000e+00 : f32
    %broadcast_in_dim3A_1 = vector.broadcast %broadcast_in_dim3A : f32 to vector<16xf32>
    %swap3A = arith.constant 0 : index
    %swap3A_2 = tpu.vector_load %arg5[%swap3A] {strides = array<i32>} : memref<128xf32, #tpu.memory_space<vmem>>, vector<16xf32>,
    %swap3A_3 = vector.shape_cast %swap3A_2 : vector<16xf32> to vector<16xf32>
    %swap3A_4 = vector.shape_cast %broadcast_in_dim3A_1 : vector<16xf32> to vector<16xf32>
    tpu.vector_store %arg5[%swap3A], %swap3A_4 {strides = array<i32>} : memref<128xf32, #tpu.memory_space<vmem>>, vector<16xf32>,
    %broadcast_in_dim3A_5 = arith.constant 1.000000e+00 : f32
    %broadcast_in_dim3A_6 = vector.broadcast %broadcast_in_dim3A_5 : f32 to vector<16xf32>
    %swap3A_7 = arith.constant 16 : index
    %swap3A_8 = tpu.vector_load %arg5[%swap3A_7] {strides = array<i32>} : memref<128xf32, #tpu.memory_space<vmem>>, vector<16xf32>,
    %swap3A_9 = vector.shape_cast %swap3A_8 : vector<16xf32> to vector<16xf32>
    %swap3A_10 = vector.shape_cast %broadcast_in_dim3A_6 : vector<16xf32> to vector<16xf32>
    tpu.vector_store %arg5[%swap3A_7], %swap3A_10 {strides = array<i32>} : memref<128xf32, #tpu.memory_space<vmem>>, vector<16xf32>,
    %broadcast_in_dim3A_11 = arith.constant 1.000000e+00 : f32
    %broadcast_in_dim3A_12 = vector.broadcast %broadcast_in_dim3A_11 : f32 to vector<16xf32>
    %swap3A_13 = arith.constant 32 : index
    %swap3A_14 = tpu.vector_load %arg5[%swap3A_13] {strides = array<i32>} : memref<128xf32, #tpu.memory_space<vmem>>, vector<16xf32>,
    %swap3A_15 = vector.shape_cast %swap3A_14 : vector<16xf32> to vector<16xf32>
    %swap3A_16 = vector.shape_cast %broadcast_in_dim3A_12 : vector<16xf32> to vector<16xf32>
    tpu.vector_store %arg5[%swap3A_13], %swap3A_16 {strides = array<i32>} : memref<128xf32, #tpu.memory_space<vmem>>, vector<16xf32>,
    %broadcast_in_dim3A_17 = arith.constant 1.000000e+00 : f32
    %broadcast_in_dim3A_18 = vector.broadcast %broadcast_in_dim3A_17 : f32 to vector<16xf32>
    %swap3A_19 = arith.constant 48 : index
    %swap3A_20 = tpu.vector_load %arg5[%swap3A_19] {strides = array<i32>} : memref<128xf32, #tpu.memory_space<vmem>>, vector<16xf32>,
    %swap3A_21 = vector.shape_cast %swap3A_20 : vector<16xf32> to vector<16xf32>
    %swap3A_22 = vector.shape_cast %broadcast_in_dim3A_18 : vector<16xf32> to vector<16xf32>
    tpu.vector_store %arg5[%swap3A_19], %swap3A_22 {strides = array<i32>} : memref<128xf32, #tpu.memory_space<vmem>>, vector<16xf32>,
    %broadcast_in_dim3A_23 = arith.constant 1.000000e+00 : f32
    %broadcast_in_dim3A_24 = vector.broadcast %broadcast_in_dim3A_23 : f32 to vector<16xf32>
    %swap3A_25 = arith.constant 64 : index
    %swap3A_26 = tpu.vector_load %arg5[%swap3A_25] {strides = array<i32>} : memref<128xf32, #tpu.memory_space<vmem>>, vector<16xf32>,
    %swap3A_27 = vector.shape_cast %swap3A_26 : vector<16xf32> to vector<16xf32>
    %swap3A_28 = vector.shape_cast %broadcast_in_dim3A_24 : vector<16xf32> to vector<16xf32>
    tpu.vector_store %arg5[%swap3A_25], %swap3A_28 {strides = array<i32>} : memref<128xf32, #tpu.memory_space<vmem>>, vector<16xf32>,
    %broadcast_in_dim3A_29 = arith.constant 1.000000e+00 : f32
    %broadcast_in_dim3A_30 = vector.broadcast %broadcast_in_dim3A_29 : f32 to vector<16xf32>
    %swap3A_31 = arith.constant 80 : index
    %swap3A_32 = tpu.vector_load %arg5[%swap3A_31] {strides = array<i32>} : memref<128xf32, #tpu.memory_space<vmem>>, vector<16xf32>,
    %swap3A_33 = vector.shape_cast %swap3A_32 : vector<16xf32> to vector<16xf32>
    %swap3A_34 = vector.shape_cast %broadcast_in_dim3A_30 : vector<16xf32> to vector<16xf32>
    tpu.vector_store %arg5[%swap3A_31], %swap3A_34 {strides = array<i32>} : memref<128xf32, #tpu.memory_space<vmem>>, vector<16xf32>,
    %broadcast_in_dim3A_35 = arith.constant 1.000000e+00 : f32
    %broadcast_in_dim3A_36 = vector.broadcast %broadcast_in_dim3A_35 : f32 to vector<16xf32>
    %swap3A_37 = arith.constant 96 : index
    %swap3A_38 = tpu.vector_load %arg5[%swap3A_37] {strides = array<i32>} : memref<128xf32, #tpu.memory_space<vmem>>, vector<16xf32>,
    %swap3A_39 = vector.shape_cast %swap3A_38 : vector<16xf32> to vector<16xf32>
    %swap3A_40 = vector.shape_cast %broadcast_in_dim3A_36 : vector<16xf32> to vector<16xf32>
    tpu.vector_store %arg5[%swap3A_37], %swap3A_40 {strides = array<i32>} : memref<128xf32, #tpu.memory_space<vmem>>, vector<16xf32>,
    %broadcast_in_dim3A_41 = arith.constant 1.000000e+00 : f32
    %broadcast_in_dim3A_42 = vector.broadcast %broadcast_in_dim3A_41 : f32 to vector<16xf32>
    %swap3A_43 = arith.constant 112 : index
    %swap3A_44 = tpu.vector_load %arg5[%swap3A_43] {strides = array<i32>} : memref<128xf32, #tpu.memory_space<vmem>>, vector<16xf32>,
    %swap3A_45 = vector.shape_cast %swap3A_44 : vector<16xf32> to vector<16xf32>
    %swap3A_46 = vector.shape_cast %broadcast_in_dim3A_42 : vector<16xf32> to vector<16xf32>
    tpu.vector_store %arg5[%swap3A_43], %swap3A_46 {strides = array<i32>} : memref<128xf32, #tpu.memory_space<vmem>>, vector<16xf32>,
    %scan3A = arith.constant 0 : i32
    %scan3A_47 = arith.constant 0 : i32
    %scan3A_48 = arith.constant 40 : i32
    %scan3A_49 = arith.addi %scan3A_47, %scan3A_48 : i32
    %scan3A_50 = arith.constant 1 : i32
    scf.for %scan3A_65 = %scan3A_47 to %scan3A_49 step %scan3A_50  : i32 {
      %broadcast_in_dim3A_66 = arith.constant 0.000000e+00 : f32
      %broadcast_in_dim3A_67 = vector.broadcast %broadcast_in_dim3A_66 : f32 to vector<16xf32>
      %mul3A_68 = arith.constant 16 : i32
      %mul3A_69 = arith.muli %scan3A_65, %mul3A_68 : i32
      %swap3A_70 = arith.index_cast %mul3A_69 : i32 to index
      %swap3A_71 = tpu.vector_load %arg6[%swap3A_70] {strides = array<i32>} : memref<640xf32, #tpu.memory_space<vmem>>, vector<16xf32>,
      %swap3A_72 = vector.shape_cast %swap3A_71 : vector<16xf32> to vector<16xf32>
      %swap3A_73 = vector.shape_cast %broadcast_in_dim3A_67 : vector<16xf32> to vector<16xf32>
      tpu.vector_store %arg6[%swap3A_70], %swap3A_73 {strides = array<i32>} : memref<640xf32, #tpu.memory_space<vmem>>, vector<16xf32>,
    }
    %scan3A_51 = arith.constant 40 : i32
    %mul3A_52 = arith.constant 640 : i32
    %mul3A_53 = arith.muli %arg1, %mul3A_52 : i32
    "tpu.region"() ({
      %run_scoped3A = tpu.sem_alloc : memref<!tpu.dma_semaphore, #tpu.memory_space<semaphore_mem>>
      %dma_start3A = tpu.memref_slice %arg9[%mul3A_53] : memref<10240xf32, #tpu.memory_space<vmem_shared>> -> memref<640xf32, #tpu.memory_space<vmem_shared>>
      %dma_start3A_65 = tpu.memref_slice %arg9[%mul3A_53] : memref<10240xf32, #tpu.memory_space<vmem_shared>> -> memref<640xf32, #tpu.memory_space<vmem_shared>>
      tpu.enqueue_dma source(%arg6 : memref<640xf32, #tpu.memory_space<vmem>>) target(%dma_start3A_65 : memref<640xf32, #tpu.memory_space<vmem_shared>>) target_semaphore(%run_scoped3A : memref<!tpu.dma_semaphore, #tpu.memory_space<semaphore_mem>>)
      %dma_wait3A = tpu.memref_slice %arg9[%mul3A_53] : memref<10240xf32, #tpu.memory_space<vmem_shared>> -> memref<640xf32, #tpu.memory_space<vmem_shared>>
      %dma_wait3A_66 = tpu.memref_slice %arg9[%mul3A_53] : memref<10240xf32, #tpu.memory_space<vmem_shared>> -> memref<640xf32, #tpu.memory_space<vmem_shared>>
      tpu.wait_dma2 semaphore(%run_scoped3A : memref<!tpu.dma_semaphore, #tpu.memory_space<semaphore_mem>>) src(%arg6 : memref<640xf32, #tpu.memory_space<vmem>>) dst(%dma_wait3A_66 : memref<640xf32, #tpu.memory_space<vmem_shared>>)
      tpu.yield
    }) : () -> ()
    %barrier3A = arith.constant 0 : index
    tpu.barrier barrier_id(%barrier3A)
    %scan3A_54 = arith.constant 0 : i32
    %scan3A_55 = arith.constant 0 : i32
    %scan3A_56 = arith.constant 5 : i32
    %scan3A_57 = arith.addi %scan3A_55, %scan3A_56 : i32
    %scan3A_58 = arith.constant 1 : i32
    scf.for %scan3A_65 = %scan3A_55 to %scan3A_57 step %scan3A_58  : i32 {
      "tpu.region"() ({
        %run_scoped3A = tpu.sem_alloc : memref<!tpu.dma_semaphore, #tpu.memory_space<semaphore_mem>>
        %dma_start3A = arith.constant 0 : i32
        %dma_start3A_87 = arith.constant 0 : i32
        %dma_start3A_88 = tpu.memref_slice %arg2[%add3A, %scan3A_65, %dma_start3A, %dma_start3A_87] : memref<32x5x20x100xi32, #tpu.memory_space<hbm>> -> memref<1x1x20x100xi32, #tpu.memory_space<hbm>>
        %dma_start3A_89 = tpu.memref_squeeze %dma_start3A_88 : memref<1x1x20x100xi32, #tpu.memory_space<hbm>> -> memref<20x100xi32, #tpu.memory_space<hbm>>
        %dma_start3A_90 = arith.constant 0 : i32
        %dma_start3A_91 = arith.constant 0 : i32
        %dma_start3A_92 = tpu.memref_slice %arg2[%add3A, %scan3A_65, %dma_start3A_90, %dma_start3A_91] : memref<32x5x20x100xi32, #tpu.memory_space<hbm>> -> memref<1x1x20x100xi32, #tpu.memory_space<hbm>>
        %dma_start3A_93 = tpu.memref_squeeze %dma_start3A_92 : memref<1x1x20x100xi32, #tpu.memory_space<hbm>> -> memref<20x100xi32, #tpu.memory_space<hbm>>
        tpu.enqueue_dma source(%dma_start3A_93 : memref<20x100xi32, #tpu.memory_space<hbm>>) target(%arg4 : memref<20x100xi32, #tpu.memory_space<vmem>>) target_semaphore(%run_scoped3A : memref<!tpu.dma_semaphore, #tpu.memory_space<semaphore_mem>>)
        %dma_wait3A_94 = arith.constant 0 : i32
        %dma_wait3A_95 = arith.constant 0 : i32
        %dma_wait3A_96 = tpu.memref_slice %arg2[%add3A, %scan3A_65, %dma_wait3A_94, %dma_wait3A_95] : memref<32x5x20x100xi32, #tpu.memory_space<hbm>> -> memref<1x1x20x100xi32, #tpu.memory_space<hbm>>
        %dma_wait3A_97 = tpu.memref_squeeze %dma_wait3A_96 : memref<1x1x20x100xi32, #tpu.memory_space<hbm>> -> memref<20x100xi32, #tpu.memory_space<hbm>>
        %dma_wait3A_98 = arith.constant 0 : i32
        %dma_wait3A_99 = arith.constant 0 : i32
        %dma_wait3A_100 = tpu.memref_slice %arg2[%add3A, %scan3A_65, %dma_wait3A_98, %dma_wait3A_99] : memref<32x5x20x100xi32, #tpu.memory_space<hbm>> -> memref<1x1x20x100xi32, #tpu.memory_space<hbm>>
        %dma_wait3A_101 = tpu.memref_squeeze %dma_wait3A_100 : memref<1x1x20x100xi32, #tpu.memory_space<hbm>> -> memref<20x100xi32, #tpu.memory_space<hbm>>
        tpu.wait_dma2 semaphore(%run_scoped3A : memref<!tpu.dma_semaphore, #tpu.memory_space<semaphore_mem>>) src(%dma_wait3A_101 : memref<20x100xi32, #tpu.memory_space<hbm>>) dst(%arg4 : memref<20x100xi32, #tpu.memory_space<vmem>>)
        tpu.yield
      }) : () -> ()
      %scan3A_66 = arith.constant 0 : i32
      %scan3A_67 = arith.constant 0 : i32
      %scan3A_68 = arith.constant 10 : i32
      %scan3A_69 = arith.addi %scan3A_67, %scan3A_68 : i32
      %scan3A_70 = arith.constant 1 : i32
      scf.for %scan3A_87 = %scan3A_67 to %scan3A_69 step %scan3A_70  : i32 {
        %mul3A_88 = arith.constant 2 : i32
        %mul3A_89 = arith.muli %mul3A_88, %scan3A_87 : i32
        %add3A_90 = arith.constant 0 : i32
        %add3A_91 = arith.addi %mul3A_89, %add3A_90 : i32
        %ge3A = arith.constant 2 : i32
        %ge3A_92 = arith.cmpi sge, %add3A_91, %ge3A : i32
        %convert_element_type3A = arith.extui %ge3A_92 : i1 to i32
        %cond3A = arith.constant 0 : i32
        %cond3A_93 = arith.cmpi ne, %convert_element_type3A, %cond3A : i32
        scf.if %cond3A_93 {
          %dma_wait3A_116 = arith.constant 0 : i32
          %dma_wait3A_117 = tpu.memref_slice %arg5[%dma_wait3A_116] : memref<128xf32, #tpu.memory_space<vmem>> -> memref<100xf32, #tpu.memory_space<vmem>>
          %dma_wait3A_118 = arith.constant 0 : i32
          %dma_wait3A_119 = tpu.memref_slice %arg4[%add3A_91, %dma_wait3A_118] : memref<20x100xi32, #tpu.memory_space<vmem>> -> memref<1x100xi32, #tpu.memory_space<vmem>>
          %dma_wait3A_120 = tpu.memref_squeeze %dma_wait3A_119 : memref<1x100xi32, #tpu.memory_space<vmem>> -> memref<100xi32, #tpu.memory_space<vmem>>
          %dma_wait3A_121 = arith.constant 0 : i32
          %dma_wait3A_122 = tpu.memref_slice %arg9[%dma_wait3A_121] : memref<10240xf32, #tpu.memory_space<vmem_shared>> -> memref<10240xf32, #tpu.memory_space<vmem_shared>>
          tpu.wait_indirect_dma semaphore(%arg7 : memref<!tpu.dma_semaphore, #tpu.memory_space<semaphore_mem>>) src(%dma_wait3A_117 : memref<100xf32, #tpu.memory_space<vmem>>) dst(%dma_wait3A_122 : memref<10240xf32, #tpu.memory_space<vmem_shared>>)
        } else {
        }
        %dma_start3A = arith.constant 0 : i32
        %dma_start3A_94 = tpu.memref_slice %arg5[%dma_start3A] : memref<128xf32, #tpu.memory_space<vmem>> -> memref<100xf32, #tpu.memory_space<vmem>>
        %dma_start3A_95 = arith.constant 0 : i32
        %dma_start3A_96 = tpu.memref_slice %arg4[%add3A_91, %dma_start3A_95] : memref<20x100xi32, #tpu.memory_space<vmem>> -> memref<1x100xi32, #tpu.memory_space<vmem>>
        %dma_start3A_97 = tpu.memref_squeeze %dma_start3A_96 : memref<1x100xi32, #tpu.memory_space<vmem>> -> memref<100xi32, #tpu.memory_space<vmem>>
        %dma_start3A_98 = arith.constant 0 : i32
        %dma_start3A_99 = tpu.memref_slice %arg9[%dma_start3A_98] : memref<10240xf32, #tpu.memory_space<vmem_shared>> -> memref<10240xf32, #tpu.memory_space<vmem_shared>>
        tpu.enqueue_indirect_dma source(%dma_start3A_94 : memref<100xf32, #tpu.memory_space<vmem>>) target(%dma_start3A_99 : memref<10240xf32, #tpu.memory_space<vmem_shared>>) offsets(%dma_start3A_97 : memref<100xi32, #tpu.memory_space<vmem>>) semaphore(%arg7 : memref<!tpu.dma_semaphore, #tpu.memory_space<semaphore_mem>>) {add = true}
        %mul3A_100 = arith.constant 2 : i32
        %mul3A_101 = arith.muli %mul3A_100, %scan3A_87 : i32
        %add3A_102 = arith.constant 1 : i32
        %add3A_103 = arith.addi %mul3A_101, %add3A_102 : i32
        %ge3A_104 = arith.constant 2 : i32
        %ge3A_105 = arith.cmpi sge, %add3A_103, %ge3A_104 : i32
        %convert_element_type3A_106 = arith.extui %ge3A_105 : i1 to i32
        %cond3A_107 = arith.constant 0 : i32
        %cond3A_108 = arith.cmpi ne, %convert_element_type3A_106, %cond3A_107 : i32
        scf.if %cond3A_108 {
          %dma_wait3A_116 = arith.constant 0 : i32
          %dma_wait3A_117 = tpu.memref_slice %arg5[%dma_wait3A_116] : memref<128xf32, #tpu.memory_space<vmem>> -> memref<100xf32, #tpu.memory_space<vmem>>
          %dma_wait3A_118 = arith.constant 0 : i32
          %dma_wait3A_119 = tpu.memref_slice %arg4[%add3A_103, %dma_wait3A_118] : memref<20x100xi32, #tpu.memory_space<vmem>> -> memref<1x100xi32, #tpu.memory_space<vmem>>
          %dma_wait3A_120 = tpu.memref_squeeze %dma_wait3A_119 : memref<1x100xi32, #tpu.memory_space<vmem>> -> memref<100xi32, #tpu.memory_space<vmem>>
          %dma_wait3A_121 = arith.constant 0 : i32
          %dma_wait3A_122 = tpu.memref_slice %arg9[%dma_wait3A_121] : memref<10240xf32, #tpu.memory_space<vmem_shared>> -> memref<10240xf32, #tpu.memory_space<vmem_shared>>
          tpu.wait_indirect_dma semaphore(%arg8 : memref<!tpu.dma_semaphore, #tpu.memory_space<semaphore_mem>>) src(%dma_wait3A_117 : memref<100xf32, #tpu.memory_space<vmem>>) dst(%dma_wait3A_122 : memref<10240xf32, #tpu.memory_space<vmem_shared>>)
        } else {
        }
        %dma_start3A_109 = arith.constant 0 : i32
        %dma_start3A_110 = tpu.memref_slice %arg5[%dma_start3A_109] : memref<128xf32, #tpu.memory_space<vmem>> -> memref<100xf32, #tpu.memory_space<vmem>>
        %dma_start3A_111 = arith.constant 0 : i32
        %dma_start3A_112 = tpu.memref_slice %arg4[%add3A_103, %dma_start3A_111] : memref<20x100xi32, #tpu.memory_space<vmem>> -> memref<1x100xi32, #tpu.memory_space<vmem>>
        %dma_start3A_113 = tpu.memref_squeeze %dma_start3A_112 : memref<1x100xi32, #tpu.memory_space<vmem>> -> memref<100xi32, #tpu.memory_space<vmem>>
        %dma_start3A_114 = arith.constant 0 : i32
        %dma_start3A_115 = tpu.memref_slice %arg9[%dma_start3A_114] : memref<10240xf32, #tpu.memory_space<vmem_shared>> -> memref<10240xf32, #tpu.memory_space<vmem_shared>>
        tpu.enqueue_indirect_dma source(%dma_start3A_110 : memref<100xf32, #tpu.memory_space<vmem>>) target(%dma_start3A_115 : memref<10240xf32, #tpu.memory_space<vmem_shared>>) offsets(%dma_start3A_113 : memref<100xi32, #tpu.memory_space<vmem>>) semaphore(%arg8 : memref<!tpu.dma_semaphore, #tpu.memory_space<semaphore_mem>>) {add = true}
      }
      %scan3A_71 = arith.constant 10 : i32
      %dma_wait3A = arith.constant 18 : i32
      %dma_wait3A_72 = arith.constant 0 : i32
      %dma_wait3A_73 = tpu.memref_slice %arg5[%dma_wait3A_72] : memref<128xf32, #tpu.memory_space<vmem>> -> memref<100xf32, #tpu.memory_space<vmem>>
      %dma_wait3A_74 = arith.constant 0 : i32
      %dma_wait3A_75 = tpu.memref_slice %arg4[%dma_wait3A, %dma_wait3A_74] : memref<20x100xi32, #tpu.memory_space<vmem>> -> memref<1x100xi32, #tpu.memory_space<vmem>>
      %dma_wait3A_76 = tpu.memref_squeeze %dma_wait3A_75 : memref<1x100xi32, #tpu.memory_space<vmem>> -> memref<100xi32, #tpu.memory_space<vmem>>
      %dma_wait3A_77 = arith.constant 0 : i32
      %dma_wait3A_78 = tpu.memref_slice %arg9[%dma_wait3A_77] : memref<10240xf32, #tpu.memory_space<vmem_shared>> -> memref<10240xf32, #tpu.memory_space<vmem_shared>>
      tpu.wait_indirect_dma semaphore(%arg7 : memref<!tpu.dma_semaphore, #tpu.memory_space<semaphore_mem>>) src(%dma_wait3A_73 : memref<100xf32, #tpu.memory_space<vmem>>) dst(%dma_wait3A_78 : memref<10240xf32, #tpu.memory_space<vmem_shared>>)
      %dma_wait3A_79 = arith.constant 19 : i32
      %dma_wait3A_80 = arith.constant 0 : i32
      %dma_wait3A_81 = tpu.memref_slice %arg5[%dma_wait3A_80] : memref<128xf32, #tpu.memory_space<vmem>> -> memref<100xf32, #tpu.memory_space<vmem>>
      %dma_wait3A_82 = arith.constant 0 : i32
      %dma_wait3A_83 = tpu.memref_slice %arg4[%dma_wait3A_79, %dma_wait3A_82] : memref<20x100xi32, #tpu.memory_space<vmem>> -> memref<1x100xi32, #tpu.memory_space<vmem>>
      %dma_wait3A_84 = tpu.memref_squeeze %dma_wait3A_83 : memref<1x100xi32, #tpu.memory_space<vmem>> -> memref<100xi32, #tpu.memory_space<vmem>>
      %dma_wait3A_85 = arith.constant 0 : i32
      %dma_wait3A_86 = tpu.memref_slice %arg9[%dma_wait3A_85] : memref<10240xf32, #tpu.memory_space<vmem_shared>> -> memref<10240xf32, #tpu.memory_space<vmem_shared>>
      tpu.wait_indirect_dma semaphore(%arg8 : memref<!tpu.dma_semaphore, #tpu.memory_space<semaphore_mem>>) src(%dma_wait3A_81 : memref<100xf32, #tpu.memory_space<vmem>>) dst(%dma_wait3A_86 : memref<10240xf32, #tpu.memory_space<vmem_shared>>)
    }
    %scan3A_59 = arith.constant 5 : i32
    %barrier3A_60 = arith.constant 0 : index
    tpu.barrier barrier_id(%barrier3A_60)
    %mul3A_61 = arith.constant 640 : i32
    %mul3A_62 = arith.muli %arg1, %mul3A_61 : i32
    %mul3A_63 = arith.constant 640 : i32
    %mul3A_64 = arith.muli %arg1, %mul3A_63 : i32
    "tpu.region"() ({
      %run_scoped3A = tpu.sem_alloc : memref<!tpu.dma_semaphore, #tpu.memory_space<semaphore_mem>>
      %dma_start3A = tpu.memref_slice %arg3[%arg0, %mul3A_64] : memref<2x10240xf32, #tpu.memory_space<hbm>> -> memref<1x640xf32, #tpu.memory_space<hbm>>
      %dma_start3A_65 = tpu.memref_squeeze %dma_start3A : memref<1x640xf32, #tpu.memory_space<hbm>> -> memref<640xf32, #tpu.memory_space<hbm>>
      %dma_start3A_66 = tpu.memref_slice %arg9[%mul3A_62] : memref<10240xf32, #tpu.memory_space<vmem_shared>> -> memref<640xf32, #tpu.memory_space<vmem_shared>>
      tpu.enqueue_dma source(%dma_start3A_66 : memref<640xf32, #tpu.memory_space<vmem_shared>>) target(%dma_start3A_65 : memref<640xf32, #tpu.memory_space<hbm>>) target_semaphore(%run_scoped3A : memref<!tpu.dma_semaphore, #tpu.memory_space<semaphore_mem>>)
      %dma_wait3A = tpu.memref_slice %arg3[%arg0, %mul3A_64] : memref<2x10240xf32, #tpu.memory_space<hbm>> -> memref<1x640xf32, #tpu.memory_space<hbm>>
      %dma_wait3A_67 = tpu.memref_squeeze %dma_wait3A : memref<1x640xf32, #tpu.memory_space<hbm>> -> memref<640xf32, #tpu.memory_space<hbm>>
      %dma_wait3A_68 = tpu.memref_slice %arg9[%mul3A_62] : memref<10240xf32, #tpu.memory_space<vmem_shared>> -> memref<640xf32, #tpu.memory_space<vmem_shared>>
      tpu.wait_dma2 semaphore(%run_scoped3A : memref<!tpu.dma_semaphore, #tpu.memory_space<semaphore_mem>>) src(%dma_wait3A_68 : memref<640xf32, #tpu.memory_space<vmem_shared>>) dst(%dma_wait3A_67 : memref<640xf32, #tpu.memory_space<hbm>>)
      tpu.yield
    }) : () -> ()
    return
  }
}

#map = affine_map<(d0, d1) -> (0, 0)>
#map1 = affine_map<(d0, d1) -> (0, 0, 0, 0)>
#map2 = affine_map<(d0, d1) -> (0, 0, 0)>
module attributes {stable_mosaic.version = 14 : i64} {
  func.func @_scat_body(%arg0: i32, %arg1: i32, %arg2: memref<10240x128xf32, #tpu.memory_space<hbm>>, %arg3: memref<32x5x20x100xi32, #tpu.memory_space<hbm>>, %arg4: memref<32x5x20x100xi32, #tpu.memory_space<hbm>>, %arg5: memref<2x10240x128xf32, #tpu.memory_space<hbm>>, %arg6: memref<20x100xi32, #tpu.memory_space<vmem>>, %arg7: memref<20x100xi32, #tpu.memory_space<vmem>>, %arg8: memref<100x128xf32, #tpu.memory_space<vmem>>, %arg9: memref<100x128xf32, #tpu.memory_space<vmem>>, %arg10: memref<!tpu.dma_semaphore, #tpu.memory_space<semaphore_mem>>, %arg11: memref<!tpu.dma_semaphore, #tpu.memory_space<semaphore_mem>>, %arg12: memref<!tpu.dma_semaphore, #tpu.memory_space<semaphore_mem>>, %arg13: memref<!tpu.dma_semaphore, #tpu.memory_space<semaphore_mem>>, %arg14: memref<10240x128xf32, #tpu.memory_space<vmem_shared>>) attributes {dimension_semantics = [#tpu.dimension_semantics<core_parallel>, #tpu.dimension_semantics<subcore_parallel>], iteration_bounds = array<i64: 2, 16>, scalar_prefetch = 0 : i64, scratch_operands = 9 : i64, tpu.core_type = #tpu.core_type<sc_vector_subcore>, window_params = [{transform_indices = #map}, {transform_indices = #map1}, {transform_indices = #map1}, {transform_indices = #map2}]} {
    %mul3A = arith.constant 2 : i32
    %mul3A_0 = arith.muli %arg1, %mul3A : i32
    %add3A = arith.addi %mul3A_0, %arg0 : i32
    %scan3A = arith.constant 0 : i32
    %scan3A_1 = arith.constant 0 : i32
    %scan3A_2 = arith.constant 100 : i32
    %scan3A_3 = arith.addi %scan3A_1, %scan3A_2 : i32
    %scan3A_4 = arith.constant 1 : i32
    scf.for %scan3A_49 = %scan3A_1 to %scan3A_3 step %scan3A_4  : i32 {
      %broadcast_in_dim3A = arith.constant 0.000000e+00 : f32
      %broadcast_in_dim3A_50 = vector.broadcast %broadcast_in_dim3A : f32 to vector<16xf32>
      %swap3A = arith.index_cast %scan3A_49 : i32 to index
      %swap3A_51 = arith.constant 0 : index
      %swap3A_52 = tpu.vector_load %arg8[%swap3A, %swap3A_51] {strides = array<i32>} : memref<100x128xf32, #tpu.memory_space<vmem>>, vector<1x16xf32>,
      %swap3A_53 = vector.shape_cast %swap3A_52 : vector<1x16xf32> to vector<16xf32>
      %swap3A_54 = vector.shape_cast %broadcast_in_dim3A_50 : vector<16xf32> to vector<1x16xf32>
      tpu.vector_store %arg8[%swap3A, %swap3A_51], %swap3A_54 {strides = array<i32>} : memref<100x128xf32, #tpu.memory_space<vmem>>, vector<1x16xf32>,
      %broadcast_in_dim3A_55 = arith.constant 0.000000e+00 : f32
      %broadcast_in_dim3A_56 = vector.broadcast %broadcast_in_dim3A_55 : f32 to vector<16xf32>
      %swap3A_57 = arith.index_cast %scan3A_49 : i32 to index
      %swap3A_58 = arith.constant 16 : index
      %swap3A_59 = tpu.vector_load %arg8[%swap3A_57, %swap3A_58] {strides = array<i32>} : memref<100x128xf32, #tpu.memory_space<vmem>>, vector<1x16xf32>,
      %swap3A_60 = vector.shape_cast %swap3A_59 : vector<1x16xf32> to vector<16xf32>
      %swap3A_61 = vector.shape_cast %broadcast_in_dim3A_56 : vector<16xf32> to vector<1x16xf32>
      tpu.vector_store %arg8[%swap3A_57, %swap3A_58], %swap3A_61 {strides = array<i32>} : memref<100x128xf32, #tpu.memory_space<vmem>>, vector<1x16xf32>,
      %broadcast_in_dim3A_62 = arith.constant 0.000000e+00 : f32
      %broadcast_in_dim3A_63 = vector.broadcast %broadcast_in_dim3A_62 : f32 to vector<16xf32>
      %swap3A_64 = arith.index_cast %scan3A_49 : i32 to index
      %swap3A_65 = arith.constant 32 : index
      %swap3A_66 = tpu.vector_load %arg8[%swap3A_64, %swap3A_65] {strides = array<i32>} : memref<100x128xf32, #tpu.memory_space<vmem>>, vector<1x16xf32>,
      %swap3A_67 = vector.shape_cast %swap3A_66 : vector<1x16xf32> to vector<16xf32>
      %swap3A_68 = vector.shape_cast %broadcast_in_dim3A_63 : vector<16xf32> to vector<1x16xf32>
      tpu.vector_store %arg8[%swap3A_64, %swap3A_65], %swap3A_68 {strides = array<i32>} : memref<100x128xf32, #tpu.memory_space<vmem>>, vector<1x16xf32>,
      %broadcast_in_dim3A_69 = arith.constant 0.000000e+00 : f32
      %broadcast_in_dim3A_70 = vector.broadcast %broadcast_in_dim3A_69 : f32 to vector<16xf32>
      %swap3A_71 = arith.index_cast %scan3A_49 : i32 to index
      %swap3A_72 = arith.constant 48 : index
      %swap3A_73 = tpu.vector_load %arg8[%swap3A_71, %swap3A_72] {strides = array<i32>} : memref<100x128xf32, #tpu.memory_space<vmem>>, vector<1x16xf32>,
      %swap3A_74 = vector.shape_cast %swap3A_73 : vector<1x16xf32> to vector<16xf32>
      %swap3A_75 = vector.shape_cast %broadcast_in_dim3A_70 : vector<16xf32> to vector<1x16xf32>
      tpu.vector_store %arg8[%swap3A_71, %swap3A_72], %swap3A_75 {strides = array<i32>} : memref<100x128xf32, #tpu.memory_space<vmem>>, vector<1x16xf32>,
      %broadcast_in_dim3A_76 = arith.constant 0.000000e+00 : f32
      %broadcast_in_dim3A_77 = vector.broadcast %broadcast_in_dim3A_76 : f32 to vector<16xf32>
      %swap3A_78 = arith.index_cast %scan3A_49 : i32 to index
      %swap3A_79 = arith.constant 64 : index
      %swap3A_80 = tpu.vector_load %arg8[%swap3A_78, %swap3A_79] {strides = array<i32>} : memref<100x128xf32, #tpu.memory_space<vmem>>, vector<1x16xf32>,
      %swap3A_81 = vector.shape_cast %swap3A_80 : vector<1x16xf32> to vector<16xf32>
      %swap3A_82 = vector.shape_cast %broadcast_in_dim3A_77 : vector<16xf32> to vector<1x16xf32>
      tpu.vector_store %arg8[%swap3A_78, %swap3A_79], %swap3A_82 {strides = array<i32>} : memref<100x128xf32, #tpu.memory_space<vmem>>, vector<1x16xf32>,
      %broadcast_in_dim3A_83 = arith.constant 0.000000e+00 : f32
      %broadcast_in_dim3A_84 = vector.broadcast %broadcast_in_dim3A_83 : f32 to vector<16xf32>
      %swap3A_85 = arith.index_cast %scan3A_49 : i32 to index
      %swap3A_86 = arith.constant 80 : index
      %swap3A_87 = tpu.vector_load %arg8[%swap3A_85, %swap3A_86] {strides = array<i32>} : memref<100x128xf32, #tpu.memory_space<vmem>>, vector<1x16xf32>,
      %swap3A_88 = vector.shape_cast %swap3A_87 : vector<1x16xf32> to vector<16xf32>
      %swap3A_89 = vector.shape_cast %broadcast_in_dim3A_84 : vector<16xf32> to vector<1x16xf32>
      tpu.vector_store %arg8[%swap3A_85, %swap3A_86], %swap3A_89 {strides = array<i32>} : memref<100x128xf32, #tpu.memory_space<vmem>>, vector<1x16xf32>,
      %broadcast_in_dim3A_90 = arith.constant 0.000000e+00 : f32
      %broadcast_in_dim3A_91 = vector.broadcast %broadcast_in_dim3A_90 : f32 to vector<16xf32>
      %swap3A_92 = arith.index_cast %scan3A_49 : i32 to index
      %swap3A_93 = arith.constant 96 : index
      %swap3A_94 = tpu.vector_load %arg8[%swap3A_92, %swap3A_93] {strides = array<i32>} : memref<100x128xf32, #tpu.memory_space<vmem>>, vector<1x16xf32>,
      %swap3A_95 = vector.shape_cast %swap3A_94 : vector<1x16xf32> to vector<16xf32>
      %swap3A_96 = vector.shape_cast %broadcast_in_dim3A_91 : vector<16xf32> to vector<1x16xf32>
      tpu.vector_store %arg8[%swap3A_92, %swap3A_93], %swap3A_96 {strides = array<i32>} : memref<100x128xf32, #tpu.memory_space<vmem>>, vector<1x16xf32>,
      %broadcast_in_dim3A_97 = arith.constant 0.000000e+00 : f32
      %broadcast_in_dim3A_98 = vector.broadcast %broadcast_in_dim3A_97 : f32 to vector<16xf32>
      %swap3A_99 = arith.index_cast %scan3A_49 : i32 to index
      %swap3A_100 = arith.constant 112 : index
      %swap3A_101 = tpu.vector_load %arg8[%swap3A_99, %swap3A_100] {strides = array<i32>} : memref<100x128xf32, #tpu.memory_space<vmem>>, vector<1x16xf32>,
      %swap3A_102 = vector.shape_cast %swap3A_101 : vector<1x16xf32> to vector<16xf32>
      %swap3A_103 = vector.shape_cast %broadcast_in_dim3A_98 : vector<16xf32> to vector<1x16xf32>
      tpu.vector_store %arg8[%swap3A_99, %swap3A_100], %swap3A_103 {strides = array<i32>} : memref<100x128xf32, #tpu.memory_space<vmem>>, vector<1x16xf32>,
    }
    %scan3A_5 = arith.constant 100 : i32
    %mul3A_6 = arith.constant 640 : i32
    %mul3A_7 = arith.muli %arg1, %mul3A_6 : i32
    %add3A_8 = arith.constant 0 : i32
    %add3A_9 = arith.addi %mul3A_7, %add3A_8 : i32
    "tpu.region"() ({
      %run_scoped3A = tpu.sem_alloc : memref<!tpu.dma_semaphore, #tpu.memory_space<semaphore_mem>>
      %dma_start3A = arith.constant 0 : i32
      %dma_start3A_49 = arith.constant 0 : i32
      %dma_start3A_50 = tpu.memref_slice %arg8[%dma_start3A, %dma_start3A_49] : memref<100x128xf32, #tpu.memory_space<vmem>> -> memref<80x128xf32, #tpu.memory_space<vmem>>
      %dma_start3A_51 = arith.constant 0 : i32
      %dma_start3A_52 = tpu.memref_slice %arg14[%add3A_9, %dma_start3A_51] : memref<10240x128xf32, #tpu.memory_space<vmem_shared>> -> memref<80x128xf32, #tpu.memory_space<vmem_shared>>
      %dma_start3A_53 = arith.constant 0 : i32
      %dma_start3A_54 = tpu.memref_slice %arg14[%add3A_9, %dma_start3A_53] : memref<10240x128xf32, #tpu.memory_space<vmem_shared>> -> memref<80x128xf32, #tpu.memory_space<vmem_shared>>
      %dma_start3A_55 = arith.constant 0 : i32
      %dma_start3A_56 = arith.constant 0 : i32
      %dma_start3A_57 = tpu.memref_slice %arg8[%dma_start3A_55, %dma_start3A_56] : memref<100x128xf32, #tpu.memory_space<vmem>> -> memref<80x128xf32, #tpu.memory_space<vmem>>
      tpu.enqueue_dma source(%dma_start3A_57 : memref<80x128xf32, #tpu.memory_space<vmem>>) target(%dma_start3A_54 : memref<80x128xf32, #tpu.memory_space<vmem_shared>>) target_semaphore(%run_scoped3A : memref<!tpu.dma_semaphore, #tpu.memory_space<semaphore_mem>>)
      %dma_wait3A = arith.constant 0 : i32
      %dma_wait3A_58 = arith.constant 0 : i32
      %dma_wait3A_59 = tpu.memref_slice %arg8[%dma_wait3A, %dma_wait3A_58] : memref<100x128xf32, #tpu.memory_space<vmem>> -> memref<80x128xf32, #tpu.memory_space<vmem>>
      %dma_wait3A_60 = arith.constant 0 : i32
      %dma_wait3A_61 = tpu.memref_slice %arg14[%add3A_9, %dma_wait3A_60] : memref<10240x128xf32, #tpu.memory_space<vmem_shared>> -> memref<80x128xf32, #tpu.memory_space<vmem_shared>>
      %dma_wait3A_62 = arith.constant 0 : i32
      %dma_wait3A_63 = tpu.memref_slice %arg14[%add3A_9, %dma_wait3A_62] : memref<10240x128xf32, #tpu.memory_space<vmem_shared>> -> memref<80x128xf32, #tpu.memory_space<vmem_shared>>
      %dma_wait3A_64 = arith.constant 0 : i32
      %dma_wait3A_65 = arith.constant 0 : i32
      %dma_wait3A_66 = tpu.memref_slice %arg8[%dma_wait3A_64, %dma_wait3A_65] : memref<100x128xf32, #tpu.memory_space<vmem>> -> memref<80x128xf32, #tpu.memory_space<vmem>>
      tpu.wait_dma2 semaphore(%run_scoped3A : memref<!tpu.dma_semaphore, #tpu.memory_space<semaphore_mem>>) src(%dma_wait3A_66 : memref<80x128xf32, #tpu.memory_space<vmem>>) dst(%dma_wait3A_63 : memref<80x128xf32, #tpu.memory_space<vmem_shared>>)
      tpu.yield
    }) : () -> ()
    %mul3A_10 = arith.constant 640 : i32
    %mul3A_11 = arith.muli %arg1, %mul3A_10 : i32
    %add3A_12 = arith.constant 80 : i32
    %add3A_13 = arith.addi %mul3A_11, %add3A_12 : i32
    "tpu.region"() ({
      %run_scoped3A = tpu.sem_alloc : memref<!tpu.dma_semaphore, #tpu.memory_space<semaphore_mem>>
      %dma_start3A = arith.constant 0 : i32
      %dma_start3A_49 = arith.constant 0 : i32
      %dma_start3A_50 = tpu.memref_slice %arg8[%dma_start3A, %dma_start3A_49] : memref<100x128xf32, #tpu.memory_space<vmem>> -> memref<80x128xf32, #tpu.memory_space<vmem>>
      %dma_start3A_51 = arith.constant 0 : i32
      %dma_start3A_52 = tpu.memref_slice %arg14[%add3A_13, %dma_start3A_51] : memref<10240x128xf32, #tpu.memory_space<vmem_shared>> -> memref<80x128xf32, #tpu.memory_space<vmem_shared>>
      %dma_start3A_53 = arith.constant 0 : i32
      %dma_start3A_54 = tpu.memref_slice %arg14[%add3A_13, %dma_start3A_53] : memref<10240x128xf32, #tpu.memory_space<vmem_shared>> -> memref<80x128xf32, #tpu.memory_space<vmem_shared>>
      %dma_start3A_55 = arith.constant 0 : i32
      %dma_start3A_56 = arith.constant 0 : i32
      %dma_start3A_57 = tpu.memref_slice %arg8[%dma_start3A_55, %dma_start3A_56] : memref<100x128xf32, #tpu.memory_space<vmem>> -> memref<80x128xf32, #tpu.memory_space<vmem>>
      tpu.enqueue_dma source(%dma_start3A_57 : memref<80x128xf32, #tpu.memory_space<vmem>>) target(%dma_start3A_54 : memref<80x128xf32, #tpu.memory_space<vmem_shared>>) target_semaphore(%run_scoped3A : memref<!tpu.dma_semaphore, #tpu.memory_space<semaphore_mem>>)
      %dma_wait3A = arith.constant 0 : i32
      %dma_wait3A_58 = arith.constant 0 : i32
      %dma_wait3A_59 = tpu.memref_slice %arg8[%dma_wait3A, %dma_wait3A_58] : memref<100x128xf32, #tpu.memory_space<vmem>> -> memref<80x128xf32, #tpu.memory_space<vmem>>
      %dma_wait3A_60 = arith.constant 0 : i32
      %dma_wait3A_61 = tpu.memref_slice %arg14[%add3A_13, %dma_wait3A_60] : memref<10240x128xf32, #tpu.memory_space<vmem_shared>> -> memref<80x128xf32, #tpu.memory_space<vmem_shared>>
      %dma_wait3A_62 = arith.constant 0 : i32
      %dma_wait3A_63 = tpu.memref_slice %arg14[%add3A_13, %dma_wait3A_62] : memref<10240x128xf32, #tpu.memory_space<vmem_shared>> -> memref<80x128xf32, #tpu.memory_space<vmem_shared>>
      %dma_wait3A_64 = arith.constant 0 : i32
      %dma_wait3A_65 = arith.constant 0 : i32
      %dma_wait3A_66 = tpu.memref_slice %arg8[%dma_wait3A_64, %dma_wait3A_65] : memref<100x128xf32, #tpu.memory_space<vmem>> -> memref<80x128xf32, #tpu.memory_space<vmem>>
      tpu.wait_dma2 semaphore(%run_scoped3A : memref<!tpu.dma_semaphore, #tpu.memory_space<semaphore_mem>>) src(%dma_wait3A_66 : memref<80x128xf32, #tpu.memory_space<vmem>>) dst(%dma_wait3A_63 : memref<80x128xf32, #tpu.memory_space<vmem_shared>>)
      tpu.yield
    }) : () -> ()
    %mul3A_14 = arith.constant 640 : i32
    %mul3A_15 = arith.muli %arg1, %mul3A_14 : i32
    %add3A_16 = arith.constant 160 : i32
    %add3A_17 = arith.addi %mul3A_15, %add3A_16 : i32
    "tpu.region"() ({
      %run_scoped3A = tpu.sem_alloc : memref<!tpu.dma_semaphore, #tpu.memory_space<semaphore_mem>>
      %dma_start3A = arith.constant 0 : i32
      %dma_start3A_49 = arith.constant 0 : i32
      %dma_start3A_50 = tpu.memref_slice %arg8[%dma_start3A, %dma_start3A_49] : memref<100x128xf32, #tpu.memory_space<vmem>> -> memref<80x128xf32, #tpu.memory_space<vmem>>
      %dma_start3A_51 = arith.constant 0 : i32
      %dma_start3A_52 = tpu.memref_slice %arg14[%add3A_17, %dma_start3A_51] : memref<10240x128xf32, #tpu.memory_space<vmem_shared>> -> memref<80x128xf32, #tpu.memory_space<vmem_shared>>
      %dma_start3A_53 = arith.constant 0 : i32
      %dma_start3A_54 = tpu.memref_slice %arg14[%add3A_17, %dma_start3A_53] : memref<10240x128xf32, #tpu.memory_space<vmem_shared>> -> memref<80x128xf32, #tpu.memory_space<vmem_shared>>
      %dma_start3A_55 = arith.constant 0 : i32
      %dma_start3A_56 = arith.constant 0 : i32
      %dma_start3A_57 = tpu.memref_slice %arg8[%dma_start3A_55, %dma_start3A_56] : memref<100x128xf32, #tpu.memory_space<vmem>> -> memref<80x128xf32, #tpu.memory_space<vmem>>
      tpu.enqueue_dma source(%dma_start3A_57 : memref<80x128xf32, #tpu.memory_space<vmem>>) target(%dma_start3A_54 : memref<80x128xf32, #tpu.memory_space<vmem_shared>>) target_semaphore(%run_scoped3A : memref<!tpu.dma_semaphore, #tpu.memory_space<semaphore_mem>>)
      %dma_wait3A = arith.constant 0 : i32
      %dma_wait3A_58 = arith.constant 0 : i32
      %dma_wait3A_59 = tpu.memref_slice %arg8[%dma_wait3A, %dma_wait3A_58] : memref<100x128xf32, #tpu.memory_space<vmem>> -> memref<80x128xf32, #tpu.memory_space<vmem>>
      %dma_wait3A_60 = arith.constant 0 : i32
      %dma_wait3A_61 = tpu.memref_slice %arg14[%add3A_17, %dma_wait3A_60] : memref<10240x128xf32, #tpu.memory_space<vmem_shared>> -> memref<80x128xf32, #tpu.memory_space<vmem_shared>>
      %dma_wait3A_62 = arith.constant 0 : i32
      %dma_wait3A_63 = tpu.memref_slice %arg14[%add3A_17, %dma_wait3A_62] : memref<10240x128xf32, #tpu.memory_space<vmem_shared>> -> memref<80x128xf32, #tpu.memory_space<vmem_shared>>
      %dma_wait3A_64 = arith.constant 0 : i32
      %dma_wait3A_65 = arith.constant 0 : i32
      %dma_wait3A_66 = tpu.memref_slice %arg8[%dma_wait3A_64, %dma_wait3A_65] : memref<100x128xf32, #tpu.memory_space<vmem>> -> memref<80x128xf32, #tpu.memory_space<vmem>>
      tpu.wait_dma2 semaphore(%run_scoped3A : memref<!tpu.dma_semaphore, #tpu.memory_space<semaphore_mem>>) src(%dma_wait3A_66 : memref<80x128xf32, #tpu.memory_space<vmem>>) dst(%dma_wait3A_63 : memref<80x128xf32, #tpu.memory_space<vmem_shared>>)
      tpu.yield
    }) : () -> ()
    %mul3A_18 = arith.constant 640 : i32
    %mul3A_19 = arith.muli %arg1, %mul3A_18 : i32
    %add3A_20 = arith.constant 240 : i32
    %add3A_21 = arith.addi %mul3A_19, %add3A_20 : i32
    "tpu.region"() ({
      %run_scoped3A = tpu.sem_alloc : memref<!tpu.dma_semaphore, #tpu.memory_space<semaphore_mem>>
      %dma_start3A = arith.constant 0 : i32
      %dma_start3A_49 = arith.constant 0 : i32
      %dma_start3A_50 = tpu.memref_slice %arg8[%dma_start3A, %dma_start3A_49] : memref<100x128xf32, #tpu.memory_space<vmem>> -> memref<80x128xf32, #tpu.memory_space<vmem>>
      %dma_start3A_51 = arith.constant 0 : i32
      %dma_start3A_52 = tpu.memref_slice %arg14[%add3A_21, %dma_start3A_51] : memref<10240x128xf32, #tpu.memory_space<vmem_shared>> -> memref<80x128xf32, #tpu.memory_space<vmem_shared>>
      %dma_start3A_53 = arith.constant 0 : i32
      %dma_start3A_54 = tpu.memref_slice %arg14[%add3A_21, %dma_start3A_53] : memref<10240x128xf32, #tpu.memory_space<vmem_shared>> -> memref<80x128xf32, #tpu.memory_space<vmem_shared>>
      %dma_start3A_55 = arith.constant 0 : i32
      %dma_start3A_56 = arith.constant 0 : i32
      %dma_start3A_57 = tpu.memref_slice %arg8[%dma_start3A_55, %dma_start3A_56] : memref<100x128xf32, #tpu.memory_space<vmem>> -> memref<80x128xf32, #tpu.memory_space<vmem>>
      tpu.enqueue_dma source(%dma_start3A_57 : memref<80x128xf32, #tpu.memory_space<vmem>>) target(%dma_start3A_54 : memref<80x128xf32, #tpu.memory_space<vmem_shared>>) target_semaphore(%run_scoped3A : memref<!tpu.dma_semaphore, #tpu.memory_space<semaphore_mem>>)
      %dma_wait3A = arith.constant 0 : i32
      %dma_wait3A_58 = arith.constant 0 : i32
      %dma_wait3A_59 = tpu.memref_slice %arg8[%dma_wait3A, %dma_wait3A_58] : memref<100x128xf32, #tpu.memory_space<vmem>> -> memref<80x128xf32, #tpu.memory_space<vmem>>
      %dma_wait3A_60 = arith.constant 0 : i32
      %dma_wait3A_61 = tpu.memref_slice %arg14[%add3A_21, %dma_wait3A_60] : memref<10240x128xf32, #tpu.memory_space<vmem_shared>> -> memref<80x128xf32, #tpu.memory_space<vmem_shared>>
      %dma_wait3A_62 = arith.constant 0 : i32
      %dma_wait3A_63 = tpu.memref_slice %arg14[%add3A_21, %dma_wait3A_62] : memref<10240x128xf32, #tpu.memory_space<vmem_shared>> -> memref<80x128xf32, #tpu.memory_space<vmem_shared>>
      %dma_wait3A_64 = arith.constant 0 : i32
      %dma_wait3A_65 = arith.constant 0 : i32
      %dma_wait3A_66 = tpu.memref_slice %arg8[%dma_wait3A_64, %dma_wait3A_65] : memref<100x128xf32, #tpu.memory_space<vmem>> -> memref<80x128xf32, #tpu.memory_space<vmem>>
      tpu.wait_dma2 semaphore(%run_scoped3A : memref<!tpu.dma_semaphore, #tpu.memory_space<semaphore_mem>>) src(%dma_wait3A_66 : memref<80x128xf32, #tpu.memory_space<vmem>>) dst(%dma_wait3A_63 : memref<80x128xf32, #tpu.memory_space<vmem_shared>>)
      tpu.yield
    }) : () -> ()
    %mul3A_22 = arith.constant 640 : i32
    %mul3A_23 = arith.muli %arg1, %mul3A_22 : i32
    %add3A_24 = arith.constant 320 : i32
    %add3A_25 = arith.addi %mul3A_23, %add3A_24 : i32
    "tpu.region"() ({
      %run_scoped3A = tpu.sem_alloc : memref<!tpu.dma_semaphore, #tpu.memory_space<semaphore_mem>>
      %dma_start3A = arith.constant 0 : i32
      %dma_start3A_49 = arith.constant 0 : i32
      %dma_start3A_50 = tpu.memref_slice %arg8[%dma_start3A, %dma_start3A_49] : memref<100x128xf32, #tpu.memory_space<vmem>> -> memref<80x128xf32, #tpu.memory_space<vmem>>
      %dma_start3A_51 = arith.constant 0 : i32
      %dma_start3A_52 = tpu.memref_slice %arg14[%add3A_25, %dma_start3A_51] : memref<10240x128xf32, #tpu.memory_space<vmem_shared>> -> memref<80x128xf32, #tpu.memory_space<vmem_shared>>
      %dma_start3A_53 = arith.constant 0 : i32
      %dma_start3A_54 = tpu.memref_slice %arg14[%add3A_25, %dma_start3A_53] : memref<10240x128xf32, #tpu.memory_space<vmem_shared>> -> memref<80x128xf32, #tpu.memory_space<vmem_shared>>
      %dma_start3A_55 = arith.constant 0 : i32
      %dma_start3A_56 = arith.constant 0 : i32
      %dma_start3A_57 = tpu.memref_slice %arg8[%dma_start3A_55, %dma_start3A_56] : memref<100x128xf32, #tpu.memory_space<vmem>> -> memref<80x128xf32, #tpu.memory_space<vmem>>
      tpu.enqueue_dma source(%dma_start3A_57 : memref<80x128xf32, #tpu.memory_space<vmem>>) target(%dma_start3A_54 : memref<80x128xf32, #tpu.memory_space<vmem_shared>>) target_semaphore(%run_scoped3A : memref<!tpu.dma_semaphore, #tpu.memory_space<semaphore_mem>>)
      %dma_wait3A = arith.constant 0 : i32
      %dma_wait3A_58 = arith.constant 0 : i32
      %dma_wait3A_59 = tpu.memref_slice %arg8[%dma_wait3A, %dma_wait3A_58] : memref<100x128xf32, #tpu.memory_space<vmem>> -> memref<80x128xf32, #tpu.memory_space<vmem>>
      %dma_wait3A_60 = arith.constant 0 : i32
      %dma_wait3A_61 = tpu.memref_slice %arg14[%add3A_25, %dma_wait3A_60] : memref<10240x128xf32, #tpu.memory_space<vmem_shared>> -> memref<80x128xf32, #tpu.memory_space<vmem_shared>>
      %dma_wait3A_62 = arith.constant 0 : i32
      %dma_wait3A_63 = tpu.memref_slice %arg14[%add3A_25, %dma_wait3A_62] : memref<10240x128xf32, #tpu.memory_space<vmem_shared>> -> memref<80x128xf32, #tpu.memory_space<vmem_shared>>
      %dma_wait3A_64 = arith.constant 0 : i32
      %dma_wait3A_65 = arith.constant 0 : i32
      %dma_wait3A_66 = tpu.memref_slice %arg8[%dma_wait3A_64, %dma_wait3A_65] : memref<100x128xf32, #tpu.memory_space<vmem>> -> memref<80x128xf32, #tpu.memory_space<vmem>>
      tpu.wait_dma2 semaphore(%run_scoped3A : memref<!tpu.dma_semaphore, #tpu.memory_space<semaphore_mem>>) src(%dma_wait3A_66 : memref<80x128xf32, #tpu.memory_space<vmem>>) dst(%dma_wait3A_63 : memref<80x128xf32, #tpu.memory_space<vmem_shared>>)
      tpu.yield
    }) : () -> ()
    %mul3A_26 = arith.constant 640 : i32
    %mul3A_27 = arith.muli %arg1, %mul3A_26 : i32
    %add3A_28 = arith.constant 400 : i32
    %add3A_29 = arith.addi %mul3A_27, %add3A_28 : i32
    "tpu.region"() ({
      %run_scoped3A = tpu.sem_alloc : memref<!tpu.dma_semaphore, #tpu.memory_space<semaphore_mem>>
      %dma_start3A = arith.constant 0 : i32
      %dma_start3A_49 = arith.constant 0 : i32
      %dma_start3A_50 = tpu.memref_slice %arg8[%dma_start3A, %dma_start3A_49] : memref<100x128xf32, #tpu.memory_space<vmem>> -> memref<80x128xf32, #tpu.memory_space<vmem>>
      %dma_start3A_51 = arith.constant 0 : i32
      %dma_start3A_52 = tpu.memref_slice %arg14[%add3A_29, %dma_start3A_51] : memref<10240x128xf32, #tpu.memory_space<vmem_shared>> -> memref<80x128xf32, #tpu.memory_space<vmem_shared>>
      %dma_start3A_53 = arith.constant 0 : i32
      %dma_start3A_54 = tpu.memref_slice %arg14[%add3A_29, %dma_start3A_53] : memref<10240x128xf32, #tpu.memory_space<vmem_shared>> -> memref<80x128xf32, #tpu.memory_space<vmem_shared>>
      %dma_start3A_55 = arith.constant 0 : i32
      %dma_start3A_56 = arith.constant 0 : i32
      %dma_start3A_57 = tpu.memref_slice %arg8[%dma_start3A_55, %dma_start3A_56] : memref<100x128xf32, #tpu.memory_space<vmem>> -> memref<80x128xf32, #tpu.memory_space<vmem>>
      tpu.enqueue_dma source(%dma_start3A_57 : memref<80x128xf32, #tpu.memory_space<vmem>>) target(%dma_start3A_54 : memref<80x128xf32, #tpu.memory_space<vmem_shared>>) target_semaphore(%run_scoped3A : memref<!tpu.dma_semaphore, #tpu.memory_space<semaphore_mem>>)
      %dma_wait3A = arith.constant 0 : i32
      %dma_wait3A_58 = arith.constant 0 : i32
      %dma_wait3A_59 = tpu.memref_slice %arg8[%dma_wait3A, %dma_wait3A_58] : memref<100x128xf32, #tpu.memory_space<vmem>> -> memref<80x128xf32, #tpu.memory_space<vmem>>
      %dma_wait3A_60 = arith.constant 0 : i32
      %dma_wait3A_61 = tpu.memref_slice %arg14[%add3A_29, %dma_wait3A_60] : memref<10240x128xf32, #tpu.memory_space<vmem_shared>> -> memref<80x128xf32, #tpu.memory_space<vmem_shared>>
      %dma_wait3A_62 = arith.constant 0 : i32
      %dma_wait3A_63 = tpu.memref_slice %arg14[%add3A_29, %dma_wait3A_62] : memref<10240x128xf32, #tpu.memory_space<vmem_shared>> -> memref<80x128xf32, #tpu.memory_space<vmem_shared>>
      %dma_wait3A_64 = arith.constant 0 : i32
      %dma_wait3A_65 = arith.constant 0 : i32
      %dma_wait3A_66 = tpu.memref_slice %arg8[%dma_wait3A_64, %dma_wait3A_65] : memref<100x128xf32, #tpu.memory_space<vmem>> -> memref<80x128xf32, #tpu.memory_space<vmem>>
      tpu.wait_dma2 semaphore(%run_scoped3A : memref<!tpu.dma_semaphore, #tpu.memory_space<semaphore_mem>>) src(%dma_wait3A_66 : memref<80x128xf32, #tpu.memory_space<vmem>>) dst(%dma_wait3A_63 : memref<80x128xf32, #tpu.memory_space<vmem_shared>>)
      tpu.yield
    }) : () -> ()
    %mul3A_30 = arith.constant 640 : i32
    %mul3A_31 = arith.muli %arg1, %mul3A_30 : i32
    %add3A_32 = arith.constant 480 : i32
    %add3A_33 = arith.addi %mul3A_31, %add3A_32 : i32
    "tpu.region"() ({
      %run_scoped3A = tpu.sem_alloc : memref<!tpu.dma_semaphore, #tpu.memory_space<semaphore_mem>>
      %dma_start3A = arith.constant 0 : i32
      %dma_start3A_49 = arith.constant 0 : i32
      %dma_start3A_50 = tpu.memref_slice %arg8[%dma_start3A, %dma_start3A_49] : memref<100x128xf32, #tpu.memory_space<vmem>> -> memref<80x128xf32, #tpu.memory_space<vmem>>
      %dma_start3A_51 = arith.constant 0 : i32
      %dma_start3A_52 = tpu.memref_slice %arg14[%add3A_33, %dma_start3A_51] : memref<10240x128xf32, #tpu.memory_space<vmem_shared>> -> memref<80x128xf32, #tpu.memory_space<vmem_shared>>
      %dma_start3A_53 = arith.constant 0 : i32
      %dma_start3A_54 = tpu.memref_slice %arg14[%add3A_33, %dma_start3A_53] : memref<10240x128xf32, #tpu.memory_space<vmem_shared>> -> memref<80x128xf32, #tpu.memory_space<vmem_shared>>
      %dma_start3A_55 = arith.constant 0 : i32
      %dma_start3A_56 = arith.constant 0 : i32
      %dma_start3A_57 = tpu.memref_slice %arg8[%dma_start3A_55, %dma_start3A_56] : memref<100x128xf32, #tpu.memory_space<vmem>> -> memref<80x128xf32, #tpu.memory_space<vmem>>
      tpu.enqueue_dma source(%dma_start3A_57 : memref<80x128xf32, #tpu.memory_space<vmem>>) target(%dma_start3A_54 : memref<80x128xf32, #tpu.memory_space<vmem_shared>>) target_semaphore(%run_scoped3A : memref<!tpu.dma_semaphore, #tpu.memory_space<semaphore_mem>>)
      %dma_wait3A = arith.constant 0 : i32
      %dma_wait3A_58 = arith.constant 0 : i32
      %dma_wait3A_59 = tpu.memref_slice %arg8[%dma_wait3A, %dma_wait3A_58] : memref<100x128xf32, #tpu.memory_space<vmem>> -> memref<80x128xf32, #tpu.memory_space<vmem>>
      %dma_wait3A_60 = arith.constant 0 : i32
      %dma_wait3A_61 = tpu.memref_slice %arg14[%add3A_33, %dma_wait3A_60] : memref<10240x128xf32, #tpu.memory_space<vmem_shared>> -> memref<80x128xf32, #tpu.memory_space<vmem_shared>>
      %dma_wait3A_62 = arith.constant 0 : i32
      %dma_wait3A_63 = tpu.memref_slice %arg14[%add3A_33, %dma_wait3A_62] : memref<10240x128xf32, #tpu.memory_space<vmem_shared>> -> memref<80x128xf32, #tpu.memory_space<vmem_shared>>
      %dma_wait3A_64 = arith.constant 0 : i32
      %dma_wait3A_65 = arith.constant 0 : i32
      %dma_wait3A_66 = tpu.memref_slice %arg8[%dma_wait3A_64, %dma_wait3A_65] : memref<100x128xf32, #tpu.memory_space<vmem>> -> memref<80x128xf32, #tpu.memory_space<vmem>>
      tpu.wait_dma2 semaphore(%run_scoped3A : memref<!tpu.dma_semaphore, #tpu.memory_space<semaphore_mem>>) src(%dma_wait3A_66 : memref<80x128xf32, #tpu.memory_space<vmem>>) dst(%dma_wait3A_63 : memref<80x128xf32, #tpu.memory_space<vmem_shared>>)
      tpu.yield
    }) : () -> ()
    %mul3A_34 = arith.constant 640 : i32
    %mul3A_35 = arith.muli %arg1, %mul3A_34 : i32
    %add3A_36 = arith.constant 560 : i32
    %add3A_37 = arith.addi %mul3A_35, %add3A_36 : i32
    "tpu.region"() ({
      %run_scoped3A = tpu.sem_alloc : memref<!tpu.dma_semaphore, #tpu.memory_space<semaphore_mem>>
      %dma_start3A = arith.constant 0 : i32
      %dma_start3A_49 = arith.constant 0 : i32
      %dma_start3A_50 = tpu.memref_slice %arg8[%dma_start3A, %dma_start3A_49] : memref<100x128xf32, #tpu.memory_space<vmem>> -> memref<80x128xf32, #tpu.memory_space<vmem>>
      %dma_start3A_51 = arith.constant 0 : i32
      %dma_start3A_52 = tpu.memref_slice %arg14[%add3A_37, %dma_start3A_51] : memref<10240x128xf32, #tpu.memory_space<vmem_shared>> -> memref<80x128xf32, #tpu.memory_space<vmem_shared>>
      %dma_start3A_53 = arith.constant 0 : i32
      %dma_start3A_54 = tpu.memref_slice %arg14[%add3A_37, %dma_start3A_53] : memref<10240x128xf32, #tpu.memory_space<vmem_shared>> -> memref<80x128xf32, #tpu.memory_space<vmem_shared>>
      %dma_start3A_55 = arith.constant 0 : i32
      %dma_start3A_56 = arith.constant 0 : i32
      %dma_start3A_57 = tpu.memref_slice %arg8[%dma_start3A_55, %dma_start3A_56] : memref<100x128xf32, #tpu.memory_space<vmem>> -> memref<80x128xf32, #tpu.memory_space<vmem>>
      tpu.enqueue_dma source(%dma_start3A_57 : memref<80x128xf32, #tpu.memory_space<vmem>>) target(%dma_start3A_54 : memref<80x128xf32, #tpu.memory_space<vmem_shared>>) target_semaphore(%run_scoped3A : memref<!tpu.dma_semaphore, #tpu.memory_space<semaphore_mem>>)
      %dma_wait3A = arith.constant 0 : i32
      %dma_wait3A_58 = arith.constant 0 : i32
      %dma_wait3A_59 = tpu.memref_slice %arg8[%dma_wait3A, %dma_wait3A_58] : memref<100x128xf32, #tpu.memory_space<vmem>> -> memref<80x128xf32, #tpu.memory_space<vmem>>
      %dma_wait3A_60 = arith.constant 0 : i32
      %dma_wait3A_61 = tpu.memref_slice %arg14[%add3A_37, %dma_wait3A_60] : memref<10240x128xf32, #tpu.memory_space<vmem_shared>> -> memref<80x128xf32, #tpu.memory_space<vmem_shared>>
      %dma_wait3A_62 = arith.constant 0 : i32
      %dma_wait3A_63 = tpu.memref_slice %arg14[%add3A_37, %dma_wait3A_62] : memref<10240x128xf32, #tpu.memory_space<vmem_shared>> -> memref<80x128xf32, #tpu.memory_space<vmem_shared>>
      %dma_wait3A_64 = arith.constant 0 : i32
      %dma_wait3A_65 = arith.constant 0 : i32
      %dma_wait3A_66 = tpu.memref_slice %arg8[%dma_wait3A_64, %dma_wait3A_65] : memref<100x128xf32, #tpu.memory_space<vmem>> -> memref<80x128xf32, #tpu.memory_space<vmem>>
      tpu.wait_dma2 semaphore(%run_scoped3A : memref<!tpu.dma_semaphore, #tpu.memory_space<semaphore_mem>>) src(%dma_wait3A_66 : memref<80x128xf32, #tpu.memory_space<vmem>>) dst(%dma_wait3A_63 : memref<80x128xf32, #tpu.memory_space<vmem_shared>>)
      tpu.yield
    }) : () -> ()
    %barrier3A = arith.constant 0 : index
    tpu.barrier barrier_id(%barrier3A)
    %scan3A_38 = arith.constant 0 : i32
    %scan3A_39 = arith.constant 0 : i32
    %scan3A_40 = arith.constant 5 : i32
    %scan3A_41 = arith.addi %scan3A_39, %scan3A_40 : i32
    %scan3A_42 = arith.constant 1 : i32
    scf.for %scan3A_49 = %scan3A_39 to %scan3A_41 step %scan3A_42  : i32 {
      "tpu.region"() ({
        %run_scoped3A = tpu.sem_alloc : memref<!tpu.dma_semaphore, #tpu.memory_space<semaphore_mem>>
        %dma_start3A_82 = arith.constant 0 : i32
        %dma_start3A_83 = arith.constant 0 : i32
        %dma_start3A_84 = tpu.memref_slice %arg3[%add3A, %scan3A_49, %dma_start3A_82, %dma_start3A_83] : memref<32x5x20x100xi32, #tpu.memory_space<hbm>> -> memref<1x1x20x100xi32, #tpu.memory_space<hbm>>
        %dma_start3A_85 = tpu.memref_squeeze %dma_start3A_84 : memref<1x1x20x100xi32, #tpu.memory_space<hbm>> -> memref<20x100xi32, #tpu.memory_space<hbm>>
        %dma_start3A_86 = arith.constant 0 : i32
        %dma_start3A_87 = arith.constant 0 : i32
        %dma_start3A_88 = tpu.memref_slice %arg3[%add3A, %scan3A_49, %dma_start3A_86, %dma_start3A_87] : memref<32x5x20x100xi32, #tpu.memory_space<hbm>> -> memref<1x1x20x100xi32, #tpu.memory_space<hbm>>
        %dma_start3A_89 = tpu.memref_squeeze %dma_start3A_88 : memref<1x1x20x100xi32, #tpu.memory_space<hbm>> -> memref<20x100xi32, #tpu.memory_space<hbm>>
        tpu.enqueue_dma source(%dma_start3A_89 : memref<20x100xi32, #tpu.memory_space<hbm>>) target(%arg6 : memref<20x100xi32, #tpu.memory_space<vmem>>) target_semaphore(%run_scoped3A : memref<!tpu.dma_semaphore, #tpu.memory_space<semaphore_mem>>)
        %dma_wait3A_90 = arith.constant 0 : i32
        %dma_wait3A_91 = arith.constant 0 : i32
        %dma_wait3A_92 = tpu.memref_slice %arg3[%add3A, %scan3A_49, %dma_wait3A_90, %dma_wait3A_91] : memref<32x5x20x100xi32, #tpu.memory_space<hbm>> -> memref<1x1x20x100xi32, #tpu.memory_space<hbm>>
        %dma_wait3A_93 = tpu.memref_squeeze %dma_wait3A_92 : memref<1x1x20x100xi32, #tpu.memory_space<hbm>> -> memref<20x100xi32, #tpu.memory_space<hbm>>
        %dma_wait3A_94 = arith.constant 0 : i32
        %dma_wait3A_95 = arith.constant 0 : i32
        %dma_wait3A_96 = tpu.memref_slice %arg3[%add3A, %scan3A_49, %dma_wait3A_94, %dma_wait3A_95] : memref<32x5x20x100xi32, #tpu.memory_space<hbm>> -> memref<1x1x20x100xi32, #tpu.memory_space<hbm>>
        %dma_wait3A_97 = tpu.memref_squeeze %dma_wait3A_96 : memref<1x1x20x100xi32, #tpu.memory_space<hbm>> -> memref<20x100xi32, #tpu.memory_space<hbm>>
        tpu.wait_dma2 semaphore(%run_scoped3A : memref<!tpu.dma_semaphore, #tpu.memory_space<semaphore_mem>>) src(%dma_wait3A_97 : memref<20x100xi32, #tpu.memory_space<hbm>>) dst(%arg6 : memref<20x100xi32, #tpu.memory_space<vmem>>)
        tpu.yield
      }) : () -> ()
      "tpu.region"() ({
        %run_scoped3A = tpu.sem_alloc : memref<!tpu.dma_semaphore, #tpu.memory_space<semaphore_mem>>
        %dma_start3A_82 = arith.constant 0 : i32
        %dma_start3A_83 = arith.constant 0 : i32
        %dma_start3A_84 = tpu.memref_slice %arg4[%add3A, %scan3A_49, %dma_start3A_82, %dma_start3A_83] : memref<32x5x20x100xi32, #tpu.memory_space<hbm>> -> memref<1x1x20x100xi32, #tpu.memory_space<hbm>>
        %dma_start3A_85 = tpu.memref_squeeze %dma_start3A_84 : memref<1x1x20x100xi32, #tpu.memory_space<hbm>> -> memref<20x100xi32, #tpu.memory_space<hbm>>
        %dma_start3A_86 = arith.constant 0 : i32
        %dma_start3A_87 = arith.constant 0 : i32
        %dma_start3A_88 = tpu.memref_slice %arg4[%add3A, %scan3A_49, %dma_start3A_86, %dma_start3A_87] : memref<32x5x20x100xi32, #tpu.memory_space<hbm>> -> memref<1x1x20x100xi32, #tpu.memory_space<hbm>>
        %dma_start3A_89 = tpu.memref_squeeze %dma_start3A_88 : memref<1x1x20x100xi32, #tpu.memory_space<hbm>> -> memref<20x100xi32, #tpu.memory_space<hbm>>
        tpu.enqueue_dma source(%dma_start3A_89 : memref<20x100xi32, #tpu.memory_space<hbm>>) target(%arg7 : memref<20x100xi32, #tpu.memory_space<vmem>>) target_semaphore(%run_scoped3A : memref<!tpu.dma_semaphore, #tpu.memory_space<semaphore_mem>>)
        %dma_wait3A_90 = arith.constant 0 : i32
        %dma_wait3A_91 = arith.constant 0 : i32
        %dma_wait3A_92 = tpu.memref_slice %arg4[%add3A, %scan3A_49, %dma_wait3A_90, %dma_wait3A_91] : memref<32x5x20x100xi32, #tpu.memory_space<hbm>> -> memref<1x1x20x100xi32, #tpu.memory_space<hbm>>
        %dma_wait3A_93 = tpu.memref_squeeze %dma_wait3A_92 : memref<1x1x20x100xi32, #tpu.memory_space<hbm>> -> memref<20x100xi32, #tpu.memory_space<hbm>>
        %dma_wait3A_94 = arith.constant 0 : i32
        %dma_wait3A_95 = arith.constant 0 : i32
        %dma_wait3A_96 = tpu.memref_slice %arg4[%add3A, %scan3A_49, %dma_wait3A_94, %dma_wait3A_95] : memref<32x5x20x100xi32, #tpu.memory_space<hbm>> -> memref<1x1x20x100xi32, #tpu.memory_space<hbm>>
        %dma_wait3A_97 = tpu.memref_squeeze %dma_wait3A_96 : memref<1x1x20x100xi32, #tpu.memory_space<hbm>> -> memref<20x100xi32, #tpu.memory_space<hbm>>
        tpu.wait_dma2 semaphore(%run_scoped3A : memref<!tpu.dma_semaphore, #tpu.memory_space<semaphore_mem>>) src(%dma_wait3A_97 : memref<20x100xi32, #tpu.memory_space<hbm>>) dst(%arg7 : memref<20x100xi32, #tpu.memory_space<vmem>>)
        tpu.yield
      }) : () -> ()
      %dma_start3A = arith.constant 0 : i32
      %dma_start3A_50 = arith.constant 0 : i32
      %dma_start3A_51 = tpu.memref_slice %arg6[%dma_start3A, %dma_start3A_50] : memref<20x100xi32, #tpu.memory_space<vmem>> -> memref<1x100xi32, #tpu.memory_space<vmem>>
      %dma_start3A_52 = tpu.memref_squeeze %dma_start3A_51 : memref<1x100xi32, #tpu.memory_space<vmem>> -> memref<100xi32, #tpu.memory_space<vmem>>
      %dma_start3A_53 = arith.constant 0 : i32
      %dma_start3A_54 = arith.constant 0 : i32
      %dma_start3A_55 = tpu.memref_slice %arg2[%dma_start3A_53, %dma_start3A_54] : memref<10240x128xf32, #tpu.memory_space<hbm>> -> memref<10240x128xf32, #tpu.memory_space<hbm>>
      tpu.enqueue_indirect_dma source(%dma_start3A_55 : memref<10240x128xf32, #tpu.memory_space<hbm>>) target(%arg8 : memref<100x128xf32, #tpu.memory_space<vmem>>) offsets(%dma_start3A_52 : memref<100xi32, #tpu.memory_space<vmem>>) semaphore(%arg10 : memref<!tpu.dma_semaphore, #tpu.memory_space<semaphore_mem>>)
      %dma_start3A_56 = arith.constant 1 : i32
      %dma_start3A_57 = arith.constant 0 : i32
      %dma_start3A_58 = tpu.memref_slice %arg6[%dma_start3A_56, %dma_start3A_57] : memref<20x100xi32, #tpu.memory_space<vmem>> -> memref<1x100xi32, #tpu.memory_space<vmem>>
      %dma_start3A_59 = tpu.memref_squeeze %dma_start3A_58 : memref<1x100xi32, #tpu.memory_space<vmem>> -> memref<100xi32, #tpu.memory_space<vmem>>
      %dma_start3A_60 = arith.constant 0 : i32
      %dma_start3A_61 = arith.constant 0 : i32
      %dma_start3A_62 = tpu.memref_slice %arg2[%dma_start3A_60, %dma_start3A_61] : memref<10240x128xf32, #tpu.memory_space<hbm>> -> memref<10240x128xf32, #tpu.memory_space<hbm>>
      tpu.enqueue_indirect_dma source(%dma_start3A_62 : memref<10240x128xf32, #tpu.memory_space<hbm>>) target(%arg9 : memref<100x128xf32, #tpu.memory_space<vmem>>) offsets(%dma_start3A_59 : memref<100xi32, #tpu.memory_space<vmem>>) semaphore(%arg11 : memref<!tpu.dma_semaphore, #tpu.memory_space<semaphore_mem>>)
      %scan3A_63 = arith.constant 0 : i32
      %scan3A_64 = arith.constant 0 : i32
      %scan3A_65 = arith.constant 10 : i32
      %scan3A_66 = arith.addi %scan3A_64, %scan3A_65 : i32
      %scan3A_67 = arith.constant 1 : i32
      scf.for %scan3A_82 = %scan3A_64 to %scan3A_66 step %scan3A_67  : i32 {
        %mul3A_83 = arith.constant 2 : i32
        %mul3A_84 = arith.muli %mul3A_83, %scan3A_82 : i32
        %add3A_85 = arith.constant 0 : i32
        %add3A_86 = arith.addi %mul3A_84, %add3A_85 : i32
        %dma_wait3A_87 = arith.constant 0 : i32
        %dma_wait3A_88 = tpu.memref_slice %arg6[%add3A_86, %dma_wait3A_87] : memref<20x100xi32, #tpu.memory_space<vmem>> -> memref<1x100xi32, #tpu.memory_space<vmem>>
        %dma_wait3A_89 = tpu.memref_squeeze %dma_wait3A_88 : memref<1x100xi32, #tpu.memory_space<vmem>> -> memref<100xi32, #tpu.memory_space<vmem>>
        %dma_wait3A_90 = arith.constant 0 : i32
        %dma_wait3A_91 = arith.constant 0 : i32
        %dma_wait3A_92 = tpu.memref_slice %arg2[%dma_wait3A_90, %dma_wait3A_91] : memref<10240x128xf32, #tpu.memory_space<hbm>> -> memref<10240x128xf32, #tpu.memory_space<hbm>>
        tpu.wait_indirect_dma semaphore(%arg10 : memref<!tpu.dma_semaphore, #tpu.memory_space<semaphore_mem>>) src(%dma_wait3A_92 : memref<10240x128xf32, #tpu.memory_space<hbm>>) dst(%arg8 : memref<100x128xf32, #tpu.memory_space<vmem>>)
        %dma_start3A_93 = arith.constant 0 : i32
        %dma_start3A_94 = tpu.memref_slice %arg7[%add3A_86, %dma_start3A_93] : memref<20x100xi32, #tpu.memory_space<vmem>> -> memref<1x100xi32, #tpu.memory_space<vmem>>
        %dma_start3A_95 = tpu.memref_squeeze %dma_start3A_94 : memref<1x100xi32, #tpu.memory_space<vmem>> -> memref<100xi32, #tpu.memory_space<vmem>>
        %dma_start3A_96 = arith.constant 0 : i32
        %dma_start3A_97 = arith.constant 0 : i32
        %dma_start3A_98 = tpu.memref_slice %arg14[%dma_start3A_96, %dma_start3A_97] : memref<10240x128xf32, #tpu.memory_space<vmem_shared>> -> memref<10240x128xf32, #tpu.memory_space<vmem_shared>>
        tpu.enqueue_indirect_dma source(%arg8 : memref<100x128xf32, #tpu.memory_space<vmem>>) target(%dma_start3A_98 : memref<10240x128xf32, #tpu.memory_space<vmem_shared>>) offsets(%dma_start3A_95 : memref<100xi32, #tpu.memory_space<vmem>>) semaphore(%arg12 : memref<!tpu.dma_semaphore, #tpu.memory_space<semaphore_mem>>) {add = true}
        %lt3A = arith.constant 9 : i32
        %lt3A_99 = arith.cmpi slt, %scan3A_82, %lt3A : i32
        %convert_element_type3A = arith.extui %lt3A_99 : i1 to i32
        %cond3A = arith.constant 0 : i32
        %cond3A_100 = arith.cmpi ne, %convert_element_type3A, %cond3A : i32
        scf.if %cond3A_100 {
          %dma_wait3A_122 = arith.constant 0 : i32
          %dma_wait3A_123 = tpu.memref_slice %arg7[%add3A_86, %dma_wait3A_122] : memref<20x100xi32, #tpu.memory_space<vmem>> -> memref<1x100xi32, #tpu.memory_space<vmem>>
          %dma_wait3A_124 = tpu.memref_squeeze %dma_wait3A_123 : memref<1x100xi32, #tpu.memory_space<vmem>> -> memref<100xi32, #tpu.memory_space<vmem>>
          %dma_wait3A_125 = arith.constant 0 : i32
          %dma_wait3A_126 = arith.constant 0 : i32
          %dma_wait3A_127 = tpu.memref_slice %arg14[%dma_wait3A_125, %dma_wait3A_126] : memref<10240x128xf32, #tpu.memory_space<vmem_shared>> -> memref<10240x128xf32, #tpu.memory_space<vmem_shared>>
          tpu.wait_indirect_dma semaphore(%arg12 : memref<!tpu.dma_semaphore, #tpu.memory_space<semaphore_mem>>) src(%arg8 : memref<100x128xf32, #tpu.memory_space<vmem>>) dst(%dma_wait3A_127 : memref<10240x128xf32, #tpu.memory_space<vmem_shared>>)
          %add3A_128 = arith.constant 2 : i32
          %add3A_129 = arith.addi %add3A_86, %add3A_128 : i32
          %dma_start3A_130 = arith.constant 0 : i32
          %dma_start3A_131 = tpu.memref_slice %arg6[%add3A_129, %dma_start3A_130] : memref<20x100xi32, #tpu.memory_space<vmem>> -> memref<1x100xi32, #tpu.memory_space<vmem>>
          %dma_start3A_132 = tpu.memref_squeeze %dma_start3A_131 : memref<1x100xi32, #tpu.memory_space<vmem>> -> memref<100xi32, #tpu.memory_space<vmem>>
          %dma_start3A_133 = arith.constant 0 : i32
          %dma_start3A_134 = arith.constant 0 : i32
          %dma_start3A_135 = tpu.memref_slice %arg2[%dma_start3A_133, %dma_start3A_134] : memref<10240x128xf32, #tpu.memory_space<hbm>> -> memref<10240x128xf32, #tpu.memory_space<hbm>>
          tpu.enqueue_indirect_dma source(%dma_start3A_135 : memref<10240x128xf32, #tpu.memory_space<hbm>>) target(%arg8 : memref<100x128xf32, #tpu.memory_space<vmem>>) offsets(%dma_start3A_132 : memref<100xi32, #tpu.memory_space<vmem>>) semaphore(%arg10 : memref<!tpu.dma_semaphore, #tpu.memory_space<semaphore_mem>>)
        } else {
        }
        %mul3A_101 = arith.constant 2 : i32
        %mul3A_102 = arith.muli %mul3A_101, %scan3A_82 : i32
        %add3A_103 = arith.constant 1 : i32
        %add3A_104 = arith.addi %mul3A_102, %add3A_103 : i32
        %dma_wait3A_105 = arith.constant 0 : i32
        %dma_wait3A_106 = tpu.memref_slice %arg6[%add3A_104, %dma_wait3A_105] : memref<20x100xi32, #tpu.memory_space<vmem>> -> memref<1x100xi32, #tpu.memory_space<vmem>>
        %dma_wait3A_107 = tpu.memref_squeeze %dma_wait3A_106 : memref<1x100xi32, #tpu.memory_space<vmem>> -> memref<100xi32, #tpu.memory_space<vmem>>
        %dma_wait3A_108 = arith.constant 0 : i32
        %dma_wait3A_109 = arith.constant 0 : i32
        %dma_wait3A_110 = tpu.memref_slice %arg2[%dma_wait3A_108, %dma_wait3A_109] : memref<10240x128xf32, #tpu.memory_space<hbm>> -> memref<10240x128xf32, #tpu.memory_space<hbm>>
        tpu.wait_indirect_dma semaphore(%arg11 : memref<!tpu.dma_semaphore, #tpu.memory_space<semaphore_mem>>) src(%dma_wait3A_110 : memref<10240x128xf32, #tpu.memory_space<hbm>>) dst(%arg9 : memref<100x128xf32, #tpu.memory_space<vmem>>)
        %dma_start3A_111 = arith.constant 0 : i32
        %dma_start3A_112 = tpu.memref_slice %arg7[%add3A_104, %dma_start3A_111] : memref<20x100xi32, #tpu.memory_space<vmem>> -> memref<1x100xi32, #tpu.memory_space<vmem>>
        %dma_start3A_113 = tpu.memref_squeeze %dma_start3A_112 : memref<1x100xi32, #tpu.memory_space<vmem>> -> memref<100xi32, #tpu.memory_space<vmem>>
        %dma_start3A_114 = arith.constant 0 : i32
        %dma_start3A_115 = arith.constant 0 : i32
        %dma_start3A_116 = tpu.memref_slice %arg14[%dma_start3A_114, %dma_start3A_115] : memref<10240x128xf32, #tpu.memory_space<vmem_shared>> -> memref<10240x128xf32, #tpu.memory_space<vmem_shared>>
        tpu.enqueue_indirect_dma source(%arg9 : memref<100x128xf32, #tpu.memory_space<vmem>>) target(%dma_start3A_116 : memref<10240x128xf32, #tpu.memory_space<vmem_shared>>) offsets(%dma_start3A_113 : memref<100xi32, #tpu.memory_space<vmem>>) semaphore(%arg13 : memref<!tpu.dma_semaphore, #tpu.memory_space<semaphore_mem>>) {add = true}
        %lt3A_117 = arith.constant 9 : i32
        %lt3A_118 = arith.cmpi slt, %scan3A_82, %lt3A_117 : i32
        %convert_element_type3A_119 = arith.extui %lt3A_118 : i1 to i32
        %cond3A_120 = arith.constant 0 : i32
        %cond3A_121 = arith.cmpi ne, %convert_element_type3A_119, %cond3A_120 : i32
        scf.if %cond3A_121 {
          %dma_wait3A_122 = arith.constant 0 : i32
          %dma_wait3A_123 = tpu.memref_slice %arg7[%add3A_104, %dma_wait3A_122] : memref<20x100xi32, #tpu.memory_space<vmem>> -> memref<1x100xi32, #tpu.memory_space<vmem>>
          %dma_wait3A_124 = tpu.memref_squeeze %dma_wait3A_123 : memref<1x100xi32, #tpu.memory_space<vmem>> -> memref<100xi32, #tpu.memory_space<vmem>>
          %dma_wait3A_125 = arith.constant 0 : i32
          %dma_wait3A_126 = arith.constant 0 : i32
          %dma_wait3A_127 = tpu.memref_slice %arg14[%dma_wait3A_125, %dma_wait3A_126] : memref<10240x128xf32, #tpu.memory_space<vmem_shared>> -> memref<10240x128xf32, #tpu.memory_space<vmem_shared>>
          tpu.wait_indirect_dma semaphore(%arg13 : memref<!tpu.dma_semaphore, #tpu.memory_space<semaphore_mem>>) src(%arg9 : memref<100x128xf32, #tpu.memory_space<vmem>>) dst(%dma_wait3A_127 : memref<10240x128xf32, #tpu.memory_space<vmem_shared>>)
          %add3A_128 = arith.constant 2 : i32
          %add3A_129 = arith.addi %add3A_104, %add3A_128 : i32
          %dma_start3A_130 = arith.constant 0 : i32
          %dma_start3A_131 = tpu.memref_slice %arg6[%add3A_129, %dma_start3A_130] : memref<20x100xi32, #tpu.memory_space<vmem>> -> memref<1x100xi32, #tpu.memory_space<vmem>>
          %dma_start3A_132 = tpu.memref_squeeze %dma_start3A_131 : memref<1x100xi32, #tpu.memory_space<vmem>> -> memref<100xi32, #tpu.memory_space<vmem>>
          %dma_start3A_133 = arith.constant 0 : i32
          %dma_start3A_134 = arith.constant 0 : i32
          %dma_start3A_135 = tpu.memref_slice %arg2[%dma_start3A_133, %dma_start3A_134] : memref<10240x128xf32, #tpu.memory_space<hbm>> -> memref<10240x128xf32, #tpu.memory_space<hbm>>
          tpu.enqueue_indirect_dma source(%dma_start3A_135 : memref<10240x128xf32, #tpu.memory_space<hbm>>) target(%arg9 : memref<100x128xf32, #tpu.memory_space<vmem>>) offsets(%dma_start3A_132 : memref<100xi32, #tpu.memory_space<vmem>>) semaphore(%arg11 : memref<!tpu.dma_semaphore, #tpu.memory_space<semaphore_mem>>)
        } else {
        }
      }
      %scan3A_68 = arith.constant 10 : i32
      %dma_wait3A = arith.constant 18 : i32
      %dma_wait3A_69 = arith.constant 0 : i32
      %dma_wait3A_70 = tpu.memref_slice %arg7[%dma_wait3A, %dma_wait3A_69] : memref<20x100xi32, #tpu.memory_space<vmem>> -> memref<1x100xi32, #tpu.memory_space<vmem>>
      %dma_wait3A_71 = tpu.memref_squeeze %dma_wait3A_70 : memref<1x100xi32, #tpu.memory_space<vmem>> -> memref<100xi32, #tpu.memory_space<vmem>>
      %dma_wait3A_72 = arith.constant 0 : i32
      %dma_wait3A_73 = arith.constant 0 : i32
      %dma_wait3A_74 = tpu.memref_slice %arg14[%dma_wait3A_72, %dma_wait3A_73] : memref<10240x128xf32, #tpu.memory_space<vmem_shared>> -> memref<10240x128xf32, #tpu.memory_space<vmem_shared>>
      tpu.wait_indirect_dma semaphore(%arg12 : memref<!tpu.dma_semaphore, #tpu.memory_space<semaphore_mem>>) src(%arg8 : memref<100x128xf32, #tpu.memory_space<vmem>>) dst(%dma_wait3A_74 : memref<10240x128xf32, #tpu.memory_space<vmem_shared>>)
      %dma_wait3A_75 = arith.constant 19 : i32
      %dma_wait3A_76 = arith.constant 0 : i32
      %dma_wait3A_77 = tpu.memref_slice %arg7[%dma_wait3A_75, %dma_wait3A_76] : memref<20x100xi32, #tpu.memory_space<vmem>> -> memref<1x100xi32, #tpu.memory_space<vmem>>
      %dma_wait3A_78 = tpu.memref_squeeze %dma_wait3A_77 : memref<1x100xi32, #tpu.memory_space<vmem>> -> memref<100xi32, #tpu.memory_space<vmem>>
      %dma_wait3A_79 = arith.constant 0 : i32
      %dma_wait3A_80 = arith.constant 0 : i32
      %dma_wait3A_81 = tpu.memref_slice %arg14[%dma_wait3A_79, %dma_wait3A_80] : memref<10240x128xf32, #tpu.memory_space<vmem_shared>> -> memref<10240x128xf32, #tpu.memory_space<vmem_shared>>
      tpu.wait_indirect_dma semaphore(%arg13 : memref<!tpu.dma_semaphore, #tpu.memory_space<semaphore_mem>>) src(%arg9 : memref<100x128xf32, #tpu.memory_space<vmem>>) dst(%dma_wait3A_81 : memref<10240x128xf32, #tpu.memory_space<vmem_shared>>)
    }
    %scan3A_43 = arith.constant 5 : i32
    %barrier3A_44 = arith.constant 0 : index
    tpu.barrier barrier_id(%barrier3A_44)
    %mul3A_45 = arith.constant 640 : i32
    %mul3A_46 = arith.muli %arg1, %mul3A_45 : i32
    %mul3A_47 = arith.constant 640 : i32
    %mul3A_48 = arith.muli %arg1, %mul3A_47 : i32
    "tpu.region"() ({
      %run_scoped3A = tpu.sem_alloc : memref<!tpu.dma_semaphore, #tpu.memory_space<semaphore_mem>>
      %dma_start3A = arith.constant 0 : i32
      %dma_start3A_49 = tpu.memref_slice %arg5[%arg0, %mul3A_48, %dma_start3A] : memref<2x10240x128xf32, #tpu.memory_space<hbm>> -> memref<1x640x128xf32, #tpu.memory_space<hbm>>
      %dma_start3A_50 = tpu.memref_squeeze %dma_start3A_49 : memref<1x640x128xf32, #tpu.memory_space<hbm>> -> memref<640x128xf32, #tpu.memory_space<hbm>>
      %dma_start3A_51 = arith.constant 0 : i32
      %dma_start3A_52 = tpu.memref_slice %arg14[%mul3A_46, %dma_start3A_51] : memref<10240x128xf32, #tpu.memory_space<vmem_shared>> -> memref<640x128xf32, #tpu.memory_space<vmem_shared>>
      tpu.enqueue_dma source(%dma_start3A_52 : memref<640x128xf32, #tpu.memory_space<vmem_shared>>) target(%dma_start3A_50 : memref<640x128xf32, #tpu.memory_space<hbm>>) target_semaphore(%run_scoped3A : memref<!tpu.dma_semaphore, #tpu.memory_space<semaphore_mem>>)
      %dma_wait3A = arith.constant 0 : i32
      %dma_wait3A_53 = tpu.memref_slice %arg5[%arg0, %mul3A_48, %dma_wait3A] : memref<2x10240x128xf32, #tpu.memory_space<hbm>> -> memref<1x640x128xf32, #tpu.memory_space<hbm>>
      %dma_wait3A_54 = tpu.memref_squeeze %dma_wait3A_53 : memref<1x640x128xf32, #tpu.memory_space<hbm>> -> memref<640x128xf32, #tpu.memory_space<hbm>>
      %dma_wait3A_55 = arith.constant 0 : i32
      %dma_wait3A_56 = tpu.memref_slice %arg14[%mul3A_46, %dma_wait3A_55] : memref<10240x128xf32, #tpu.memory_space<vmem_shared>> -> memref<640x128xf32, #tpu.memory_space<vmem_shared>>
      tpu.wait_dma2 semaphore(%run_scoped3A : memref<!tpu.dma_semaphore, #tpu.memory_space<semaphore_mem>>) src(%dma_wait3A_56 : memref<640x128xf32, #tpu.memory_space<vmem_shared>>) dst(%dma_wait3A_54 : memref<640x128xf32, #tpu.memory_space<hbm>>)
      tpu.yield
    }) : () -> ()
    return
  }
}

#map = affine_map<(d0, d1) -> (0, 0)>
#map1 = affine_map<(d0, d1) -> (0, 0, 0, 0)>
#map2 = affine_map<(d0, d1) -> (0, 0, 0)>
module attributes {stable_mosaic.version = 14 : i64} {
  func.func @_scat_body(%arg0: i32, %arg1: i32, %arg2: memref<10240x128xf32, #tpu.memory_space<hbm>>, %arg3: memref<32x5x20x100xi32, #tpu.memory_space<hbm>>, %arg4: memref<32x5x20x100xi32, #tpu.memory_space<hbm>>, %arg5: memref<2x10240x128xf32, #tpu.memory_space<hbm>>, %arg6: memref<20x100xi32, #tpu.memory_space<vmem>>, %arg7: memref<20x100xi32, #tpu.memory_space<vmem>>, %arg8: memref<100x128xf32, #tpu.memory_space<vmem>>, %arg9: memref<100x128xf32, #tpu.memory_space<vmem>>, %arg10: memref<!tpu.dma_semaphore, #tpu.memory_space<semaphore_mem>>, %arg11: memref<!tpu.dma_semaphore, #tpu.memory_space<semaphore_mem>>, %arg12: memref<!tpu.dma_semaphore, #tpu.memory_space<semaphore_mem>>, %arg13: memref<!tpu.dma_semaphore, #tpu.memory_space<semaphore_mem>>, %arg14: memref<10240x128xf32, #tpu.memory_space<vmem_shared>>) attributes {dimension_semantics = [#tpu.dimension_semantics<core_parallel>, #tpu.dimension_semantics<subcore_parallel>], iteration_bounds = array<i64: 2, 16>, scalar_prefetch = 0 : i64, scratch_operands = 9 : i64, tpu.core_type = #tpu.core_type<sc_vector_subcore>, window_params = [{transform_indices = #map}, {transform_indices = #map1}, {transform_indices = #map1}, {transform_indices = #map2}]} {
    %mul3A = arith.constant 2 : i32
    %mul3A_0 = arith.muli %arg1, %mul3A : i32
    %add3A = arith.addi %mul3A_0, %arg0 : i32
    %scan3A = arith.constant 0 : i32
    %scan3A_1 = arith.constant 0 : i32
    %scan3A_2 = arith.constant 100 : i32
    %scan3A_3 = arith.addi %scan3A_1, %scan3A_2 : i32
    %scan3A_4 = arith.constant 1 : i32
    scf.for %scan3A_49 = %scan3A_1 to %scan3A_3 step %scan3A_4  : i32 {
      %broadcast_in_dim3A = arith.constant 0.000000e+00 : f32
      %broadcast_in_dim3A_50 = vector.broadcast %broadcast_in_dim3A : f32 to vector<16xf32>
      %swap3A = arith.index_cast %scan3A_49 : i32 to index
      %swap3A_51 = arith.constant 0 : index
      %swap3A_52 = tpu.vector_load %arg8[%swap3A, %swap3A_51] {strides = array<i32>} : memref<100x128xf32, #tpu.memory_space<vmem>>, vector<1x16xf32>,
      %swap3A_53 = vector.shape_cast %swap3A_52 : vector<1x16xf32> to vector<16xf32>
      %swap3A_54 = vector.shape_cast %broadcast_in_dim3A_50 : vector<16xf32> to vector<1x16xf32>
      tpu.vector_store %arg8[%swap3A, %swap3A_51], %swap3A_54 {strides = array<i32>} : memref<100x128xf32, #tpu.memory_space<vmem>>, vector<1x16xf32>,
      %broadcast_in_dim3A_55 = arith.constant 0.000000e+00 : f32
      %broadcast_in_dim3A_56 = vector.broadcast %broadcast_in_dim3A_55 : f32 to vector<16xf32>
      %swap3A_57 = arith.index_cast %scan3A_49 : i32 to index
      %swap3A_58 = arith.constant 16 : index
      %swap3A_59 = tpu.vector_load %arg8[%swap3A_57, %swap3A_58] {strides = array<i32>} : memref<100x128xf32, #tpu.memory_space<vmem>>, vector<1x16xf32>,
      %swap3A_60 = vector.shape_cast %swap3A_59 : vector<1x16xf32> to vector<16xf32>
      %swap3A_61 = vector.shape_cast %broadcast_in_dim3A_56 : vector<16xf32> to vector<1x16xf32>
      tpu.vector_store %arg8[%swap3A_57, %swap3A_58], %swap3A_61 {strides = array<i32>} : memref<100x128xf32, #tpu.memory_space<vmem>>, vector<1x16xf32>,
      %broadcast_in_dim3A_62 = arith.constant 0.000000e+00 : f32
      %broadcast_in_dim3A_63 = vector.broadcast %broadcast_in_dim3A_62 : f32 to vector<16xf32>
      %swap3A_64 = arith.index_cast %scan3A_49 : i32 to index
      %swap3A_65 = arith.constant 32 : index
      %swap3A_66 = tpu.vector_load %arg8[%swap3A_64, %swap3A_65] {strides = array<i32>} : memref<100x128xf32, #tpu.memory_space<vmem>>, vector<1x16xf32>,
      %swap3A_67 = vector.shape_cast %swap3A_66 : vector<1x16xf32> to vector<16xf32>
      %swap3A_68 = vector.shape_cast %broadcast_in_dim3A_63 : vector<16xf32> to vector<1x16xf32>
      tpu.vector_store %arg8[%swap3A_64, %swap3A_65], %swap3A_68 {strides = array<i32>} : memref<100x128xf32, #tpu.memory_space<vmem>>, vector<1x16xf32>,
      %broadcast_in_dim3A_69 = arith.constant 0.000000e+00 : f32
      %broadcast_in_dim3A_70 = vector.broadcast %broadcast_in_dim3A_69 : f32 to vector<16xf32>
      %swap3A_71 = arith.index_cast %scan3A_49 : i32 to index
      %swap3A_72 = arith.constant 48 : index
      %swap3A_73 = tpu.vector_load %arg8[%swap3A_71, %swap3A_72] {strides = array<i32>} : memref<100x128xf32, #tpu.memory_space<vmem>>, vector<1x16xf32>,
      %swap3A_74 = vector.shape_cast %swap3A_73 : vector<1x16xf32> to vector<16xf32>
      %swap3A_75 = vector.shape_cast %broadcast_in_dim3A_70 : vector<16xf32> to vector<1x16xf32>
      tpu.vector_store %arg8[%swap3A_71, %swap3A_72], %swap3A_75 {strides = array<i32>} : memref<100x128xf32, #tpu.memory_space<vmem>>, vector<1x16xf32>,
      %broadcast_in_dim3A_76 = arith.constant 0.000000e+00 : f32
      %broadcast_in_dim3A_77 = vector.broadcast %broadcast_in_dim3A_76 : f32 to vector<16xf32>
      %swap3A_78 = arith.index_cast %scan3A_49 : i32 to index
      %swap3A_79 = arith.constant 64 : index
      %swap3A_80 = tpu.vector_load %arg8[%swap3A_78, %swap3A_79] {strides = array<i32>} : memref<100x128xf32, #tpu.memory_space<vmem>>, vector<1x16xf32>,
      %swap3A_81 = vector.shape_cast %swap3A_80 : vector<1x16xf32> to vector<16xf32>
      %swap3A_82 = vector.shape_cast %broadcast_in_dim3A_77 : vector<16xf32> to vector<1x16xf32>
      tpu.vector_store %arg8[%swap3A_78, %swap3A_79], %swap3A_82 {strides = array<i32>} : memref<100x128xf32, #tpu.memory_space<vmem>>, vector<1x16xf32>,
      %broadcast_in_dim3A_83 = arith.constant 0.000000e+00 : f32
      %broadcast_in_dim3A_84 = vector.broadcast %broadcast_in_dim3A_83 : f32 to vector<16xf32>
      %swap3A_85 = arith.index_cast %scan3A_49 : i32 to index
      %swap3A_86 = arith.constant 80 : index
      %swap3A_87 = tpu.vector_load %arg8[%swap3A_85, %swap3A_86] {strides = array<i32>} : memref<100x128xf32, #tpu.memory_space<vmem>>, vector<1x16xf32>,
      %swap3A_88 = vector.shape_cast %swap3A_87 : vector<1x16xf32> to vector<16xf32>
      %swap3A_89 = vector.shape_cast %broadcast_in_dim3A_84 : vector<16xf32> to vector<1x16xf32>
      tpu.vector_store %arg8[%swap3A_85, %swap3A_86], %swap3A_89 {strides = array<i32>} : memref<100x128xf32, #tpu.memory_space<vmem>>, vector<1x16xf32>,
      %broadcast_in_dim3A_90 = arith.constant 0.000000e+00 : f32
      %broadcast_in_dim3A_91 = vector.broadcast %broadcast_in_dim3A_90 : f32 to vector<16xf32>
      %swap3A_92 = arith.index_cast %scan3A_49 : i32 to index
      %swap3A_93 = arith.constant 96 : index
      %swap3A_94 = tpu.vector_load %arg8[%swap3A_92, %swap3A_93] {strides = array<i32>} : memref<100x128xf32, #tpu.memory_space<vmem>>, vector<1x16xf32>,
      %swap3A_95 = vector.shape_cast %swap3A_94 : vector<1x16xf32> to vector<16xf32>
      %swap3A_96 = vector.shape_cast %broadcast_in_dim3A_91 : vector<16xf32> to vector<1x16xf32>
      tpu.vector_store %arg8[%swap3A_92, %swap3A_93], %swap3A_96 {strides = array<i32>} : memref<100x128xf32, #tpu.memory_space<vmem>>, vector<1x16xf32>,
      %broadcast_in_dim3A_97 = arith.constant 0.000000e+00 : f32
      %broadcast_in_dim3A_98 = vector.broadcast %broadcast_in_dim3A_97 : f32 to vector<16xf32>
      %swap3A_99 = arith.index_cast %scan3A_49 : i32 to index
      %swap3A_100 = arith.constant 112 : index
      %swap3A_101 = tpu.vector_load %arg8[%swap3A_99, %swap3A_100] {strides = array<i32>} : memref<100x128xf32, #tpu.memory_space<vmem>>, vector<1x16xf32>,
      %swap3A_102 = vector.shape_cast %swap3A_101 : vector<1x16xf32> to vector<16xf32>
      %swap3A_103 = vector.shape_cast %broadcast_in_dim3A_98 : vector<16xf32> to vector<1x16xf32>
      tpu.vector_store %arg8[%swap3A_99, %swap3A_100], %swap3A_103 {strides = array<i32>} : memref<100x128xf32, #tpu.memory_space<vmem>>, vector<1x16xf32>,
    }
    %scan3A_5 = arith.constant 100 : i32
    %mul3A_6 = arith.constant 640 : i32
    %mul3A_7 = arith.muli %arg1, %mul3A_6 : i32
    %add3A_8 = arith.constant 0 : i32
    %add3A_9 = arith.addi %mul3A_7, %add3A_8 : i32
    "tpu.region"() ({
      %run_scoped3A = tpu.sem_alloc : memref<!tpu.dma_semaphore, #tpu.memory_space<semaphore_mem>>
      %dma_start3A = arith.constant 0 : i32
      %dma_start3A_49 = arith.constant 0 : i32
      %dma_start3A_50 = tpu.memref_slice %arg8[%dma_start3A, %dma_start3A_49] : memref<100x128xf32, #tpu.memory_space<vmem>> -> memref<80x128xf32, #tpu.memory_space<vmem>>
      %dma_start3A_51 = arith.constant 0 : i32
      %dma_start3A_52 = tpu.memref_slice %arg14[%add3A_9, %dma_start3A_51] : memref<10240x128xf32, #tpu.memory_space<vmem_shared>> -> memref<80x128xf32, #tpu.memory_space<vmem_shared>>
      %dma_start3A_53 = arith.constant 0 : i32
      %dma_start3A_54 = tpu.memref_slice %arg14[%add3A_9, %dma_start3A_53] : memref<10240x128xf32, #tpu.memory_space<vmem_shared>> -> memref<80x128xf32, #tpu.memory_space<vmem_shared>>
      %dma_start3A_55 = arith.constant 0 : i32
      %dma_start3A_56 = arith.constant 0 : i32
      %dma_start3A_57 = tpu.memref_slice %arg8[%dma_start3A_55, %dma_start3A_56] : memref<100x128xf32, #tpu.memory_space<vmem>> -> memref<80x128xf32, #tpu.memory_space<vmem>>
      tpu.enqueue_dma source(%dma_start3A_57 : memref<80x128xf32, #tpu.memory_space<vmem>>) target(%dma_start3A_54 : memref<80x128xf32, #tpu.memory_space<vmem_shared>>) target_semaphore(%run_scoped3A : memref<!tpu.dma_semaphore, #tpu.memory_space<semaphore_mem>>)
      %dma_wait3A = arith.constant 0 : i32
      %dma_wait3A_58 = arith.constant 0 : i32
      %dma_wait3A_59 = tpu.memref_slice %arg8[%dma_wait3A, %dma_wait3A_58] : memref<100x128xf32, #tpu.memory_space<vmem>> -> memref<80x128xf32, #tpu.memory_space<vmem>>
      %dma_wait3A_60 = arith.constant 0 : i32
      %dma_wait3A_61 = tpu.memref_slice %arg14[%add3A_9, %dma_wait3A_60] : memref<10240x128xf32, #tpu.memory_space<vmem_shared>> -> memref<80x128xf32, #tpu.memory_space<vmem_shared>>
      %dma_wait3A_62 = arith.constant 0 : i32
      %dma_wait3A_63 = tpu.memref_slice %arg14[%add3A_9, %dma_wait3A_62] : memref<10240x128xf32, #tpu.memory_space<vmem_shared>> -> memref<80x128xf32, #tpu.memory_space<vmem_shared>>
      %dma_wait3A_64 = arith.constant 0 : i32
      %dma_wait3A_65 = arith.constant 0 : i32
      %dma_wait3A_66 = tpu.memref_slice %arg8[%dma_wait3A_64, %dma_wait3A_65] : memref<100x128xf32, #tpu.memory_space<vmem>> -> memref<80x128xf32, #tpu.memory_space<vmem>>
      tpu.wait_dma2 semaphore(%run_scoped3A : memref<!tpu.dma_semaphore, #tpu.memory_space<semaphore_mem>>) src(%dma_wait3A_66 : memref<80x128xf32, #tpu.memory_space<vmem>>) dst(%dma_wait3A_63 : memref<80x128xf32, #tpu.memory_space<vmem_shared>>)
      tpu.yield
    }) : () -> ()
    %mul3A_10 = arith.constant 640 : i32
    %mul3A_11 = arith.muli %arg1, %mul3A_10 : i32
    %add3A_12 = arith.constant 80 : i32
    %add3A_13 = arith.addi %mul3A_11, %add3A_12 : i32
    "tpu.region"() ({
      %run_scoped3A = tpu.sem_alloc : memref<!tpu.dma_semaphore, #tpu.memory_space<semaphore_mem>>
      %dma_start3A = arith.constant 0 : i32
      %dma_start3A_49 = arith.constant 0 : i32
      %dma_start3A_50 = tpu.memref_slice %arg8[%dma_start3A, %dma_start3A_49] : memref<100x128xf32, #tpu.memory_space<vmem>> -> memref<80x128xf32, #tpu.memory_space<vmem>>
      %dma_start3A_51 = arith.constant 0 : i32
      %dma_start3A_52 = tpu.memref_slice %arg14[%add3A_13, %dma_start3A_51] : memref<10240x128xf32, #tpu.memory_space<vmem_shared>> -> memref<80x128xf32, #tpu.memory_space<vmem_shared>>
      %dma_start3A_53 = arith.constant 0 : i32
      %dma_start3A_54 = tpu.memref_slice %arg14[%add3A_13, %dma_start3A_53] : memref<10240x128xf32, #tpu.memory_space<vmem_shared>> -> memref<80x128xf32, #tpu.memory_space<vmem_shared>>
      %dma_start3A_55 = arith.constant 0 : i32
      %dma_start3A_56 = arith.constant 0 : i32
      %dma_start3A_57 = tpu.memref_slice %arg8[%dma_start3A_55, %dma_start3A_56] : memref<100x128xf32, #tpu.memory_space<vmem>> -> memref<80x128xf32, #tpu.memory_space<vmem>>
      tpu.enqueue_dma source(%dma_start3A_57 : memref<80x128xf32, #tpu.memory_space<vmem>>) target(%dma_start3A_54 : memref<80x128xf32, #tpu.memory_space<vmem_shared>>) target_semaphore(%run_scoped3A : memref<!tpu.dma_semaphore, #tpu.memory_space<semaphore_mem>>)
      %dma_wait3A = arith.constant 0 : i32
      %dma_wait3A_58 = arith.constant 0 : i32
      %dma_wait3A_59 = tpu.memref_slice %arg8[%dma_wait3A, %dma_wait3A_58] : memref<100x128xf32, #tpu.memory_space<vmem>> -> memref<80x128xf32, #tpu.memory_space<vmem>>
      %dma_wait3A_60 = arith.constant 0 : i32
      %dma_wait3A_61 = tpu.memref_slice %arg14[%add3A_13, %dma_wait3A_60] : memref<10240x128xf32, #tpu.memory_space<vmem_shared>> -> memref<80x128xf32, #tpu.memory_space<vmem_shared>>
      %dma_wait3A_62 = arith.constant 0 : i32
      %dma_wait3A_63 = tpu.memref_slice %arg14[%add3A_13, %dma_wait3A_62] : memref<10240x128xf32, #tpu.memory_space<vmem_shared>> -> memref<80x128xf32, #tpu.memory_space<vmem_shared>>
      %dma_wait3A_64 = arith.constant 0 : i32
      %dma_wait3A_65 = arith.constant 0 : i32
      %dma_wait3A_66 = tpu.memref_slice %arg8[%dma_wait3A_64, %dma_wait3A_65] : memref<100x128xf32, #tpu.memory_space<vmem>> -> memref<80x128xf32, #tpu.memory_space<vmem>>
      tpu.wait_dma2 semaphore(%run_scoped3A : memref<!tpu.dma_semaphore, #tpu.memory_space<semaphore_mem>>) src(%dma_wait3A_66 : memref<80x128xf32, #tpu.memory_space<vmem>>) dst(%dma_wait3A_63 : memref<80x128xf32, #tpu.memory_space<vmem_shared>>)
      tpu.yield
    }) : () -> ()
    %mul3A_14 = arith.constant 640 : i32
    %mul3A_15 = arith.muli %arg1, %mul3A_14 : i32
    %add3A_16 = arith.constant 160 : i32
    %add3A_17 = arith.addi %mul3A_15, %add3A_16 : i32
    "tpu.region"() ({
      %run_scoped3A = tpu.sem_alloc : memref<!tpu.dma_semaphore, #tpu.memory_space<semaphore_mem>>
      %dma_start3A = arith.constant 0 : i32
      %dma_start3A_49 = arith.constant 0 : i32
      %dma_start3A_50 = tpu.memref_slice %arg8[%dma_start3A, %dma_start3A_49] : memref<100x128xf32, #tpu.memory_space<vmem>> -> memref<80x128xf32, #tpu.memory_space<vmem>>
      %dma_start3A_51 = arith.constant 0 : i32
      %dma_start3A_52 = tpu.memref_slice %arg14[%add3A_17, %dma_start3A_51] : memref<10240x128xf32, #tpu.memory_space<vmem_shared>> -> memref<80x128xf32, #tpu.memory_space<vmem_shared>>
      %dma_start3A_53 = arith.constant 0 : i32
      %dma_start3A_54 = tpu.memref_slice %arg14[%add3A_17, %dma_start3A_53] : memref<10240x128xf32, #tpu.memory_space<vmem_shared>> -> memref<80x128xf32, #tpu.memory_space<vmem_shared>>
      %dma_start3A_55 = arith.constant 0 : i32
      %dma_start3A_56 = arith.constant 0 : i32
      %dma_start3A_57 = tpu.memref_slice %arg8[%dma_start3A_55, %dma_start3A_56] : memref<100x128xf32, #tpu.memory_space<vmem>> -> memref<80x128xf32, #tpu.memory_space<vmem>>
      tpu.enqueue_dma source(%dma_start3A_57 : memref<80x128xf32, #tpu.memory_space<vmem>>) target(%dma_start3A_54 : memref<80x128xf32, #tpu.memory_space<vmem_shared>>) target_semaphore(%run_scoped3A : memref<!tpu.dma_semaphore, #tpu.memory_space<semaphore_mem>>)
      %dma_wait3A = arith.constant 0 : i32
      %dma_wait3A_58 = arith.constant 0 : i32
      %dma_wait3A_59 = tpu.memref_slice %arg8[%dma_wait3A, %dma_wait3A_58] : memref<100x128xf32, #tpu.memory_space<vmem>> -> memref<80x128xf32, #tpu.memory_space<vmem>>
      %dma_wait3A_60 = arith.constant 0 : i32
      %dma_wait3A_61 = tpu.memref_slice %arg14[%add3A_17, %dma_wait3A_60] : memref<10240x128xf32, #tpu.memory_space<vmem_shared>> -> memref<80x128xf32, #tpu.memory_space<vmem_shared>>
      %dma_wait3A_62 = arith.constant 0 : i32
      %dma_wait3A_63 = tpu.memref_slice %arg14[%add3A_17, %dma_wait3A_62] : memref<10240x128xf32, #tpu.memory_space<vmem_shared>> -> memref<80x128xf32, #tpu.memory_space<vmem_shared>>
      %dma_wait3A_64 = arith.constant 0 : i32
      %dma_wait3A_65 = arith.constant 0 : i32
      %dma_wait3A_66 = tpu.memref_slice %arg8[%dma_wait3A_64, %dma_wait3A_65] : memref<100x128xf32, #tpu.memory_space<vmem>> -> memref<80x128xf32, #tpu.memory_space<vmem>>
      tpu.wait_dma2 semaphore(%run_scoped3A : memref<!tpu.dma_semaphore, #tpu.memory_space<semaphore_mem>>) src(%dma_wait3A_66 : memref<80x128xf32, #tpu.memory_space<vmem>>) dst(%dma_wait3A_63 : memref<80x128xf32, #tpu.memory_space<vmem_shared>>)
      tpu.yield
    }) : () -> ()
    %mul3A_18 = arith.constant 640 : i32
    %mul3A_19 = arith.muli %arg1, %mul3A_18 : i32
    %add3A_20 = arith.constant 240 : i32
    %add3A_21 = arith.addi %mul3A_19, %add3A_20 : i32
    "tpu.region"() ({
      %run_scoped3A = tpu.sem_alloc : memref<!tpu.dma_semaphore, #tpu.memory_space<semaphore_mem>>
      %dma_start3A = arith.constant 0 : i32
      %dma_start3A_49 = arith.constant 0 : i32
      %dma_start3A_50 = tpu.memref_slice %arg8[%dma_start3A, %dma_start3A_49] : memref<100x128xf32, #tpu.memory_space<vmem>> -> memref<80x128xf32, #tpu.memory_space<vmem>>
      %dma_start3A_51 = arith.constant 0 : i32
      %dma_start3A_52 = tpu.memref_slice %arg14[%add3A_21, %dma_start3A_51] : memref<10240x128xf32, #tpu.memory_space<vmem_shared>> -> memref<80x128xf32, #tpu.memory_space<vmem_shared>>
      %dma_start3A_53 = arith.constant 0 : i32
      %dma_start3A_54 = tpu.memref_slice %arg14[%add3A_21, %dma_start3A_53] : memref<10240x128xf32, #tpu.memory_space<vmem_shared>> -> memref<80x128xf32, #tpu.memory_space<vmem_shared>>
      %dma_start3A_55 = arith.constant 0 : i32
      %dma_start3A_56 = arith.constant 0 : i32
      %dma_start3A_57 = tpu.memref_slice %arg8[%dma_start3A_55, %dma_start3A_56] : memref<100x128xf32, #tpu.memory_space<vmem>> -> memref<80x128xf32, #tpu.memory_space<vmem>>
      tpu.enqueue_dma source(%dma_start3A_57 : memref<80x128xf32, #tpu.memory_space<vmem>>) target(%dma_start3A_54 : memref<80x128xf32, #tpu.memory_space<vmem_shared>>) target_semaphore(%run_scoped3A : memref<!tpu.dma_semaphore, #tpu.memory_space<semaphore_mem>>)
      %dma_wait3A = arith.constant 0 : i32
      %dma_wait3A_58 = arith.constant 0 : i32
      %dma_wait3A_59 = tpu.memref_slice %arg8[%dma_wait3A, %dma_wait3A_58] : memref<100x128xf32, #tpu.memory_space<vmem>> -> memref<80x128xf32, #tpu.memory_space<vmem>>
      %dma_wait3A_60 = arith.constant 0 : i32
      %dma_wait3A_61 = tpu.memref_slice %arg14[%add3A_21, %dma_wait3A_60] : memref<10240x128xf32, #tpu.memory_space<vmem_shared>> -> memref<80x128xf32, #tpu.memory_space<vmem_shared>>
      %dma_wait3A_62 = arith.constant 0 : i32
      %dma_wait3A_63 = tpu.memref_slice %arg14[%add3A_21, %dma_wait3A_62] : memref<10240x128xf32, #tpu.memory_space<vmem_shared>> -> memref<80x128xf32, #tpu.memory_space<vmem_shared>>
      %dma_wait3A_64 = arith.constant 0 : i32
      %dma_wait3A_65 = arith.constant 0 : i32
      %dma_wait3A_66 = tpu.memref_slice %arg8[%dma_wait3A_64, %dma_wait3A_65] : memref<100x128xf32, #tpu.memory_space<vmem>> -> memref<80x128xf32, #tpu.memory_space<vmem>>
      tpu.wait_dma2 semaphore(%run_scoped3A : memref<!tpu.dma_semaphore, #tpu.memory_space<semaphore_mem>>) src(%dma_wait3A_66 : memref<80x128xf32, #tpu.memory_space<vmem>>) dst(%dma_wait3A_63 : memref<80x128xf32, #tpu.memory_space<vmem_shared>>)
      tpu.yield
    }) : () -> ()
    %mul3A_22 = arith.constant 640 : i32
    %mul3A_23 = arith.muli %arg1, %mul3A_22 : i32
    %add3A_24 = arith.constant 320 : i32
    %add3A_25 = arith.addi %mul3A_23, %add3A_24 : i32
    "tpu.region"() ({
      %run_scoped3A = tpu.sem_alloc : memref<!tpu.dma_semaphore, #tpu.memory_space<semaphore_mem>>
      %dma_start3A = arith.constant 0 : i32
      %dma_start3A_49 = arith.constant 0 : i32
      %dma_start3A_50 = tpu.memref_slice %arg8[%dma_start3A, %dma_start3A_49] : memref<100x128xf32, #tpu.memory_space<vmem>> -> memref<80x128xf32, #tpu.memory_space<vmem>>
      %dma_start3A_51 = arith.constant 0 : i32
      %dma_start3A_52 = tpu.memref_slice %arg14[%add3A_25, %dma_start3A_51] : memref<10240x128xf32, #tpu.memory_space<vmem_shared>> -> memref<80x128xf32, #tpu.memory_space<vmem_shared>>
      %dma_start3A_53 = arith.constant 0 : i32
      %dma_start3A_54 = tpu.memref_slice %arg14[%add3A_25, %dma_start3A_53] : memref<10240x128xf32, #tpu.memory_space<vmem_shared>> -> memref<80x128xf32, #tpu.memory_space<vmem_shared>>
      %dma_start3A_55 = arith.constant 0 : i32
      %dma_start3A_56 = arith.constant 0 : i32
      %dma_start3A_57 = tpu.memref_slice %arg8[%dma_start3A_55, %dma_start3A_56] : memref<100x128xf32, #tpu.memory_space<vmem>> -> memref<80x128xf32, #tpu.memory_space<vmem>>
      tpu.enqueue_dma source(%dma_start3A_57 : memref<80x128xf32, #tpu.memory_space<vmem>>) target(%dma_start3A_54 : memref<80x128xf32, #tpu.memory_space<vmem_shared>>) target_semaphore(%run_scoped3A : memref<!tpu.dma_semaphore, #tpu.memory_space<semaphore_mem>>)
      %dma_wait3A = arith.constant 0 : i32
      %dma_wait3A_58 = arith.constant 0 : i32
      %dma_wait3A_59 = tpu.memref_slice %arg8[%dma_wait3A, %dma_wait3A_58] : memref<100x128xf32, #tpu.memory_space<vmem>> -> memref<80x128xf32, #tpu.memory_space<vmem>>
      %dma_wait3A_60 = arith.constant 0 : i32
      %dma_wait3A_61 = tpu.memref_slice %arg14[%add3A_25, %dma_wait3A_60] : memref<10240x128xf32, #tpu.memory_space<vmem_shared>> -> memref<80x128xf32, #tpu.memory_space<vmem_shared>>
      %dma_wait3A_62 = arith.constant 0 : i32
      %dma_wait3A_63 = tpu.memref_slice %arg14[%add3A_25, %dma_wait3A_62] : memref<10240x128xf32, #tpu.memory_space<vmem_shared>> -> memref<80x128xf32, #tpu.memory_space<vmem_shared>>
      %dma_wait3A_64 = arith.constant 0 : i32
      %dma_wait3A_65 = arith.constant 0 : i32
      %dma_wait3A_66 = tpu.memref_slice %arg8[%dma_wait3A_64, %dma_wait3A_65] : memref<100x128xf32, #tpu.memory_space<vmem>> -> memref<80x128xf32, #tpu.memory_space<vmem>>
      tpu.wait_dma2 semaphore(%run_scoped3A : memref<!tpu.dma_semaphore, #tpu.memory_space<semaphore_mem>>) src(%dma_wait3A_66 : memref<80x128xf32, #tpu.memory_space<vmem>>) dst(%dma_wait3A_63 : memref<80x128xf32, #tpu.memory_space<vmem_shared>>)
      tpu.yield
    }) : () -> ()
    %mul3A_26 = arith.constant 640 : i32
    %mul3A_27 = arith.muli %arg1, %mul3A_26 : i32
    %add3A_28 = arith.constant 400 : i32
    %add3A_29 = arith.addi %mul3A_27, %add3A_28 : i32
    "tpu.region"() ({
      %run_scoped3A = tpu.sem_alloc : memref<!tpu.dma_semaphore, #tpu.memory_space<semaphore_mem>>
      %dma_start3A = arith.constant 0 : i32
      %dma_start3A_49 = arith.constant 0 : i32
      %dma_start3A_50 = tpu.memref_slice %arg8[%dma_start3A, %dma_start3A_49] : memref<100x128xf32, #tpu.memory_space<vmem>> -> memref<80x128xf32, #tpu.memory_space<vmem>>
      %dma_start3A_51 = arith.constant 0 : i32
      %dma_start3A_52 = tpu.memref_slice %arg14[%add3A_29, %dma_start3A_51] : memref<10240x128xf32, #tpu.memory_space<vmem_shared>> -> memref<80x128xf32, #tpu.memory_space<vmem_shared>>
      %dma_start3A_53 = arith.constant 0 : i32
      %dma_start3A_54 = tpu.memref_slice %arg14[%add3A_29, %dma_start3A_53] : memref<10240x128xf32, #tpu.memory_space<vmem_shared>> -> memref<80x128xf32, #tpu.memory_space<vmem_shared>>
      %dma_start3A_55 = arith.constant 0 : i32
      %dma_start3A_56 = arith.constant 0 : i32
      %dma_start3A_57 = tpu.memref_slice %arg8[%dma_start3A_55, %dma_start3A_56] : memref<100x128xf32, #tpu.memory_space<vmem>> -> memref<80x128xf32, #tpu.memory_space<vmem>>
      tpu.enqueue_dma source(%dma_start3A_57 : memref<80x128xf32, #tpu.memory_space<vmem>>) target(%dma_start3A_54 : memref<80x128xf32, #tpu.memory_space<vmem_shared>>) target_semaphore(%run_scoped3A : memref<!tpu.dma_semaphore, #tpu.memory_space<semaphore_mem>>)
      %dma_wait3A = arith.constant 0 : i32
      %dma_wait3A_58 = arith.constant 0 : i32
      %dma_wait3A_59 = tpu.memref_slice %arg8[%dma_wait3A, %dma_wait3A_58] : memref<100x128xf32, #tpu.memory_space<vmem>> -> memref<80x128xf32, #tpu.memory_space<vmem>>
      %dma_wait3A_60 = arith.constant 0 : i32
      %dma_wait3A_61 = tpu.memref_slice %arg14[%add3A_29, %dma_wait3A_60] : memref<10240x128xf32, #tpu.memory_space<vmem_shared>> -> memref<80x128xf32, #tpu.memory_space<vmem_shared>>
      %dma_wait3A_62 = arith.constant 0 : i32
      %dma_wait3A_63 = tpu.memref_slice %arg14[%add3A_29, %dma_wait3A_62] : memref<10240x128xf32, #tpu.memory_space<vmem_shared>> -> memref<80x128xf32, #tpu.memory_space<vmem_shared>>
      %dma_wait3A_64 = arith.constant 0 : i32
      %dma_wait3A_65 = arith.constant 0 : i32
      %dma_wait3A_66 = tpu.memref_slice %arg8[%dma_wait3A_64, %dma_wait3A_65] : memref<100x128xf32, #tpu.memory_space<vmem>> -> memref<80x128xf32, #tpu.memory_space<vmem>>
      tpu.wait_dma2 semaphore(%run_scoped3A : memref<!tpu.dma_semaphore, #tpu.memory_space<semaphore_mem>>) src(%dma_wait3A_66 : memref<80x128xf32, #tpu.memory_space<vmem>>) dst(%dma_wait3A_63 : memref<80x128xf32, #tpu.memory_space<vmem_shared>>)
      tpu.yield
    }) : () -> ()
    %mul3A_30 = arith.constant 640 : i32
    %mul3A_31 = arith.muli %arg1, %mul3A_30 : i32
    %add3A_32 = arith.constant 480 : i32
    %add3A_33 = arith.addi %mul3A_31, %add3A_32 : i32
    "tpu.region"() ({
      %run_scoped3A = tpu.sem_alloc : memref<!tpu.dma_semaphore, #tpu.memory_space<semaphore_mem>>
      %dma_start3A = arith.constant 0 : i32
      %dma_start3A_49 = arith.constant 0 : i32
      %dma_start3A_50 = tpu.memref_slice %arg8[%dma_start3A, %dma_start3A_49] : memref<100x128xf32, #tpu.memory_space<vmem>> -> memref<80x128xf32, #tpu.memory_space<vmem>>
      %dma_start3A_51 = arith.constant 0 : i32
      %dma_start3A_52 = tpu.memref_slice %arg14[%add3A_33, %dma_start3A_51] : memref<10240x128xf32, #tpu.memory_space<vmem_shared>> -> memref<80x128xf32, #tpu.memory_space<vmem_shared>>
      %dma_start3A_53 = arith.constant 0 : i32
      %dma_start3A_54 = tpu.memref_slice %arg14[%add3A_33, %dma_start3A_53] : memref<10240x128xf32, #tpu.memory_space<vmem_shared>> -> memref<80x128xf32, #tpu.memory_space<vmem_shared>>
      %dma_start3A_55 = arith.constant 0 : i32
      %dma_start3A_56 = arith.constant 0 : i32
      %dma_start3A_57 = tpu.memref_slice %arg8[%dma_start3A_55, %dma_start3A_56] : memref<100x128xf32, #tpu.memory_space<vmem>> -> memref<80x128xf32, #tpu.memory_space<vmem>>
      tpu.enqueue_dma source(%dma_start3A_57 : memref<80x128xf32, #tpu.memory_space<vmem>>) target(%dma_start3A_54 : memref<80x128xf32, #tpu.memory_space<vmem_shared>>) target_semaphore(%run_scoped3A : memref<!tpu.dma_semaphore, #tpu.memory_space<semaphore_mem>>)
      %dma_wait3A = arith.constant 0 : i32
      %dma_wait3A_58 = arith.constant 0 : i32
      %dma_wait3A_59 = tpu.memref_slice %arg8[%dma_wait3A, %dma_wait3A_58] : memref<100x128xf32, #tpu.memory_space<vmem>> -> memref<80x128xf32, #tpu.memory_space<vmem>>
      %dma_wait3A_60 = arith.constant 0 : i32
      %dma_wait3A_61 = tpu.memref_slice %arg14[%add3A_33, %dma_wait3A_60] : memref<10240x128xf32, #tpu.memory_space<vmem_shared>> -> memref<80x128xf32, #tpu.memory_space<vmem_shared>>
      %dma_wait3A_62 = arith.constant 0 : i32
      %dma_wait3A_63 = tpu.memref_slice %arg14[%add3A_33, %dma_wait3A_62] : memref<10240x128xf32, #tpu.memory_space<vmem_shared>> -> memref<80x128xf32, #tpu.memory_space<vmem_shared>>
      %dma_wait3A_64 = arith.constant 0 : i32
      %dma_wait3A_65 = arith.constant 0 : i32
      %dma_wait3A_66 = tpu.memref_slice %arg8[%dma_wait3A_64, %dma_wait3A_65] : memref<100x128xf32, #tpu.memory_space<vmem>> -> memref<80x128xf32, #tpu.memory_space<vmem>>
      tpu.wait_dma2 semaphore(%run_scoped3A : memref<!tpu.dma_semaphore, #tpu.memory_space<semaphore_mem>>) src(%dma_wait3A_66 : memref<80x128xf32, #tpu.memory_space<vmem>>) dst(%dma_wait3A_63 : memref<80x128xf32, #tpu.memory_space<vmem_shared>>)
      tpu.yield
    }) : () -> ()
    %mul3A_34 = arith.constant 640 : i32
    %mul3A_35 = arith.muli %arg1, %mul3A_34 : i32
    %add3A_36 = arith.constant 560 : i32
    %add3A_37 = arith.addi %mul3A_35, %add3A_36 : i32
    "tpu.region"() ({
      %run_scoped3A = tpu.sem_alloc : memref<!tpu.dma_semaphore, #tpu.memory_space<semaphore_mem>>
      %dma_start3A = arith.constant 0 : i32
      %dma_start3A_49 = arith.constant 0 : i32
      %dma_start3A_50 = tpu.memref_slice %arg8[%dma_start3A, %dma_start3A_49] : memref<100x128xf32, #tpu.memory_space<vmem>> -> memref<80x128xf32, #tpu.memory_space<vmem>>
      %dma_start3A_51 = arith.constant 0 : i32
      %dma_start3A_52 = tpu.memref_slice %arg14[%add3A_37, %dma_start3A_51] : memref<10240x128xf32, #tpu.memory_space<vmem_shared>> -> memref<80x128xf32, #tpu.memory_space<vmem_shared>>
      %dma_start3A_53 = arith.constant 0 : i32
      %dma_start3A_54 = tpu.memref_slice %arg14[%add3A_37, %dma_start3A_53] : memref<10240x128xf32, #tpu.memory_space<vmem_shared>> -> memref<80x128xf32, #tpu.memory_space<vmem_shared>>
      %dma_start3A_55 = arith.constant 0 : i32
      %dma_start3A_56 = arith.constant 0 : i32
      %dma_start3A_57 = tpu.memref_slice %arg8[%dma_start3A_55, %dma_start3A_56] : memref<100x128xf32, #tpu.memory_space<vmem>> -> memref<80x128xf32, #tpu.memory_space<vmem>>
      tpu.enqueue_dma source(%dma_start3A_57 : memref<80x128xf32, #tpu.memory_space<vmem>>) target(%dma_start3A_54 : memref<80x128xf32, #tpu.memory_space<vmem_shared>>) target_semaphore(%run_scoped3A : memref<!tpu.dma_semaphore, #tpu.memory_space<semaphore_mem>>)
      %dma_wait3A = arith.constant 0 : i32
      %dma_wait3A_58 = arith.constant 0 : i32
      %dma_wait3A_59 = tpu.memref_slice %arg8[%dma_wait3A, %dma_wait3A_58] : memref<100x128xf32, #tpu.memory_space<vmem>> -> memref<80x128xf32, #tpu.memory_space<vmem>>
      %dma_wait3A_60 = arith.constant 0 : i32
      %dma_wait3A_61 = tpu.memref_slice %arg14[%add3A_37, %dma_wait3A_60] : memref<10240x128xf32, #tpu.memory_space<vmem_shared>> -> memref<80x128xf32, #tpu.memory_space<vmem_shared>>
      %dma_wait3A_62 = arith.constant 0 : i32
      %dma_wait3A_63 = tpu.memref_slice %arg14[%add3A_37, %dma_wait3A_62] : memref<10240x128xf32, #tpu.memory_space<vmem_shared>> -> memref<80x128xf32, #tpu.memory_space<vmem_shared>>
      %dma_wait3A_64 = arith.constant 0 : i32
      %dma_wait3A_65 = arith.constant 0 : i32
      %dma_wait3A_66 = tpu.memref_slice %arg8[%dma_wait3A_64, %dma_wait3A_65] : memref<100x128xf32, #tpu.memory_space<vmem>> -> memref<80x128xf32, #tpu.memory_space<vmem>>
      tpu.wait_dma2 semaphore(%run_scoped3A : memref<!tpu.dma_semaphore, #tpu.memory_space<semaphore_mem>>) src(%dma_wait3A_66 : memref<80x128xf32, #tpu.memory_space<vmem>>) dst(%dma_wait3A_63 : memref<80x128xf32, #tpu.memory_space<vmem_shared>>)
      tpu.yield
    }) : () -> ()
    %barrier3A = arith.constant 0 : index
    tpu.barrier barrier_id(%barrier3A)
    %scan3A_38 = arith.constant 0 : i32
    %scan3A_39 = arith.constant 0 : i32
    %scan3A_40 = arith.constant 5 : i32
    %scan3A_41 = arith.addi %scan3A_39, %scan3A_40 : i32
    %scan3A_42 = arith.constant 1 : i32
    scf.for %scan3A_49 = %scan3A_39 to %scan3A_41 step %scan3A_42  : i32 {
      "tpu.region"() ({
        %run_scoped3A = tpu.sem_alloc : memref<!tpu.dma_semaphore, #tpu.memory_space<semaphore_mem>>
        %dma_start3A_82 = arith.constant 0 : i32
        %dma_start3A_83 = arith.constant 0 : i32
        %dma_start3A_84 = tpu.memref_slice %arg3[%add3A, %scan3A_49, %dma_start3A_82, %dma_start3A_83] : memref<32x5x20x100xi32, #tpu.memory_space<hbm>> -> memref<1x1x20x100xi32, #tpu.memory_space<hbm>>
        %dma_start3A_85 = tpu.memref_squeeze %dma_start3A_84 : memref<1x1x20x100xi32, #tpu.memory_space<hbm>> -> memref<20x100xi32, #tpu.memory_space<hbm>>
        %dma_start3A_86 = arith.constant 0 : i32
        %dma_start3A_87 = arith.constant 0 : i32
        %dma_start3A_88 = tpu.memref_slice %arg3[%add3A, %scan3A_49, %dma_start3A_86, %dma_start3A_87] : memref<32x5x20x100xi32, #tpu.memory_space<hbm>> -> memref<1x1x20x100xi32, #tpu.memory_space<hbm>>
        %dma_start3A_89 = tpu.memref_squeeze %dma_start3A_88 : memref<1x1x20x100xi32, #tpu.memory_space<hbm>> -> memref<20x100xi32, #tpu.memory_space<hbm>>
        tpu.enqueue_dma source(%dma_start3A_89 : memref<20x100xi32, #tpu.memory_space<hbm>>) target(%arg6 : memref<20x100xi32, #tpu.memory_space<vmem>>) target_semaphore(%run_scoped3A : memref<!tpu.dma_semaphore, #tpu.memory_space<semaphore_mem>>)
        %dma_wait3A_90 = arith.constant 0 : i32
        %dma_wait3A_91 = arith.constant 0 : i32
        %dma_wait3A_92 = tpu.memref_slice %arg3[%add3A, %scan3A_49, %dma_wait3A_90, %dma_wait3A_91] : memref<32x5x20x100xi32, #tpu.memory_space<hbm>> -> memref<1x1x20x100xi32, #tpu.memory_space<hbm>>
        %dma_wait3A_93 = tpu.memref_squeeze %dma_wait3A_92 : memref<1x1x20x100xi32, #tpu.memory_space<hbm>> -> memref<20x100xi32, #tpu.memory_space<hbm>>
        %dma_wait3A_94 = arith.constant 0 : i32
        %dma_wait3A_95 = arith.constant 0 : i32
        %dma_wait3A_96 = tpu.memref_slice %arg3[%add3A, %scan3A_49, %dma_wait3A_94, %dma_wait3A_95] : memref<32x5x20x100xi32, #tpu.memory_space<hbm>> -> memref<1x1x20x100xi32, #tpu.memory_space<hbm>>
        %dma_wait3A_97 = tpu.memref_squeeze %dma_wait3A_96 : memref<1x1x20x100xi32, #tpu.memory_space<hbm>> -> memref<20x100xi32, #tpu.memory_space<hbm>>
        tpu.wait_dma2 semaphore(%run_scoped3A : memref<!tpu.dma_semaphore, #tpu.memory_space<semaphore_mem>>) src(%dma_wait3A_97 : memref<20x100xi32, #tpu.memory_space<hbm>>) dst(%arg6 : memref<20x100xi32, #tpu.memory_space<vmem>>)
        tpu.yield
      }) : () -> ()
      "tpu.region"() ({
        %run_scoped3A = tpu.sem_alloc : memref<!tpu.dma_semaphore, #tpu.memory_space<semaphore_mem>>
        %dma_start3A_82 = arith.constant 0 : i32
        %dma_start3A_83 = arith.constant 0 : i32
        %dma_start3A_84 = tpu.memref_slice %arg4[%add3A, %scan3A_49, %dma_start3A_82, %dma_start3A_83] : memref<32x5x20x100xi32, #tpu.memory_space<hbm>> -> memref<1x1x20x100xi32, #tpu.memory_space<hbm>>
        %dma_start3A_85 = tpu.memref_squeeze %dma_start3A_84 : memref<1x1x20x100xi32, #tpu.memory_space<hbm>> -> memref<20x100xi32, #tpu.memory_space<hbm>>
        %dma_start3A_86 = arith.constant 0 : i32
        %dma_start3A_87 = arith.constant 0 : i32
        %dma_start3A_88 = tpu.memref_slice %arg4[%add3A, %scan3A_49, %dma_start3A_86, %dma_start3A_87] : memref<32x5x20x100xi32, #tpu.memory_space<hbm>> -> memref<1x1x20x100xi32, #tpu.memory_space<hbm>>
        %dma_start3A_89 = tpu.memref_squeeze %dma_start3A_88 : memref<1x1x20x100xi32, #tpu.memory_space<hbm>> -> memref<20x100xi32, #tpu.memory_space<hbm>>
        tpu.enqueue_dma source(%dma_start3A_89 : memref<20x100xi32, #tpu.memory_space<hbm>>) target(%arg7 : memref<20x100xi32, #tpu.memory_space<vmem>>) target_semaphore(%run_scoped3A : memref<!tpu.dma_semaphore, #tpu.memory_space<semaphore_mem>>)
        %dma_wait3A_90 = arith.constant 0 : i32
        %dma_wait3A_91 = arith.constant 0 : i32
        %dma_wait3A_92 = tpu.memref_slice %arg4[%add3A, %scan3A_49, %dma_wait3A_90, %dma_wait3A_91] : memref<32x5x20x100xi32, #tpu.memory_space<hbm>> -> memref<1x1x20x100xi32, #tpu.memory_space<hbm>>
        %dma_wait3A_93 = tpu.memref_squeeze %dma_wait3A_92 : memref<1x1x20x100xi32, #tpu.memory_space<hbm>> -> memref<20x100xi32, #tpu.memory_space<hbm>>
        %dma_wait3A_94 = arith.constant 0 : i32
        %dma_wait3A_95 = arith.constant 0 : i32
        %dma_wait3A_96 = tpu.memref_slice %arg4[%add3A, %scan3A_49, %dma_wait3A_94, %dma_wait3A_95] : memref<32x5x20x100xi32, #tpu.memory_space<hbm>> -> memref<1x1x20x100xi32, #tpu.memory_space<hbm>>
        %dma_wait3A_97 = tpu.memref_squeeze %dma_wait3A_96 : memref<1x1x20x100xi32, #tpu.memory_space<hbm>> -> memref<20x100xi32, #tpu.memory_space<hbm>>
        tpu.wait_dma2 semaphore(%run_scoped3A : memref<!tpu.dma_semaphore, #tpu.memory_space<semaphore_mem>>) src(%dma_wait3A_97 : memref<20x100xi32, #tpu.memory_space<hbm>>) dst(%arg7 : memref<20x100xi32, #tpu.memory_space<vmem>>)
        tpu.yield
      }) : () -> ()
      %dma_start3A = arith.constant 0 : i32
      %dma_start3A_50 = arith.constant 0 : i32
      %dma_start3A_51 = tpu.memref_slice %arg6[%dma_start3A, %dma_start3A_50] : memref<20x100xi32, #tpu.memory_space<vmem>> -> memref<1x100xi32, #tpu.memory_space<vmem>>
      %dma_start3A_52 = tpu.memref_squeeze %dma_start3A_51 : memref<1x100xi32, #tpu.memory_space<vmem>> -> memref<100xi32, #tpu.memory_space<vmem>>
      %dma_start3A_53 = arith.constant 0 : i32
      %dma_start3A_54 = arith.constant 0 : i32
      %dma_start3A_55 = tpu.memref_slice %arg2[%dma_start3A_53, %dma_start3A_54] : memref<10240x128xf32, #tpu.memory_space<hbm>> -> memref<10240x128xf32, #tpu.memory_space<hbm>>
      tpu.enqueue_indirect_dma source(%dma_start3A_55 : memref<10240x128xf32, #tpu.memory_space<hbm>>) target(%arg8 : memref<100x128xf32, #tpu.memory_space<vmem>>) offsets(%dma_start3A_52 : memref<100xi32, #tpu.memory_space<vmem>>) semaphore(%arg10 : memref<!tpu.dma_semaphore, #tpu.memory_space<semaphore_mem>>)
      %dma_start3A_56 = arith.constant 1 : i32
      %dma_start3A_57 = arith.constant 0 : i32
      %dma_start3A_58 = tpu.memref_slice %arg6[%dma_start3A_56, %dma_start3A_57] : memref<20x100xi32, #tpu.memory_space<vmem>> -> memref<1x100xi32, #tpu.memory_space<vmem>>
      %dma_start3A_59 = tpu.memref_squeeze %dma_start3A_58 : memref<1x100xi32, #tpu.memory_space<vmem>> -> memref<100xi32, #tpu.memory_space<vmem>>
      %dma_start3A_60 = arith.constant 0 : i32
      %dma_start3A_61 = arith.constant 0 : i32
      %dma_start3A_62 = tpu.memref_slice %arg2[%dma_start3A_60, %dma_start3A_61] : memref<10240x128xf32, #tpu.memory_space<hbm>> -> memref<10240x128xf32, #tpu.memory_space<hbm>>
      tpu.enqueue_indirect_dma source(%dma_start3A_62 : memref<10240x128xf32, #tpu.memory_space<hbm>>) target(%arg9 : memref<100x128xf32, #tpu.memory_space<vmem>>) offsets(%dma_start3A_59 : memref<100xi32, #tpu.memory_space<vmem>>) semaphore(%arg11 : memref<!tpu.dma_semaphore, #tpu.memory_space<semaphore_mem>>)
      %scan3A_63 = arith.constant 0 : i32
      %scan3A_64 = arith.constant 0 : i32
      %scan3A_65 = arith.constant 10 : i32
      %scan3A_66 = arith.addi %scan3A_64, %scan3A_65 : i32
      %scan3A_67 = arith.constant 1 : i32
      scf.for %scan3A_82 = %scan3A_64 to %scan3A_66 step %scan3A_67  : i32 {
        %mul3A_83 = arith.constant 2 : i32
        %mul3A_84 = arith.muli %mul3A_83, %scan3A_82 : i32
        %add3A_85 = arith.constant 0 : i32
        %add3A_86 = arith.addi %mul3A_84, %add3A_85 : i32
        %dma_wait3A_87 = arith.constant 0 : i32
        %dma_wait3A_88 = tpu.memref_slice %arg6[%add3A_86, %dma_wait3A_87] : memref<20x100xi32, #tpu.memory_space<vmem>> -> memref<1x100xi32, #tpu.memory_space<vmem>>
        %dma_wait3A_89 = tpu.memref_squeeze %dma_wait3A_88 : memref<1x100xi32, #tpu.memory_space<vmem>> -> memref<100xi32, #tpu.memory_space<vmem>>
        %dma_wait3A_90 = arith.constant 0 : i32
        %dma_wait3A_91 = arith.constant 0 : i32
        %dma_wait3A_92 = tpu.memref_slice %arg2[%dma_wait3A_90, %dma_wait3A_91] : memref<10240x128xf32, #tpu.memory_space<hbm>> -> memref<10240x128xf32, #tpu.memory_space<hbm>>
        tpu.wait_indirect_dma semaphore(%arg10 : memref<!tpu.dma_semaphore, #tpu.memory_space<semaphore_mem>>) src(%dma_wait3A_92 : memref<10240x128xf32, #tpu.memory_space<hbm>>) dst(%arg8 : memref<100x128xf32, #tpu.memory_space<vmem>>)
        %dma_start3A_93 = arith.constant 0 : i32
        %dma_start3A_94 = tpu.memref_slice %arg7[%add3A_86, %dma_start3A_93] : memref<20x100xi32, #tpu.memory_space<vmem>> -> memref<1x100xi32, #tpu.memory_space<vmem>>
        %dma_start3A_95 = tpu.memref_squeeze %dma_start3A_94 : memref<1x100xi32, #tpu.memory_space<vmem>> -> memref<100xi32, #tpu.memory_space<vmem>>
        %dma_start3A_96 = arith.constant 0 : i32
        %dma_start3A_97 = arith.constant 0 : i32
        %dma_start3A_98 = tpu.memref_slice %arg14[%dma_start3A_96, %dma_start3A_97] : memref<10240x128xf32, #tpu.memory_space<vmem_shared>> -> memref<10240x128xf32, #tpu.memory_space<vmem_shared>>
        tpu.enqueue_indirect_dma source(%arg8 : memref<100x128xf32, #tpu.memory_space<vmem>>) target(%dma_start3A_98 : memref<10240x128xf32, #tpu.memory_space<vmem_shared>>) offsets(%dma_start3A_95 : memref<100xi32, #tpu.memory_space<vmem>>) semaphore(%arg12 : memref<!tpu.dma_semaphore, #tpu.memory_space<semaphore_mem>>) {add = true}
        %lt3A = arith.constant 9 : i32
        %lt3A_99 = arith.cmpi slt, %scan3A_82, %lt3A : i32
        %convert_element_type3A = arith.extui %lt3A_99 : i1 to i32
        %cond3A = arith.constant 0 : i32
        %cond3A_100 = arith.cmpi ne, %convert_element_type3A, %cond3A : i32
        scf.if %cond3A_100 {
          %dma_wait3A_122 = arith.constant 0 : i32
          %dma_wait3A_123 = tpu.memref_slice %arg7[%add3A_86, %dma_wait3A_122] : memref<20x100xi32, #tpu.memory_space<vmem>> -> memref<1x100xi32, #tpu.memory_space<vmem>>
          %dma_wait3A_124 = tpu.memref_squeeze %dma_wait3A_123 : memref<1x100xi32, #tpu.memory_space<vmem>> -> memref<100xi32, #tpu.memory_space<vmem>>
          %dma_wait3A_125 = arith.constant 0 : i32
          %dma_wait3A_126 = arith.constant 0 : i32
          %dma_wait3A_127 = tpu.memref_slice %arg14[%dma_wait3A_125, %dma_wait3A_126] : memref<10240x128xf32, #tpu.memory_space<vmem_shared>> -> memref<10240x128xf32, #tpu.memory_space<vmem_shared>>
          tpu.wait_indirect_dma semaphore(%arg12 : memref<!tpu.dma_semaphore, #tpu.memory_space<semaphore_mem>>) src(%arg8 : memref<100x128xf32, #tpu.memory_space<vmem>>) dst(%dma_wait3A_127 : memref<10240x128xf32, #tpu.memory_space<vmem_shared>>)
          %add3A_128 = arith.constant 2 : i32
          %add3A_129 = arith.addi %add3A_86, %add3A_128 : i32
          %dma_start3A_130 = arith.constant 0 : i32
          %dma_start3A_131 = tpu.memref_slice %arg6[%add3A_129, %dma_start3A_130] : memref<20x100xi32, #tpu.memory_space<vmem>> -> memref<1x100xi32, #tpu.memory_space<vmem>>
          %dma_start3A_132 = tpu.memref_squeeze %dma_start3A_131 : memref<1x100xi32, #tpu.memory_space<vmem>> -> memref<100xi32, #tpu.memory_space<vmem>>
          %dma_start3A_133 = arith.constant 0 : i32
          %dma_start3A_134 = arith.constant 0 : i32
          %dma_start3A_135 = tpu.memref_slice %arg2[%dma_start3A_133, %dma_start3A_134] : memref<10240x128xf32, #tpu.memory_space<hbm>> -> memref<10240x128xf32, #tpu.memory_space<hbm>>
          tpu.enqueue_indirect_dma source(%dma_start3A_135 : memref<10240x128xf32, #tpu.memory_space<hbm>>) target(%arg8 : memref<100x128xf32, #tpu.memory_space<vmem>>) offsets(%dma_start3A_132 : memref<100xi32, #tpu.memory_space<vmem>>) semaphore(%arg10 : memref<!tpu.dma_semaphore, #tpu.memory_space<semaphore_mem>>)
        } else {
        }
        %mul3A_101 = arith.constant 2 : i32
        %mul3A_102 = arith.muli %mul3A_101, %scan3A_82 : i32
        %add3A_103 = arith.constant 1 : i32
        %add3A_104 = arith.addi %mul3A_102, %add3A_103 : i32
        %dma_wait3A_105 = arith.constant 0 : i32
        %dma_wait3A_106 = tpu.memref_slice %arg6[%add3A_104, %dma_wait3A_105] : memref<20x100xi32, #tpu.memory_space<vmem>> -> memref<1x100xi32, #tpu.memory_space<vmem>>
        %dma_wait3A_107 = tpu.memref_squeeze %dma_wait3A_106 : memref<1x100xi32, #tpu.memory_space<vmem>> -> memref<100xi32, #tpu.memory_space<vmem>>
        %dma_wait3A_108 = arith.constant 0 : i32
        %dma_wait3A_109 = arith.constant 0 : i32
        %dma_wait3A_110 = tpu.memref_slice %arg2[%dma_wait3A_108, %dma_wait3A_109] : memref<10240x128xf32, #tpu.memory_space<hbm>> -> memref<10240x128xf32, #tpu.memory_space<hbm>>
        tpu.wait_indirect_dma semaphore(%arg11 : memref<!tpu.dma_semaphore, #tpu.memory_space<semaphore_mem>>) src(%dma_wait3A_110 : memref<10240x128xf32, #tpu.memory_space<hbm>>) dst(%arg9 : memref<100x128xf32, #tpu.memory_space<vmem>>)
        %dma_start3A_111 = arith.constant 0 : i32
        %dma_start3A_112 = tpu.memref_slice %arg7[%add3A_104, %dma_start3A_111] : memref<20x100xi32, #tpu.memory_space<vmem>> -> memref<1x100xi32, #tpu.memory_space<vmem>>
        %dma_start3A_113 = tpu.memref_squeeze %dma_start3A_112 : memref<1x100xi32, #tpu.memory_space<vmem>> -> memref<100xi32, #tpu.memory_space<vmem>>
        %dma_start3A_114 = arith.constant 0 : i32
        %dma_start3A_115 = arith.constant 0 : i32
        %dma_start3A_116 = tpu.memref_slice %arg14[%dma_start3A_114, %dma_start3A_115] : memref<10240x128xf32, #tpu.memory_space<vmem_shared>> -> memref<10240x128xf32, #tpu.memory_space<vmem_shared>>
        tpu.enqueue_indirect_dma source(%arg9 : memref<100x128xf32, #tpu.memory_space<vmem>>) target(%dma_start3A_116 : memref<10240x128xf32, #tpu.memory_space<vmem_shared>>) offsets(%dma_start3A_113 : memref<100xi32, #tpu.memory_space<vmem>>) semaphore(%arg13 : memref<!tpu.dma_semaphore, #tpu.memory_space<semaphore_mem>>) {add = true}
        %lt3A_117 = arith.constant 9 : i32
        %lt3A_118 = arith.cmpi slt, %scan3A_82, %lt3A_117 : i32
        %convert_element_type3A_119 = arith.extui %lt3A_118 : i1 to i32
        %cond3A_120 = arith.constant 0 : i32
        %cond3A_121 = arith.cmpi ne, %convert_element_type3A_119, %cond3A_120 : i32
        scf.if %cond3A_121 {
          %dma_wait3A_122 = arith.constant 0 : i32
          %dma_wait3A_123 = tpu.memref_slice %arg7[%add3A_104, %dma_wait3A_122] : memref<20x100xi32, #tpu.memory_space<vmem>> -> memref<1x100xi32, #tpu.memory_space<vmem>>
          %dma_wait3A_124 = tpu.memref_squeeze %dma_wait3A_123 : memref<1x100xi32, #tpu.memory_space<vmem>> -> memref<100xi32, #tpu.memory_space<vmem>>
          %dma_wait3A_125 = arith.constant 0 : i32
          %dma_wait3A_126 = arith.constant 0 : i32
          %dma_wait3A_127 = tpu.memref_slice %arg14[%dma_wait3A_125, %dma_wait3A_126] : memref<10240x128xf32, #tpu.memory_space<vmem_shared>> -> memref<10240x128xf32, #tpu.memory_space<vmem_shared>>
          tpu.wait_indirect_dma semaphore(%arg13 : memref<!tpu.dma_semaphore, #tpu.memory_space<semaphore_mem>>) src(%arg9 : memref<100x128xf32, #tpu.memory_space<vmem>>) dst(%dma_wait3A_127 : memref<10240x128xf32, #tpu.memory_space<vmem_shared>>)
          %add3A_128 = arith.constant 2 : i32
          %add3A_129 = arith.addi %add3A_104, %add3A_128 : i32
          %dma_start3A_130 = arith.constant 0 : i32
          %dma_start3A_131 = tpu.memref_slice %arg6[%add3A_129, %dma_start3A_130] : memref<20x100xi32, #tpu.memory_space<vmem>> -> memref<1x100xi32, #tpu.memory_space<vmem>>
          %dma_start3A_132 = tpu.memref_squeeze %dma_start3A_131 : memref<1x100xi32, #tpu.memory_space<vmem>> -> memref<100xi32, #tpu.memory_space<vmem>>
          %dma_start3A_133 = arith.constant 0 : i32
          %dma_start3A_134 = arith.constant 0 : i32
          %dma_start3A_135 = tpu.memref_slice %arg2[%dma_start3A_133, %dma_start3A_134] : memref<10240x128xf32, #tpu.memory_space<hbm>> -> memref<10240x128xf32, #tpu.memory_space<hbm>>
          tpu.enqueue_indirect_dma source(%dma_start3A_135 : memref<10240x128xf32, #tpu.memory_space<hbm>>) target(%arg9 : memref<100x128xf32, #tpu.memory_space<vmem>>) offsets(%dma_start3A_132 : memref<100xi32, #tpu.memory_space<vmem>>) semaphore(%arg11 : memref<!tpu.dma_semaphore, #tpu.memory_space<semaphore_mem>>)
        } else {
        }
      }
      %scan3A_68 = arith.constant 10 : i32
      %dma_wait3A = arith.constant 18 : i32
      %dma_wait3A_69 = arith.constant 0 : i32
      %dma_wait3A_70 = tpu.memref_slice %arg7[%dma_wait3A, %dma_wait3A_69] : memref<20x100xi32, #tpu.memory_space<vmem>> -> memref<1x100xi32, #tpu.memory_space<vmem>>
      %dma_wait3A_71 = tpu.memref_squeeze %dma_wait3A_70 : memref<1x100xi32, #tpu.memory_space<vmem>> -> memref<100xi32, #tpu.memory_space<vmem>>
      %dma_wait3A_72 = arith.constant 0 : i32
      %dma_wait3A_73 = arith.constant 0 : i32
      %dma_wait3A_74 = tpu.memref_slice %arg14[%dma_wait3A_72, %dma_wait3A_73] : memref<10240x128xf32, #tpu.memory_space<vmem_shared>> -> memref<10240x128xf32, #tpu.memory_space<vmem_shared>>
      tpu.wait_indirect_dma semaphore(%arg12 : memref<!tpu.dma_semaphore, #tpu.memory_space<semaphore_mem>>) src(%arg8 : memref<100x128xf32, #tpu.memory_space<vmem>>) dst(%dma_wait3A_74 : memref<10240x128xf32, #tpu.memory_space<vmem_shared>>)
      %dma_wait3A_75 = arith.constant 19 : i32
      %dma_wait3A_76 = arith.constant 0 : i32
      %dma_wait3A_77 = tpu.memref_slice %arg7[%dma_wait3A_75, %dma_wait3A_76] : memref<20x100xi32, #tpu.memory_space<vmem>> -> memref<1x100xi32, #tpu.memory_space<vmem>>
      %dma_wait3A_78 = tpu.memref_squeeze %dma_wait3A_77 : memref<1x100xi32, #tpu.memory_space<vmem>> -> memref<100xi32, #tpu.memory_space<vmem>>
      %dma_wait3A_79 = arith.constant 0 : i32
      %dma_wait3A_80 = arith.constant 0 : i32
      %dma_wait3A_81 = tpu.memref_slice %arg14[%dma_wait3A_79, %dma_wait3A_80] : memref<10240x128xf32, #tpu.memory_space<vmem_shared>> -> memref<10240x128xf32, #tpu.memory_space<vmem_shared>>
      tpu.wait_indirect_dma semaphore(%arg13 : memref<!tpu.dma_semaphore, #tpu.memory_space<semaphore_mem>>) src(%arg9 : memref<100x128xf32, #tpu.memory_space<vmem>>) dst(%dma_wait3A_81 : memref<10240x128xf32, #tpu.memory_space<vmem_shared>>)
    }
    %scan3A_43 = arith.constant 5 : i32
    %barrier3A_44 = arith.constant 0 : index
    tpu.barrier barrier_id(%barrier3A_44)
    %mul3A_45 = arith.constant 640 : i32
    %mul3A_46 = arith.muli %arg1, %mul3A_45 : i32
    %mul3A_47 = arith.constant 640 : i32
    %mul3A_48 = arith.muli %arg1, %mul3A_47 : i32
    "tpu.region"() ({
      %run_scoped3A = tpu.sem_alloc : memref<!tpu.dma_semaphore, #tpu.memory_space<semaphore_mem>>
      %dma_start3A = arith.constant 0 : i32
      %dma_start3A_49 = tpu.memref_slice %arg5[%arg0, %mul3A_48, %dma_start3A] : memref<2x10240x128xf32, #tpu.memory_space<hbm>> -> memref<1x640x128xf32, #tpu.memory_space<hbm>>
      %dma_start3A_50 = tpu.memref_squeeze %dma_start3A_49 : memref<1x640x128xf32, #tpu.memory_space<hbm>> -> memref<640x128xf32, #tpu.memory_space<hbm>>
      %dma_start3A_51 = arith.constant 0 : i32
      %dma_start3A_52 = tpu.memref_slice %arg14[%mul3A_46, %dma_start3A_51] : memref<10240x128xf32, #tpu.memory_space<vmem_shared>> -> memref<640x128xf32, #tpu.memory_space<vmem_shared>>
      tpu.enqueue_dma source(%dma_start3A_52 : memref<640x128xf32, #tpu.memory_space<vmem_shared>>) target(%dma_start3A_50 : memref<640x128xf32, #tpu.memory_space<hbm>>) target_semaphore(%run_scoped3A : memref<!tpu.dma_semaphore, #tpu.memory_space<semaphore_mem>>)
      %dma_wait3A = arith.constant 0 : i32
      %dma_wait3A_53 = tpu.memref_slice %arg5[%arg0, %mul3A_48, %dma_wait3A] : memref<2x10240x128xf32, #tpu.memory_space<hbm>> -> memref<1x640x128xf32, #tpu.memory_space<hbm>>
      %dma_wait3A_54 = tpu.memref_squeeze %dma_wait3A_53 : memref<1x640x128xf32, #tpu.memory_space<hbm>> -> memref<640x128xf32, #tpu.memory_space<hbm>>
      %dma_wait3A_55 = arith.constant 0 : i32
      %dma_wait3A_56 = tpu.memref_slice %arg14[%mul3A_46, %dma_wait3A_55] : memref<10240x128xf32, #tpu.memory_space<vmem_shared>> -> memref<640x128xf32, #tpu.memory_space<vmem_shared>>
      tpu.wait_dma2 semaphore(%run_scoped3A : memref<!tpu.dma_semaphore, #tpu.memory_space<semaphore_mem>>) src(%dma_wait3A_56 : memref<640x128xf32, #tpu.memory_space<vmem_shared>>) dst(%dma_wait3A_54 : memref<640x128xf32, #tpu.memory_space<hbm>>)
      tpu.yield
    }) : () -> ()
    return
  }
}

module attributes {stable_mosaic.version = 14 : i64} {
  func.func @_scale1_body(%arg0: i32, %arg1: memref<1024x128xf32, #tpu.memory_space<vmem>>, %arg2: memref<128x128xf32, #tpu.memory_space<vmem>>, %arg3: memref<2x1024xf32, #tpu.memory_space<vmem>>, %arg4: memref<1024x128xf32, #tpu.memory_space<vmem>>) attributes {dimension_semantics = [#tpu.dimension_semantics<arbitrary>], iteration_bounds = array<i64: 10>, scalar_prefetch = 0 : i64, scratch_operands = 0 : i64, tpu.core_type = #tpu.core_type<tc>, window_params = [{transform_indices = @transform_0, window_bounds = array<i64: 1024, 128>}, {pipeline_mode = #tpu.pipeline_mode<synchronous>, transform_indices = @transform_1, window_bounds = array<i64: 128, 128>}, {transform_indices = @transform_2, window_bounds = array<i64: 2, 1024>}, {transform_indices = @transform_3, window_bounds = array<i64: 1024, 128>}]} {
    %get3A = arith.constant 0 : index
    %get3A_0 = arith.constant 0 : index
    %get3A_1 = vector.load %arg3[%get3A, %get3A_0] : memref<2x1024xf32, #tpu.memory_space<vmem>>, vector<1x1024xf32>
    %get3A_2 = vector.shape_cast %get3A_1 : vector<1x1024xf32> to vector<1024xf32>
    %get3A_3 = arith.constant 1 : index
    %get3A_4 = arith.constant 0 : index
    %get3A_5 = vector.load %arg3[%get3A_3, %get3A_4] : memref<2x1024xf32, #tpu.memory_space<vmem>>, vector<1x1024xf32>
    %get3A_6 = vector.shape_cast %get3A_5 : vector<1x1024xf32> to vector<1024xf32>
    %add3A = arith.addf %get3A_2, %get3A_6 : vector<1024xf32>
    %add3A_7 = arith.constant 1.000000e+00 : f32
    %add3A_8 = vector.broadcast %add3A_7 : f32 to vector<1024xf32>
    %add3A_9 = arith.addf %add3A, %add3A_8 : vector<1024xf32>
    %rsqrt3A = math.rsqrt %add3A_9 : vector<1024xf32>
    %get3A_10 = arith.constant 0 : index
    %get3A_11 = arith.constant 0 : index
    %get3A_12 = vector.load %arg1[%get3A_10, %get3A_11] : memref<1024x128xf32, #tpu.memory_space<vmem>>, vector<1024x128xf32>
    %get3A_13 = arith.constant 0 : index
    %get3A_14 = arith.constant 0 : index
    %get3A_15 = vector.load %arg2[%get3A_13, %get3A_14] : memref<128x128xf32, #tpu.memory_space<vmem>>, vector<128x128xf32>
    %dot_general3A = arith.constant dense<0.000000e+00> : vector<1024x128xf32>
    %dot_general3A_16 = tpu.matmul %get3A_12, %get3A_15, %dot_general3A {dimension_numbers = #tpu.dot_dimension_numbers<[1], [0], [0], [1], [0, 0, 1, 1], [], []>, transpose_lhs_hint = false} : vector<1024x128xf32>, vector<128x128xf32>, vector<1024x128xf32> -> vector<1024x128xf32>
    %broadcast_in_dim3A = vector.shape_cast %rsqrt3A : vector<1024xf32> to vector<1024x1xf32>
    %mul3A = vector.broadcast %broadcast_in_dim3A : vector<1024x1xf32> to vector<1024x128xf32>
    %mul3A_17 = arith.mulf %dot_general3A_16, %mul3A : vector<1024x128xf32>
    %swap3A = arith.constant 0 : index
    %swap3A_18 = arith.constant 0 : index
    %swap3A_19 = vector.load %arg4[%swap3A, %swap3A_18] : memref<1024x128xf32, #tpu.memory_space<vmem>>, vector<1024x128xf32>
    tpu.vector_store %arg4[%swap3A, %swap3A_18], %mul3A_17 {strides = array<i32>} : memref<1024x128xf32, #tpu.memory_space<vmem>>, vector<1024x128xf32>,
    return
  }
  func.func @transform_0(%arg0: i32) -> (i32, i32) {
    %c0_i32 = arith.constant 0 : i32
    %c0_i32_0 = arith.constant 0 : i32
    return %arg0, %c0_i32 : i32, i32
  }
  func.func @transform_1(%arg0: i32) -> (i32, i32) {
    %c0_i32 = arith.constant 0 : i32
    %c0_i32_0 = arith.constant 0 : i32
    %c0_i32_1 = arith.constant 0 : i32
    return %c0_i32, %c0_i32_0 : i32, i32
  }
  func.func @transform_2(%arg0: i32) -> (i32, i32) {
    %c0_i32 = arith.constant 0 : i32
    %c0_i32_0 = arith.constant 0 : i32
    return %c0_i32, %arg0 : i32, i32
  }
  func.func @transform_3(%arg0: i32) -> (i32, i32) {
    %c0_i32 = arith.constant 0 : i32
    %c0_i32_0 = arith.constant 0 : i32
    return %arg0, %c0_i32 : i32, i32
  }
}

module attributes {stable_mosaic.version = 14 : i64} {
  func.func @_dense2_body(%arg0: i32, %arg1: memref<2x1024x128xf32, #tpu.memory_space<vmem>>, %arg2: memref<1024x128xf32, #tpu.memory_space<vmem>>, %arg3: memref<2x1024xf32, #tpu.memory_space<vmem>>, %arg4: memref<1x128xf32, #tpu.memory_space<vmem>>, %arg5: memref<128x128xf32, #tpu.memory_space<vmem>>, %arg6: memref<1024x128xf32, #tpu.memory_space<vmem>>) attributes {dimension_semantics = [#tpu.dimension_semantics<arbitrary>], iteration_bounds = array<i64: 10>, scalar_prefetch = 0 : i64, scratch_operands = 0 : i64, tpu.core_type = #tpu.core_type<tc>, window_params = [{transform_indices = @transform_0, window_bounds = array<i64: 2, 1024, 128>}, {transform_indices = @transform_1, window_bounds = array<i64: 1024, 128>}, {transform_indices = @transform_2, window_bounds = array<i64: 2, 1024>}, {pipeline_mode = #tpu.pipeline_mode<synchronous>, transform_indices = @transform_3, window_bounds = array<i64: 1, 128>}, {pipeline_mode = #tpu.pipeline_mode<synchronous>, transform_indices = @transform_4, window_bounds = array<i64: 128, 128>}, {transform_indices = @transform_5, window_bounds = array<i64: 1024, 128>}]} {
    %get3A = arith.constant 0 : index
    %get3A_0 = arith.constant 0 : index
    %get3A_1 = vector.load %arg3[%get3A, %get3A_0] : memref<2x1024xf32, #tpu.memory_space<vmem>>, vector<1x1024xf32>
    %get3A_2 = vector.shape_cast %get3A_1 : vector<1x1024xf32> to vector<1024xf32>
    %get3A_3 = arith.constant 1 : index
    %get3A_4 = arith.constant 0 : index
    %get3A_5 = vector.load %arg3[%get3A_3, %get3A_4] : memref<2x1024xf32, #tpu.memory_space<vmem>>, vector<1x1024xf32>
    %get3A_6 = vector.shape_cast %get3A_5 : vector<1x1024xf32> to vector<1024xf32>
    %add3A = arith.addf %get3A_2, %get3A_6 : vector<1024xf32>
    %add3A_7 = arith.constant 1.000000e+00 : f32
    %add3A_8 = vector.broadcast %add3A_7 : f32 to vector<1024xf32>
    %add3A_9 = arith.addf %add3A, %add3A_8 : vector<1024xf32>
    %rsqrt3A = math.rsqrt %add3A_9 : vector<1024xf32>
    %broadcast_in_dim3A = vector.shape_cast %rsqrt3A : vector<1024xf32> to vector<1024x1xf32>
    %get3A_10 = arith.constant 0 : index
    %get3A_11 = arith.constant 0 : index
    %get3A_12 = arith.constant 0 : index
    %get3A_13 = vector.load %arg1[%get3A_10, %get3A_11, %get3A_12] : memref<2x1024x128xf32, #tpu.memory_space<vmem>>, vector<1x1024x128xf32>
    %get3A_14 = vector.shape_cast %get3A_13 : vector<1x1024x128xf32> to vector<1024x128xf32>
    %get3A_15 = arith.constant 1 : index
    %get3A_16 = arith.constant 0 : index
    %get3A_17 = arith.constant 0 : index
    %get3A_18 = vector.load %arg1[%get3A_15, %get3A_16, %get3A_17] : memref<2x1024x128xf32, #tpu.memory_space<vmem>>, vector<1x1024x128xf32>
    %get3A_19 = vector.shape_cast %get3A_18 : vector<1x1024x128xf32> to vector<1024x128xf32>
    %add3A_20 = arith.addf %get3A_14, %get3A_19 : vector<1024x128xf32>
    %get3A_21 = arith.constant 0 : index
    %get3A_22 = arith.constant 0 : index
    %get3A_23 = vector.load %arg2[%get3A_21, %get3A_22] : memref<1024x128xf32, #tpu.memory_space<vmem>>, vector<1024x128xf32>
    %add3A_24 = arith.addf %add3A_20, %get3A_23 : vector<1024x128xf32>
    %mul3A = vector.broadcast %broadcast_in_dim3A : vector<1024x1xf32> to vector<1024x128xf32>
    %mul3A_25 = arith.mulf %add3A_24, %mul3A : vector<1024x128xf32>
    %get3A_26 = arith.constant 0 : index
    %get3A_27 = arith.constant 0 : index
    %get3A_28 = vector.load %arg4[%get3A_26, %get3A_27] : memref<1x128xf32, #tpu.memory_space<vmem>>, vector<1x128xf32>
    %add3A_29 = vector.broadcast %get3A_28 : vector<1x128xf32> to vector<1024x128xf32>
    %add3A_30 = arith.addf %mul3A_25, %add3A_29 : vector<1024x128xf32>
    %max3A = arith.constant 0.000000e+00 : f32
    %max3A_31 = vector.broadcast %max3A : f32 to vector<1024x128xf32>
    %max3A_32 = arith.maximumf %add3A_30, %max3A_31 : vector<1024x128xf32>
    %get3A_33 = arith.constant 0 : index
    %get3A_34 = arith.constant 0 : index
    %get3A_35 = vector.load %arg5[%get3A_33, %get3A_34] : memref<128x128xf32, #tpu.memory_space<vmem>>, vector<128x128xf32>
    %dot_general3A = arith.constant dense<0.000000e+00> : vector<1024x128xf32>
    %dot_general3A_36 = tpu.matmul %max3A_32, %get3A_35, %dot_general3A {dimension_numbers = #tpu.dot_dimension_numbers<[1], [0], [0], [1], [0, 0, 1, 1], [], []>, transpose_lhs_hint = false} : vector<1024x128xf32>, vector<128x128xf32>, vector<1024x128xf32> -> vector<1024x128xf32>
    %mul3A_37 = vector.broadcast %broadcast_in_dim3A : vector<1024x1xf32> to vector<1024x128xf32>
    %mul3A_38 = arith.mulf %dot_general3A_36, %mul3A_37 : vector<1024x128xf32>
    %swap3A = arith.constant 0 : index
    %swap3A_39 = arith.constant 0 : index
    %swap3A_40 = vector.load %arg6[%swap3A, %swap3A_39] : memref<1024x128xf32, #tpu.memory_space<vmem>>, vector<1024x128xf32>
    tpu.vector_store %arg6[%swap3A, %swap3A_39], %mul3A_38 {strides = array<i32>} : memref<1024x128xf32, #tpu.memory_space<vmem>>, vector<1024x128xf32>,
    return
  }
  func.func @transform_0(%arg0: i32) -> (i32, i32, i32) {
    %c0_i32 = arith.constant 0 : i32
    %c0_i32_0 = arith.constant 0 : i32
    %c0_i32_1 = arith.constant 0 : i32
    return %c0_i32, %arg0, %c0_i32_0 : i32, i32, i32
  }
  func.func @transform_1(%arg0: i32) -> (i32, i32) {
    %c0_i32 = arith.constant 0 : i32
    %c0_i32_0 = arith.constant 0 : i32
    return %arg0, %c0_i32 : i32, i32
  }
  func.func @transform_2(%arg0: i32) -> (i32, i32) {
    %c0_i32 = arith.constant 0 : i32
    %c0_i32_0 = arith.constant 0 : i32
    return %c0_i32, %arg0 : i32, i32
  }
  func.func @transform_3(%arg0: i32) -> (i32, i32) {
    %c0_i32 = arith.constant 0 : i32
    %c0_i32_0 = arith.constant 0 : i32
    %c0_i32_1 = arith.constant 0 : i32
    return %c0_i32, %c0_i32_0 : i32, i32
  }
  func.func @transform_4(%arg0: i32) -> (i32, i32) {
    %c0_i32 = arith.constant 0 : i32
    %c0_i32_0 = arith.constant 0 : i32
    %c0_i32_1 = arith.constant 0 : i32
    return %c0_i32, %c0_i32_0 : i32, i32
  }
  func.func @transform_5(%arg0: i32) -> (i32, i32) {
    %c0_i32 = arith.constant 0 : i32
    %c0_i32_0 = arith.constant 0 : i32
    return %arg0, %c0_i32 : i32, i32
  }
}

module attributes {stable_mosaic.version = 14 : i64} {
  func.func @_final_body(%arg0: i32, %arg1: memref<2x1024x128xf32, #tpu.memory_space<vmem>>, %arg2: memref<1024x128xf32, #tpu.memory_space<vmem>>, %arg3: memref<2x1024xf32, #tpu.memory_space<vmem>>, %arg4: memref<1x128xf32, #tpu.memory_space<vmem>>, %arg5: memref<1024x128xf32, #tpu.memory_space<vmem>>) attributes {dimension_semantics = [#tpu.dimension_semantics<arbitrary>], iteration_bounds = array<i64: 10>, scalar_prefetch = 0 : i64, scratch_operands = 0 : i64, tpu.core_type = #tpu.core_type<tc>, window_params = [{transform_indices = @transform_0, window_bounds = array<i64: 2, 1024, 128>}, {transform_indices = @transform_1, window_bounds = array<i64: 1024, 128>}, {transform_indices = @transform_2, window_bounds = array<i64: 2, 1024>}, {pipeline_mode = #tpu.pipeline_mode<synchronous>, transform_indices = @transform_3, window_bounds = array<i64: 1, 128>}, {transform_indices = @transform_4, window_bounds = array<i64: 1024, 128>}]} {
    %get3A = arith.constant 0 : index
    %get3A_0 = arith.constant 0 : index
    %get3A_1 = vector.load %arg3[%get3A, %get3A_0] : memref<2x1024xf32, #tpu.memory_space<vmem>>, vector<1x1024xf32>
    %get3A_2 = vector.shape_cast %get3A_1 : vector<1x1024xf32> to vector<1024xf32>
    %get3A_3 = arith.constant 1 : index
    %get3A_4 = arith.constant 0 : index
    %get3A_5 = vector.load %arg3[%get3A_3, %get3A_4] : memref<2x1024xf32, #tpu.memory_space<vmem>>, vector<1x1024xf32>
    %get3A_6 = vector.shape_cast %get3A_5 : vector<1x1024xf32> to vector<1024xf32>
    %add3A = arith.addf %get3A_2, %get3A_6 : vector<1024xf32>
    %add3A_7 = arith.constant 1.000000e+00 : f32
    %add3A_8 = vector.broadcast %add3A_7 : f32 to vector<1024xf32>
    %add3A_9 = arith.addf %add3A, %add3A_8 : vector<1024xf32>
    %rsqrt3A = math.rsqrt %add3A_9 : vector<1024xf32>
    %broadcast_in_dim3A = vector.shape_cast %rsqrt3A : vector<1024xf32> to vector<1024x1xf32>
    %get3A_10 = arith.constant 0 : index
    %get3A_11 = arith.constant 0 : index
    %get3A_12 = arith.constant 0 : index
    %get3A_13 = vector.load %arg1[%get3A_10, %get3A_11, %get3A_12] : memref<2x1024x128xf32, #tpu.memory_space<vmem>>, vector<1x1024x128xf32>
    %get3A_14 = vector.shape_cast %get3A_13 : vector<1x1024x128xf32> to vector<1024x128xf32>
    %get3A_15 = arith.constant 1 : index
    %get3A_16 = arith.constant 0 : index
    %get3A_17 = arith.constant 0 : index
    %get3A_18 = vector.load %arg1[%get3A_15, %get3A_16, %get3A_17] : memref<2x1024x128xf32, #tpu.memory_space<vmem>>, vector<1x1024x128xf32>
    %get3A_19 = vector.shape_cast %get3A_18 : vector<1x1024x128xf32> to vector<1024x128xf32>
    %add3A_20 = arith.addf %get3A_14, %get3A_19 : vector<1024x128xf32>
    %get3A_21 = arith.constant 0 : index
    %get3A_22 = arith.constant 0 : index
    %get3A_23 = vector.load %arg2[%get3A_21, %get3A_22] : memref<1024x128xf32, #tpu.memory_space<vmem>>, vector<1024x128xf32>
    %add3A_24 = arith.addf %add3A_20, %get3A_23 : vector<1024x128xf32>
    %mul3A = vector.broadcast %broadcast_in_dim3A : vector<1024x1xf32> to vector<1024x128xf32>
    %mul3A_25 = arith.mulf %add3A_24, %mul3A : vector<1024x128xf32>
    %get3A_26 = arith.constant 0 : index
    %get3A_27 = arith.constant 0 : index
    %get3A_28 = vector.load %arg4[%get3A_26, %get3A_27] : memref<1x128xf32, #tpu.memory_space<vmem>>, vector<1x128xf32>
    %add3A_29 = vector.broadcast %get3A_28 : vector<1x128xf32> to vector<1024x128xf32>
    %add3A_30 = arith.addf %mul3A_25, %add3A_29 : vector<1024x128xf32>
    %swap3A = arith.constant 0 : index
    %swap3A_31 = arith.constant 0 : index
    %swap3A_32 = vector.load %arg5[%swap3A, %swap3A_31] : memref<1024x128xf32, #tpu.memory_space<vmem>>, vector<1024x128xf32>
    tpu.vector_store %arg5[%swap3A, %swap3A_31], %add3A_30 {strides = array<i32>} : memref<1024x128xf32, #tpu.memory_space<vmem>>, vector<1024x128xf32>,
    return
  }
  func.func @transform_0(%arg0: i32) -> (i32, i32, i32) {
    %c0_i32 = arith.constant 0 : i32
    %c0_i32_0 = arith.constant 0 : i32
    %c0_i32_1 = arith.constant 0 : i32
    return %c0_i32, %arg0, %c0_i32_0 : i32, i32, i32
  }
  func.func @transform_1(%arg0: i32) -> (i32, i32) {
    %c0_i32 = arith.constant 0 : i32
    %c0_i32_0 = arith.constant 0 : i32
    return %arg0, %c0_i32 : i32, i32
  }
  func.func @transform_2(%arg0: i32) -> (i32, i32) {
    %c0_i32 = arith.constant 0 : i32
    %c0_i32_0 = arith.constant 0 : i32
    return %c0_i32, %arg0 : i32, i32
  }
  func.func @transform_3(%arg0: i32) -> (i32, i32) {
    %c0_i32 = arith.constant 0 : i32
    %c0_i32_0 = arith.constant 0 : i32
    %c0_i32_1 = arith.constant 0 : i32
    return %c0_i32, %c0_i32_0 : i32, i32
  }
  func.func @transform_4(%arg0: i32) -> (i32, i32) {
    %c0_i32 = arith.constant 0 : i32
    %c0_i32_0 = arith.constant 0 : i32
    return %arg0, %c0_i32 : i32, i32
  }
}

</mosaic_0001>

<sc_bundles>
// kernel: kernel.11.cloned.1.call-start
scs
__scs_entry_jumppad:
0x0: {  	(pc) =	sbr.rel $0x88, $3  }
0x1: {  	(tag) =	ssettag $0x0;
	lr =	simm.s32 $0x1  }
0x2: {  	[smem:$0x3F9B] =	sst lr;
	_ =	strace $0xD0000000  }
0x3: {  	_ = 	snop  }
0x4: {  	_ = 	snop  }
0x5: {  	_ = 	snop  }
0x6: {  	_ = 	snop  }
0x7: {  	_ = 	snop  }
__scs_overlays_trampoline_lowered:
0x8: {  	[smem:$0x3FAA] =	sst s0  }
0x9: {  	[smem:$0x3FAB] =	sst s1  }
0xa: {  	[smem:$0x3FAC] =	sst s2  }
0xb: {  	[smem:$0x3FAD] =	sst s3  }
0xc: {  	[smem:$0x3FAE] =	sst s4  }
0xd: {  	[smem:$0x3FAF] =	sst s5  }
0xe: {  	[smem:$0x3FB0] =	sst s6  }
0xf: {  	[smem:$0x3FB1] =	sst s7  }
0x10: {  	[smem:$0x3FB2] =	sst s8  }
0x11: {  	[smem:$0x3FB3] =	sst s9;
	s0 =	simm.s32 @!p0 $0x0  }
0x12: {  	s1 =	sld [smem:$0x3F99];
	s0 =	simm.s32 @p0 $0x1  }
0x13: {  	[smem:$0x3FB4] =	sst s0;
	s0 =	simm.s32 @!p1 $0x0  }
0x14: {  	s2 =	sld [smem:$0x3F98];
	s0 =	simm.s32 @p1 $0x1  }
0x15: {  	[smem:$0x3FB5] =	sst s0;
	s0 =	simm.s32 @!p2 $0x0  }
0x16: {  	s3 =	sld [smem:$0x3FDB];
	s0 =	simm.s32 @p2 $0x1  }
0x17: {  	s4 =	simm.s32 $0x1BF5;
	[smem:$0x3FB7] =	sst s0  }
0x18: {  	s0 =	sld [smem:$0x3F9A];
	_ =	swait.ge [sflag:s4], $0x0  }
0x19: {  	s7 =	sld [smem:$0x3F9B]  }
0x1a: {  	s8 =	sadd.s32 $0xFFFFE003, lr  }
0x1b: {  	s9 =	sadd.s32 $0xFFFFFEF7, lr;
	s5 =	simm.s32 $0xFFFFFFFF;
	p2 =	slt.u32 s8, $0xFFFFF086  }
0x1c: {  	p1 =	slt.u32 s9, $0xF7A;
	s5 =	simm.s32 @!p2 $0x0  }
0x1d: {  	s5 =	simm.s32 @p1 $0x1;
	p0 =	seq.s32 s7, s2  }
0x1e: {  	s7 =	smul.u32 @!p0 $0xF7A, s2;
	p2 =	seq.s32 @!p0 s5, $0x0  }
0x1f: {  	s9 =	smul.u32 $0xF7A, s1;
	s8 =	simm.s32 @!p0 $0x1BF5;
	p2 =	por !p2, p0  }
0x20: {  	[sflag:s8] =	ssyncset.s32 @!p0 $0xFFFFF086;
	s6 =	sadd.s32 @!p0 s3, s7;
	s7 =	simm.s32 @!p0 $0x108  }
0x21: {  	s3 =	sadd.s32 s3, s9;
	s6 =	sadd.s32 @!p0 $0x88, s6;
	s7 =	simm.s32 @p2 $0x1082  }
0x22: {  	[simem:s7], [sflag:s8] =	dma.local @!p0 [hbm:s6], $0xF7A  }
0x23: {  	s9 =	sor.u32 $0xD0000000, s2;
	s6 =	simm.s32 $0x108;
	_ =	swait.ge @!p0 [sflag:s8], $0x0  }
0x24: {  	s3 =	sadd.s32 $0x88, s3;
	s6 =	simm.s32 @!p1 $0x1082;
	[sflag:s4] =	ssyncset.s32 $0xFFFFF086  }
0x25: {  	[simem:s6], [sflag:s4] =	dma.local [hbm:s3], $0xF7A  }
0x26: {  	[smem:$0x3F9B] =	sst s1;
	(tag) =	ssettag s2;
	_ =	strace s9  }
0x27: {  	s1 =	sld [smem:$0x3FAB]  }
0x28: {  	s2 =	sld [smem:$0x3FAC]  }
0x29: {  	s4 =	sld [smem:$0x3FAE]  }
0x2a: {  	p0 =	seq.s32 s5, $0x0;
	s5 =	sld [smem:$0x3FAF]  }
0x2b: {  	s6 =	sld [smem:$0x3FB0]  }
0x2c: {  	s7 =	sld [smem:$0x3FB1]  }
0x2d: {  	s3 =	simm.s32 $0x108;
	s8 =	sld [smem:$0x3FB2]  }
0x2e: {  	s3 =	simm.s32 @!p0 $0x1082;
	s9 =	sld [smem:$0x3FB3]  }
0x2f: {  	lr =	sadd.s32 s0, s3;
	s0 =	sld [smem:$0x3FAA]  }
0x30: {  	s3 =	sld [smem:$0x3FAD]  }
0x31: {  	[smem:$0x3FB6] =	sst s10  }
0x32: {  	s10 =	sld [smem:$0x3FB4];
	_ =	sdelay $0x3  }
0x33: {  	p0 =	seq.s32 s10, $0x1;
	s10 =	sld [smem:$0x3FB6];
	_ =	sdelay $0x3  }
0x34: {  	[smem:$0x3FB6] =	sst s10  }
0x35: {  	s10 =	sld [smem:$0x3FB5];
	_ =	sdelay $0x3  }
0x36: {  	p1 =	seq.s32 s10, $0x1;
	s10 =	sld [smem:$0x3FB6];
	_ =	sdelay $0x3  }
0x37: {  	[smem:$0x3FB6] =	sst s10  }
0x38: {  	s10 =	sld [smem:$0x3FB7]  }
0x39: {  	_ = 	snop;
	(pc) =	sbr.ind lr, $3  }
0x3a: {  	_ = 	snop  }
0x3b: {  	_ = 	snop  }
0x3c: {  	p2 =	seq.s32 s10, $0x1;
	s10 =	sld [smem:$0x3FB6]  }
0x3d: {  	_ =	shalt  }
0x3e: {  	_ =	shalt  }
0x3f: {  	_ =	shalt  }
0x40: {  	_ =	shalt  }
0x41: {  	_ =	shalt  }
0x42: {  	_ =	shalt  }
0x43: {  	_ =	shalt  }
0x44: {  	_ =	shalt  }
0x45: {  	_ =	shalt  }
0x46: {  	_ =	shalt  }
0x47: {  	_ =	shalt  }
0x48: {  	_ =	shalt  }
0x49: {  	_ =	shalt  }
0x4a: {  	_ =	shalt  }
0x4b: {  	_ =	shalt  }
0x4c: {  	_ =	shalt  }
0x4d: {  	_ =	shalt  }
0x4e: {  	_ =	shalt  }
0x4f: {  	_ =	shalt  }
0x50: {  	_ =	shalt  }
0x51: {  	_ =	shalt  }
0x52: {  	_ =	shalt  }
0x53: {  	_ =	shalt  }
0x54: {  	_ =	shalt  }
0x55: {  	_ =	shalt  }
0x56: {  	_ =	shalt  }
0x57: {  	_ =	shalt  }
0x58: {  	_ =	shalt  }
0x59: {  	_ =	shalt  }
0x5a: {  	_ =	shalt  }
0x5b: {  	_ =	shalt  }
0x5c: {  	_ =	shalt  }
0x5d: {  	_ =	shalt  }
0x5e: {  	_ =	shalt  }
0x5f: {  	_ =	shalt  }
0x60: {  	_ =	shalt  }
0x61: {  	_ =	shalt  }
0x62: {  	_ =	shalt  }
0x63: {  	_ =	shalt  }
0x64: {  	_ =	shalt  }
0x65: {  	_ =	shalt  }
0x66: {  	_ =	shalt  }
0x67: {  	_ =	shalt  }
0x68: {  	_ =	shalt  }
0x69: {  	_ =	shalt  }
0x6a: {  	_ =	shalt  }
0x6b: {  	_ =	shalt  }
0x6c: {  	_ =	shalt  }
0x6d: {  	_ =	shalt  }
0x6e: {  	_ =	shalt  }
0x6f: {  	_ =	shalt  }
0x70: {  	_ =	shalt  }
0x71: {  	_ =	shalt  }
0x72: {  	_ =	shalt  }
0x73: {  	_ =	shalt  }
0x74: {  	_ =	shalt  }
0x75: {  	_ =	shalt  }
0x76: {  	_ =	shalt  }
0x77: {  	_ =	shalt  }
0x78: {  	_ =	shalt  }
0x79: {  	_ =	shalt  }
0x7a: {  	_ =	shalt  }
0x7b: {  	_ =	shalt  }
0x7c: {  	_ =	shalt  }
0x7d: {  	_ =	shalt  }
0x7e: {  	_ =	shalt  }
0x7f: {  	_ =	shalt  }
0x80: {  	_ =	shalt  }
0x81: {  	_ =	shalt  }
0x82: {  	_ =	shalt  }
0x83: {  	_ =	shalt  }
0x84: {  	_ =	shalt  }
0x85: {  	_ =	shalt  }
0x86: {  	_ =	shalt  }
0x87: {  	_ =	shalt  }
.Lfunc_end0:
.L_simem_size_0:
called_computation.1_lowered:
.L_overlay_start_0:
0x88: {  	s2 =	sld [smem:$0x3FD9]  }
0x89: {  	s3 =	sld [smem:$0x3FFE];
	_ =	sdelay $0x1  }
0x8a: {  	s1 =	srdreg.scid  }
0x8b: {  	s0 =	sand.u32 $0x1, s1  }
0x8c: {  	s17 =	sshll.u32 s0, $0xA;
	s2 =	sadd.s32 s3, s2  }
0x8d: {  	s2 =	sadd.s32 s2, s17  }
0x8e: {  	[smem:$0x3FC2] =	sst s2  }
0x8f: {  	_ = 	snop  }
0x90: {  	s2 =	sld [smem:$0x3FD0];
	(tm) =	ssettm $0x1  }
0x91: {  	s18 =	sld [smem:$0x3FFB];
	_ =	sdelay $0x3  }
0x92: {  	_ =	strace s18  }
0x93: {  	s3 =	sld [smem:$0x3FFC];
	_ =	sdelay $0x3  }
0x94: {  	_ =	strace s3  }
0x95: {  	s3 =	sld [smem:$0x3FFD];
	_ =	sdelay $0x3  }
0x96: {  	_ =	strace s3  }
0x97: {  	_ =	strace $0x8FFFFFFF  }
0x98: {  	s19 =	sld [smem:$0x3FDB];
	_ =	sdelay $0x1  }
0x99: {  	s4 =	simm.s32 $_scs_section_size  }
0x9a: {  	s5 =	simm.s32 $_size__tile_overlayer_lowered;
	s6 =	simm.s32 $_tile_overlayer_lowered  }
0x9b: {  	s22 =	simm.s32 $0x1BFF;
	s21 =	sshll.u32 s6, $0x1;
	s3 =	sadd.s32 s4, s19  }
0x9c: {  	s7 =	simm.s32 $0x0;
	s20 =	sshll.u32 s5, $0x1;
	s5 =	sadd.s32 s21, s3  }
0x9d: {  	[timem:s7], [sflag:s22] =	dma.local [hbm:s5], s20  }
0x9e: {  	_ =	swait.ge [sflag:s22], s20  }
0x9f: {  	s4 =	ssub.s32 $0x0, s20;
	[sflag:s22] =	ssyncset.done $0x0  }
0xa0: {  	[sflag:s22] =	ssyncadd.s32 s4;
	_ =	sdelay $0x1  }
0xa1: {  	s23 =	simm.s32 $0x1B8B  }
0xa2: {  	_ =	swait.ge [sflag:s23], $0x1  }
0xa3: {  	[sflag:s23] =	ssyncset.done $0x0  }
0xa4: {  	s25 =	simm.s32 $0x1B8E;
	s24 =	sld [smem:$0x3FFE];
	[sflag:s23] =	ssyncadd.s32 $0xFFFFFFFF  }
0xa5: {  	s26 =	simm.s32 $execute0_lowered;
	[smem:$0x3FD2] =	sst s25  }
0xa6: {  	s5 =	sshll.u32 s26, $0x1;
	_ =	strace $0x80000049;
	[dreg:$0x1] =	wrdreg $0xFFFFFFFF  }
0xa7: {  	s28 =	simm.s32 $_size_execute0_lowered;
	s3 =	sadd.s32 s3, s5;
	[dreg:$0x0] =	wrdreg $0x0  }
0xa8: {  	s5 =	sshll.u32 s28, $0x1;
	[dreg:$0x2] =	wrdreg s3  }
0xa9: {  	[dreg:$0x3] =	wrdreg s5  }
0xaa: {  	[dreg:$0x4] =	wrdreg $0xC0  }
0xab: {  	_ =	task [dreg:s7], $0x5FFFF  }
0xac: {  	[dreg:$0x1] =	wrdreg $0xFFFFFFFF  }
0xad: {  	[dreg:$0x0] =	wrdreg $0x60  }
0xae: {  	[dreg:$0x2] =	wrdreg s24  }
0xaf: {  	[dreg:$0x3] =	wrdreg s2  }
0xb0: {  	[dreg:$0x4] =	wrdreg $0x80000  }
0xb1: {  	[dreg:$0x5] =	wrdreg $0x9  }
0xb2: {  	_ =	task.clear_ibuf [dreg:s7], $0x6FFFF;
	_ =	strace $0x90000049  }
0xb3: {  	s29 =	simm.s32 $0x9;
	_ =	strace $0x8000004B  }
0xb4: {  	_ =	swait.ge [sflag:s29], $0x1  }
0xb5: {  	[sflag:s29] =	ssyncadd.s32 $0xFFFFFFFF  }
0xb6: {  	_ =	strace $0x9000004B  }
0xb7: {  	_ =	sfence  }
0xb8: {  	s30 =	sld [smem:$0x0];
	_ =	sdelay $0x2  }
0xb9: {  	s31 =	sshll.u32 s1, $0xD;
	s1 =	sshrl.u32 s1, $0x2  }
0xba: {  	s3 =	sand.u32 $0x4000, s31;
	s1 =	sadd.s32 s1, s30  }
0xbb: {  	s0 =	sor.u32 s3, s0;
	s1 =	sshll.u32 s1, $0x11  }
0xbc: {  	s0 =	sor.u32 s1, s0  }
0xbd: {  	s0 =	sadd.s32 $0x8F2B, s0  }
0xbe: {  	[sflag:s0] =	ssyncadd.remote.s32 $0x1  }
0xbf: {  	_ =	sfence.sel $0xFFFF  }
0xc0: {  	[dreg:$0x0] =	wrdreg $0xFFFFFFFF;
	(pc) =	sbr.abs _section_cstart, $3  }
0xc1: {  	[dreg:$0x1] =	wrdreg $0xFFFFFFFF  }
0xc2: {  	_ =	task.clear_ibuf [dreg:s7], $0x2FFFF;
	_ =	strace $0x9FFFFFFF  }
0xc3: {  	(tm) =	ssettm $0x7FFFFFFF  }
tec
execute0_lowered:
.L_overlay_start_1:
0x0: {  	(tag) =	ssettag $0x1  }
0x1: {  	s0 =	rddreg [dreg:$0x0]  }
0x2: {  	s1 =	srdreg.scid;
	s5 =	rddreg [dreg:$0x1]  }
0x3: {  	s9 =	stileid.u32;
	s2 =	rddreg [dreg:$0x2];
	s3 =	simm.s32 $0x0  }
0x4: {  	s14 =	simm.s32 $0x80;
	s16 =	simm.s32 $0x100;
	[smem:$0x7FF] =	sst s3  }
0x5: {  	s18 =	simm.s32 $0xC80;
	_ =	strace $0x8000004A;
	[dreg:$0x6] =	wrdreg s14  }
0x6: {  	s19 =	simm.s32 $0x180;
	s21 =	simm.s32 $0xD00;
	[dreg:$0x7] =	wrdreg s16  }
0x7: {  	s22 =	simm.s32 $0x200;
	s24 =	simm.s32 $0xD80;
	[dreg:$0x8] =	wrdreg s18  }
0x8: {  	s26 =	simm.s32 $0x280;
	s11 =	simm.s32 $0x300;
	[dreg:$0x9] =	wrdreg s19  }
0x9: {  	s28 =	simm.s32 $0x1280;
	s29 =	simm.s32 $0x780;
	[dreg:$0xa] =	wrdreg s21  }
0xa: {  	s30 =	simm.s32 $0x1300;
	s4 =	smul.u32 $0x7800, s9;
	[dreg:$0xb] =	wrdreg s22  }
0xb: {  	s1 =	sand.u32 $0x1, s1;
	s8 =	smul.u32 $0x14000, s9;
	[dreg:$0xc] =	wrdreg s24  }
0xc: {  	s17 =	smul.u32 $0x50000, s9;
	s9 =	simm.s32 $0xE00;
	[dreg:$0xd] =	wrdreg s26  }
0xd: {  	s31 =	simm.s32 $0x800;
	s6 =	smul.u32 $0x3C00, s1;
	[dreg:$0xe] =	wrdreg s9  }
0xe: {  	s7 =	smul.u32 $0x140000, s1;
	s1 =	ssub.s32 $0x2, s1;
	[dreg:$0xf] =	wrdreg s11  }
0xf: {  	s16 =	simm.s32 $0xF00;
	s18 =	simm.s32 $0xF80;
	s19 =	simm.s32 $0x480  }
0x10: {  	s21 =	simm.s32 $0x500;
	s22 =	simm.s32 $0x1080;
	[dreg:$0x12] =	wrdreg s16  }
0x11: {  	s24 =	simm.s32 $0x1100;
	s26 =	simm.s32 $0x1180;
	[dreg:$0x14] =	wrdreg s18  }
0x12: {  	s9 =	simm.s32 $0x980;
	s11 =	simm.s32 $0x1580;
	[dreg:$0x15] =	wrdreg s19  }
0x13: {  	s15 =	sshrl.u32 s1, $0x1;
	s20 =	sshrl.u32 s17, $0x2;
	[dreg:$0x17] =	wrdreg s21  }
0x14: {  	s17 =	simm.s32 $0x400;
	s16 =	simm.s32 $0x5;
	[dreg:$0x18] =	wrdreg s22  }
0x15: {  	s18 =	simm.s32 $0x64;
	s19 =	simm.s32 $0x4C00;
	[dreg:$0x1a] =	wrdreg s24  }
0x16: {  	s21 =	simm.s32 $0x3;
	[dreg:$0x1c] =	wrdreg s26;
	s6 =	sadd.s32 s6, s4  }
0x17: {  	s1 =	ssub.s32 s1, s15;
	s15 =	simm.s32 $0x380;
	[dreg:$0x13] =	wrdreg s17  }
0x18: {  	s6 =	sshrl.u32 s6, $0x3;
	[dreg:$0x11] =	wrdreg s15;
	s1 =	smax.u32 s1, $0x1  }
0x19: {  	s22 =	simm.s32 $0x2;
	s5 =	sadd.s32 s6, s5;
	[smem:$0x7FD] =	sst s1  }
0x1a: {  	s12 =	sadd.s32 s6, s0;
	s6 =	sadd.s32 s20, s2;
	[dreg:$0x4] =	wrdreg s5  }
0x1b: {  	s24 =	simm.s32 $0x680;
	s20 =	simm.s32 $0x1000;
	[dreg:$0x1d] =	wrdreg s6  }
0x1c: {  	s26 =	simm.s32 $0x700;
	s13 =	sadd.s32 $0x2C00, s12;
	[dreg:$0x16] =	wrdreg s20  }
0x1d: {  	s4 =	sadd.s32 $0x11C00, s0;
	s23 =	sadd.s32 $0x2800, s6;
	[dreg:$0x5] =	wrdreg s13  }
0x1e: {  	s7 =	sadd.s32 s8, s7;
	s25 =	sadd.s32 $0x5000, s6;
	[dreg:$0x1e] =	wrdreg s23  }
0x1f: {  	s17 =	simm.s32 $0xC00;
	s8 =	sadd.s32 $0x7800, s6;
	[dreg:$0x1f] =	wrdreg s25  }
0x20: {  	s7 =	sshrl.u32 s7, $0x3;
	s10 =	sadd.s32 $0xA000, s6;
	[smem:$0x7F7] =	sst s8  }
0x21: {  	s15 =	simm.s32 $0x1800;
	s12 =	sadd.s32 $0xC800, s6;
	[smem:$0x7F8] =	sst s10  }
0x22: {  	s0 =	sadd.s32 s7, s0;
	s14 =	sadd.s32 $0xF000, s6;
	[smem:$0x7F9] =	sst s12  }
0x23: {  	s1 =	simm.s32 $0x1380;
	s6 =	sadd.s32 $0x11800, s6;
	[smem:$0x7FA] =	sst s14  }
0x24: {  	s7 =	simm.s32 $0x900;
	s0 =	sadd.s32 $0x39C00, s0;
	[smem:$0x7FB] =	sst s6  }
0x25: {  	s20 =	simm.s32 $0x1;
	s13 =	simm.s32 $0xE80;
	[smem:$0x7FC] =	sst s0  }
0x26: {  	s23 =	simm.s32 $0x580;
	s25 =	simm.s32 $0x600;
	s0 =	simm.s32 $0x880  }
0x27: {  	s6 =	simm.s32 $0x1400;
	s8 =	simm.s32 $0x1480;
	[dreg:$0x10] =	wrdreg s13  }
0x28: {  	s10 =	simm.s32 $0x1500;
	s12 =	simm.s32 $0x0;
	[dreg:$0x19] =	wrdreg s23  }
0x29: {  	v0 =	vimm.f32 $0.0e+00;
	[dreg:$0x1b] =	wrdreg s25;
	s23 =	simm.s32 $0x4;
	s25 =	simm.s32 $0x1200  }
.LBB2_1:
0x2a: {  	s13 =	simm.s32 $0x0;
	s14 =	simm.s32 $0x200  }
.LBB2_2:
0x2b: {  	p0 =	sne.s32 s14, $0xC600;
	[tilespmem:s13+$0x1870] =	vst v0  }
0x2c: {  	[tilespmem:s13+$0x1800] =	vst v0  }
0x2d: {  	[tilespmem:s13+$0x1810] =	vst v0  }
.Ltmp0:
0x2e: {  	[tilespmem:s13+$0x1820] =	vst v0;
	(pc) =	sbr.rel @p0 .LBB2_2-.Ltmp0, $4  }
0x2f: {  	[tilespmem:s13+$0x1830] =	vst v0  }
0x30: {  	[tilespmem:s13+$0x1840] =	vst v0  }
0x31: {  	[tilespmem:s13+$0x1850] =	vst v0  }
0x32: {  	[tilespmem:s13+$0x1860] =	vst v0;
	s13 =	sshra.s32 s14, $0x2;
	s14 =	sadd.s32 $0x200, s14  }
0x33: {  	[tilespmem:s13+$0x1870] =	vst v0  }
0x34: {  	[tilespmem:s13+$0x1800] =	vst v0  }
0x35: {  	[tilespmem:s13+$0x1810] =	vst v0  }
0x36: {  	[tilespmem:s13+$0x1820] =	vst v0  }
0x37: {  	[tilespmem:s13+$0x1830] =	vst v0  }
0x38: {  	[tilespmem:s13+$0x1840] =	vst v0  }
0x39: {  	[smem:$0x7F6] =	sst s12;
	[tilespmem:s13+$0x1850] =	vst v0  }
0x3a: {  	[tilespmem:s13+$0x1860] =	vst v0;
	s5 =	rddreg [dreg:$0x1d]  }
0x3b: {  	[spmem:s5] =	stream.linear.scatter [tilespmem:s15], [sflag:$0x5], $0x2800, $0x38;
	[tilespmem:$0x1C000] =	vst v63  }
0x3c: {  	_ =	swait.ge [sflag:s16], $0x2800  }
0x3d: {  	[sflag:s16] =	ssyncset.done $0x0  }
0x3e: {  	s13 =	rddreg [dreg:$0x1e];
	[sflag:s16] =	ssyncadd.s32 $0xFFFFD800  }
0x3f: {  	[spmem:s13] =	stream.linear.scatter [tilespmem:s15], [sflag:$0x5], $0x2800, $0x38;
	[tilespmem:$0x1C000] =	vst v63  }
0x40: {  	_ =	swait.ge [sflag:s16], $0x2800  }
0x41: {  	[sflag:s16] =	ssyncset.done $0x0  }
0x42: {  	s14 =	rddreg [dreg:$0x1f];
	[sflag:s16] =	ssyncadd.s32 $0xFFFFD800  }
0x43: {  	[spmem:s14] =	stream.linear.scatter [tilespmem:s15], [sflag:$0x5], $0x2800, $0x38;
	[tilespmem:$0x1C000] =	vst v63  }
0x44: {  	_ =	swait.ge [sflag:s16], $0x2800  }
0x45: {  	s12 =	sld [smem:$0x7F7]  }
0x46: {  	[sflag:s16] =	ssyncset.done $0x0  }
0x47: {  	[sflag:s16] =	ssyncadd.s32 $0xFFFFD800  }
0x48: {  	[spmem:s12] =	stream.linear.scatter [tilespmem:s15], [sflag:$0x5], $0x2800, $0x38;
	[tilespmem:$0x1C000] =	vst v63  }
0x49: {  	_ =	swait.ge [sflag:s16], $0x2800  }
0x4a: {  	s13 =	sld [smem:$0x7F8]  }
0x4b: {  	[sflag:s16] =	ssyncset.done $0x0  }
0x4c: {  	[sflag:s16] =	ssyncadd.s32 $0xFFFFD800  }
0x4d: {  	[spmem:s13] =	stream.linear.scatter [tilespmem:s15], [sflag:$0x5], $0x2800, $0x38;
	[tilespmem:$0x1C000] =	vst v63  }
0x4e: {  	_ =	swait.ge [sflag:s16], $0x2800  }
0x4f: {  	s14 =	sld [smem:$0x7F9]  }
0x50: {  	[sflag:s16] =	ssyncset.done $0x0  }
0x51: {  	[sflag:s16] =	ssyncadd.s32 $0xFFFFD800  }
0x52: {  	[spmem:s14] =	stream.linear.scatter [tilespmem:s15], [sflag:$0x5], $0x2800, $0x38;
	[tilespmem:$0x1C000] =	vst v63  }
0x53: {  	_ =	swait.ge [sflag:s16], $0x2800  }
0x54: {  	s12 =	sld [smem:$0x7FA]  }
0x55: {  	[sflag:s16] =	ssyncset.done $0x0  }
0x56: {  	[sflag:s16] =	ssyncadd.s32 $0xFFFFD800  }
0x57: {  	[spmem:s12] =	stream.linear.scatter [tilespmem:s15], [sflag:$0x5], $0x2800, $0x38;
	[tilespmem:$0x1C000] =	vst v63  }
0x58: {  	_ =	swait.ge [sflag:s16], $0x2800  }
0x59: {  	s13 =	sld [smem:$0x7FB]  }
0x5a: {  	[sflag:s16] =	ssyncset.done $0x0  }
0x5b: {  	[sflag:s16] =	ssyncadd.s32 $0xFFFFD800  }
0x5c: {  	[spmem:s13] =	stream.linear.scatter [tilespmem:s15], [sflag:$0x5], $0x2800, $0x38;
	[tilespmem:$0x1C000] =	vst v63  }
0x5d: {  	_ =	swait.ge [sflag:s16], $0x2800  }
0x5e: {  	[sflag:s16] =	ssyncset.done $0x0  }
0x5f: {  	[sflag:s16] =	ssyncadd.s32 $0xFFFFD800  }
0x60: {  	[bflag:$0x0] =	sbarrier.arrive $0xFFFF  }
0x61: {  	s14 =	rddreg [dreg:$0x5]  }
0x62: {  	s5 =	sadd.s32 $0x0, s14  }
0x63: {  	[tilespmem:s3], [sflag:$0x5] =	stream.linear.gather [hbm4b:s5+s3], $0xA00, $0x38;
	[tilespmem:$0x1C000] =	vst v63  }
0x64: {  	_ =	swait.ge [sflag:s16], $0xA00  }
0x65: {  	s12 =	rddreg [dreg:$0x4];
	[sflag:s16] =	ssyncset.done $0x0  }
0x66: {  	[sflag:s16] =	ssyncadd.s32 $0xFFFFF600;
	s5 =	sadd.s32 $0x0, s12  }
0x67: {  	[tilespmem:s17], [sflag:$0x5] =	stream.linear.gather [hbm4b:s5+s3], $0xA00, $0x38;
	[tilespmem:$0x1C000] =	vst v63  }
0x68: {  	_ =	swait.ge [sflag:s16], $0xA00  }
0x69: {  	[sflag:s16] =	ssyncset.done $0x0  }
0x6a: {  	[sflag:s16] =	ssyncadd.s32 $0xFFFFF600  }
0x6b: {  	[tilespmem:s15], [sflag:$0x1] =	stream.indirect.gather [hbm4b:s4+s18], $0x80, s3, s18, $0xb8;
	[tilespmem:$0x1C000] =	vst v63  }
0x6c: {  	s13 =	rddreg [dreg:$0x6]  }
0x6d: {  	[tilespmem:s19], [sflag:$0x2] =	stream.indirect.gather [hbm4b:s4+s18], $0x80, s13, s18, $0xb8;
	[tilespmem:$0x1C000] =	vst v63  }
0x6e: {  	_ =	swait.ge [sflag:s20], $0x3200  }
0x6f: {  	[sflag:s20] =	ssyncset.done $0x0  }
0x70: {  	[sflag:s20] =	ssyncadd.s32 $0xFFFFCE00  }
0x71: {  	[spmem:s2] =	stream.indirect.scatter.add.f32 [tilespmem:s15], [sflag:$0x3], $0x80, s17, s18, $0xb8;
	[tilespmem:$0x1C000] =	vst v63  }
0x72: {  	_ =	swait.ge [sflag:s21], $0x3200  }
0x73: {  	[sflag:s21] =	ssyncset.done $0x0  }
0x74: {  	s14 =	rddreg [dreg:$0x7];
	[sflag:s21] =	ssyncadd.s32 $0xFFFFCE00  }
0x75: {  	[tilespmem:s15], [sflag:$0x1] =	stream.indirect.gather [hbm4b:s4+s18], $0x80, s14, s18, $0xb8;
	[tilespmem:$0x1C000] =	vst v63  }
0x76: {  	_ =	swait.ge [sflag:s22], $0x3200  }
0x77: {  	[sflag:s22] =	ssyncset.done $0x0  }
0x78: {  	s12 =	rddreg [dreg:$0x8];
	[sflag:s22] =	ssyncadd.s32 $0xFFFFCE00  }
0x79: {  	[spmem:s2] =	stream.indirect.scatter.add.f32 [tilespmem:s19], [sflag:$0x4], $0x80, s12, s18, $0xb8;
	[tilespmem:$0x1C000] =	vst v63  }
0x7a: {  	_ =	swait.ge [sflag:s23], $0x3200  }
0x7b: {  	[sflag:s23] =	ssyncset.done $0x0  }
0x7c: {  	s13 =	rddreg [dreg:$0x9];
	[sflag:s23] =	ssyncadd.s32 $0xFFFFCE00  }
0x7d: {  	[tilespmem:s19], [sflag:$0x2] =	stream.indirect.gather [hbm4b:s4+s18], $0x80, s13, s18, $0xb8;
	[tilespmem:$0x1C000] =	vst v63  }
0x7e: {  	_ =	swait.ge [sflag:s20], $0x3200  }
0x7f: {  	[sflag:s20] =	ssyncset.done $0x0  }
0x80: {  	s14 =	rddreg [dreg:$0xa];
	[sflag:s20] =	ssyncadd.s32 $0xFFFFCE00  }
0x81: {  	[spmem:s2] =	stream.indirect.scatter.add.f32 [tilespmem:s15], [sflag:$0x3], $0x80, s14, s18, $0xb8;
	[tilespmem:$0x1C000] =	vst v63  }
0x82: {  	_ =	swait.ge [sflag:s21], $0x3200  }
0x83: {  	[sflag:s21] =	ssyncset.done $0x0  }
0x84: {  	s12 =	rddreg [dreg:$0xb];
	[sflag:s21] =	ssyncadd.s32 $0xFFFFCE00  }
0x85: {  	[tilespmem:s15], [sflag:$0x1] =	stream.indirect.gather [hbm4b:s4+s18], $0x80, s12, s18, $0xb8;
	[tilespmem:$0x1C000] =	vst v63  }
0x86: {  	_ =	swait.ge [sflag:s22], $0x3200  }
0x87: {  	[sflag:s22] =	ssyncset.done $0x0  }
0x88: {  	s13 =	rddreg [dreg:$0xc];
	[sflag:s22] =	ssyncadd.s32 $0xFFFFCE00  }
0x89: {  	[spmem:s2] =	stream.indirect.scatter.add.f32 [tilespmem:s19], [sflag:$0x4], $0x80, s13, s18, $0xb8;
	[tilespmem:$0x1C000] =	vst v63  }
0x8a: {  	_ =	swait.ge [sflag:s23], $0x3200  }
0x8b: {  	[sflag:s23] =	ssyncset.done $0x0  }
0x8c: {  	s14 =	rddreg [dreg:$0xd];
	[sflag:s23] =	ssyncadd.s32 $0xFFFFCE00  }
0x8d: {  	[tilespmem:s19], [sflag:$0x2] =	stream.indirect.gather [hbm4b:s4+s18], $0x80, s14, s18, $0xb8;
	[tilespmem:$0x1C000] =	vst v63  }
0x8e: {  	_ =	swait.ge [sflag:s20], $0x3200  }
0x8f: {  	[sflag:s20] =	ssyncset.done $0x0  }
0x90: {  	s12 =	rddreg [dreg:$0xe];
	[sflag:s20] =	ssyncadd.s32 $0xFFFFCE00  }
0x91: {  	[spmem:s2] =	stream.indirect.scatter.add.f32 [tilespmem:s15], [sflag:$0x3], $0x80, s12, s18, $0xb8;
	[tilespmem:$0x1C000] =	vst v63  }
0x92: {  	_ =	swait.ge [sflag:s21], $0x3200  }
0x93: {  	[sflag:s21] =	ssyncset.done $0x0  }
0x94: {  	s13 =	rddreg [dreg:$0xf];
	[sflag:s21] =	ssyncadd.s32 $0xFFFFCE00  }
0x95: {  	[tilespmem:s15], [sflag:$0x1] =	stream.indirect.gather [hbm4b:s4+s18], $0x80, s13, s18, $0xb8;
	[tilespmem:$0x1C000] =	vst v63  }
0x96: {  	_ =	swait.ge [sflag:s22], $0x3200  }
0x97: {  	[sflag:s22] =	ssyncset.done $0x0  }
0x98: {  	s14 =	rddreg [dreg:$0x10];
	[sflag:s22] =	ssyncadd.s32 $0xFFFFCE00  }
0x99: {  	[spmem:s2] =	stream.indirect.scatter.add.f32 [tilespmem:s19], [sflag:$0x4], $0x80, s14, s18, $0xb8;
	[tilespmem:$0x1C000] =	vst v63  }
0x9a: {  	_ =	swait.ge [sflag:s23], $0x3200  }
0x9b: {  	[sflag:s23] =	ssyncset.done $0x0  }
0x9c: {  	s12 =	rddreg [dreg:$0x11];
	[sflag:s23] =	ssyncadd.s32 $0xFFFFCE00  }
0x9d: {  	[tilespmem:s19], [sflag:$0x2] =	stream.indirect.gather [hbm4b:s4+s18], $0x80, s12, s18, $0xb8;
	[tilespmem:$0x1C000] =	vst v63  }
0x9e: {  	_ =	swait.ge [sflag:s20], $0x3200  }
0x9f: {  	[sflag:s20] =	ssyncset.done $0x0  }
0xa0: {  	s13 =	rddreg [dreg:$0x12];
	[sflag:s20] =	ssyncadd.s32 $0xFFFFCE00  }
0xa1: {  	[spmem:s2] =	stream.indirect.scatter.add.f32 [tilespmem:s15], [sflag:$0x3], $0x80, s13, s18, $0xb8;
	[tilespmem:$0x1C000] =	vst v63  }
0xa2: {  	_ =	swait.ge [sflag:s21], $0x3200  }
0xa3: {  	[sflag:s21] =	ssyncset.done $0x0  }
0xa4: {  	s14 =	rddreg [dreg:$0x13];
	[sflag:s21] =	ssyncadd.s32 $0xFFFFCE00  }
0xa5: {  	[tilespmem:s15], [sflag:$0x1] =	stream.indirect.gather [hbm4b:s4+s18], $0x80, s14, s18, $0xb8;
	[tilespmem:$0x1C000] =	vst v63  }
0xa6: {  	_ =	swait.ge [sflag:s22], $0x3200  }
0xa7: {  	[sflag:s22] =	ssyncset.done $0x0  }
0xa8: {  	s12 =	rddreg [dreg:$0x14];
	[sflag:s22] =	ssyncadd.s32 $0xFFFFCE00  }
0xa9: {  	[spmem:s2] =	stream.indirect.scatter.add.f32 [tilespmem:s19], [sflag:$0x4], $0x80, s12, s18, $0xb8;
	[tilespmem:$0x1C000] =	vst v63  }
0xaa: {  	_ =	swait.ge [sflag:s23], $0x3200  }
0xab: {  	[sflag:s23] =	ssyncset.done $0x0  }
0xac: {  	s13 =	rddreg [dreg:$0x15];
	[sflag:s23] =	ssyncadd.s32 $0xFFFFCE00  }
0xad: {  	[tilespmem:s19], [sflag:$0x2] =	stream.indirect.gather [hbm4b:s4+s18], $0x80, s13, s18, $0xb8;
	[tilespmem:$0x1C000] =	vst v63  }
0xae: {  	_ =	swait.ge [sflag:s20], $0x3200  }
0xaf: {  	[sflag:s20] =	ssyncset.done $0x0  }
0xb0: {  	s14 =	rddreg [dreg:$0x16];
	[sflag:s20] =	ssyncadd.s32 $0xFFFFCE00  }
0xb1: {  	[spmem:s2] =	stream.indirect.scatter.add.f32 [tilespmem:s15], [sflag:$0x3], $0x80, s14, s18, $0xb8;
	[tilespmem:$0x1C000] =	vst v63  }
0xb2: {  	_ =	swait.ge [sflag:s21], $0x3200  }
0xb3: {  	[sflag:s21] =	ssyncset.done $0x0  }
0xb4: {  	s12 =	rddreg [dreg:$0x17];
	[sflag:s21] =	ssyncadd.s32 $0xFFFFCE00  }
0xb5: {  	[tilespmem:s15], [sflag:$0x1] =	stream.indirect.gather [hbm4b:s4+s18], $0x80, s12, s18, $0xb8;
	[tilespmem:$0x1C000] =	vst v63  }
0xb6: {  	_ =	swait.ge [sflag:s22], $0x3200  }
0xb7: {  	[sflag:s22] =	ssyncset.done $0x0  }
0xb8: {  	s13 =	rddreg [dreg:$0x18];
	[sflag:s22] =	ssyncadd.s32 $0xFFFFCE00  }
0xb9: {  	[spmem:s2] =	stream.indirect.scatter.add.f32 [tilespmem:s19], [sflag:$0x4], $0x80, s13, s18, $0xb8;
	[tilespmem:$0x1C000] =	vst v63  }
0xba: {  	_ =	swait.ge [sflag:s23], $0x3200  }
0xbb: {  	[sflag:s23] =	ssyncset.done $0x0  }
0xbc: {  	s14 =	rddreg [dreg:$0x19];
	[sflag:s23] =	ssyncadd.s32 $0xFFFFCE00  }
0xbd: {  	[tilespmem:s19], [sflag:$0x2] =	stream.indirect.gather [hbm4b:s4+s18], $0x80, s14, s18, $0xb8;
	[tilespmem:$0x1C000] =	vst v63  }
0xbe: {  	_ =	swait.ge [sflag:s20], $0x3200  }
0xbf: {  	[sflag:s20] =	ssyncset.done $0x0  }
0xc0: {  	s12 =	rddreg [dreg:$0x1a];
	[sflag:s20] =	ssyncadd.s32 $0xFFFFCE00  }
0xc1: {  	[spmem:s2] =	stream.indirect.scatter.add.f32 [tilespmem:s15], [sflag:$0x3], $0x80, s12, s18, $0xb8;
	[tilespmem:$0x1C000] =	vst v63  }
0xc2: {  	_ =	swait.ge [sflag:s21], $0x3200  }
0xc3: {  	[sflag:s21] =	ssyncset.done $0x0  }
0xc4: {  	s13 =	rddreg [dreg:$0x1b];
	[sflag:s21] =	ssyncadd.s32 $0xFFFFCE00  }
0xc5: {  	[tilespmem:s15], [sflag:$0x1] =	stream.indirect.gather [hbm4b:s4+s18], $0x80, s13, s18, $0xb8;
	[tilespmem:$0x1C000] =	vst v63  }
0xc6: {  	_ =	swait.ge [sflag:s22], $0x3200  }
0xc7: {  	[sflag:s22] =	ssyncset.done $0x0  }
0xc8: {  	s14 =	rddreg [dreg:$0x1c];
	[sflag:s22] =	ssyncadd.s32 $0xFFFFCE00  }
0xc9: {  	[spmem:s2] =	stream.indirect.scatter.add.f32 [tilespmem:s19], [sflag:$0x4], $0x80, s14, s18, $0xb8;
	[tilespmem:$0x1C000] =	vst v63  }
0xca: {  	_ =	swait.ge [sflag:s23], $0x3200  }
0xcb: {  	[sflag:s23] =	ssyncset.done $0x0  }
0xcc: {  	[sflag:s23] =	ssyncadd.s32 $0xFFFFCE00  }
0xcd: {  	[tilespmem:s19], [sflag:$0x2] =	stream.indirect.gather [hbm4b:s4+s18], $0x80, s24, s18, $0xb8;
	[tilespmem:$0x1C000] =	vst v63  }
0xce: {  	_ =	swait.ge [sflag:s20], $0x3200  }
0xcf: {  	[sflag:s20] =	ssyncset.done $0x0  }
0xd0: {  	[sflag:s20] =	ssyncadd.s32 $0xFFFFCE00  }
0xd1: {  	[spmem:s2] =	stream.indirect.scatter.add.f32 [tilespmem:s15], [sflag:$0x3], $0x80, s25, s18, $0xb8;
	[tilespmem:$0x1C000] =	vst v63  }
0xd2: {  	_ =	swait.ge [sflag:s21], $0x3200  }
0xd3: {  	[sflag:s21] =	ssyncset.done $0x0  }
0xd4: {  	[sflag:s21] =	ssyncadd.s32 $0xFFFFCE00  }
0xd5: {  	[tilespmem:s15], [sflag:$0x1] =	stream.indirect.gather [hbm4b:s4+s18], $0x80, s26, s18, $0xb8;
	[tilespmem:$0x1C000] =	vst v63  }
0xd6: {  	_ =	swait.ge [sflag:s22], $0x3200  }
0xd7: {  	[sflag:s22] =	ssyncset.done $0x0  }
0xd8: {  	[sflag:s22] =	ssyncadd.s32 $0xFFFFCE00  }
0xd9: {  	[spmem:s2] =	stream.indirect.scatter.add.f32 [tilespmem:s19], [sflag:$0x4], $0x80, s28, s18, $0xb8;
	[tilespmem:$0x1C000] =	vst v63  }
0xda: {  	_ =	swait.ge [sflag:s23], $0x3200  }
0xdb: {  	[sflag:s23] =	ssyncset.done $0x0  }
0xdc: {  	[sflag:s23] =	ssyncadd.s32 $0xFFFFCE00  }
0xdd: {  	[tilespmem:s19], [sflag:$0x2] =	stream.indirect.gather [hbm4b:s4+s18], $0x80, s29, s18, $0xb8;
	[tilespmem:$0x1C000] =	vst v63  }
0xde: {  	_ =	swait.ge [sflag:s20], $0x3200  }
0xdf: {  	[sflag:s20] =	ssyncset.done $0x0  }
0xe0: {  	[sflag:s20] =	ssyncadd.s32 $0xFFFFCE00  }
0xe1: {  	[spmem:s2] =	stream.indirect.scatter.add.f32 [tilespmem:s15], [sflag:$0x3], $0x80, s30, s18, $0xb8;
	[tilespmem:$0x1C000] =	vst v63  }
0xe2: {  	_ =	swait.ge [sflag:s21], $0x3200  }
0xe3: {  	[sflag:s21] =	ssyncset.done $0x0  }
0xe4: {  	[sflag:s21] =	ssyncadd.s32 $0xFFFFCE00  }
0xe5: {  	[tilespmem:s15], [sflag:$0x1] =	stream.indirect.gather [hbm4b:s4+s18], $0x80, s31, s18, $0xb8;
	[tilespmem:$0x1C000] =	vst v63  }
0xe6: {  	_ =	swait.ge [sflag:s22], $0x3200  }
0xe7: {  	[sflag:s22] =	ssyncset.done $0x0  }
0xe8: {  	[sflag:s22] =	ssyncadd.s32 $0xFFFFCE00  }
0xe9: {  	[spmem:s2] =	stream.indirect.scatter.add.f32 [tilespmem:s19], [sflag:$0x4], $0x80, s1, s18, $0xb8;
	[tilespmem:$0x1C000] =	vst v63  }
0xea: {  	_ =	swait.ge [sflag:s23], $0x3200  }
0xeb: {  	[sflag:s23] =	ssyncset.done $0x0  }
0xec: {  	[sflag:s23] =	ssyncadd.s32 $0xFFFFCE00  }
0xed: {  	[tilespmem:s19], [sflag:$0x2] =	stream.indirect.gather [hbm4b:s4+s18], $0x80, s0, s18, $0xb8;
	[tilespmem:$0x1C000] =	vst v63  }
0xee: {  	_ =	swait.ge [sflag:s20], $0x3200  }
0xef: {  	[sflag:s20] =	ssyncset.done $0x0  }
0xf0: {  	[sflag:s20] =	ssyncadd.s32 $0xFFFFCE00  }
0xf1: {  	[spmem:s2] =	stream.indirect.scatter.add.f32 [tilespmem:s15], [sflag:$0x3], $0x80, s6, s18, $0xb8;
	[tilespmem:$0x1C000] =	vst v63  }
0xf2: {  	_ =	swait.ge [sflag:s21], $0x3200  }
0xf3: {  	[sflag:s21] =	ssyncset.done $0x0  }
0xf4: {  	[sflag:s21] =	ssyncadd.s32 $0xFFFFCE00  }
0xf5: {  	[tilespmem:s15], [sflag:$0x1] =	stream.indirect.gather [hbm4b:s4+s18], $0x80, s7, s18, $0xb8;
	[tilespmem:$0x1C000] =	vst v63  }
0xf6: {  	_ =	swait.ge [sflag:s22], $0x3200  }
0xf7: {  	[sflag:s22] =	ssyncset.done $0x0  }
0xf8: {  	[sflag:s22] =	ssyncadd.s32 $0xFFFFCE00  }
0xf9: {  	[spmem:s2] =	stream.indirect.scatter.add.f32 [tilespmem:s19], [sflag:$0x4], $0x80, s8, s18, $0xb8;
	[tilespmem:$0x1C000] =	vst v63  }
0xfa: {  	_ =	swait.ge [sflag:s23], $0x3200  }
0xfb: {  	[sflag:s23] =	ssyncset.done $0x0  }
0xfc: {  	[sflag:s23] =	ssyncadd.s32 $0xFFFFCE00  }
0xfd: {  	[tilespmem:s19], [sflag:$0x2] =	stream.indirect.gather [hbm4b:s4+s18], $0x80, s9, s18, $0xb8;
	[tilespmem:$0x1C000] =	vst v63  }
0xfe: {  	_ =	swait.ge [sflag:s20], $0x3200  }
0xff: {  	[sflag:s20] =	ssyncset.done $0x0  }
0x100: {  	[sflag:s20] =	ssyncadd.s32 $0xFFFFCE00  }
0x101: {  	[spmem:s2] =	stream.indirect.scatter.add.f32 [tilespmem:s15], [sflag:$0x3], $0x80, s10, s18, $0xb8;
	[tilespmem:$0x1C000] =	vst v63  }
0x102: {  	_ =	swait.ge [sflag:s22], $0x3200  }
0x103: {  	[sflag:s22] =	ssyncset.done $0x0  }
0x104: {  	[sflag:s22] =	ssyncadd.s32 $0xFFFFCE00  }
0x105: {  	[spmem:s2] =	stream.indirect.scatter.add.f32 [tilespmem:s19], [sflag:$0x4], $0x80, s11, s18, $0xb8;
	[tilespmem:$0x1C000] =	vst v63  }
0x106: {  	_ =	swait.ge [sflag:s21], $0x3200  }
0x107: {  	[sflag:s21] =	ssyncset.done $0x0  }
0x108: {  	[sflag:s21] =	ssyncadd.s32 $0xFFFFCE00  }
0x109: {  	s13 =	simm.s32 $0x180;
	_ =	swait.ge [sflag:s23], $0x3200  }
0x10a: {  	s14 =	simm.s32 $0x300;
	s5 =	rddreg [dreg:$0x5];
	[sflag:s23] =	ssyncset.done $0x0  }
.LBB2_4:
0x10b: {  	[sflag:s23] =	ssyncadd.s32 $0xFFFFCE00;
	s5 =	sadd.s32 s13, s5  }
0x10c: {  	[tilespmem:s3], [sflag:$0x5] =	stream.linear.gather [hbm4b:s5+s3], $0xA00, $0x38;
	[tilespmem:$0x1C000] =	vst v63  }
0x10d: {  	_ =	swait.ge [sflag:s16], $0xA00  }
0x10e: {  	s5 =	rddreg [dreg:$0x4];
	[sflag:s16] =	ssyncset.done $0x0  }
0x10f: {  	[sflag:s16] =	ssyncadd.s32 $0xFFFFF600;
	s5 =	sadd.s32 s13, s5  }
0x110: {  	[tilespmem:s17], [sflag:$0x5] =	stream.linear.gather [hbm4b:s5+s3], $0xA00, $0x38;
	[tilespmem:$0x1C000] =	vst v63  }
0x111: {  	_ =	swait.ge [sflag:s16], $0xA00  }
0x112: {  	[sflag:s16] =	ssyncset.done $0x0  }
0x113: {  	s12 =	smov.u32 s14;
	[sflag:s16] =	ssyncadd.s32 $0xFFFFF600  }
0x114: {  	[tilespmem:s15], [sflag:$0x1] =	stream.indirect.gather [hbm4b:s4+s18], $0x80, s3, s18, $0xb8;
	[tilespmem:$0x1C000] =	vst v63  }
0x115: {  	s13 =	smov.u32 s12;
	s12 =	rddreg [dreg:$0x6]  }
0x116: {  	[tilespmem:s19], [sflag:$0x2] =	stream.indirect.gather [hbm4b:s4+s18], $0x80, s12, s18, $0xb8;
	[tilespmem:$0x1C000] =	vst v63  }
0x117: {  	_ =	swait.ge [sflag:s20], $0x3200  }
0x118: {  	[sflag:s20] =	ssyncset.done $0x0  }
0x119: {  	[sflag:s20] =	ssyncadd.s32 $0xFFFFCE00  }
0x11a: {  	[spmem:s2] =	stream.indirect.scatter.add.f32 [tilespmem:s15], [sflag:$0x3], $0x80, s17, s18, $0xb8;
	[tilespmem:$0x1C000] =	vst v63  }
0x11b: {  	_ =	swait.ge [sflag:s21], $0x3200  }
0x11c: {  	[sflag:s21] =	ssyncset.done $0x0  }
0x11d: {  	s12 =	rddreg [dreg:$0x7];
	[sflag:s21] =	ssyncadd.s32 $0xFFFFCE00  }
0x11e: {  	[tilespmem:s15], [sflag:$0x1] =	stream.indirect.gather [hbm4b:s4+s18], $0x80, s12, s18, $0xb8;
	[tilespmem:$0x1C000] =	vst v63  }
0x11f: {  	_ =	swait.ge [sflag:s22], $0x3200  }
0x120: {  	[sflag:s22] =	ssyncset.done $0x0  }
0x121: {  	s12 =	rddreg [dreg:$0x8];
	[sflag:s22] =	ssyncadd.s32 $0xFFFFCE00  }
0x122: {  	[spmem:s2] =	stream.indirect.scatter.add.f32 [tilespmem:s19], [sflag:$0x4], $0x80, s12, s18, $0xb8;
	[tilespmem:$0x1C000] =	vst v63  }
0x123: {  	_ =	swait.ge [sflag:s23], $0x3200  }
0x124: {  	[sflag:s23] =	ssyncset.done $0x0  }
0x125: {  	s12 =	rddreg [dreg:$0x9];
	[sflag:s23] =	ssyncadd.s32 $0xFFFFCE00  }
0x126: {  	[tilespmem:s19], [sflag:$0x2] =	stream.indirect.gather [hbm4b:s4+s18], $0x80, s12, s18, $0xb8;
	[tilespmem:$0x1C000] =	vst v63  }
0x127: {  	_ =	swait.ge [sflag:s20], $0x3200  }
0x128: {  	[sflag:s20] =	ssyncset.done $0x0  }
0x129: {  	s12 =	rddreg [dreg:$0xa];
	[sflag:s20] =	ssyncadd.s32 $0xFFFFCE00  }
0x12a: {  	[spmem:s2] =	stream.indirect.scatter.add.f32 [tilespmem:s15], [sflag:$0x3], $0x80, s12, s18, $0xb8;
	[tilespmem:$0x1C000] =	vst v63  }
0x12b: {  	_ =	swait.ge [sflag:s21], $0x3200  }
0x12c: {  	[sflag:s21] =	ssyncset.done $0x0  }
0x12d: {  	s12 =	rddreg [dreg:$0xb];
	[sflag:s21] =	ssyncadd.s32 $0xFFFFCE00  }
0x12e: {  	[tilespmem:s15], [sflag:$0x1] =	stream.indirect.gather [hbm4b:s4+s18], $0x80, s12, s18, $0xb8;
	[tilespmem:$0x1C000] =	vst v63  }
0x12f: {  	_ =	swait.ge [sflag:s22], $0x3200  }
0x130: {  	[sflag:s22] =	ssyncset.done $0x0  }
0x131: {  	s12 =	rddreg [dreg:$0xc];
	[sflag:s22] =	ssyncadd.s32 $0xFFFFCE00  }
0x132: {  	[spmem:s2] =	stream.indirect.scatter.add.f32 [tilespmem:s19], [sflag:$0x4], $0x80, s12, s18, $0xb8;
	[tilespmem:$0x1C000] =	vst v63  }
0x133: {  	_ =	swait.ge [sflag:s23], $0x3200  }
0x134: {  	[sflag:s23] =	ssyncset.done $0x0  }
0x135: {  	s12 =	rddreg [dreg:$0xd];
	[sflag:s23] =	ssyncadd.s32 $0xFFFFCE00  }
0x136: {  	[tilespmem:s19], [sflag:$0x2] =	stream.indirect.gather [hbm4b:s4+s18], $0x80, s12, s18, $0xb8;
	[tilespmem:$0x1C000] =	vst v63  }
0x137: {  	_ =	swait.ge [sflag:s20], $0x3200  }
0x138: {  	[sflag:s20] =	ssyncset.done $0x0  }
0x139: {  	s12 =	rddreg [dreg:$0xe];
	[sflag:s20] =	ssyncadd.s32 $0xFFFFCE00  }
0x13a: {  	[spmem:s2] =	stream.indirect.scatter.add.f32 [tilespmem:s15], [sflag:$0x3], $0x80, s12, s18, $0xb8;
	[tilespmem:$0x1C000] =	vst v63  }
0x13b: {  	_ =	swait.ge [sflag:s21], $0x3200  }
0x13c: {  	[sflag:s21] =	ssyncset.done $0x0  }
0x13d: {  	s12 =	rddreg [dreg:$0xf];
	[sflag:s21] =	ssyncadd.s32 $0xFFFFCE00  }
0x13e: {  	[tilespmem:s15], [sflag:$0x1] =	stream.indirect.gather [hbm4b:s4+s18], $0x80, s12, s18, $0xb8;
	[tilespmem:$0x1C000] =	vst v63  }
0x13f: {  	_ =	swait.ge [sflag:s22], $0x3200  }
0x140: {  	[sflag:s22] =	ssyncset.done $0x0  }
0x141: {  	s12 =	rddreg [dreg:$0x10];
	[sflag:s22] =	ssyncadd.s32 $0xFFFFCE00  }
0x142: {  	[spmem:s2] =	stream.indirect.scatter.add.f32 [tilespmem:s19], [sflag:$0x4], $0x80, s12, s18, $0xb8;
	[tilespmem:$0x1C000] =	vst v63  }
0x143: {  	_ =	swait.ge [sflag:s23], $0x3200  }
0x144: {  	[sflag:s23] =	ssyncset.done $0x0  }
0x145: {  	s12 =	rddreg [dreg:$0x11];
	[sflag:s23] =	ssyncadd.s32 $0xFFFFCE00  }
0x146: {  	[tilespmem:s19], [sflag:$0x2] =	stream.indirect.gather [hbm4b:s4+s18], $0x80, s12, s18, $0xb8;
	[tilespmem:$0x1C000] =	vst v63  }
0x147: {  	_ =	swait.ge [sflag:s20], $0x3200  }
0x148: {  	[sflag:s20] =	ssyncset.done $0x0  }
0x149: {  	s12 =	rddreg [dreg:$0x12];
	[sflag:s20] =	ssyncadd.s32 $0xFFFFCE00  }
0x14a: {  	[spmem:s2] =	stream.indirect.scatter.add.f32 [tilespmem:s15], [sflag:$0x3], $0x80, s12, s18, $0xb8;
	[tilespmem:$0x1C000] =	vst v63  }
0x14b: {  	_ =	swait.ge [sflag:s21], $0x3200  }
0x14c: {  	[sflag:s21] =	ssyncset.done $0x0  }
0x14d: {  	s12 =	rddreg [dreg:$0x13];
	[sflag:s21] =	ssyncadd.s32 $0xFFFFCE00  }
0x14e: {  	[tilespmem:s15], [sflag:$0x1] =	stream.indirect.gather [hbm4b:s4+s18], $0x80, s12, s18, $0xb8;
	[tilespmem:$0x1C000] =	vst v63  }
0x14f: {  	_ =	swait.ge [sflag:s22], $0x3200  }
0x150: {  	[sflag:s22] =	ssyncset.done $0x0  }
0x151: {  	s12 =	rddreg [dreg:$0x14];
	[sflag:s22] =	ssyncadd.s32 $0xFFFFCE00  }
0x152: {  	[spmem:s2] =	stream.indirect.scatter.add.f32 [tilespmem:s19], [sflag:$0x4], $0x80, s12, s18, $0xb8;
	[tilespmem:$0x1C000] =	vst v63  }
0x153: {  	_ =	swait.ge [sflag:s23], $0x3200  }
0x154: {  	[sflag:s23] =	ssyncset.done $0x0  }
0x155: {  	s12 =	rddreg [dreg:$0x15];
	[sflag:s23] =	ssyncadd.s32 $0xFFFFCE00  }
0x156: {  	[tilespmem:s19], [sflag:$0x2] =	stream.indirect.gather [hbm4b:s4+s18], $0x80, s12, s18, $0xb8;
	[tilespmem:$0x1C000] =	vst v63  }
0x157: {  	_ =	swait.ge [sflag:s20], $0x3200  }
0x158: {  	[sflag:s20] =	ssyncset.done $0x0  }
0x159: {  	s12 =	rddreg [dreg:$0x16];
	[sflag:s20] =	ssyncadd.s32 $0xFFFFCE00  }
0x15a: {  	[spmem:s2] =	stream.indirect.scatter.add.f32 [tilespmem:s15], [sflag:$0x3], $0x80, s12, s18, $0xb8;
	[tilespmem:$0x1C000] =	vst v63  }
0x15b: {  	_ =	swait.ge [sflag:s21], $0x3200  }
0x15c: {  	[sflag:s21] =	ssyncset.done $0x0  }
0x15d: {  	s12 =	rddreg [dreg:$0x17];
	[sflag:s21] =	ssyncadd.s32 $0xFFFFCE00  }
0x15e: {  	[tilespmem:s15], [sflag:$0x1] =	stream.indirect.gather [hbm4b:s4+s18], $0x80, s12, s18, $0xb8;
	[tilespmem:$0x1C000] =	vst v63  }
0x15f: {  	_ =	swait.ge [sflag:s22], $0x3200  }
0x160: {  	[sflag:s22] =	ssyncset.done $0x0  }
0x161: {  	s12 =	rddreg [dreg:$0x18];
	[sflag:s22] =	ssyncadd.s32 $0xFFFFCE00  }
0x162: {  	[spmem:s2] =	stream.indirect.scatter.add.f32 [tilespmem:s19], [sflag:$0x4], $0x80, s12, s18, $0xb8;
	[tilespmem:$0x1C000] =	vst v63  }
0x163: {  	_ =	swait.ge [sflag:s23], $0x3200  }
0x164: {  	[sflag:s23] =	ssyncset.done $0x0  }
0x165: {  	s12 =	rddreg [dreg:$0x19];
	[sflag:s23] =	ssyncadd.s32 $0xFFFFCE00  }
0x166: {  	[tilespmem:s19], [sflag:$0x2] =	stream.indirect.gather [hbm4b:s4+s18], $0x80, s12, s18, $0xb8;
	[tilespmem:$0x1C000] =	vst v63  }
0x167: {  	_ =	swait.ge [sflag:s20], $0x3200  }
0x168: {  	[sflag:s20] =	ssyncset.done $0x0  }
0x169: {  	s12 =	rddreg [dreg:$0x1a];
	[sflag:s20] =	ssyncadd.s32 $0xFFFFCE00  }
0x16a: {  	[spmem:s2] =	stream.indirect.scatter.add.f32 [tilespmem:s15], [sflag:$0x3], $0x80, s12, s18, $0xb8;
	[tilespmem:$0x1C000] =	vst v63  }
0x16b: {  	_ =	swait.ge [sflag:s21], $0x3200  }
0x16c: {  	[sflag:s21] =	ssyncset.done $0x0  }
0x16d: {  	s12 =	rddreg [dreg:$0x1b];
	[sflag:s21] =	ssyncadd.s32 $0xFFFFCE00  }
0x16e: {  	[tilespmem:s15], [sflag:$0x1] =	stream.indirect.gather [hbm4b:s4+s18], $0x80, s12, s18, $0xb8;
	[tilespmem:$0x1C000] =	vst v63  }
0x16f: {  	_ =	swait.ge [sflag:s22], $0x3200  }
0x170: {  	[sflag:s22] =	ssyncset.done $0x0  }
0x171: {  	s12 =	rddreg [dreg:$0x1c];
	[sflag:s22] =	ssyncadd.s32 $0xFFFFCE00  }
0x172: {  	[spmem:s2] =	stream.indirect.scatter.add.f32 [tilespmem:s19], [sflag:$0x4], $0x80, s12, s18, $0xb8;
	[tilespmem:$0x1C000] =	vst v63  }
0x173: {  	_ =	swait.ge [sflag:s23], $0x3200  }
0x174: {  	[sflag:s23] =	ssyncset.done $0x0  }
0x175: {  	[sflag:s23] =	ssyncadd.s32 $0xFFFFCE00  }
0x176: {  	[tilespmem:s19], [sflag:$0x2] =	stream.indirect.gather [hbm4b:s4+s18], $0x80, s24, s18, $0xb8;
	[tilespmem:$0x1C000] =	vst v63  }
0x177: {  	_ =	swait.ge [sflag:s20], $0x3200  }
0x178: {  	[sflag:s20] =	ssyncset.done $0x0  }
0x179: {  	[sflag:s20] =	ssyncadd.s32 $0xFFFFCE00  }
0x17a: {  	[spmem:s2] =	stream.indirect.scatter.add.f32 [tilespmem:s15], [sflag:$0x3], $0x80, s25, s18, $0xb8;
	[tilespmem:$0x1C000] =	vst v63  }
0x17b: {  	_ =	swait.ge [sflag:s21], $0x3200  }
0x17c: {  	[sflag:s21] =	ssyncset.done $0x0  }
0x17d: {  	[sflag:s21] =	ssyncadd.s32 $0xFFFFCE00  }
0x17e: {  	[tilespmem:s15], [sflag:$0x1] =	stream.indirect.gather [hbm4b:s4+s18], $0x80, s26, s18, $0xb8;
	[tilespmem:$0x1C000] =	vst v63  }
0x17f: {  	_ =	swait.ge [sflag:s22], $0x3200  }
0x180: {  	[sflag:s22] =	ssyncset.done $0x0  }
0x181: {  	[sflag:s22] =	ssyncadd.s32 $0xFFFFCE00  }
0x182: {  	[spmem:s2] =	stream.indirect.scatter.add.f32 [tilespmem:s19], [sflag:$0x4], $0x80, s28, s18, $0xb8;
	[tilespmem:$0x1C000] =	vst v63  }
0x183: {  	_ =	swait.ge [sflag:s23], $0x3200  }
0x184: {  	[sflag:s23] =	ssyncset.done $0x0  }
0x185: {  	[sflag:s23] =	ssyncadd.s32 $0xFFFFCE00  }
0x186: {  	[tilespmem:s19], [sflag:$0x2] =	stream.indirect.gather [hbm4b:s4+s18], $0x80, s29, s18, $0xb8;
	[tilespmem:$0x1C000] =	vst v63  }
0x187: {  	_ =	swait.ge [sflag:s20], $0x3200  }
0x188: {  	[sflag:s20] =	ssyncset.done $0x0  }
0x189: {  	[sflag:s20] =	ssyncadd.s32 $0xFFFFCE00  }
0x18a: {  	[spmem:s2] =	stream.indirect.scatter.add.f32 [tilespmem:s15], [sflag:$0x3], $0x80, s30, s18, $0xb8;
	[tilespmem:$0x1C000] =	vst v63  }
0x18b: {  	_ =	swait.ge [sflag:s21], $0x3200  }
0x18c: {  	[sflag:s21] =	ssyncset.done $0x0  }
0x18d: {  	[sflag:s21] =	ssyncadd.s32 $0xFFFFCE00  }
0x18e: {  	[tilespmem:s15], [sflag:$0x1] =	stream.indirect.gather [hbm4b:s4+s18], $0x80, s31, s18, $0xb8;
	[tilespmem:$0x1C000] =	vst v63  }
0x18f: {  	_ =	swait.ge [sflag:s22], $0x3200  }
0x190: {  	[sflag:s22] =	ssyncset.done $0x0  }
0x191: {  	[sflag:s22] =	ssyncadd.s32 $0xFFFFCE00  }
0x192: {  	[spmem:s2] =	stream.indirect.scatter.add.f32 [tilespmem:s19], [sflag:$0x4], $0x80, s1, s18, $0xb8;
	[tilespmem:$0x1C000] =	vst v63  }
0x193: {  	_ =	swait.ge [sflag:s23], $0x3200  }
0x194: {  	[sflag:s23] =	ssyncset.done $0x0  }
0x195: {  	[sflag:s23] =	ssyncadd.s32 $0xFFFFCE00  }
0x196: {  	[tilespmem:s19], [sflag:$0x2] =	stream.indirect.gather [hbm4b:s4+s18], $0x80, s0, s18, $0xb8;
	[tilespmem:$0x1C000] =	vst v63  }
0x197: {  	_ =	swait.ge [sflag:s20], $0x3200  }
0x198: {  	[sflag:s20] =	ssyncset.done $0x0  }
0x199: {  	[sflag:s20] =	ssyncadd.s32 $0xFFFFCE00  }
0x19a: {  	[spmem:s2] =	stream.indirect.scatter.add.f32 [tilespmem:s15], [sflag:$0x3], $0x80, s6, s18, $0xb8;
	[tilespmem:$0x1C000] =	vst v63  }
0x19b: {  	_ =	swait.ge [sflag:s21], $0x3200  }
0x19c: {  	[sflag:s21] =	ssyncset.done $0x0  }
0x19d: {  	[sflag:s21] =	ssyncadd.s32 $0xFFFFCE00  }
0x19e: {  	[tilespmem:s15], [sflag:$0x1] =	stream.indirect.gather [hbm4b:s4+s18], $0x80, s7, s18, $0xb8;
	[tilespmem:$0x1C000] =	vst v63  }
0x19f: {  	_ =	swait.ge [sflag:s22], $0x3200  }
0x1a0: {  	[sflag:s22] =	ssyncset.done $0x0  }
0x1a1: {  	[sflag:s22] =	ssyncadd.s32 $0xFFFFCE00  }
0x1a2: {  	[spmem:s2] =	stream.indirect.scatter.add.f32 [tilespmem:s19], [sflag:$0x4], $0x80, s8, s18, $0xb8;
	[tilespmem:$0x1C000] =	vst v63  }
0x1a3: {  	_ =	swait.ge [sflag:s23], $0x3200  }
0x1a4: {  	[sflag:s23] =	ssyncset.done $0x0  }
0x1a5: {  	[sflag:s23] =	ssyncadd.s32 $0xFFFFCE00  }
0x1a6: {  	[tilespmem:s19], [sflag:$0x2] =	stream.indirect.gather [hbm4b:s4+s18], $0x80, s9, s18, $0xb8;
	[tilespmem:$0x1C000] =	vst v63  }
0x1a7: {  	_ =	swait.ge [sflag:s20], $0x3200  }
0x1a8: {  	[sflag:s20] =	ssyncset.done $0x0  }
0x1a9: {  	[sflag:s20] =	ssyncadd.s32 $0xFFFFCE00  }
0x1aa: {  	[spmem:s2] =	stream.indirect.scatter.add.f32 [tilespmem:s15], [sflag:$0x3], $0x80, s10, s18, $0xb8;
	[tilespmem:$0x1C000] =	vst v63  }
0x1ab: {  	_ =	swait.ge [sflag:s22], $0x3200  }
0x1ac: {  	[sflag:s22] =	ssyncset.done $0x0  }
0x1ad: {  	p0 =	sne.s32 s14, $0x600;
	[sflag:s22] =	ssyncadd.s32 $0xFFFFCE00  }
0x1ae: {  	[spmem:s2] =	stream.indirect.scatter.add.f32 [tilespmem:s19], [sflag:$0x4], $0x80, s11, s18, $0xb8;
	[tilespmem:$0x1C000] =	vst v63  }
.Ltmp1:
0x1af: {  	_ =	swait.ge [sflag:s21], $0x3200;
	(pc) =	sbr.rel @p0 .LBB2_4-.Ltmp1, $4  }
0x1b0: {  	[sflag:s21] =	ssyncset.done $0x0  }
0x1b1: {  	[sflag:s21] =	ssyncadd.s32 $0xFFFFCE00  }
0x1b2: {  	_ =	swait.ge [sflag:s23], $0x3200  }
0x1b3: {  	s14 =	sadd.s32 $0x180, s14;
	s5 =	rddreg [dreg:$0x5];
	[sflag:s23] =	ssyncset.done $0x0  }
0x1b4: {  	[sflag:s23] =	ssyncadd.s32 $0xFFFFCE00;
	s5 =	sadd.s32 s13, s5  }
0x1b5: {  	[tilespmem:s3], [sflag:$0x5] =	stream.linear.gather [hbm4b:s5+s3], $0xA00, $0x38;
	[tilespmem:$0x1C000] =	vst v63  }
0x1b6: {  	_ =	swait.ge [sflag:s16], $0xA00  }
0x1b7: {  	s12 =	rddreg [dreg:$0x4];
	[sflag:s16] =	ssyncset.done $0x0  }
0x1b8: {  	[sflag:s16] =	ssyncadd.s32 $0xFFFFF600;
	s5 =	sadd.s32 s13, s12  }
0x1b9: {  	[tilespmem:s17], [sflag:$0x5] =	stream.linear.gather [hbm4b:s5+s3], $0xA00, $0x38;
	[tilespmem:$0x1C000] =	vst v63  }
0x1ba: {  	_ =	swait.ge [sflag:s16], $0xA00  }
0x1bb: {  	[sflag:s16] =	ssyncset.done $0x0  }
0x1bc: {  	[sflag:s16] =	ssyncadd.s32 $0xFFFFF600  }
0x1bd: {  	[tilespmem:s15], [sflag:$0x1] =	stream.indirect.gather [hbm4b:s4+s18], $0x80, s3, s18, $0xb8;
	[tilespmem:$0x1C000] =	vst v63  }
0x1be: {  	s14 =	rddreg [dreg:$0x6]  }
0x1bf: {  	[tilespmem:s19], [sflag:$0x2] =	stream.indirect.gather [hbm4b:s4+s18], $0x80, s14, s18, $0xb8;
	[tilespmem:$0x1C000] =	vst v63  }
0x1c0: {  	_ =	swait.ge [sflag:s20], $0x3200  }
0x1c1: {  	[sflag:s20] =	ssyncset.done $0x0  }
0x1c2: {  	[sflag:s20] =	ssyncadd.s32 $0xFFFFCE00  }
0x1c3: {  	[spmem:s2] =	stream.indirect.scatter.add.f32 [tilespmem:s15], [sflag:$0x3], $0x80, s17, s18, $0xb8;
	[tilespmem:$0x1C000] =	vst v63  }
0x1c4: {  	_ =	swait.ge [sflag:s21], $0x3200  }
0x1c5: {  	[sflag:s21] =	ssyncset.done $0x0  }
0x1c6: {  	s12 =	rddreg [dreg:$0x7];
	[sflag:s21] =	ssyncadd.s32 $0xFFFFCE00  }
0x1c7: {  	[tilespmem:s15], [sflag:$0x1] =	stream.indirect.gather [hbm4b:s4+s18], $0x80, s12, s18, $0xb8;
	[tilespmem:$0x1C000] =	vst v63  }
0x1c8: {  	_ =	swait.ge [sflag:s22], $0x3200  }
0x1c9: {  	[sflag:s22] =	ssyncset.done $0x0  }
0x1ca: {  	s13 =	rddreg [dreg:$0x8];
	[sflag:s22] =	ssyncadd.s32 $0xFFFFCE00  }
0x1cb: {  	[spmem:s2] =	stream.indirect.scatter.add.f32 [tilespmem:s19], [sflag:$0x4], $0x80, s13, s18, $0xb8;
	[tilespmem:$0x1C000] =	vst v63  }
0x1cc: {  	_ =	swait.ge [sflag:s23], $0x3200  }
0x1cd: {  	[sflag:s23] =	ssyncset.done $0x0  }
0x1ce: {  	s14 =	rddreg [dreg:$0x9];
	[sflag:s23] =	ssyncadd.s32 $0xFFFFCE00  }
0x1cf: {  	[tilespmem:s19], [sflag:$0x2] =	stream.indirect.gather [hbm4b:s4+s18], $0x80, s14, s18, $0xb8;
	[tilespmem:$0x1C000] =	vst v63  }
0x1d0: {  	_ =	swait.ge [sflag:s20], $0x3200  }
0x1d1: {  	[sflag:s20] =	ssyncset.done $0x0  }
0x1d2: {  	s12 =	rddreg [dreg:$0xa];
	[sflag:s20] =	ssyncadd.s32 $0xFFFFCE00  }
0x1d3: {  	[spmem:s2] =	stream.indirect.scatter.add.f32 [tilespmem:s15], [sflag:$0x3], $0x80, s12, s18, $0xb8;
	[tilespmem:$0x1C000] =	vst v63  }
0x1d4: {  	_ =	swait.ge [sflag:s21], $0x3200  }
0x1d5: {  	[sflag:s21] =	ssyncset.done $0x0  }
0x1d6: {  	s13 =	rddreg [dreg:$0xb];
	[sflag:s21] =	ssyncadd.s32 $0xFFFFCE00  }
0x1d7: {  	[tilespmem:s15], [sflag:$0x1] =	stream.indirect.gather [hbm4b:s4+s18], $0x80, s13, s18, $0xb8;
	[tilespmem:$0x1C000] =	vst v63  }
0x1d8: {  	_ =	swait.ge [sflag:s22], $0x3200  }
0x1d9: {  	[sflag:s22] =	ssyncset.done $0x0  }
0x1da: {  	s14 =	rddreg [dreg:$0xc];
	[sflag:s22] =	ssyncadd.s32 $0xFFFFCE00  }
0x1db: {  	[spmem:s2] =	stream.indirect.scatter.add.f32 [tilespmem:s19], [sflag:$0x4], $0x80, s14, s18, $0xb8;
	[tilespmem:$0x1C000] =	vst v63  }
0x1dc: {  	_ =	swait.ge [sflag:s23], $0x3200  }
0x1dd: {  	[sflag:s23] =	ssyncset.done $0x0  }
0x1de: {  	s12 =	rddreg [dreg:$0xd];
	[sflag:s23] =	ssyncadd.s32 $0xFFFFCE00  }
0x1df: {  	[tilespmem:s19], [sflag:$0x2] =	stream.indirect.gather [hbm4b:s4+s18], $0x80, s12, s18, $0xb8;
	[tilespmem:$0x1C000] =	vst v63  }
0x1e0: {  	_ =	swait.ge [sflag:s20], $0x3200  }
0x1e1: {  	[sflag:s20] =	ssyncset.done $0x0  }
0x1e2: {  	s13 =	rddreg [dreg:$0xe];
	[sflag:s20] =	ssyncadd.s32 $0xFFFFCE00  }
0x1e3: {  	[spmem:s2] =	stream.indirect.scatter.add.f32 [tilespmem:s15], [sflag:$0x3], $0x80, s13, s18, $0xb8;
	[tilespmem:$0x1C000] =	vst v63  }
0x1e4: {  	_ =	swait.ge [sflag:s21], $0x3200  }
0x1e5: {  	[sflag:s21] =	ssyncset.done $0x0  }
0x1e6: {  	s14 =	rddreg [dreg:$0xf];
	[sflag:s21] =	ssyncadd.s32 $0xFFFFCE00  }
0x1e7: {  	[tilespmem:s15], [sflag:$0x1] =	stream.indirect.gather [hbm4b:s4+s18], $0x80, s14, s18, $0xb8;
	[tilespmem:$0x1C000] =	vst v63  }
0x1e8: {  	_ =	swait.ge [sflag:s22], $0x3200  }
0x1e9: {  	[sflag:s22] =	ssyncset.done $0x0  }
0x1ea: {  	s12 =	rddreg [dreg:$0x10];
	[sflag:s22] =	ssyncadd.s32 $0xFFFFCE00  }
0x1eb: {  	[spmem:s2] =	stream.indirect.scatter.add.f32 [tilespmem:s19], [sflag:$0x4], $0x80, s12, s18, $0xb8;
	[tilespmem:$0x1C000] =	vst v63  }
0x1ec: {  	_ =	swait.ge [sflag:s23], $0x3200  }
0x1ed: {  	[sflag:s23] =	ssyncset.done $0x0  }
0x1ee: {  	s13 =	rddreg [dreg:$0x11];
	[sflag:s23] =	ssyncadd.s32 $0xFFFFCE00  }
0x1ef: {  	[tilespmem:s19], [sflag:$0x2] =	stream.indirect.gather [hbm4b:s4+s18], $0x80, s13, s18, $0xb8;
	[tilespmem:$0x1C000] =	vst v63  }
0x1f0: {  	_ =	swait.ge [sflag:s20], $0x3200  }
0x1f1: {  	[sflag:s20] =	ssyncset.done $0x0  }
0x1f2: {  	s14 =	rddreg [dreg:$0x12];
	[sflag:s20] =	ssyncadd.s32 $0xFFFFCE00  }
0x1f3: {  	[spmem:s2] =	stream.indirect.scatter.add.f32 [tilespmem:s15], [sflag:$0x3], $0x80, s14, s18, $0xb8;
	[tilespmem:$0x1C000] =	vst v63  }
0x1f4: {  	_ =	swait.ge [sflag:s21], $0x3200  }
0x1f5: {  	[sflag:s21] =	ssyncset.done $0x0  }
0x1f6: {  	s12 =	rddreg [dreg:$0x13];
	[sflag:s21] =	ssyncadd.s32 $0xFFFFCE00  }
0x1f7: {  	[tilespmem:s15], [sflag:$0x1] =	stream.indirect.gather [hbm4b:s4+s18], $0x80, s12, s18, $0xb8;
	[tilespmem:$0x1C000] =	vst v63  }
0x1f8: {  	_ =	swait.ge [sflag:s22], $0x3200  }
0x1f9: {  	[sflag:s22] =	ssyncset.done $0x0  }
0x1fa: {  	s13 =	rddreg [dreg:$0x14];
	[sflag:s22] =	ssyncadd.s32 $0xFFFFCE00  }
0x1fb: {  	[spmem:s2] =	stream.indirect.scatter.add.f32 [tilespmem:s19], [sflag:$0x4], $0x80, s13, s18, $0xb8;
	[tilespmem:$0x1C000] =	vst v63  }
0x1fc: {  	_ =	swait.ge [sflag:s23], $0x3200  }
0x1fd: {  	[sflag:s23] =	ssyncset.done $0x0  }
0x1fe: {  	s14 =	rddreg [dreg:$0x15];
	[sflag:s23] =	ssyncadd.s32 $0xFFFFCE00  }
0x1ff: {  	[tilespmem:s19], [sflag:$0x2] =	stream.indirect.gather [hbm4b:s4+s18], $0x80, s14, s18, $0xb8;
	[tilespmem:$0x1C000] =	vst v63  }
0x200: {  	_ =	swait.ge [sflag:s20], $0x3200  }
0x201: {  	[sflag:s20] =	ssyncset.done $0x0  }
0x202: {  	s12 =	rddreg [dreg:$0x16];
	[sflag:s20] =	ssyncadd.s32 $0xFFFFCE00  }
0x203: {  	[spmem:s2] =	stream.indirect.scatter.add.f32 [tilespmem:s15], [sflag:$0x3], $0x80, s12, s18, $0xb8;
	[tilespmem:$0x1C000] =	vst v63  }
0x204: {  	_ =	swait.ge [sflag:s21], $0x3200  }
0x205: {  	[sflag:s21] =	ssyncset.done $0x0  }
0x206: {  	s13 =	rddreg [dreg:$0x17];
	[sflag:s21] =	ssyncadd.s32 $0xFFFFCE00  }
0x207: {  	[tilespmem:s15], [sflag:$0x1] =	stream.indirect.gather [hbm4b:s4+s18], $0x80, s13, s18, $0xb8;
	[tilespmem:$0x1C000] =	vst v63  }
0x208: {  	_ =	swait.ge [sflag:s22], $0x3200  }
0x209: {  	[sflag:s22] =	ssyncset.done $0x0  }
0x20a: {  	s14 =	rddreg [dreg:$0x18];
	[sflag:s22] =	ssyncadd.s32 $0xFFFFCE00  }
0x20b: {  	[spmem:s2] =	stream.indirect.scatter.add.f32 [tilespmem:s19], [sflag:$0x4], $0x80, s14, s18, $0xb8;
	[tilespmem:$0x1C000] =	vst v63  }
0x20c: {  	_ =	swait.ge [sflag:s23], $0x3200  }
0x20d: {  	[sflag:s23] =	ssyncset.done $0x0  }
0x20e: {  	s12 =	rddreg [dreg:$0x19];
	[sflag:s23] =	ssyncadd.s32 $0xFFFFCE00  }
0x20f: {  	[tilespmem:s19], [sflag:$0x2] =	stream.indirect.gather [hbm4b:s4+s18], $0x80, s12, s18, $0xb8;
	[tilespmem:$0x1C000] =	vst v63  }
0x210: {  	_ =	swait.ge [sflag:s20], $0x3200  }
0x211: {  	[sflag:s20] =	ssyncset.done $0x0  }
0x212: {  	s13 =	rddreg [dreg:$0x1a];
	[sflag:s20] =	ssyncadd.s32 $0xFFFFCE00  }
0x213: {  	[spmem:s2] =	stream.indirect.scatter.add.f32 [tilespmem:s15], [sflag:$0x3], $0x80, s13, s18, $0xb8;
	[tilespmem:$0x1C000] =	vst v63  }
0x214: {  	_ =	swait.ge [sflag:s21], $0x3200  }
0x215: {  	[sflag:s21] =	ssyncset.done $0x0  }
0x216: {  	s14 =	rddreg [dreg:$0x1b];
	[sflag:s21] =	ssyncadd.s32 $0xFFFFCE00  }
0x217: {  	[tilespmem:s15], [sflag:$0x1] =	stream.indirect.gather [hbm4b:s4+s18], $0x80, s14, s18, $0xb8;
	[tilespmem:$0x1C000] =	vst v63  }
0x218: {  	_ =	swait.ge [sflag:s22], $0x3200  }
0x219: {  	[sflag:s22] =	ssyncset.done $0x0  }
0x21a: {  	s12 =	rddreg [dreg:$0x1c];
	[sflag:s22] =	ssyncadd.s32 $0xFFFFCE00  }
0x21b: {  	[spmem:s2] =	stream.indirect.scatter.add.f32 [tilespmem:s19], [sflag:$0x4], $0x80, s12, s18, $0xb8;
	[tilespmem:$0x1C000] =	vst v63  }
0x21c: {  	_ =	swait.ge [sflag:s23], $0x3200  }
0x21d: {  	[sflag:s23] =	ssyncset.done $0x0  }
0x21e: {  	[sflag:s23] =	ssyncadd.s32 $0xFFFFCE00  }
0x21f: {  	[tilespmem:s19], [sflag:$0x2] =	stream.indirect.gather [hbm4b:s4+s18], $0x80, s24, s18, $0xb8;
	[tilespmem:$0x1C000] =	vst v63  }
0x220: {  	_ =	swait.ge [sflag:s20], $0x3200  }
0x221: {  	[sflag:s20] =	ssyncset.done $0x0  }
0x222: {  	[sflag:s20] =	ssyncadd.s32 $0xFFFFCE00  }
0x223: {  	[spmem:s2] =	stream.indirect.scatter.add.f32 [tilespmem:s15], [sflag:$0x3], $0x80, s25, s18, $0xb8;
	[tilespmem:$0x1C000] =	vst v63  }
0x224: {  	_ =	swait.ge [sflag:s21], $0x3200  }
0x225: {  	[sflag:s21] =	ssyncset.done $0x0  }
0x226: {  	[sflag:s21] =	ssyncadd.s32 $0xFFFFCE00  }
0x227: {  	[tilespmem:s15], [sflag:$0x1] =	stream.indirect.gather [hbm4b:s4+s18], $0x80, s26, s18, $0xb8;
	[tilespmem:$0x1C000] =	vst v63  }
0x228: {  	_ =	swait.ge [sflag:s22], $0x3200  }
0x229: {  	[sflag:s22] =	ssyncset.done $0x0  }
0x22a: {  	[sflag:s22] =	ssyncadd.s32 $0xFFFFCE00  }
0x22b: {  	[spmem:s2] =	stream.indirect.scatter.add.f32 [tilespmem:s19], [sflag:$0x4], $0x80, s28, s18, $0xb8;
	[tilespmem:$0x1C000] =	vst v63  }
0x22c: {  	_ =	swait.ge [sflag:s23], $0x3200  }
0x22d: {  	[sflag:s23] =	ssyncset.done $0x0  }
0x22e: {  	[sflag:s23] =	ssyncadd.s32 $0xFFFFCE00  }
0x22f: {  	[tilespmem:s19], [sflag:$0x2] =	stream.indirect.gather [hbm4b:s4+s18], $0x80, s29, s18, $0xb8;
	[tilespmem:$0x1C000] =	vst v63  }
0x230: {  	_ =	swait.ge [sflag:s20], $0x3200  }
0x231: {  	[sflag:s20] =	ssyncset.done $0x0  }
0x232: {  	[sflag:s20] =	ssyncadd.s32 $0xFFFFCE00  }
0x233: {  	[spmem:s2] =	stream.indirect.scatter.add.f32 [tilespmem:s15], [sflag:$0x3], $0x80, s30, s18, $0xb8;
	[tilespmem:$0x1C000] =	vst v63  }
0x234: {  	_ =	swait.ge [sflag:s21], $0x3200  }
0x235: {  	[sflag:s21] =	ssyncset.done $0x0  }
0x236: {  	[sflag:s21] =	ssyncadd.s32 $0xFFFFCE00  }
0x237: {  	[tilespmem:s15], [sflag:$0x1] =	stream.indirect.gather [hbm4b:s4+s18], $0x80, s31, s18, $0xb8;
	[tilespmem:$0x1C000] =	vst v63  }
0x238: {  	_ =	swait.ge [sflag:s22], $0x3200  }
0x239: {  	[sflag:s22] =	ssyncset.done $0x0  }
0x23a: {  	[sflag:s22] =	ssyncadd.s32 $0xFFFFCE00  }
0x23b: {  	[spmem:s2] =	stream.indirect.scatter.add.f32 [tilespmem:s19], [sflag:$0x4], $0x80, s1, s18, $0xb8;
	[tilespmem:$0x1C000] =	vst v63  }
0x23c: {  	_ =	swait.ge [sflag:s23], $0x3200  }
0x23d: {  	[sflag:s23] =	ssyncset.done $0x0  }
0x23e: {  	[sflag:s23] =	ssyncadd.s32 $0xFFFFCE00  }
0x23f: {  	[tilespmem:s19], [sflag:$0x2] =	stream.indirect.gather [hbm4b:s4+s18], $0x80, s0, s18, $0xb8;
	[tilespmem:$0x1C000] =	vst v63  }
0x240: {  	_ =	swait.ge [sflag:s20], $0x3200  }
0x241: {  	[sflag:s20] =	ssyncset.done $0x0  }
0x242: {  	[sflag:s20] =	ssyncadd.s32 $0xFFFFCE00  }
0x243: {  	[spmem:s2] =	stream.indirect.scatter.add.f32 [tilespmem:s15], [sflag:$0x3], $0x80, s6, s18, $0xb8;
	[tilespmem:$0x1C000] =	vst v63  }
0x244: {  	_ =	swait.ge [sflag:s21], $0x3200  }
0x245: {  	[sflag:s21] =	ssyncset.done $0x0  }
0x246: {  	[sflag:s21] =	ssyncadd.s32 $0xFFFFCE00  }
0x247: {  	[tilespmem:s15], [sflag:$0x1] =	stream.indirect.gather [hbm4b:s4+s18], $0x80, s7, s18, $0xb8;
	[tilespmem:$0x1C000] =	vst v63  }
0x248: {  	_ =	swait.ge [sflag:s22], $0x3200  }
0x249: {  	[sflag:s22] =	ssyncset.done $0x0  }
0x24a: {  	[sflag:s22] =	ssyncadd.s32 $0xFFFFCE00  }
0x24b: {  	[spmem:s2] =	stream.indirect.scatter.add.f32 [tilespmem:s19], [sflag:$0x4], $0x80, s8, s18, $0xb8;
	[tilespmem:$0x1C000] =	vst v63  }
0x24c: {  	_ =	swait.ge [sflag:s23], $0x3200  }
0x24d: {  	[sflag:s23] =	ssyncset.done $0x0  }
0x24e: {  	[sflag:s23] =	ssyncadd.s32 $0xFFFFCE00  }
0x24f: {  	[tilespmem:s19], [sflag:$0x2] =	stream.indirect.gather [hbm4b:s4+s18], $0x80, s9, s18, $0xb8;
	[tilespmem:$0x1C000] =	vst v63  }
0x250: {  	_ =	swait.ge [sflag:s20], $0x3200  }
0x251: {  	[sflag:s20] =	ssyncset.done $0x0  }
0x252: {  	[sflag:s20] =	ssyncadd.s32 $0xFFFFCE00  }
0x253: {  	[spmem:s2] =	stream.indirect.scatter.add.f32 [tilespmem:s15], [sflag:$0x3], $0x80, s10, s18, $0xb8;
	[tilespmem:$0x1C000] =	vst v63  }
0x254: {  	_ =	swait.ge [sflag:s22], $0x3200  }
0x255: {  	[sflag:s22] =	ssyncset.done $0x0  }
0x256: {  	[sflag:s22] =	ssyncadd.s32 $0xFFFFCE00  }
0x257: {  	[spmem:s2] =	stream.indirect.scatter.add.f32 [tilespmem:s19], [sflag:$0x4], $0x80, s11, s18, $0xb8;
	[tilespmem:$0x1C000] =	vst v63  }
0x258: {  	_ =	swait.ge [sflag:s21], $0x3200  }
0x259: {  	[sflag:s21] =	ssyncset.done $0x0  }
0x25a: {  	[sflag:s21] =	ssyncadd.s32 $0xFFFFCE00  }
0x25b: {  	_ =	swait.ge [sflag:s23], $0x3200  }
0x25c: {  	[sflag:s23] =	ssyncset.done $0x0  }
0x25d: {  	[sflag:s23] =	ssyncadd.s32 $0xFFFFCE00  }
0x25e: {  	[bflag:$0x0] =	sbarrier.arrive $0xFFFF  }
0x25f: {  	s13 =	stileid.u32;
	s14 =	sld [smem:$0x7FC]  }
0x260: {  	s5 =	sshll.u32 s13, $0x6;
	s12 =	rddreg [dreg:$0x1d]  }
0x261: {  	s5 =	sor.u32 $0x1C05, s5;
	s12 =	sshrl.u32 s12, $0x3  }
0x262: {  	[hbm:s14], [sflag:s5] =	dma.local [spmem:s12], $0x2800  }
0x263: {  	_ =	swait.ge [sflag:s16], $0x2800  }
0x264: {  	s13 =	sld [smem:$0x7F6]  }
0x265: {  	s14 =	sld [smem:$0x7FD];
	_ =	sdelay $0x1  }
0x266: {  	s12 =	sadd.s32 $0x1, s13  }
0x267: {  	p0 =	sne.s32 s12, s14  }
.Ltmp2:
0x268: {  	_ = 	snop;
	(pc) =	sbr.rel @p0 .LBB2_1-.Ltmp2, $3  }
0x269: {  	_ =	sdelay $0x1  }
0x26a: {  	[sflag:s16] =	ssyncset.done $0x0  }
0x26b: {  	[sflag:s16] =	ssyncadd.s32 $0xFFFFD800  }
0x26c: {  	_ =	sfence.sel $0x180000  }
0x26d: {  	[bflag:$0x0] =	sbarrier.arrive $0xFFFF  }
0x26e: {  	_ =	strace $0x9000004A  }
0x26f: {  	s0 =	stileid.u32;
	[bflag:$0x2] =	sbarrier.arrive $0xFFFF  }
0x270: {  	p0 =	sne.s32 s0, $0x0;
	s0 =	rddreg [dreg:$0x3]  }
0x271: {  	s0 =	sadd.s32 @!p0 $0x100000, s0  }
0x272: {  	[sflag:s0] =	ssyncadd.tile.s32 @!p0 $0x1;
	_ =	shalt  }
.Lfunc_end2:
_tile_overlayer_lowered:
.L_overlay_start_2:
0x273: {  	(tag) =	ssettag $0x2  }
0x274: {  	s0 =	rddreg [dreg:$0x0];
	s2 =	stileid.u32  }
0x275: {  	s1 =	rddreg [dreg:$0x1];
	p0 =	sne.s32 s2, $0x0  }
0x276: {  	s3 =	rddreg [dreg:$0x2];
	[bflag:$0x3] =	sbarrier.arrive $0xFFFF;
	s2 =	simm.s32 @!p0 $0x1C05  }
0x277: {  	[timem:s3], [sflag:s2] =	dma.local @!p0 [hbm:s0], s1  }
0x278: {  	s0 =	simm.s32 @!p0 $0x5  }
0x279: {  	_ =	swait.ge @!p0 [sflag:s0], s1  }
0x27a: {  	s1 =	ssub.s32 @!p0 $0x0, s1;
	[sflag:s0] =	ssyncset.done @!p0 $0x0  }
0x27b: {  	[sflag:s0] =	ssyncadd.s32 @!p0 s1  }
0x27c: {  	[bflag:$0x3] =	sbarrier.arrive $0xFFFF  }
0x27d: {  	_ =	shalt  }

// kernel: kernel.14.cloned.1.call-start
scs
__scs_entry_jumppad:
0x0: {  	(pc) =	sbr.rel $0x88, $3  }
0x1: {  	(tag) =	ssettag $0x0;
	lr =	simm.s32 $0x1  }
0x2: {  	[smem:$0x3F9B] =	sst lr;
	_ =	strace $0xD0000000  }
0x3: {  	_ = 	snop  }
0x4: {  	_ = 	snop  }
0x5: {  	_ = 	snop  }
0x6: {  	_ = 	snop  }
0x7: {  	_ = 	snop  }
__scs_overlays_trampoline_lowered:
0x8: {  	[smem:$0x3FAA] =	sst s0  }
0x9: {  	[smem:$0x3FAB] =	sst s1  }
0xa: {  	[smem:$0x3FAC] =	sst s2  }
0xb: {  	[smem:$0x3FAD] =	sst s3  }
0xc: {  	[smem:$0x3FAE] =	sst s4  }
0xd: {  	[smem:$0x3FAF] =	sst s5  }
0xe: {  	[smem:$0x3FB0] =	sst s6  }
0xf: {  	[smem:$0x3FB1] =	sst s7  }
0x10: {  	[smem:$0x3FB2] =	sst s8  }
0x11: {  	[smem:$0x3FB3] =	sst s9;
	s0 =	simm.s32 @!p0 $0x0  }
0x12: {  	s1 =	sld [smem:$0x3F99];
	s0 =	simm.s32 @p0 $0x1  }
0x13: {  	[smem:$0x3FB4] =	sst s0;
	s0 =	simm.s32 @!p1 $0x0  }
0x14: {  	s2 =	sld [smem:$0x3F98];
	s0 =	simm.s32 @p1 $0x1  }
0x15: {  	[smem:$0x3FB5] =	sst s0;
	s0 =	simm.s32 @!p2 $0x0  }
0x16: {  	s3 =	sld [smem:$0x3FDB];
	s0 =	simm.s32 @p2 $0x1  }
0x17: {  	s4 =	simm.s32 $0x1BF5;
	[smem:$0x3FB7] =	sst s0  }
0x18: {  	s0 =	sld [smem:$0x3F9A];
	_ =	swait.ge [sflag:s4], $0x0  }
0x19: {  	s7 =	sld [smem:$0x3F9B]  }
0x1a: {  	s8 =	sadd.s32 $0xFFFFE003, lr  }
0x1b: {  	s9 =	sadd.s32 $0xFFFFFEF7, lr;
	s5 =	simm.s32 $0xFFFFFFFF;
	p2 =	slt.u32 s8, $0xFFFFF086  }
0x1c: {  	p1 =	slt.u32 s9, $0xF7A;
	s5 =	simm.s32 @!p2 $0x0  }
0x1d: {  	s5 =	simm.s32 @p1 $0x1;
	p0 =	seq.s32 s7, s2  }
0x1e: {  	s7 =	smul.u32 @!p0 $0xF7A, s2;
	p2 =	seq.s32 @!p0 s5, $0x0  }
0x1f: {  	s9 =	smul.u32 $0xF7A, s1;
	s8 =	simm.s32 @!p0 $0x1BF5;
	p2 =	por !p2, p0  }
0x20: {  	[sflag:s8] =	ssyncset.s32 @!p0 $0xFFFFF086;
	s6 =	sadd.s32 @!p0 s3, s7;
	s7 =	simm.s32 @!p0 $0x108  }
0x21: {  	s3 =	sadd.s32 s3, s9;
	s6 =	sadd.s32 @!p0 $0x88, s6;
	s7 =	simm.s32 @p2 $0x1082  }
0x22: {  	[simem:s7], [sflag:s8] =	dma.local @!p0 [hbm:s6], $0xF7A  }
0x23: {  	s9 =	sor.u32 $0xD0000000, s2;
	s6 =	simm.s32 $0x108;
	_ =	swait.ge @!p0 [sflag:s8], $0x0  }
0x24: {  	s3 =	sadd.s32 $0x88, s3;
	s6 =	simm.s32 @!p1 $0x1082;
	[sflag:s4] =	ssyncset.s32 $0xFFFFF086  }
0x25: {  	[simem:s6], [sflag:s4] =	dma.local [hbm:s3], $0xF7A  }
0x26: {  	[smem:$0x3F9B] =	sst s1;
	(tag) =	ssettag s2;
	_ =	strace s9  }
0x27: {  	s1 =	sld [smem:$0x3FAB]  }
0x28: {  	s2 =	sld [smem:$0x3FAC]  }
0x29: {  	s4 =	sld [smem:$0x3FAE]  }
0x2a: {  	p0 =	seq.s32 s5, $0x0;
	s5 =	sld [smem:$0x3FAF]  }
0x2b: {  	s6 =	sld [smem:$0x3FB0]  }
0x2c: {  	s7 =	sld [smem:$0x3FB1]  }
0x2d: {  	s3 =	simm.s32 $0x108;
	s8 =	sld [smem:$0x3FB2]  }
0x2e: {  	s3 =	simm.s32 @!p0 $0x1082;
	s9 =	sld [smem:$0x3FB3]  }
0x2f: {  	lr =	sadd.s32 s0, s3;
	s0 =	sld [smem:$0x3FAA]  }
0x30: {  	s3 =	sld [smem:$0x3FAD]  }
0x31: {  	[smem:$0x3FB6] =	sst s10  }
0x32: {  	s10 =	sld [smem:$0x3FB4];
	_ =	sdelay $0x3  }
0x33: {  	p0 =	seq.s32 s10, $0x1;
	s10 =	sld [smem:$0x3FB6];
	_ =	sdelay $0x3  }
0x34: {  	[smem:$0x3FB6] =	sst s10  }
0x35: {  	s10 =	sld [smem:$0x3FB5];
	_ =	sdelay $0x3  }
0x36: {  	p1 =	seq.s32 s10, $0x1;
	s10 =	sld [smem:$0x3FB6];
	_ =	sdelay $0x3  }
0x37: {  	[smem:$0x3FB6] =	sst s10  }
0x38: {  	s10 =	sld [smem:$0x3FB7]  }
0x39: {  	_ = 	snop;
	(pc) =	sbr.ind lr, $3  }
0x3a: {  	_ = 	snop  }
0x3b: {  	_ = 	snop  }
0x3c: {  	p2 =	seq.s32 s10, $0x1;
	s10 =	sld [smem:$0x3FB6]  }
0x3d: {  	_ =	shalt  }
0x3e: {  	_ =	shalt  }
0x3f: {  	_ =	shalt  }
0x40: {  	_ =	shalt  }
0x41: {  	_ =	shalt  }
0x42: {  	_ =	shalt  }
0x43: {  	_ =	shalt  }
0x44: {  	_ =	shalt  }
0x45: {  	_ =	shalt  }
0x46: {  	_ =	shalt  }
0x47: {  	_ =	shalt  }
0x48: {  	_ =	shalt  }
0x49: {  	_ =	shalt  }
0x4a: {  	_ =	shalt  }
0x4b: {  	_ =	shalt  }
0x4c: {  	_ =	shalt  }
0x4d: {  	_ =	shalt  }
0x4e: {  	_ =	shalt  }
0x4f: {  	_ =	shalt  }
0x50: {  	_ =	shalt  }
0x51: {  	_ =	shalt  }
0x52: {  	_ =	shalt  }
0x53: {  	_ =	shalt  }
0x54: {  	_ =	shalt  }
0x55: {  	_ =	shalt  }
0x56: {  	_ =	shalt  }
0x57: {  	_ =	shalt  }
0x58: {  	_ =	shalt  }
0x59: {  	_ =	shalt  }
0x5a: {  	_ =	shalt  }
0x5b: {  	_ =	shalt  }
0x5c: {  	_ =	shalt  }
0x5d: {  	_ =	shalt  }
0x5e: {  	_ =	shalt  }
0x5f: {  	_ =	shalt  }
0x60: {  	_ =	shalt  }
0x61: {  	_ =	shalt  }
0x62: {  	_ =	shalt  }
0x63: {  	_ =	shalt  }
0x64: {  	_ =	shalt  }
0x65: {  	_ =	shalt  }
0x66: {  	_ =	shalt  }
0x67: {  	_ =	shalt  }
0x68: {  	_ =	shalt  }
0x69: {  	_ =	shalt  }
0x6a: {  	_ =	shalt  }
0x6b: {  	_ =	shalt  }
0x6c: {  	_ =	shalt  }
0x6d: {  	_ =	shalt  }
0x6e: {  	_ =	shalt  }
0x6f: {  	_ =	shalt  }
0x70: {  	_ =	shalt  }
0x71: {  	_ =	shalt  }
0x72: {  	_ =	shalt  }
0x73: {  	_ =	shalt  }
0x74: {  	_ =	shalt  }
0x75: {  	_ =	shalt  }
0x76: {  	_ =	shalt  }
0x77: {  	_ =	shalt  }
0x78: {  	_ =	shalt  }
0x79: {  	_ =	shalt  }
0x7a: {  	_ =	shalt  }
0x7b: {  	_ =	shalt  }
0x7c: {  	_ =	shalt  }
0x7d: {  	_ =	shalt  }
0x7e: {  	_ =	shalt  }
0x7f: {  	_ =	shalt  }
0x80: {  	_ =	shalt  }
0x81: {  	_ =	shalt  }
0x82: {  	_ =	shalt  }
0x83: {  	_ =	shalt  }
0x84: {  	_ =	shalt  }
0x85: {  	_ =	shalt  }
0x86: {  	_ =	shalt  }
0x87: {  	_ =	shalt  }
.Lfunc_end0:
.L_simem_size_0:
called_computation.2_lowered:
.L_overlay_start_0:
0x88: {  	s2 =	sld [smem:$0x3FD9]  }
0x89: {  	s3 =	sld [smem:$0x3FFE];
	_ =	sdelay $0x1  }
0x8a: {  	s1 =	srdreg.scid  }
0x8b: {  	s0 =	sand.u32 $0x1, s1  }
0x8c: {  	s17 =	sshll.u32 s0, $0xA;
	s2 =	sadd.s32 s3, s2  }
0x8d: {  	s2 =	sadd.s32 s2, s17  }
0x8e: {  	[smem:$0x3FC2] =	sst s2  }
0x8f: {  	_ = 	snop  }
0x90: {  	s2 =	sld [smem:$0x3FD0];
	(tm) =	ssettm $0x1  }
0x91: {  	s18 =	sld [smem:$0x3FFB];
	_ =	sdelay $0x3  }
0x92: {  	_ =	strace s18  }
0x93: {  	s3 =	sld [smem:$0x3FFC];
	_ =	sdelay $0x3  }
0x94: {  	_ =	strace s3  }
0x95: {  	s3 =	sld [smem:$0x3FFD];
	_ =	sdelay $0x3  }
0x96: {  	_ =	strace s3  }
0x97: {  	_ =	strace $0x8FFFFFFF  }
0x98: {  	s19 =	sld [smem:$0x3FDB];
	_ =	sdelay $0x1  }
0x99: {  	s4 =	simm.s32 $_scs_section_size  }
0x9a: {  	s5 =	simm.s32 $_size__tile_overlayer_lowered;
	s6 =	simm.s32 $_tile_overlayer_lowered  }
0x9b: {  	s22 =	simm.s32 $0x1BFF;
	s21 =	sshll.u32 s6, $0x1;
	s3 =	sadd.s32 s4, s19  }
0x9c: {  	s7 =	simm.s32 $0x0;
	s20 =	sshll.u32 s5, $0x1;
	s5 =	sadd.s32 s21, s3  }
0x9d: {  	[timem:s7], [sflag:s22] =	dma.local [hbm:s5], s20  }
0x9e: {  	_ =	swait.ge [sflag:s22], s20  }
0x9f: {  	s4 =	ssub.s32 $0x0, s20;
	[sflag:s22] =	ssyncset.done $0x0  }
0xa0: {  	[sflag:s22] =	ssyncadd.s32 s4;
	_ =	sdelay $0x1  }
0xa1: {  	s23 =	simm.s32 $0x1B8B  }
0xa2: {  	_ =	swait.ge [sflag:s23], $0x1  }
0xa3: {  	[sflag:s23] =	ssyncset.done $0x0  }
0xa4: {  	s25 =	simm.s32 $0x1B8E;
	s24 =	sld [smem:$0x3FFE];
	[sflag:s23] =	ssyncadd.s32 $0xFFFFFFFF  }
0xa5: {  	s26 =	simm.s32 $execute0_lowered;
	[smem:$0x3FD2] =	sst s25  }
0xa6: {  	s5 =	sshll.u32 s26, $0x1;
	_ =	strace $0x8000004C;
	[dreg:$0x1] =	wrdreg $0xFFFFFFFF  }
0xa7: {  	s28 =	simm.s32 $_size_execute0_lowered;
	s3 =	sadd.s32 s3, s5;
	[dreg:$0x0] =	wrdreg $0x0  }
0xa8: {  	s5 =	sshll.u32 s28, $0x1;
	[dreg:$0x2] =	wrdreg s3  }
0xa9: {  	[dreg:$0x3] =	wrdreg s5  }
0xaa: {  	[dreg:$0x4] =	wrdreg $0xC0  }
0xab: {  	_ =	task [dreg:s7], $0x5FFFF  }
0xac: {  	[dreg:$0x1] =	wrdreg $0xFFFFFFFF  }
0xad: {  	[dreg:$0x0] =	wrdreg $0x60  }
0xae: {  	[dreg:$0x2] =	wrdreg s24  }
0xaf: {  	[dreg:$0x3] =	wrdreg s2  }
0xb0: {  	[dreg:$0x4] =	wrdreg $0x80000  }
0xb1: {  	[dreg:$0x5] =	wrdreg $0x9  }
0xb2: {  	_ =	task.clear_ibuf [dreg:s7], $0x6FFFF;
	_ =	strace $0x9000004C  }
0xb3: {  	s29 =	simm.s32 $0x9;
	_ =	strace $0x8000004E  }
0xb4: {  	_ =	swait.ge [sflag:s29], $0x1  }
0xb5: {  	[sflag:s29] =	ssyncadd.s32 $0xFFFFFFFF  }
0xb6: {  	_ =	strace $0x9000004E  }
0xb7: {  	_ =	sfence  }
0xb8: {  	s30 =	sld [smem:$0x0];
	_ =	sdelay $0x2  }
0xb9: {  	s31 =	sshll.u32 s1, $0xD;
	s1 =	sshrl.u32 s1, $0x2  }
0xba: {  	s3 =	sand.u32 $0x4000, s31;
	s1 =	sadd.s32 s1, s30  }
0xbb: {  	s0 =	sor.u32 s3, s0;
	s1 =	sshll.u32 s1, $0x11  }
0xbc: {  	s0 =	sor.u32 s1, s0  }
0xbd: {  	s0 =	sadd.s32 $0x8F2B, s0  }
0xbe: {  	[sflag:s0] =	ssyncadd.remote.s32 $0x1  }
0xbf: {  	_ =	sfence.sel $0xFFFF  }
0xc0: {  	[dreg:$0x0] =	wrdreg $0xFFFFFFFF;
	(pc) =	sbr.abs _section_cstart, $3  }
0xc1: {  	[dreg:$0x1] =	wrdreg $0xFFFFFFFF  }
0xc2: {  	_ =	task.clear_ibuf [dreg:s7], $0x2FFFF;
	_ =	strace $0x9FFFFFFF  }
0xc3: {  	(tm) =	ssettm $0x7FFFFFFF  }
tec
execute0_lowered:
.L_overlay_start_1:
0x0: {  	(tag) =	ssettag $0x1  }
0x1: {  	s0 =	rddreg [dreg:$0x0]  }
0x2: {  	s1 =	srdreg.scid;
	s5 =	rddreg [dreg:$0x1]  }
0x3: {  	s9 =	stileid.u32;
	s2 =	rddreg [dreg:$0x2];
	s3 =	simm.s32 $0x0  }
0x4: {  	s14 =	simm.s32 $0x80;
	s16 =	simm.s32 $0x100;
	[smem:$0x7FF] =	sst s3  }
0x5: {  	s18 =	simm.s32 $0xC80;
	_ =	strace $0x8000004D;
	[dreg:$0x6] =	wrdreg s14  }
0x6: {  	s19 =	simm.s32 $0x180;
	s21 =	simm.s32 $0xD00;
	[dreg:$0x7] =	wrdreg s16  }
0x7: {  	s22 =	simm.s32 $0x200;
	s24 =	simm.s32 $0xD80;
	[dreg:$0x8] =	wrdreg s18  }
0x8: {  	s26 =	simm.s32 $0x280;
	s11 =	simm.s32 $0x300;
	[dreg:$0x9] =	wrdreg s19  }
0x9: {  	s28 =	simm.s32 $0x1280;
	s29 =	simm.s32 $0x780;
	[dreg:$0xa] =	wrdreg s21  }
0xa: {  	s30 =	simm.s32 $0x1300;
	s4 =	smul.u32 $0x7800, s9;
	[dreg:$0xb] =	wrdreg s22  }
0xb: {  	s1 =	sand.u32 $0x1, s1;
	s8 =	smul.u32 $0x14000, s9;
	[dreg:$0xc] =	wrdreg s24  }
0xc: {  	s17 =	smul.u32 $0x50000, s9;
	s9 =	simm.s32 $0xE00;
	[dreg:$0xd] =	wrdreg s26  }
0xd: {  	s31 =	simm.s32 $0x800;
	s6 =	smul.u32 $0x3C00, s1;
	[dreg:$0xe] =	wrdreg s9  }
0xe: {  	s7 =	smul.u32 $0x140000, s1;
	s1 =	ssub.s32 $0x2, s1;
	[dreg:$0xf] =	wrdreg s11  }
0xf: {  	s16 =	simm.s32 $0xF00;
	s18 =	simm.s32 $0xF80;
	s19 =	simm.s32 $0x480  }
0x10: {  	s21 =	simm.s32 $0x500;
	s22 =	simm.s32 $0x1080;
	[dreg:$0x12] =	wrdreg s16  }
0x11: {  	s24 =	simm.s32 $0x1100;
	s26 =	simm.s32 $0x1180;
	[dreg:$0x14] =	wrdreg s18  }
0x12: {  	s9 =	simm.s32 $0x980;
	s11 =	simm.s32 $0x1580;
	[dreg:$0x15] =	wrdreg s19  }
0x13: {  	s15 =	sshrl.u32 s1, $0x1;
	s20 =	sshrl.u32 s17, $0x2;
	[dreg:$0x17] =	wrdreg s21  }
0x14: {  	s17 =	simm.s32 $0x400;
	s16 =	simm.s32 $0x5;
	[dreg:$0x18] =	wrdreg s22  }
0x15: {  	s18 =	simm.s32 $0x64;
	s19 =	simm.s32 $0x4C00;
	[dreg:$0x1a] =	wrdreg s24  }
0x16: {  	s21 =	simm.s32 $0x3;
	[dreg:$0x1c] =	wrdreg s26;
	s6 =	sadd.s32 s6, s4  }
0x17: {  	s1 =	ssub.s32 s1, s15;
	s15 =	simm.s32 $0x380;
	[dreg:$0x13] =	wrdreg s17  }
0x18: {  	s6 =	sshrl.u32 s6, $0x3;
	[dreg:$0x11] =	wrdreg s15;
	s1 =	smax.u32 s1, $0x1  }
0x19: {  	s22 =	simm.s32 $0x2;
	s5 =	sadd.s32 s6, s5;
	[smem:$0x7FD] =	sst s1  }
0x1a: {  	s12 =	sadd.s32 s6, s0;
	s6 =	sadd.s32 s20, s2;
	[dreg:$0x4] =	wrdreg s5  }
0x1b: {  	s24 =	simm.s32 $0x680;
	s20 =	simm.s32 $0x1000;
	[dreg:$0x1d] =	wrdreg s6  }
0x1c: {  	s26 =	simm.s32 $0x700;
	s13 =	sadd.s32 $0x2C00, s12;
	[dreg:$0x16] =	wrdreg s20  }
0x1d: {  	s4 =	sadd.s32 $0x11C00, s0;
	s23 =	sadd.s32 $0x2800, s6;
	[dreg:$0x5] =	wrdreg s13  }
0x1e: {  	s7 =	sadd.s32 s8, s7;
	s25 =	sadd.s32 $0x5000, s6;
	[dreg:$0x1e] =	wrdreg s23  }
0x1f: {  	s17 =	simm.s32 $0xC00;
	s8 =	sadd.s32 $0x7800, s6;
	[dreg:$0x1f] =	wrdreg s25  }
0x20: {  	s7 =	sshrl.u32 s7, $0x3;
	s10 =	sadd.s32 $0xA000, s6;
	[smem:$0x7F7] =	sst s8  }
0x21: {  	s15 =	simm.s32 $0x1800;
	s12 =	sadd.s32 $0xC800, s6;
	[smem:$0x7F8] =	sst s10  }
0x22: {  	s0 =	sadd.s32 s7, s0;
	s14 =	sadd.s32 $0xF000, s6;
	[smem:$0x7F9] =	sst s12  }
0x23: {  	s1 =	simm.s32 $0x1380;
	s6 =	sadd.s32 $0x11800, s6;
	[smem:$0x7FA] =	sst s14  }
0x24: {  	s7 =	simm.s32 $0x900;
	s0 =	sadd.s32 $0x39C00, s0;
	[smem:$0x7FB] =	sst s6  }
0x25: {  	s20 =	simm.s32 $0x1;
	s13 =	simm.s32 $0xE80;
	[smem:$0x7FC] =	sst s0  }
0x26: {  	s23 =	simm.s32 $0x580;
	s25 =	simm.s32 $0x600;
	s0 =	simm.s32 $0x880  }
0x27: {  	s6 =	simm.s32 $0x1400;
	s8 =	simm.s32 $0x1480;
	[dreg:$0x10] =	wrdreg s13  }
0x28: {  	s10 =	simm.s32 $0x1500;
	s12 =	simm.s32 $0x0;
	[dreg:$0x19] =	wrdreg s23  }
0x29: {  	v0 =	vimm.f32 $0.0e+00;
	[dreg:$0x1b] =	wrdreg s25;
	s23 =	simm.s32 $0x4;
	s25 =	simm.s32 $0x1200  }
.LBB2_1:
0x2a: {  	s13 =	simm.s32 $0x0;
	s14 =	simm.s32 $0x200  }
.LBB2_2:
0x2b: {  	p0 =	sne.s32 s14, $0xC600;
	[tilespmem:s13+$0x1870] =	vst v0  }
0x2c: {  	[tilespmem:s13+$0x1800] =	vst v0  }
0x2d: {  	[tilespmem:s13+$0x1810] =	vst v0  }
.Ltmp0:
0x2e: {  	[tilespmem:s13+$0x1820] =	vst v0;
	(pc) =	sbr.rel @p0 .LBB2_2-.Ltmp0, $4  }
0x2f: {  	[tilespmem:s13+$0x1830] =	vst v0  }
0x30: {  	[tilespmem:s13+$0x1840] =	vst v0  }
0x31: {  	[tilespmem:s13+$0x1850] =	vst v0  }
0x32: {  	[tilespmem:s13+$0x1860] =	vst v0;
	s13 =	sshra.s32 s14, $0x2;
	s14 =	sadd.s32 $0x200, s14  }
0x33: {  	[tilespmem:s13+$0x1870] =	vst v0  }
0x34: {  	[tilespmem:s13+$0x1800] =	vst v0  }
0x35: {  	[tilespmem:s13+$0x1810] =	vst v0  }
0x36: {  	[tilespmem:s13+$0x1820] =	vst v0  }
0x37: {  	[tilespmem:s13+$0x1830] =	vst v0  }
0x38: {  	[tilespmem:s13+$0x1840] =	vst v0  }
0x39: {  	[smem:$0x7F6] =	sst s12;
	[tilespmem:s13+$0x1850] =	vst v0  }
0x3a: {  	[tilespmem:s13+$0x1860] =	vst v0;
	s5 =	rddreg [dreg:$0x1d]  }
0x3b: {  	[spmem:s5] =	stream.linear.scatter [tilespmem:s15], [sflag:$0x5], $0x2800, $0x38;
	[tilespmem:$0x1C000] =	vst v63  }
0x3c: {  	_ =	swait.ge [sflag:s16], $0x2800  }
0x3d: {  	[sflag:s16] =	ssyncset.done $0x0  }
0x3e: {  	s13 =	rddreg [dreg:$0x1e];
	[sflag:s16] =	ssyncadd.s32 $0xFFFFD800  }
0x3f: {  	[spmem:s13] =	stream.linear.scatter [tilespmem:s15], [sflag:$0x5], $0x2800, $0x38;
	[tilespmem:$0x1C000] =	vst v63  }
0x40: {  	_ =	swait.ge [sflag:s16], $0x2800  }
0x41: {  	[sflag:s16] =	ssyncset.done $0x0  }
0x42: {  	s14 =	rddreg [dreg:$0x1f];
	[sflag:s16] =	ssyncadd.s32 $0xFFFFD800  }
0x43: {  	[spmem:s14] =	stream.linear.scatter [tilespmem:s15], [sflag:$0x5], $0x2800, $0x38;
	[tilespmem:$0x1C000] =	vst v63  }
0x44: {  	_ =	swait.ge [sflag:s16], $0x2800  }
0x45: {  	s12 =	sld [smem:$0x7F7]  }
0x46: {  	[sflag:s16] =	ssyncset.done $0x0  }
0x47: {  	[sflag:s16] =	ssyncadd.s32 $0xFFFFD800  }
0x48: {  	[spmem:s12] =	stream.linear.scatter [tilespmem:s15], [sflag:$0x5], $0x2800, $0x38;
	[tilespmem:$0x1C000] =	vst v63  }
0x49: {  	_ =	swait.ge [sflag:s16], $0x2800  }
0x4a: {  	s13 =	sld [smem:$0x7F8]  }
0x4b: {  	[sflag:s16] =	ssyncset.done $0x0  }
0x4c: {  	[sflag:s16] =	ssyncadd.s32 $0xFFFFD800  }
0x4d: {  	[spmem:s13] =	stream.linear.scatter [tilespmem:s15], [sflag:$0x5], $0x2800, $0x38;
	[tilespmem:$0x1C000] =	vst v63  }
0x4e: {  	_ =	swait.ge [sflag:s16], $0x2800  }
0x4f: {  	s14 =	sld [smem:$0x7F9]  }
0x50: {  	[sflag:s16] =	ssyncset.done $0x0  }
0x51: {  	[sflag:s16] =	ssyncadd.s32 $0xFFFFD800  }
0x52: {  	[spmem:s14] =	stream.linear.scatter [tilespmem:s15], [sflag:$0x5], $0x2800, $0x38;
	[tilespmem:$0x1C000] =	vst v63  }
0x53: {  	_ =	swait.ge [sflag:s16], $0x2800  }
0x54: {  	s12 =	sld [smem:$0x7FA]  }
0x55: {  	[sflag:s16] =	ssyncset.done $0x0  }
0x56: {  	[sflag:s16] =	ssyncadd.s32 $0xFFFFD800  }
0x57: {  	[spmem:s12] =	stream.linear.scatter [tilespmem:s15], [sflag:$0x5], $0x2800, $0x38;
	[tilespmem:$0x1C000] =	vst v63  }
0x58: {  	_ =	swait.ge [sflag:s16], $0x2800  }
0x59: {  	s13 =	sld [smem:$0x7FB]  }
0x5a: {  	[sflag:s16] =	ssyncset.done $0x0  }
0x5b: {  	[sflag:s16] =	ssyncadd.s32 $0xFFFFD800  }
0x5c: {  	[spmem:s13] =	stream.linear.scatter [tilespmem:s15], [sflag:$0x5], $0x2800, $0x38;
	[tilespmem:$0x1C000] =	vst v63  }
0x5d: {  	_ =	swait.ge [sflag:s16], $0x2800  }
0x5e: {  	[sflag:s16] =	ssyncset.done $0x0  }
0x5f: {  	[sflag:s16] =	ssyncadd.s32 $0xFFFFD800  }
0x60: {  	[bflag:$0x0] =	sbarrier.arrive $0xFFFF  }
0x61: {  	s14 =	rddreg [dreg:$0x5]  }
0x62: {  	s5 =	sadd.s32 $0x0, s14  }
0x63: {  	[tilespmem:s3], [sflag:$0x5] =	stream.linear.gather [hbm4b:s5+s3], $0xA00, $0x38;
	[tilespmem:$0x1C000] =	vst v63  }
0x64: {  	_ =	swait.ge [sflag:s16], $0xA00  }
0x65: {  	s12 =	rddreg [dreg:$0x4];
	[sflag:s16] =	ssyncset.done $0x0  }
0x66: {  	[sflag:s16] =	ssyncadd.s32 $0xFFFFF600;
	s5 =	sadd.s32 $0x0, s12  }
0x67: {  	[tilespmem:s17], [sflag:$0x5] =	stream.linear.gather [hbm4b:s5+s3], $0xA00, $0x38;
	[tilespmem:$0x1C000] =	vst v63  }
0x68: {  	_ =	swait.ge [sflag:s16], $0xA00  }
0x69: {  	[sflag:s16] =	ssyncset.done $0x0  }
0x6a: {  	[sflag:s16] =	ssyncadd.s32 $0xFFFFF600  }
0x6b: {  	[tilespmem:s15], [sflag:$0x1] =	stream.indirect.gather [hbm4b:s4+s18], $0x80, s3, s18, $0xb8;
	[tilespmem:$0x1C000] =	vst v63  }
0x6c: {  	s13 =	rddreg [dreg:$0x6]  }
0x6d: {  	[tilespmem:s19], [sflag:$0x2] =	stream.indirect.gather [hbm4b:s4+s18], $0x80, s13, s18, $0xb8;
	[tilespmem:$0x1C000] =	vst v63  }
0x6e: {  	_ =	swait.ge [sflag:s20], $0x3200  }
0x6f: {  	[sflag:s20] =	ssyncset.done $0x0  }
0x70: {  	[sflag:s20] =	ssyncadd.s32 $0xFFFFCE00  }
0x71: {  	[spmem:s2] =	stream.indirect.scatter.add.f32 [tilespmem:s15], [sflag:$0x3], $0x80, s17, s18, $0xb8;
	[tilespmem:$0x1C000] =	vst v63  }
0x72: {  	_ =	swait.ge [sflag:s21], $0x3200  }
0x73: {  	[sflag:s21] =	ssyncset.done $0x0  }
0x74: {  	s14 =	rddreg [dreg:$0x7];
	[sflag:s21] =	ssyncadd.s32 $0xFFFFCE00  }
0x75: {  	[tilespmem:s15], [sflag:$0x1] =	stream.indirect.gather [hbm4b:s4+s18], $0x80, s14, s18, $0xb8;
	[tilespmem:$0x1C000] =	vst v63  }
0x76: {  	_ =	swait.ge [sflag:s22], $0x3200  }
0x77: {  	[sflag:s22] =	ssyncset.done $0x0  }
0x78: {  	s12 =	rddreg [dreg:$0x8];
	[sflag:s22] =	ssyncadd.s32 $0xFFFFCE00  }
0x79: {  	[spmem:s2] =	stream.indirect.scatter.add.f32 [tilespmem:s19], [sflag:$0x4], $0x80, s12, s18, $0xb8;
	[tilespmem:$0x1C000] =	vst v63  }
0x7a: {  	_ =	swait.ge [sflag:s23], $0x3200  }
0x7b: {  	[sflag:s23] =	ssyncset.done $0x0  }
0x7c: {  	s13 =	rddreg [dreg:$0x9];
	[sflag:s23] =	ssyncadd.s32 $0xFFFFCE00  }
0x7d: {  	[tilespmem:s19], [sflag:$0x2] =	stream.indirect.gather [hbm4b:s4+s18], $0x80, s13, s18, $0xb8;
	[tilespmem:$0x1C000] =	vst v63  }
0x7e: {  	_ =	swait.ge [sflag:s20], $0x3200  }
0x7f: {  	[sflag:s20] =	ssyncset.done $0x0  }
0x80: {  	s14 =	rddreg [dreg:$0xa];
	[sflag:s20] =	ssyncadd.s32 $0xFFFFCE00  }
0x81: {  	[spmem:s2] =	stream.indirect.scatter.add.f32 [tilespmem:s15], [sflag:$0x3], $0x80, s14, s18, $0xb8;
	[tilespmem:$0x1C000] =	vst v63  }
0x82: {  	_ =	swait.ge [sflag:s21], $0x3200  }
0x83: {  	[sflag:s21] =	ssyncset.done $0x0  }
0x84: {  	s12 =	rddreg [dreg:$0xb];
	[sflag:s21] =	ssyncadd.s32 $0xFFFFCE00  }
0x85: {  	[tilespmem:s15], [sflag:$0x1] =	stream.indirect.gather [hbm4b:s4+s18], $0x80, s12, s18, $0xb8;
	[tilespmem:$0x1C000] =	vst v63  }
0x86: {  	_ =	swait.ge [sflag:s22], $0x3200  }
0x87: {  	[sflag:s22] =	ssyncset.done $0x0  }
0x88: {  	s13 =	rddreg [dreg:$0xc];
	[sflag:s22] =	ssyncadd.s32 $0xFFFFCE00  }
0x89: {  	[spmem:s2] =	stream.indirect.scatter.add.f32 [tilespmem:s19], [sflag:$0x4], $0x80, s13, s18, $0xb8;
	[tilespmem:$0x1C000] =	vst v63  }
0x8a: {  	_ =	swait.ge [sflag:s23], $0x3200  }
0x8b: {  	[sflag:s23] =	ssyncset.done $0x0  }
0x8c: {  	s14 =	rddreg [dreg:$0xd];
	[sflag:s23] =	ssyncadd.s32 $0xFFFFCE00  }
0x8d: {  	[tilespmem:s19], [sflag:$0x2] =	stream.indirect.gather [hbm4b:s4+s18], $0x80, s14, s18, $0xb8;
	[tilespmem:$0x1C000] =	vst v63  }
0x8e: {  	_ =	swait.ge [sflag:s20], $0x3200  }
0x8f: {  	[sflag:s20] =	ssyncset.done $0x0  }
0x90: {  	s12 =	rddreg [dreg:$0xe];
	[sflag:s20] =	ssyncadd.s32 $0xFFFFCE00  }
0x91: {  	[spmem:s2] =	stream.indirect.scatter.add.f32 [tilespmem:s15], [sflag:$0x3], $0x80, s12, s18, $0xb8;
	[tilespmem:$0x1C000] =	vst v63  }
0x92: {  	_ =	swait.ge [sflag:s21], $0x3200  }
0x93: {  	[sflag:s21] =	ssyncset.done $0x0  }
0x94: {  	s13 =	rddreg [dreg:$0xf];
	[sflag:s21] =	ssyncadd.s32 $0xFFFFCE00  }
0x95: {  	[tilespmem:s15], [sflag:$0x1] =	stream.indirect.gather [hbm4b:s4+s18], $0x80, s13, s18, $0xb8;
	[tilespmem:$0x1C000] =	vst v63  }
0x96: {  	_ =	swait.ge [sflag:s22], $0x3200  }
0x97: {  	[sflag:s22] =	ssyncset.done $0x0  }
0x98: {  	s14 =	rddreg [dreg:$0x10];
	[sflag:s22] =	ssyncadd.s32 $0xFFFFCE00  }
0x99: {  	[spmem:s2] =	stream.indirect.scatter.add.f32 [tilespmem:s19], [sflag:$0x4], $0x80, s14, s18, $0xb8;
	[tilespmem:$0x1C000] =	vst v63  }
0x9a: {  	_ =	swait.ge [sflag:s23], $0x3200  }
0x9b: {  	[sflag:s23] =	ssyncset.done $0x0  }
0x9c: {  	s12 =	rddreg [dreg:$0x11];
	[sflag:s23] =	ssyncadd.s32 $0xFFFFCE00  }
0x9d: {  	[tilespmem:s19], [sflag:$0x2] =	stream.indirect.gather [hbm4b:s4+s18], $0x80, s12, s18, $0xb8;
	[tilespmem:$0x1C000] =	vst v63  }
0x9e: {  	_ =	swait.ge [sflag:s20], $0x3200  }
0x9f: {  	[sflag:s20] =	ssyncset.done $0x0  }
0xa0: {  	s13 =	rddreg [dreg:$0x12];
	[sflag:s20] =	ssyncadd.s32 $0xFFFFCE00  }
0xa1: {  	[spmem:s2] =	stream.indirect.scatter.add.f32 [tilespmem:s15], [sflag:$0x3], $0x80, s13, s18, $0xb8;
	[tilespmem:$0x1C000] =	vst v63  }
0xa2: {  	_ =	swait.ge [sflag:s21], $0x3200  }
0xa3: {  	[sflag:s21] =	ssyncset.done $0x0  }
0xa4: {  	s14 =	rddreg [dreg:$0x13];
	[sflag:s21] =	ssyncadd.s32 $0xFFFFCE00  }
0xa5: {  	[tilespmem:s15], [sflag:$0x1] =	stream.indirect.gather [hbm4b:s4+s18], $0x80, s14, s18, $0xb8;
	[tilespmem:$0x1C000] =	vst v63  }
0xa6: {  	_ =	swait.ge [sflag:s22], $0x3200  }
0xa7: {  	[sflag:s22] =	ssyncset.done $0x0  }
0xa8: {  	s12 =	rddreg [dreg:$0x14];
	[sflag:s22] =	ssyncadd.s32 $0xFFFFCE00  }
0xa9: {  	[spmem:s2] =	stream.indirect.scatter.add.f32 [tilespmem:s19], [sflag:$0x4], $0x80, s12, s18, $0xb8;
	[tilespmem:$0x1C000] =	vst v63  }
0xaa: {  	_ =	swait.ge [sflag:s23], $0x3200  }
0xab: {  	[sflag:s23] =	ssyncset.done $0x0  }
0xac: {  	s13 =	rddreg [dreg:$0x15];
	[sflag:s23] =	ssyncadd.s32 $0xFFFFCE00  }
0xad: {  	[tilespmem:s19], [sflag:$0x2] =	stream.indirect.gather [hbm4b:s4+s18], $0x80, s13, s18, $0xb8;
	[tilespmem:$0x1C000] =	vst v63  }
0xae: {  	_ =	swait.ge [sflag:s20], $0x3200  }
0xaf: {  	[sflag:s20] =	ssyncset.done $0x0  }
0xb0: {  	s14 =	rddreg [dreg:$0x16];
	[sflag:s20] =	ssyncadd.s32 $0xFFFFCE00  }
0xb1: {  	[spmem:s2] =	stream.indirect.scatter.add.f32 [tilespmem:s15], [sflag:$0x3], $0x80, s14, s18, $0xb8;
	[tilespmem:$0x1C000] =	vst v63  }
0xb2: {  	_ =	swait.ge [sflag:s21], $0x3200  }
0xb3: {  	[sflag:s21] =	ssyncset.done $0x0  }
0xb4: {  	s12 =	rddreg [dreg:$0x17];
	[sflag:s21] =	ssyncadd.s32 $0xFFFFCE00  }
0xb5: {  	[tilespmem:s15], [sflag:$0x1] =	stream.indirect.gather [hbm4b:s4+s18], $0x80, s12, s18, $0xb8;
	[tilespmem:$0x1C000] =	vst v63  }
0xb6: {  	_ =	swait.ge [sflag:s22], $0x3200  }
0xb7: {  	[sflag:s22] =	ssyncset.done $0x0  }
0xb8: {  	s13 =	rddreg [dreg:$0x18];
	[sflag:s22] =	ssyncadd.s32 $0xFFFFCE00  }
0xb9: {  	[spmem:s2] =	stream.indirect.scatter.add.f32 [tilespmem:s19], [sflag:$0x4], $0x80, s13, s18, $0xb8;
	[tilespmem:$0x1C000] =	vst v63  }
0xba: {  	_ =	swait.ge [sflag:s23], $0x3200  }
0xbb: {  	[sflag:s23] =	ssyncset.done $0x0  }
0xbc: {  	s14 =	rddreg [dreg:$0x19];
	[sflag:s23] =	ssyncadd.s32 $0xFFFFCE00  }
0xbd: {  	[tilespmem:s19], [sflag:$0x2] =	stream.indirect.gather [hbm4b:s4+s18], $0x80, s14, s18, $0xb8;
	[tilespmem:$0x1C000] =	vst v63  }
0xbe: {  	_ =	swait.ge [sflag:s20], $0x3200  }
0xbf: {  	[sflag:s20] =	ssyncset.done $0x0  }
0xc0: {  	s12 =	rddreg [dreg:$0x1a];
	[sflag:s20] =	ssyncadd.s32 $0xFFFFCE00  }
0xc1: {  	[spmem:s2] =	stream.indirect.scatter.add.f32 [tilespmem:s15], [sflag:$0x3], $0x80, s12, s18, $0xb8;
	[tilespmem:$0x1C000] =	vst v63  }
0xc2: {  	_ =	swait.ge [sflag:s21], $0x3200  }
0xc3: {  	[sflag:s21] =	ssyncset.done $0x0  }
0xc4: {  	s13 =	rddreg [dreg:$0x1b];
	[sflag:s21] =	ssyncadd.s32 $0xFFFFCE00  }
0xc5: {  	[tilespmem:s15], [sflag:$0x1] =	stream.indirect.gather [hbm4b:s4+s18], $0x80, s13, s18, $0xb8;
	[tilespmem:$0x1C000] =	vst v63  }
0xc6: {  	_ =	swait.ge [sflag:s22], $0x3200  }
0xc7: {  	[sflag:s22] =	ssyncset.done $0x0  }
0xc8: {  	s14 =	rddreg [dreg:$0x1c];
	[sflag:s22] =	ssyncadd.s32 $0xFFFFCE00  }
0xc9: {  	[spmem:s2] =	stream.indirect.scatter.add.f32 [tilespmem:s19], [sflag:$0x4], $0x80, s14, s18, $0xb8;
	[tilespmem:$0x1C000] =	vst v63  }
0xca: {  	_ =	swait.ge [sflag:s23], $0x3200  }
0xcb: {  	[sflag:s23] =	ssyncset.done $0x0  }
0xcc: {  	[sflag:s23] =	ssyncadd.s32 $0xFFFFCE00  }
0xcd: {  	[tilespmem:s19], [sflag:$0x2] =	stream.indirect.gather [hbm4b:s4+s18], $0x80, s24, s18, $0xb8;
	[tilespmem:$0x1C000] =	vst v63  }
0xce: {  	_ =	swait.ge [sflag:s20], $0x3200  }
0xcf: {  	[sflag:s20] =	ssyncset.done $0x0  }
0xd0: {  	[sflag:s20] =	ssyncadd.s32 $0xFFFFCE00  }
0xd1: {  	[spmem:s2] =	stream.indirect.scatter.add.f32 [tilespmem:s15], [sflag:$0x3], $0x80, s25, s18, $0xb8;
	[tilespmem:$0x1C000] =	vst v63  }
0xd2: {  	_ =	swait.ge [sflag:s21], $0x3200  }
0xd3: {  	[sflag:s21] =	ssyncset.done $0x0  }
0xd4: {  	[sflag:s21] =	ssyncadd.s32 $0xFFFFCE00  }
0xd5: {  	[tilespmem:s15], [sflag:$0x1] =	stream.indirect.gather [hbm4b:s4+s18], $0x80, s26, s18, $0xb8;
	[tilespmem:$0x1C000] =	vst v63  }
0xd6: {  	_ =	swait.ge [sflag:s22], $0x3200  }
0xd7: {  	[sflag:s22] =	ssyncset.done $0x0  }
0xd8: {  	[sflag:s22] =	ssyncadd.s32 $0xFFFFCE00  }
0xd9: {  	[spmem:s2] =	stream.indirect.scatter.add.f32 [tilespmem:s19], [sflag:$0x4], $0x80, s28, s18, $0xb8;
	[tilespmem:$0x1C000] =	vst v63  }
0xda: {  	_ =	swait.ge [sflag:s23], $0x3200  }
0xdb: {  	[sflag:s23] =	ssyncset.done $0x0  }
0xdc: {  	[sflag:s23] =	ssyncadd.s32 $0xFFFFCE00  }
0xdd: {  	[tilespmem:s19], [sflag:$0x2] =	stream.indirect.gather [hbm4b:s4+s18], $0x80, s29, s18, $0xb8;
	[tilespmem:$0x1C000] =	vst v63  }
0xde: {  	_ =	swait.ge [sflag:s20], $0x3200  }
0xdf: {  	[sflag:s20] =	ssyncset.done $0x0  }
0xe0: {  	[sflag:s20] =	ssyncadd.s32 $0xFFFFCE00  }
0xe1: {  	[spmem:s2] =	stream.indirect.scatter.add.f32 [tilespmem:s15], [sflag:$0x3], $0x80, s30, s18, $0xb8;
	[tilespmem:$0x1C000] =	vst v63  }
0xe2: {  	_ =	swait.ge [sflag:s21], $0x3200  }
0xe3: {  	[sflag:s21] =	ssyncset.done $0x0  }
0xe4: {  	[sflag:s21] =	ssyncadd.s32 $0xFFFFCE00  }
0xe5: {  	[tilespmem:s15], [sflag:$0x1] =	stream.indirect.gather [hbm4b:s4+s18], $0x80, s31, s18, $0xb8;
	[tilespmem:$0x1C000] =	vst v63  }
0xe6: {  	_ =	swait.ge [sflag:s22], $0x3200  }
0xe7: {  	[sflag:s22] =	ssyncset.done $0x0  }
0xe8: {  	[sflag:s22] =	ssyncadd.s32 $0xFFFFCE00  }
0xe9: {  	[spmem:s2] =	stream.indirect.scatter.add.f32 [tilespmem:s19], [sflag:$0x4], $0x80, s1, s18, $0xb8;
	[tilespmem:$0x1C000] =	vst v63  }
0xea: {  	_ =	swait.ge [sflag:s23], $0x3200  }
0xeb: {  	[sflag:s23] =	ssyncset.done $0x0  }
0xec: {  	[sflag:s23] =	ssyncadd.s32 $0xFFFFCE00  }
0xed: {  	[tilespmem:s19], [sflag:$0x2] =	stream.indirect.gather [hbm4b:s4+s18], $0x80, s0, s18, $0xb8;
	[tilespmem:$0x1C000] =	vst v63  }
0xee: {  	_ =	swait.ge [sflag:s20], $0x3200  }
0xef: {  	[sflag:s20] =	ssyncset.done $0x0  }
0xf0: {  	[sflag:s20] =	ssyncadd.s32 $0xFFFFCE00  }
0xf1: {  	[spmem:s2] =	stream.indirect.scatter.add.f32 [tilespmem:s15], [sflag:$0x3], $0x80, s6, s18, $0xb8;
	[tilespmem:$0x1C000] =	vst v63  }
0xf2: {  	_ =	swait.ge [sflag:s21], $0x3200  }
0xf3: {  	[sflag:s21] =	ssyncset.done $0x0  }
0xf4: {  	[sflag:s21] =	ssyncadd.s32 $0xFFFFCE00  }
0xf5: {  	[tilespmem:s15], [sflag:$0x1] =	stream.indirect.gather [hbm4b:s4+s18], $0x80, s7, s18, $0xb8;
	[tilespmem:$0x1C000] =	vst v63  }
0xf6: {  	_ =	swait.ge [sflag:s22], $0x3200  }
0xf7: {  	[sflag:s22] =	ssyncset.done $0x0  }
0xf8: {  	[sflag:s22] =	ssyncadd.s32 $0xFFFFCE00  }
0xf9: {  	[spmem:s2] =	stream.indirect.scatter.add.f32 [tilespmem:s19], [sflag:$0x4], $0x80, s8, s18, $0xb8;
	[tilespmem:$0x1C000] =	vst v63  }
0xfa: {  	_ =	swait.ge [sflag:s23], $0x3200  }
0xfb: {  	[sflag:s23] =	ssyncset.done $0x0  }
0xfc: {  	[sflag:s23] =	ssyncadd.s32 $0xFFFFCE00  }
0xfd: {  	[tilespmem:s19], [sflag:$0x2] =	stream.indirect.gather [hbm4b:s4+s18], $0x80, s9, s18, $0xb8;
	[tilespmem:$0x1C000] =	vst v63  }
0xfe: {  	_ =	swait.ge [sflag:s20], $0x3200  }
0xff: {  	[sflag:s20] =	ssyncset.done $0x0  }
0x100: {  	[sflag:s20] =	ssyncadd.s32 $0xFFFFCE00  }
0x101: {  	[spmem:s2] =	stream.indirect.scatter.add.f32 [tilespmem:s15], [sflag:$0x3], $0x80, s10, s18, $0xb8;
	[tilespmem:$0x1C000] =	vst v63  }
0x102: {  	_ =	swait.ge [sflag:s22], $0x3200  }
0x103: {  	[sflag:s22] =	ssyncset.done $0x0  }
0x104: {  	[sflag:s22] =	ssyncadd.s32 $0xFFFFCE00  }
0x105: {  	[spmem:s2] =	stream.indirect.scatter.add.f32 [tilespmem:s19], [sflag:$0x4], $0x80, s11, s18, $0xb8;
	[tilespmem:$0x1C000] =	vst v63  }
0x106: {  	_ =	swait.ge [sflag:s21], $0x3200  }
0x107: {  	[sflag:s21] =	ssyncset.done $0x0  }
0x108: {  	[sflag:s21] =	ssyncadd.s32 $0xFFFFCE00  }
0x109: {  	s13 =	simm.s32 $0x180;
	_ =	swait.ge [sflag:s23], $0x3200  }
0x10a: {  	s14 =	simm.s32 $0x300;
	s5 =	rddreg [dreg:$0x5];
	[sflag:s23] =	ssyncset.done $0x0  }
.LBB2_4:
0x10b: {  	[sflag:s23] =	ssyncadd.s32 $0xFFFFCE00;
	s5 =	sadd.s32 s13, s5  }
0x10c: {  	[tilespmem:s3], [sflag:$0x5] =	stream.linear.gather [hbm4b:s5+s3], $0xA00, $0x38;
	[tilespmem:$0x1C000] =	vst v63  }
0x10d: {  	_ =	swait.ge [sflag:s16], $0xA00  }
0x10e: {  	s5 =	rddreg [dreg:$0x4];
	[sflag:s16] =	ssyncset.done $0x0  }
0x10f: {  	[sflag:s16] =	ssyncadd.s32 $0xFFFFF600;
	s5 =	sadd.s32 s13, s5  }
0x110: {  	[tilespmem:s17], [sflag:$0x5] =	stream.linear.gather [hbm4b:s5+s3], $0xA00, $0x38;
	[tilespmem:$0x1C000] =	vst v63  }
0x111: {  	_ =	swait.ge [sflag:s16], $0xA00  }
0x112: {  	[sflag:s16] =	ssyncset.done $0x0  }
0x113: {  	s12 =	smov.u32 s14;
	[sflag:s16] =	ssyncadd.s32 $0xFFFFF600  }
0x114: {  	[tilespmem:s15], [sflag:$0x1] =	stream.indirect.gather [hbm4b:s4+s18], $0x80, s3, s18, $0xb8;
	[tilespmem:$0x1C000] =	vst v63  }
0x115: {  	s13 =	smov.u32 s12;
	s12 =	rddreg [dreg:$0x6]  }
0x116: {  	[tilespmem:s19], [sflag:$0x2] =	stream.indirect.gather [hbm4b:s4+s18], $0x80, s12, s18, $0xb8;
	[tilespmem:$0x1C000] =	vst v63  }
0x117: {  	_ =	swait.ge [sflag:s20], $0x3200  }
0x118: {  	[sflag:s20] =	ssyncset.done $0x0  }
0x119: {  	[sflag:s20] =	ssyncadd.s32 $0xFFFFCE00  }
0x11a: {  	[spmem:s2] =	stream.indirect.scatter.add.f32 [tilespmem:s15], [sflag:$0x3], $0x80, s17, s18, $0xb8;
	[tilespmem:$0x1C000] =	vst v63  }
0x11b: {  	_ =	swait.ge [sflag:s21], $0x3200  }
0x11c: {  	[sflag:s21] =	ssyncset.done $0x0  }
0x11d: {  	s12 =	rddreg [dreg:$0x7];
	[sflag:s21] =	ssyncadd.s32 $0xFFFFCE00  }
0x11e: {  	[tilespmem:s15], [sflag:$0x1] =	stream.indirect.gather [hbm4b:s4+s18], $0x80, s12, s18, $0xb8;
	[tilespmem:$0x1C000] =	vst v63  }
0x11f: {  	_ =	swait.ge [sflag:s22], $0x3200  }
0x120: {  	[sflag:s22] =	ssyncset.done $0x0  }
0x121: {  	s12 =	rddreg [dreg:$0x8];
	[sflag:s22] =	ssyncadd.s32 $0xFFFFCE00  }
0x122: {  	[spmem:s2] =	stream.indirect.scatter.add.f32 [tilespmem:s19], [sflag:$0x4], $0x80, s12, s18, $0xb8;
	[tilespmem:$0x1C000] =	vst v63  }
0x123: {  	_ =	swait.ge [sflag:s23], $0x3200  }
0x124: {  	[sflag:s23] =	ssyncset.done $0x0  }
0x125: {  	s12 =	rddreg [dreg:$0x9];
	[sflag:s23] =	ssyncadd.s32 $0xFFFFCE00  }
0x126: {  	[tilespmem:s19], [sflag:$0x2] =	stream.indirect.gather [hbm4b:s4+s18], $0x80, s12, s18, $0xb8;
	[tilespmem:$0x1C000] =	vst v63  }
0x127: {  	_ =	swait.ge [sflag:s20], $0x3200  }
0x128: {  	[sflag:s20] =	ssyncset.done $0x0  }
0x129: {  	s12 =	rddreg [dreg:$0xa];
	[sflag:s20] =	ssyncadd.s32 $0xFFFFCE00  }
0x12a: {  	[spmem:s2] =	stream.indirect.scatter.add.f32 [tilespmem:s15], [sflag:$0x3], $0x80, s12, s18, $0xb8;
	[tilespmem:$0x1C000] =	vst v63  }
0x12b: {  	_ =	swait.ge [sflag:s21], $0x3200  }
0x12c: {  	[sflag:s21] =	ssyncset.done $0x0  }
0x12d: {  	s12 =	rddreg [dreg:$0xb];
	[sflag:s21] =	ssyncadd.s32 $0xFFFFCE00  }
0x12e: {  	[tilespmem:s15], [sflag:$0x1] =	stream.indirect.gather [hbm4b:s4+s18], $0x80, s12, s18, $0xb8;
	[tilespmem:$0x1C000] =	vst v63  }
0x12f: {  	_ =	swait.ge [sflag:s22], $0x3200  }
0x130: {  	[sflag:s22] =	ssyncset.done $0x0  }
0x131: {  	s12 =	rddreg [dreg:$0xc];
	[sflag:s22] =	ssyncadd.s32 $0xFFFFCE00  }
0x132: {  	[spmem:s2] =	stream.indirect.scatter.add.f32 [tilespmem:s19], [sflag:$0x4], $0x80, s12, s18, $0xb8;
	[tilespmem:$0x1C000] =	vst v63  }
0x133: {  	_ =	swait.ge [sflag:s23], $0x3200  }
0x134: {  	[sflag:s23] =	ssyncset.done $0x0  }
0x135: {  	s12 =	rddreg [dreg:$0xd];
	[sflag:s23] =	ssyncadd.s32 $0xFFFFCE00  }
0x136: {  	[tilespmem:s19], [sflag:$0x2] =	stream.indirect.gather [hbm4b:s4+s18], $0x80, s12, s18, $0xb8;
	[tilespmem:$0x1C000] =	vst v63  }
0x137: {  	_ =	swait.ge [sflag:s20], $0x3200  }
0x138: {  	[sflag:s20] =	ssyncset.done $0x0  }
0x139: {  	s12 =	rddreg [dreg:$0xe];
	[sflag:s20] =	ssyncadd.s32 $0xFFFFCE00  }
0x13a: {  	[spmem:s2] =	stream.indirect.scatter.add.f32 [tilespmem:s15], [sflag:$0x3], $0x80, s12, s18, $0xb8;
	[tilespmem:$0x1C000] =	vst v63  }
0x13b: {  	_ =	swait.ge [sflag:s21], $0x3200  }
0x13c: {  	[sflag:s21] =	ssyncset.done $0x0  }
0x13d: {  	s12 =	rddreg [dreg:$0xf];
	[sflag:s21] =	ssyncadd.s32 $0xFFFFCE00  }
0x13e: {  	[tilespmem:s15], [sflag:$0x1] =	stream.indirect.gather [hbm4b:s4+s18], $0x80, s12, s18, $0xb8;
	[tilespmem:$0x1C000] =	vst v63  }
0x13f: {  	_ =	swait.ge [sflag:s22], $0x3200  }
0x140: {  	[sflag:s22] =	ssyncset.done $0x0  }
0x141: {  	s12 =	rddreg [dreg:$0x10];
	[sflag:s22] =	ssyncadd.s32 $0xFFFFCE00  }
0x142: {  	[spmem:s2] =	stream.indirect.scatter.add.f32 [tilespmem:s19], [sflag:$0x4], $0x80, s12, s18, $0xb8;
	[tilespmem:$0x1C000] =	vst v63  }
0x143: {  	_ =	swait.ge [sflag:s23], $0x3200  }
0x144: {  	[sflag:s23] =	ssyncset.done $0x0  }
0x145: {  	s12 =	rddreg [dreg:$0x11];
	[sflag:s23] =	ssyncadd.s32 $0xFFFFCE00  }
0x146: {  	[tilespmem:s19], [sflag:$0x2] =	stream.indirect.gather [hbm4b:s4+s18], $0x80, s12, s18, $0xb8;
	[tilespmem:$0x1C000] =	vst v63  }
0x147: {  	_ =	swait.ge [sflag:s20], $0x3200  }
0x148: {  	[sflag:s20] =	ssyncset.done $0x0  }
0x149: {  	s12 =	rddreg [dreg:$0x12];
	[sflag:s20] =	ssyncadd.s32 $0xFFFFCE00  }
0x14a: {  	[spmem:s2] =	stream.indirect.scatter.add.f32 [tilespmem:s15], [sflag:$0x3], $0x80, s12, s18, $0xb8;
	[tilespmem:$0x1C000] =	vst v63  }
0x14b: {  	_ =	swait.ge [sflag:s21], $0x3200  }
0x14c: {  	[sflag:s21] =	ssyncset.done $0x0  }
0x14d: {  	s12 =	rddreg [dreg:$0x13];
	[sflag:s21] =	ssyncadd.s32 $0xFFFFCE00  }
0x14e: {  	[tilespmem:s15], [sflag:$0x1] =	stream.indirect.gather [hbm4b:s4+s18], $0x80, s12, s18, $0xb8;
	[tilespmem:$0x1C000] =	vst v63  }
0x14f: {  	_ =	swait.ge [sflag:s22], $0x3200  }
0x150: {  	[sflag:s22] =	ssyncset.done $0x0  }
0x151: {  	s12 =	rddreg [dreg:$0x14];
	[sflag:s22] =	ssyncadd.s32 $0xFFFFCE00  }
0x152: {  	[spmem:s2] =	stream.indirect.scatter.add.f32 [tilespmem:s19], [sflag:$0x4], $0x80, s12, s18, $0xb8;
	[tilespmem:$0x1C000] =	vst v63  }
0x153: {  	_ =	swait.ge [sflag:s23], $0x3200  }
0x154: {  	[sflag:s23] =	ssyncset.done $0x0  }
0x155: {  	s12 =	rddreg [dreg:$0x15];
	[sflag:s23] =	ssyncadd.s32 $0xFFFFCE00  }
0x156: {  	[tilespmem:s19], [sflag:$0x2] =	stream.indirect.gather [hbm4b:s4+s18], $0x80, s12, s18, $0xb8;
	[tilespmem:$0x1C000] =	vst v63  }
0x157: {  	_ =	swait.ge [sflag:s20], $0x3200  }
0x158: {  	[sflag:s20] =	ssyncset.done $0x0  }
0x159: {  	s12 =	rddreg [dreg:$0x16];
	[sflag:s20] =	ssyncadd.s32 $0xFFFFCE00  }
0x15a: {  	[spmem:s2] =	stream.indirect.scatter.add.f32 [tilespmem:s15], [sflag:$0x3], $0x80, s12, s18, $0xb8;
	[tilespmem:$0x1C000] =	vst v63  }
0x15b: {  	_ =	swait.ge [sflag:s21], $0x3200  }
0x15c: {  	[sflag:s21] =	ssyncset.done $0x0  }
0x15d: {  	s12 =	rddreg [dreg:$0x17];
	[sflag:s21] =	ssyncadd.s32 $0xFFFFCE00  }
0x15e: {  	[tilespmem:s15], [sflag:$0x1] =	stream.indirect.gather [hbm4b:s4+s18], $0x80, s12, s18, $0xb8;
	[tilespmem:$0x1C000] =	vst v63  }
0x15f: {  	_ =	swait.ge [sflag:s22], $0x3200  }
0x160: {  	[sflag:s22] =	ssyncset.done $0x0  }
0x161: {  	s12 =	rddreg [dreg:$0x18];
	[sflag:s22] =	ssyncadd.s32 $0xFFFFCE00  }
0x162: {  	[spmem:s2] =	stream.indirect.scatter.add.f32 [tilespmem:s19], [sflag:$0x4], $0x80, s12, s18, $0xb8;
	[tilespmem:$0x1C000] =	vst v63  }
0x163: {  	_ =	swait.ge [sflag:s23], $0x3200  }
0x164: {  	[sflag:s23] =	ssyncset.done $0x0  }
0x165: {  	s12 =	rddreg [dreg:$0x19];
	[sflag:s23] =	ssyncadd.s32 $0xFFFFCE00  }
0x166: {  	[tilespmem:s19], [sflag:$0x2] =	stream.indirect.gather [hbm4b:s4+s18], $0x80, s12, s18, $0xb8;
	[tilespmem:$0x1C000] =	vst v63  }
0x167: {  	_ =	swait.ge [sflag:s20], $0x3200  }
0x168: {  	[sflag:s20] =	ssyncset.done $0x0  }
0x169: {  	s12 =	rddreg [dreg:$0x1a];
	[sflag:s20] =	ssyncadd.s32 $0xFFFFCE00  }
0x16a: {  	[spmem:s2] =	stream.indirect.scatter.add.f32 [tilespmem:s15], [sflag:$0x3], $0x80, s12, s18, $0xb8;
	[tilespmem:$0x1C000] =	vst v63  }
0x16b: {  	_ =	swait.ge [sflag:s21], $0x3200  }
0x16c: {  	[sflag:s21] =	ssyncset.done $0x0  }
0x16d: {  	s12 =	rddreg [dreg:$0x1b];
	[sflag:s21] =	ssyncadd.s32 $0xFFFFCE00  }
0x16e: {  	[tilespmem:s15], [sflag:$0x1] =	stream.indirect.gather [hbm4b:s4+s18], $0x80, s12, s18, $0xb8;
	[tilespmem:$0x1C000] =	vst v63  }
0x16f: {  	_ =	swait.ge [sflag:s22], $0x3200  }
0x170: {  	[sflag:s22] =	ssyncset.done $0x0  }
0x171: {  	s12 =	rddreg [dreg:$0x1c];
	[sflag:s22] =	ssyncadd.s32 $0xFFFFCE00  }
0x172: {  	[spmem:s2] =	stream.indirect.scatter.add.f32 [tilespmem:s19], [sflag:$0x4], $0x80, s12, s18, $0xb8;
	[tilespmem:$0x1C000] =	vst v63  }
0x173: {  	_ =	swait.ge [sflag:s23], $0x3200  }
0x174: {  	[sflag:s23] =	ssyncset.done $0x0  }
0x175: {  	[sflag:s23] =	ssyncadd.s32 $0xFFFFCE00  }
0x176: {  	[tilespmem:s19], [sflag:$0x2] =	stream.indirect.gather [hbm4b:s4+s18], $0x80, s24, s18, $0xb8;
	[tilespmem:$0x1C000] =	vst v63  }
0x177: {  	_ =	swait.ge [sflag:s20], $0x3200  }
0x178: {  	[sflag:s20] =	ssyncset.done $0x0  }
0x179: {  	[sflag:s20] =	ssyncadd.s32 $0xFFFFCE00  }
0x17a: {  	[spmem:s2] =	stream.indirect.scatter.add.f32 [tilespmem:s15], [sflag:$0x3], $0x80, s25, s18, $0xb8;
	[tilespmem:$0x1C000] =	vst v63  }
0x17b: {  	_ =	swait.ge [sflag:s21], $0x3200  }
0x17c: {  	[sflag:s21] =	ssyncset.done $0x0  }
0x17d: {  	[sflag:s21] =	ssyncadd.s32 $0xFFFFCE00  }
0x17e: {  	[tilespmem:s15], [sflag:$0x1] =	stream.indirect.gather [hbm4b:s4+s18], $0x80, s26, s18, $0xb8;
	[tilespmem:$0x1C000] =	vst v63  }
0x17f: {  	_ =	swait.ge [sflag:s22], $0x3200  }
0x180: {  	[sflag:s22] =	ssyncset.done $0x0  }
0x181: {  	[sflag:s22] =	ssyncadd.s32 $0xFFFFCE00  }
0x182: {  	[spmem:s2] =	stream.indirect.scatter.add.f32 [tilespmem:s19], [sflag:$0x4], $0x80, s28, s18, $0xb8;
	[tilespmem:$0x1C000] =	vst v63  }
0x183: {  	_ =	swait.ge [sflag:s23], $0x3200  }
0x184: {  	[sflag:s23] =	ssyncset.done $0x0  }
0x185: {  	[sflag:s23] =	ssyncadd.s32 $0xFFFFCE00  }
0x186: {  	[tilespmem:s19], [sflag:$0x2] =	stream.indirect.gather [hbm4b:s4+s18], $0x80, s29, s18, $0xb8;
	[tilespmem:$0x1C000] =	vst v63  }
0x187: {  	_ =	swait.ge [sflag:s20], $0x3200  }
0x188: {  	[sflag:s20] =	ssyncset.done $0x0  }
0x189: {  	[sflag:s20] =	ssyncadd.s32 $0xFFFFCE00  }
0x18a: {  	[spmem:s2] =	stream.indirect.scatter.add.f32 [tilespmem:s15], [sflag:$0x3], $0x80, s30, s18, $0xb8;
	[tilespmem:$0x1C000] =	vst v63  }
0x18b: {  	_ =	swait.ge [sflag:s21], $0x3200  }
0x18c: {  	[sflag:s21] =	ssyncset.done $0x0  }
0x18d: {  	[sflag:s21] =	ssyncadd.s32 $0xFFFFCE00  }
0x18e: {  	[tilespmem:s15], [sflag:$0x1] =	stream.indirect.gather [hbm4b:s4+s18], $0x80, s31, s18, $0xb8;
	[tilespmem:$0x1C000] =	vst v63  }
0x18f: {  	_ =	swait.ge [sflag:s22], $0x3200  }
0x190: {  	[sflag:s22] =	ssyncset.done $0x0  }
0x191: {  	[sflag:s22] =	ssyncadd.s32 $0xFFFFCE00  }
0x192: {  	[spmem:s2] =	stream.indirect.scatter.add.f32 [tilespmem:s19], [sflag:$0x4], $0x80, s1, s18, $0xb8;
	[tilespmem:$0x1C000] =	vst v63  }
0x193: {  	_ =	swait.ge [sflag:s23], $0x3200  }
0x194: {  	[sflag:s23] =	ssyncset.done $0x0  }
0x195: {  	[sflag:s23] =	ssyncadd.s32 $0xFFFFCE00  }
0x196: {  	[tilespmem:s19], [sflag:$0x2] =	stream.indirect.gather [hbm4b:s4+s18], $0x80, s0, s18, $0xb8;
	[tilespmem:$0x1C000] =	vst v63  }
0x197: {  	_ =	swait.ge [sflag:s20], $0x3200  }
0x198: {  	[sflag:s20] =	ssyncset.done $0x0  }
0x199: {  	[sflag:s20] =	ssyncadd.s32 $0xFFFFCE00  }
0x19a: {  	[spmem:s2] =	stream.indirect.scatter.add.f32 [tilespmem:s15], [sflag:$0x3], $0x80, s6, s18, $0xb8;
	[tilespmem:$0x1C000] =	vst v63  }
0x19b: {  	_ =	swait.ge [sflag:s21], $0x3200  }
0x19c: {  	[sflag:s21] =	ssyncset.done $0x0  }
0x19d: {  	[sflag:s21] =	ssyncadd.s32 $0xFFFFCE00  }
0x19e: {  	[tilespmem:s15], [sflag:$0x1] =	stream.indirect.gather [hbm4b:s4+s18], $0x80, s7, s18, $0xb8;
	[tilespmem:$0x1C000] =	vst v63  }
0x19f: {  	_ =	swait.ge [sflag:s22], $0x3200  }
0x1a0: {  	[sflag:s22] =	ssyncset.done $0x0  }
0x1a1: {  	[sflag:s22] =	ssyncadd.s32 $0xFFFFCE00  }
0x1a2: {  	[spmem:s2] =	stream.indirect.scatter.add.f32 [tilespmem:s19], [sflag:$0x4], $0x80, s8, s18, $0xb8;
	[tilespmem:$0x1C000] =	vst v63  }
0x1a3: {  	_ =	swait.ge [sflag:s23], $0x3200  }
0x1a4: {  	[sflag:s23] =	ssyncset.done $0x0  }
0x1a5: {  	[sflag:s23] =	ssyncadd.s32 $0xFFFFCE00  }
0x1a6: {  	[tilespmem:s19], [sflag:$0x2] =	stream.indirect.gather [hbm4b:s4+s18], $0x80, s9, s18, $0xb8;
	[tilespmem:$0x1C000] =	vst v63  }
0x1a7: {  	_ =	swait.ge [sflag:s20], $0x3200  }
0x1a8: {  	[sflag:s20] =	ssyncset.done $0x0  }
0x1a9: {  	[sflag:s20] =	ssyncadd.s32 $0xFFFFCE00  }
0x1aa: {  	[spmem:s2] =	stream.indirect.scatter.add.f32 [tilespmem:s15], [sflag:$0x3], $0x80, s10, s18, $0xb8;
	[tilespmem:$0x1C000] =	vst v63  }
0x1ab: {  	_ =	swait.ge [sflag:s22], $0x3200  }
0x1ac: {  	[sflag:s22] =	ssyncset.done $0x0  }
0x1ad: {  	p0 =	sne.s32 s14, $0x600;
	[sflag:s22] =	ssyncadd.s32 $0xFFFFCE00  }
0x1ae: {  	[spmem:s2] =	stream.indirect.scatter.add.f32 [tilespmem:s19], [sflag:$0x4], $0x80, s11, s18, $0xb8;
	[tilespmem:$0x1C000] =	vst v63  }
.Ltmp1:
0x1af: {  	_ =	swait.ge [sflag:s21], $0x3200;
	(pc) =	sbr.rel @p0 .LBB2_4-.Ltmp1, $4  }
0x1b0: {  	[sflag:s21] =	ssyncset.done $0x0  }
0x1b1: {  	[sflag:s21] =	ssyncadd.s32 $0xFFFFCE00  }
0x1b2: {  	_ =	swait.ge [sflag:s23], $0x3200  }
0x1b3: {  	s14 =	sadd.s32 $0x180, s14;
	s5 =	rddreg [dreg:$0x5];
	[sflag:s23] =	ssyncset.done $0x0  }
0x1b4: {  	[sflag:s23] =	ssyncadd.s32 $0xFFFFCE00;
	s5 =	sadd.s32 s13, s5  }
0x1b5: {  	[tilespmem:s3], [sflag:$0x5] =	stream.linear.gather [hbm4b:s5+s3], $0xA00, $0x38;
	[tilespmem:$0x1C000] =	vst v63  }
0x1b6: {  	_ =	swait.ge [sflag:s16], $0xA00  }
0x1b7: {  	s12 =	rddreg [dreg:$0x4];
	[sflag:s16] =	ssyncset.done $0x0  }
0x1b8: {  	[sflag:s16] =	ssyncadd.s32 $0xFFFFF600;
	s5 =	sadd.s32 s13, s12  }
0x1b9: {  	[tilespmem:s17], [sflag:$0x5] =	stream.linear.gather [hbm4b:s5+s3], $0xA00, $0x38;
	[tilespmem:$0x1C000] =	vst v63  }
0x1ba: {  	_ =	swait.ge [sflag:s16], $0xA00  }
0x1bb: {  	[sflag:s16] =	ssyncset.done $0x0  }
0x1bc: {  	[sflag:s16] =	ssyncadd.s32 $0xFFFFF600  }
0x1bd: {  	[tilespmem:s15], [sflag:$0x1] =	stream.indirect.gather [hbm4b:s4+s18], $0x80, s3, s18, $0xb8;
	[tilespmem:$0x1C000] =	vst v63  }
0x1be: {  	s14 =	rddreg [dreg:$0x6]  }
0x1bf: {  	[tilespmem:s19], [sflag:$0x2] =	stream.indirect.gather [hbm4b:s4+s18], $0x80, s14, s18, $0xb8;
	[tilespmem:$0x1C000] =	vst v63  }
0x1c0: {  	_ =	swait.ge [sflag:s20], $0x3200  }
0x1c1: {  	[sflag:s20] =	ssyncset.done $0x0  }
0x1c2: {  	[sflag:s20] =	ssyncadd.s32 $0xFFFFCE00  }
0x1c3: {  	[spmem:s2] =	stream.indirect.scatter.add.f32 [tilespmem:s15], [sflag:$0x3], $0x80, s17, s18, $0xb8;
	[tilespmem:$0x1C000] =	vst v63  }
0x1c4: {  	_ =	swait.ge [sflag:s21], $0x3200  }
0x1c5: {  	[sflag:s21] =	ssyncset.done $0x0  }
0x1c6: {  	s12 =	rddreg [dreg:$0x7];
	[sflag:s21] =	ssyncadd.s32 $0xFFFFCE00  }
0x1c7: {  	[tilespmem:s15], [sflag:$0x1] =	stream.indirect.gather [hbm4b:s4+s18], $0x80, s12, s18, $0xb8;
	[tilespmem:$0x1C000] =	vst v63  }
0x1c8: {  	_ =	swait.ge [sflag:s22], $0x3200  }
0x1c9: {  	[sflag:s22] =	ssyncset.done $0x0  }
0x1ca: {  	s13 =	rddreg [dreg:$0x8];
	[sflag:s22] =	ssyncadd.s32 $0xFFFFCE00  }
0x1cb: {  	[spmem:s2] =	stream.indirect.scatter.add.f32 [tilespmem:s19], [sflag:$0x4], $0x80, s13, s18, $0xb8;
	[tilespmem:$0x1C000] =	vst v63  }
0x1cc: {  	_ =	swait.ge [sflag:s23], $0x3200  }
0x1cd: {  	[sflag:s23] =	ssyncset.done $0x0  }
0x1ce: {  	s14 =	rddreg [dreg:$0x9];
	[sflag:s23] =	ssyncadd.s32 $0xFFFFCE00  }
0x1cf: {  	[tilespmem:s19], [sflag:$0x2] =	stream.indirect.gather [hbm4b:s4+s18], $0x80, s14, s18, $0xb8;
	[tilespmem:$0x1C000] =	vst v63  }
0x1d0: {  	_ =	swait.ge [sflag:s20], $0x3200  }
0x1d1: {  	[sflag:s20] =	ssyncset.done $0x0  }
0x1d2: {  	s12 =	rddreg [dreg:$0xa];
	[sflag:s20] =	ssyncadd.s32 $0xFFFFCE00  }
0x1d3: {  	[spmem:s2] =	stream.indirect.scatter.add.f32 [tilespmem:s15], [sflag:$0x3], $0x80, s12, s18, $0xb8;
	[tilespmem:$0x1C000] =	vst v63  }
0x1d4: {  	_ =	swait.ge [sflag:s21], $0x3200  }
0x1d5: {  	[sflag:s21] =	ssyncset.done $0x0  }
0x1d6: {  	s13 =	rddreg [dreg:$0xb];
	[sflag:s21] =	ssyncadd.s32 $0xFFFFCE00  }
0x1d7: {  	[tilespmem:s15], [sflag:$0x1] =	stream.indirect.gather [hbm4b:s4+s18], $0x80, s13, s18, $0xb8;
	[tilespmem:$0x1C000] =	vst v63  }
0x1d8: {  	_ =	swait.ge [sflag:s22], $0x3200  }
0x1d9: {  	[sflag:s22] =	ssyncset.done $0x0  }
0x1da: {  	s14 =	rddreg [dreg:$0xc];
	[sflag:s22] =	ssyncadd.s32 $0xFFFFCE00  }
0x1db: {  	[spmem:s2] =	stream.indirect.scatter.add.f32 [tilespmem:s19], [sflag:$0x4], $0x80, s14, s18, $0xb8;
	[tilespmem:$0x1C000] =	vst v63  }
0x1dc: {  	_ =	swait.ge [sflag:s23], $0x3200  }
0x1dd: {  	[sflag:s23] =	ssyncset.done $0x0  }
0x1de: {  	s12 =	rddreg [dreg:$0xd];
	[sflag:s23] =	ssyncadd.s32 $0xFFFFCE00  }
0x1df: {  	[tilespmem:s19], [sflag:$0x2] =	stream.indirect.gather [hbm4b:s4+s18], $0x80, s12, s18, $0xb8;
	[tilespmem:$0x1C000] =	vst v63  }
0x1e0: {  	_ =	swait.ge [sflag:s20], $0x3200  }
0x1e1: {  	[sflag:s20] =	ssyncset.done $0x0  }
0x1e2: {  	s13 =	rddreg [dreg:$0xe];
	[sflag:s20] =	ssyncadd.s32 $0xFFFFCE00  }
0x1e3: {  	[spmem:s2] =	stream.indirect.scatter.add.f32 [tilespmem:s15], [sflag:$0x3], $0x80, s13, s18, $0xb8;
	[tilespmem:$0x1C000] =	vst v63  }
0x1e4: {  	_ =	swait.ge [sflag:s21], $0x3200  }
0x1e5: {  	[sflag:s21] =	ssyncset.done $0x0  }
0x1e6: {  	s14 =	rddreg [dreg:$0xf];
	[sflag:s21] =	ssyncadd.s32 $0xFFFFCE00  }
0x1e7: {  	[tilespmem:s15], [sflag:$0x1] =	stream.indirect.gather [hbm4b:s4+s18], $0x80, s14, s18, $0xb8;
	[tilespmem:$0x1C000] =	vst v63  }
0x1e8: {  	_ =	swait.ge [sflag:s22], $0x3200  }
0x1e9: {  	[sflag:s22] =	ssyncset.done $0x0  }
0x1ea: {  	s12 =	rddreg [dreg:$0x10];
	[sflag:s22] =	ssyncadd.s32 $0xFFFFCE00  }
0x1eb: {  	[spmem:s2] =	stream.indirect.scatter.add.f32 [tilespmem:s19], [sflag:$0x4], $0x80, s12, s18, $0xb8;
	[tilespmem:$0x1C000] =	vst v63  }
0x1ec: {  	_ =	swait.ge [sflag:s23], $0x3200  }
0x1ed: {  	[sflag:s23] =	ssyncset.done $0x0  }
0x1ee: {  	s13 =	rddreg [dreg:$0x11];
	[sflag:s23] =	ssyncadd.s32 $0xFFFFCE00  }
0x1ef: {  	[tilespmem:s19], [sflag:$0x2] =	stream.indirect.gather [hbm4b:s4+s18], $0x80, s13, s18, $0xb8;
	[tilespmem:$0x1C000] =	vst v63  }
0x1f0: {  	_ =	swait.ge [sflag:s20], $0x3200  }
0x1f1: {  	[sflag:s20] =	ssyncset.done $0x0  }
0x1f2: {  	s14 =	rddreg [dreg:$0x12];
	[sflag:s20] =	ssyncadd.s32 $0xFFFFCE00  }
0x1f3: {  	[spmem:s2] =	stream.indirect.scatter.add.f32 [tilespmem:s15], [sflag:$0x3], $0x80, s14, s18, $0xb8;
	[tilespmem:$0x1C000] =	vst v63  }
0x1f4: {  	_ =	swait.ge [sflag:s21], $0x3200  }
0x1f5: {  	[sflag:s21] =	ssyncset.done $0x0  }
0x1f6: {  	s12 =	rddreg [dreg:$0x13];
	[sflag:s21] =	ssyncadd.s32 $0xFFFFCE00  }
0x1f7: {  	[tilespmem:s15], [sflag:$0x1] =	stream.indirect.gather [hbm4b:s4+s18], $0x80, s12, s18, $0xb8;
	[tilespmem:$0x1C000] =	vst v63  }
0x1f8: {  	_ =	swait.ge [sflag:s22], $0x3200  }
0x1f9: {  	[sflag:s22] =	ssyncset.done $0x0  }
0x1fa: {  	s13 =	rddreg [dreg:$0x14];
	[sflag:s22] =	ssyncadd.s32 $0xFFFFCE00  }
0x1fb: {  	[spmem:s2] =	stream.indirect.scatter.add.f32 [tilespmem:s19], [sflag:$0x4], $0x80, s13, s18, $0xb8;
	[tilespmem:$0x1C000] =	vst v63  }
0x1fc: {  	_ =	swait.ge [sflag:s23], $0x3200  }
0x1fd: {  	[sflag:s23] =	ssyncset.done $0x0  }
0x1fe: {  	s14 =	rddreg [dreg:$0x15];
	[sflag:s23] =	ssyncadd.s32 $0xFFFFCE00  }
0x1ff: {  	[tilespmem:s19], [sflag:$0x2] =	stream.indirect.gather [hbm4b:s4+s18], $0x80, s14, s18, $0xb8;
	[tilespmem:$0x1C000] =	vst v63  }
0x200: {  	_ =	swait.ge [sflag:s20], $0x3200  }
0x201: {  	[sflag:s20] =	ssyncset.done $0x0  }
0x202: {  	s12 =	rddreg [dreg:$0x16];
	[sflag:s20] =	ssyncadd.s32 $0xFFFFCE00  }
0x203: {  	[spmem:s2] =	stream.indirect.scatter.add.f32 [tilespmem:s15], [sflag:$0x3], $0x80, s12, s18, $0xb8;
	[tilespmem:$0x1C000] =	vst v63  }
0x204: {  	_ =	swait.ge [sflag:s21], $0x3200  }
0x205: {  	[sflag:s21] =	ssyncset.done $0x0  }
0x206: {  	s13 =	rddreg [dreg:$0x17];
	[sflag:s21] =	ssyncadd.s32 $0xFFFFCE00  }
0x207: {  	[tilespmem:s15], [sflag:$0x1] =	stream.indirect.gather [hbm4b:s4+s18], $0x80, s13, s18, $0xb8;
	[tilespmem:$0x1C000] =	vst v63  }
0x208: {  	_ =	swait.ge [sflag:s22], $0x3200  }
0x209: {  	[sflag:s22] =	ssyncset.done $0x0  }
0x20a: {  	s14 =	rddreg [dreg:$0x18];
	[sflag:s22] =	ssyncadd.s32 $0xFFFFCE00  }
0x20b: {  	[spmem:s2] =	stream.indirect.scatter.add.f32 [tilespmem:s19], [sflag:$0x4], $0x80, s14, s18, $0xb8;
	[tilespmem:$0x1C000] =	vst v63  }
0x20c: {  	_ =	swait.ge [sflag:s23], $0x3200  }
0x20d: {  	[sflag:s23] =	ssyncset.done $0x0  }
0x20e: {  	s12 =	rddreg [dreg:$0x19];
	[sflag:s23] =	ssyncadd.s32 $0xFFFFCE00  }
0x20f: {  	[tilespmem:s19], [sflag:$0x2] =	stream.indirect.gather [hbm4b:s4+s18], $0x80, s12, s18, $0xb8;
	[tilespmem:$0x1C000] =	vst v63  }
0x210: {  	_ =	swait.ge [sflag:s20], $0x3200  }
0x211: {  	[sflag:s20] =	ssyncset.done $0x0  }
0x212: {  	s13 =	rddreg [dreg:$0x1a];
	[sflag:s20] =	ssyncadd.s32 $0xFFFFCE00  }
0x213: {  	[spmem:s2] =	stream.indirect.scatter.add.f32 [tilespmem:s15], [sflag:$0x3], $0x80, s13, s18, $0xb8;
	[tilespmem:$0x1C000] =	vst v63  }
0x214: {  	_ =	swait.ge [sflag:s21], $0x3200  }
0x215: {  	[sflag:s21] =	ssyncset.done $0x0  }
0x216: {  	s14 =	rddreg [dreg:$0x1b];
	[sflag:s21] =	ssyncadd.s32 $0xFFFFCE00  }
0x217: {  	[tilespmem:s15], [sflag:$0x1] =	stream.indirect.gather [hbm4b:s4+s18], $0x80, s14, s18, $0xb8;
	[tilespmem:$0x1C000] =	vst v63  }
0x218: {  	_ =	swait.ge [sflag:s22], $0x3200  }
0x219: {  	[sflag:s22] =	ssyncset.done $0x0  }
0x21a: {  	s12 =	rddreg [dreg:$0x1c];
	[sflag:s22] =	ssyncadd.s32 $0xFFFFCE00  }
0x21b: {  	[spmem:s2] =	stream.indirect.scatter.add.f32 [tilespmem:s19], [sflag:$0x4], $0x80, s12, s18, $0xb8;
	[tilespmem:$0x1C000] =	vst v63  }
0x21c: {  	_ =	swait.ge [sflag:s23], $0x3200  }
0x21d: {  	[sflag:s23] =	ssyncset.done $0x0  }
0x21e: {  	[sflag:s23] =	ssyncadd.s32 $0xFFFFCE00  }
0x21f: {  	[tilespmem:s19], [sflag:$0x2] =	stream.indirect.gather [hbm4b:s4+s18], $0x80, s24, s18, $0xb8;
	[tilespmem:$0x1C000] =	vst v63  }
0x220: {  	_ =	swait.ge [sflag:s20], $0x3200  }
0x221: {  	[sflag:s20] =	ssyncset.done $0x0  }
0x222: {  	[sflag:s20] =	ssyncadd.s32 $0xFFFFCE00  }
0x223: {  	[spmem:s2] =	stream.indirect.scatter.add.f32 [tilespmem:s15], [sflag:$0x3], $0x80, s25, s18, $0xb8;
	[tilespmem:$0x1C000] =	vst v63  }
0x224: {  	_ =	swait.ge [sflag:s21], $0x3200  }
0x225: {  	[sflag:s21] =	ssyncset.done $0x0  }
0x226: {  	[sflag:s21] =	ssyncadd.s32 $0xFFFFCE00  }
0x227: {  	[tilespmem:s15], [sflag:$0x1] =	stream.indirect.gather [hbm4b:s4+s18], $0x80, s26, s18, $0xb8;
	[tilespmem:$0x1C000] =	vst v63  }
0x228: {  	_ =	swait.ge [sflag:s22], $0x3200  }
0x229: {  	[sflag:s22] =	ssyncset.done $0x0  }
0x22a: {  	[sflag:s22] =	ssyncadd.s32 $0xFFFFCE00  }
0x22b: {  	[spmem:s2] =	stream.indirect.scatter.add.f32 [tilespmem:s19], [sflag:$0x4], $0x80, s28, s18, $0xb8;
	[tilespmem:$0x1C000] =	vst v63  }
0x22c: {  	_ =	swait.ge [sflag:s23], $0x3200  }
0x22d: {  	[sflag:s23] =	ssyncset.done $0x0  }
0x22e: {  	[sflag:s23] =	ssyncadd.s32 $0xFFFFCE00  }
0x22f: {  	[tilespmem:s19], [sflag:$0x2] =	stream.indirect.gather [hbm4b:s4+s18], $0x80, s29, s18, $0xb8;
	[tilespmem:$0x1C000] =	vst v63  }
0x230: {  	_ =	swait.ge [sflag:s20], $0x3200  }
0x231: {  	[sflag:s20] =	ssyncset.done $0x0  }
0x232: {  	[sflag:s20] =	ssyncadd.s32 $0xFFFFCE00  }
0x233: {  	[spmem:s2] =	stream.indirect.scatter.add.f32 [tilespmem:s15], [sflag:$0x3], $0x80, s30, s18, $0xb8;
	[tilespmem:$0x1C000] =	vst v63  }
0x234: {  	_ =	swait.ge [sflag:s21], $0x3200  }
0x235: {  	[sflag:s21] =	ssyncset.done $0x0  }
0x236: {  	[sflag:s21] =	ssyncadd.s32 $0xFFFFCE00  }
0x237: {  	[tilespmem:s15], [sflag:$0x1] =	stream.indirect.gather [hbm4b:s4+s18], $0x80, s31, s18, $0xb8;
	[tilespmem:$0x1C000] =	vst v63  }
0x238: {  	_ =	swait.ge [sflag:s22], $0x3200  }
0x239: {  	[sflag:s22] =	ssyncset.done $0x0  }
0x23a: {  	[sflag:s22] =	ssyncadd.s32 $0xFFFFCE00  }
0x23b: {  	[spmem:s2] =	stream.indirect.scatter.add.f32 [tilespmem:s19], [sflag:$0x4], $0x80, s1, s18, $0xb8;
	[tilespmem:$0x1C000] =	vst v63  }
0x23c: {  	_ =	swait.ge [sflag:s23], $0x3200  }
0x23d: {  	[sflag:s23] =	ssyncset.done $0x0  }
0x23e: {  	[sflag:s23] =	ssyncadd.s32 $0xFFFFCE00  }
0x23f: {  	[tilespmem:s19], [sflag:$0x2] =	stream.indirect.gather [hbm4b:s4+s18], $0x80, s0, s18, $0xb8;
	[tilespmem:$0x1C000] =	vst v63  }
0x240: {  	_ =	swait.ge [sflag:s20], $0x3200  }
0x241: {  	[sflag:s20] =	ssyncset.done $0x0  }
0x242: {  	[sflag:s20] =	ssyncadd.s32 $0xFFFFCE00  }
0x243: {  	[spmem:s2] =	stream.indirect.scatter.add.f32 [tilespmem:s15], [sflag:$0x3], $0x80, s6, s18, $0xb8;
	[tilespmem:$0x1C000] =	vst v63  }
0x244: {  	_ =	swait.ge [sflag:s21], $0x3200  }
0x245: {  	[sflag:s21] =	ssyncset.done $0x0  }
0x246: {  	[sflag:s21] =	ssyncadd.s32 $0xFFFFCE00  }
0x247: {  	[tilespmem:s15], [sflag:$0x1] =	stream.indirect.gather [hbm4b:s4+s18], $0x80, s7, s18, $0xb8;
	[tilespmem:$0x1C000] =	vst v63  }
0x248: {  	_ =	swait.ge [sflag:s22], $0x3200  }
0x249: {  	[sflag:s22] =	ssyncset.done $0x0  }
0x24a: {  	[sflag:s22] =	ssyncadd.s32 $0xFFFFCE00  }
0x24b: {  	[spmem:s2] =	stream.indirect.scatter.add.f32 [tilespmem:s19], [sflag:$0x4], $0x80, s8, s18, $0xb8;
	[tilespmem:$0x1C000] =	vst v63  }
0x24c: {  	_ =	swait.ge [sflag:s23], $0x3200  }
0x24d: {  	[sflag:s23] =	ssyncset.done $0x0  }
0x24e: {  	[sflag:s23] =	ssyncadd.s32 $0xFFFFCE00  }
0x24f: {  	[tilespmem:s19], [sflag:$0x2] =	stream.indirect.gather [hbm4b:s4+s18], $0x80, s9, s18, $0xb8;
	[tilespmem:$0x1C000] =	vst v63  }
0x250: {  	_ =	swait.ge [sflag:s20], $0x3200  }
0x251: {  	[sflag:s20] =	ssyncset.done $0x0  }
0x252: {  	[sflag:s20] =	ssyncadd.s32 $0xFFFFCE00  }
0x253: {  	[spmem:s2] =	stream.indirect.scatter.add.f32 [tilespmem:s15], [sflag:$0x3], $0x80, s10, s18, $0xb8;
	[tilespmem:$0x1C000] =	vst v63  }
0x254: {  	_ =	swait.ge [sflag:s22], $0x3200  }
0x255: {  	[sflag:s22] =	ssyncset.done $0x0  }
0x256: {  	[sflag:s22] =	ssyncadd.s32 $0xFFFFCE00  }
0x257: {  	[spmem:s2] =	stream.indirect.scatter.add.f32 [tilespmem:s19], [sflag:$0x4], $0x80, s11, s18, $0xb8;
	[tilespmem:$0x1C000] =	vst v63  }
0x258: {  	_ =	swait.ge [sflag:s21], $0x3200  }
0x259: {  	[sflag:s21] =	ssyncset.done $0x0  }
0x25a: {  	[sflag:s21] =	ssyncadd.s32 $0xFFFFCE00  }
0x25b: {  	_ =	swait.ge [sflag:s23], $0x3200  }
0x25c: {  	[sflag:s23] =	ssyncset.done $0x0  }
0x25d: {  	[sflag:s23] =	ssyncadd.s32 $0xFFFFCE00  }
0x25e: {  	[bflag:$0x0] =	sbarrier.arrive $0xFFFF  }
0x25f: {  	s13 =	stileid.u32;
	s14 =	sld [smem:$0x7FC]  }
0x260: {  	s5 =	sshll.u32 s13, $0x6;
	s12 =	rddreg [dreg:$0x1d]  }
0x261: {  	s5 =	sor.u32 $0x1C05, s5;
	s12 =	sshrl.u32 s12, $0x3  }
0x262: {  	[hbm:s14], [sflag:s5] =	dma.local [spmem:s12], $0x2800  }
0x263: {  	_ =	swait.ge [sflag:s16], $0x2800  }
0x264: {  	s13 =	sld [smem:$0x7F6]  }
0x265: {  	s14 =	sld [smem:$0x7FD];
	_ =	sdelay $0x1  }
0x266: {  	s12 =	sadd.s32 $0x1, s13  }
0x267: {  	p0 =	sne.s32 s12, s14  }
.Ltmp2:
0x268: {  	_ = 	snop;
	(pc) =	sbr.rel @p0 .LBB2_1-.Ltmp2, $3  }
0x269: {  	_ =	sdelay $0x1  }
0x26a: {  	[sflag:s16] =	ssyncset.done $0x0  }
0x26b: {  	[sflag:s16] =	ssyncadd.s32 $0xFFFFD800  }
0x26c: {  	_ =	sfence.sel $0x180000  }
0x26d: {  	[bflag:$0x0] =	sbarrier.arrive $0xFFFF  }
0x26e: {  	_ =	strace $0x9000004D  }
0x26f: {  	s0 =	stileid.u32;
	[bflag:$0x2] =	sbarrier.arrive $0xFFFF  }
0x270: {  	p0 =	sne.s32 s0, $0x0;
	s0 =	rddreg [dreg:$0x3]  }
0x271: {  	s0 =	sadd.s32 @!p0 $0x100000, s0  }
0x272: {  	[sflag:s0] =	ssyncadd.tile.s32 @!p0 $0x1;
	_ =	shalt  }
.Lfunc_end2:
_tile_overlayer_lowered:
.L_overlay_start_2:
0x273: {  	(tag) =	ssettag $0x2  }
0x274: {  	s0 =	rddreg [dreg:$0x0];
	s2 =	stileid.u32  }
0x275: {  	s1 =	rddreg [dreg:$0x1];
	p0 =	sne.s32 s2, $0x0  }
0x276: {  	s3 =	rddreg [dreg:$0x2];
	[bflag:$0x3] =	sbarrier.arrive $0xFFFF;
	s2 =	simm.s32 @!p0 $0x1C05  }
0x277: {  	[timem:s3], [sflag:s2] =	dma.local @!p0 [hbm:s0], s1  }
0x278: {  	s0 =	simm.s32 @!p0 $0x5  }
0x279: {  	_ =	swait.ge @!p0 [sflag:s0], s1  }
0x27a: {  	s1 =	ssub.s32 @!p0 $0x0, s1;
	[sflag:s0] =	ssyncset.done @!p0 $0x0  }
0x27b: {  	[sflag:s0] =	ssyncadd.s32 @!p0 s1  }
0x27c: {  	[bflag:$0x3] =	sbarrier.arrive $0xFFFF  }
0x27d: {  	_ =	shalt  }

// kernel: kernel.8.cloned.1.call-start
scs
__scs_entry_jumppad:
0x0: {  	(pc) =	sbr.rel $0x88, $3  }
0x1: {  	(tag) =	ssettag $0x0;
	lr =	simm.s32 $0x1  }
0x2: {  	[smem:$0x3F9B] =	sst lr;
	_ =	strace $0xD0000000  }
0x3: {  	_ = 	snop  }
0x4: {  	_ = 	snop  }
0x5: {  	_ = 	snop  }
0x6: {  	_ = 	snop  }
0x7: {  	_ = 	snop  }
__scs_overlays_trampoline_lowered:
0x8: {  	[smem:$0x3FAA] =	sst s0  }
0x9: {  	[smem:$0x3FAB] =	sst s1  }
0xa: {  	[smem:$0x3FAC] =	sst s2  }
0xb: {  	[smem:$0x3FAD] =	sst s3  }
0xc: {  	[smem:$0x3FAE] =	sst s4  }
0xd: {  	[smem:$0x3FAF] =	sst s5  }
0xe: {  	[smem:$0x3FB0] =	sst s6  }
0xf: {  	[smem:$0x3FB1] =	sst s7  }
0x10: {  	[smem:$0x3FB2] =	sst s8  }
0x11: {  	[smem:$0x3FB3] =	sst s9;
	s0 =	simm.s32 @!p0 $0x0  }
0x12: {  	s1 =	sld [smem:$0x3F99];
	s0 =	simm.s32 @p0 $0x1  }
0x13: {  	[smem:$0x3FB4] =	sst s0;
	s0 =	simm.s32 @!p1 $0x0  }
0x14: {  	s2 =	sld [smem:$0x3F98];
	s0 =	simm.s32 @p1 $0x1  }
0x15: {  	[smem:$0x3FB5] =	sst s0;
	s0 =	simm.s32 @!p2 $0x0  }
0x16: {  	s3 =	sld [smem:$0x3FDB];
	s0 =	simm.s32 @p2 $0x1  }
0x17: {  	s4 =	simm.s32 $0x1BF5;
	[smem:$0x3FB7] =	sst s0  }
0x18: {  	s0 =	sld [smem:$0x3F9A];
	_ =	swait.ge [sflag:s4], $0x0  }
0x19: {  	s7 =	sld [smem:$0x3F9B]  }
0x1a: {  	s8 =	sadd.s32 $0xFFFFE003, lr  }
0x1b: {  	s9 =	sadd.s32 $0xFFFFFEF7, lr;
	s5 =	simm.s32 $0xFFFFFFFF;
	p2 =	slt.u32 s8, $0xFFFFF086  }
0x1c: {  	p1 =	slt.u32 s9, $0xF7A;
	s5 =	simm.s32 @!p2 $0x0  }
0x1d: {  	s5 =	simm.s32 @p1 $0x1;
	p0 =	seq.s32 s7, s2  }
0x1e: {  	s7 =	smul.u32 @!p0 $0xF7A, s2;
	p2 =	seq.s32 @!p0 s5, $0x0  }
0x1f: {  	s9 =	smul.u32 $0xF7A, s1;
	s8 =	simm.s32 @!p0 $0x1BF5;
	p2 =	por !p2, p0  }
0x20: {  	[sflag:s8] =	ssyncset.s32 @!p0 $0xFFFFF086;
	s6 =	sadd.s32 @!p0 s3, s7;
	s7 =	simm.s32 @!p0 $0x108  }
0x21: {  	s3 =	sadd.s32 s3, s9;
	s6 =	sadd.s32 @!p0 $0x88, s6;
	s7 =	simm.s32 @p2 $0x1082  }
0x22: {  	[simem:s7], [sflag:s8] =	dma.local @!p0 [hbm:s6], $0xF7A  }
0x23: {  	s9 =	sor.u32 $0xD0000000, s2;
	s6 =	simm.s32 $0x108;
	_ =	swait.ge @!p0 [sflag:s8], $0x0  }
0x24: {  	s3 =	sadd.s32 $0x88, s3;
	s6 =	simm.s32 @!p1 $0x1082;
	[sflag:s4] =	ssyncset.s32 $0xFFFFF086  }
0x25: {  	[simem:s6], [sflag:s4] =	dma.local [hbm:s3], $0xF7A  }
0x26: {  	[smem:$0x3F9B] =	sst s1;
	(tag) =	ssettag s2;
	_ =	strace s9  }
0x27: {  	s1 =	sld [smem:$0x3FAB]  }
0x28: {  	s2 =	sld [smem:$0x3FAC]  }
0x29: {  	s4 =	sld [smem:$0x3FAE]  }
0x2a: {  	p0 =	seq.s32 s5, $0x0;
	s5 =	sld [smem:$0x3FAF]  }
0x2b: {  	s6 =	sld [smem:$0x3FB0]  }
0x2c: {  	s7 =	sld [smem:$0x3FB1]  }
0x2d: {  	s3 =	simm.s32 $0x108;
	s8 =	sld [smem:$0x3FB2]  }
0x2e: {  	s3 =	simm.s32 @!p0 $0x1082;
	s9 =	sld [smem:$0x3FB3]  }
0x2f: {  	lr =	sadd.s32 s0, s3;
	s0 =	sld [smem:$0x3FAA]  }
0x30: {  	s3 =	sld [smem:$0x3FAD]  }
0x31: {  	[smem:$0x3FB6] =	sst s10  }
0x32: {  	s10 =	sld [smem:$0x3FB4];
	_ =	sdelay $0x3  }
0x33: {  	p0 =	seq.s32 s10, $0x1;
	s10 =	sld [smem:$0x3FB6];
	_ =	sdelay $0x3  }
0x34: {  	[smem:$0x3FB6] =	sst s10  }
0x35: {  	s10 =	sld [smem:$0x3FB5];
	_ =	sdelay $0x3  }
0x36: {  	p1 =	seq.s32 s10, $0x1;
	s10 =	sld [smem:$0x3FB6];
	_ =	sdelay $0x3  }
0x37: {  	[smem:$0x3FB6] =	sst s10  }
0x38: {  	s10 =	sld [smem:$0x3FB7]  }
0x39: {  	_ = 	snop;
	(pc) =	sbr.ind lr, $3  }
0x3a: {  	_ = 	snop  }
0x3b: {  	_ = 	snop  }
0x3c: {  	p2 =	seq.s32 s10, $0x1;
	s10 =	sld [smem:$0x3FB6]  }
0x3d: {  	_ =	shalt  }
0x3e: {  	_ =	shalt  }
0x3f: {  	_ =	shalt  }
0x40: {  	_ =	shalt  }
0x41: {  	_ =	shalt  }
0x42: {  	_ =	shalt  }
0x43: {  	_ =	shalt  }
0x44: {  	_ =	shalt  }
0x45: {  	_ =	shalt  }
0x46: {  	_ =	shalt  }
0x47: {  	_ =	shalt  }
0x48: {  	_ =	shalt  }
0x49: {  	_ =	shalt  }
0x4a: {  	_ =	shalt  }
0x4b: {  	_ =	shalt  }
0x4c: {  	_ =	shalt  }
0x4d: {  	_ =	shalt  }
0x4e: {  	_ =	shalt  }
0x4f: {  	_ =	shalt  }
0x50: {  	_ =	shalt  }
0x51: {  	_ =	shalt  }
0x52: {  	_ =	shalt  }
0x53: {  	_ =	shalt  }
0x54: {  	_ =	shalt  }
0x55: {  	_ =	shalt  }
0x56: {  	_ =	shalt  }
0x57: {  	_ =	shalt  }
0x58: {  	_ =	shalt  }
0x59: {  	_ =	shalt  }
0x5a: {  	_ =	shalt  }
0x5b: {  	_ =	shalt  }
0x5c: {  	_ =	shalt  }
0x5d: {  	_ =	shalt  }
0x5e: {  	_ =	shalt  }
0x5f: {  	_ =	shalt  }
0x60: {  	_ =	shalt  }
0x61: {  	_ =	shalt  }
0x62: {  	_ =	shalt  }
0x63: {  	_ =	shalt  }
0x64: {  	_ =	shalt  }
0x65: {  	_ =	shalt  }
0x66: {  	_ =	shalt  }
0x67: {  	_ =	shalt  }
0x68: {  	_ =	shalt  }
0x69: {  	_ =	shalt  }
0x6a: {  	_ =	shalt  }
0x6b: {  	_ =	shalt  }
0x6c: {  	_ =	shalt  }
0x6d: {  	_ =	shalt  }
0x6e: {  	_ =	shalt  }
0x6f: {  	_ =	shalt  }
0x70: {  	_ =	shalt  }
0x71: {  	_ =	shalt  }
0x72: {  	_ =	shalt  }
0x73: {  	_ =	shalt  }
0x74: {  	_ =	shalt  }
0x75: {  	_ =	shalt  }
0x76: {  	_ =	shalt  }
0x77: {  	_ =	shalt  }
0x78: {  	_ =	shalt  }
0x79: {  	_ =	shalt  }
0x7a: {  	_ =	shalt  }
0x7b: {  	_ =	shalt  }
0x7c: {  	_ =	shalt  }
0x7d: {  	_ =	shalt  }
0x7e: {  	_ =	shalt  }
0x7f: {  	_ =	shalt  }
0x80: {  	_ =	shalt  }
0x81: {  	_ =	shalt  }
0x82: {  	_ =	shalt  }
0x83: {  	_ =	shalt  }
0x84: {  	_ =	shalt  }
0x85: {  	_ =	shalt  }
0x86: {  	_ =	shalt  }
0x87: {  	_ =	shalt  }
.Lfunc_end0:
.L_simem_size_0:
called_computation_lowered:
.L_overlay_start_0:
0x88: {  	s2 =	sld [smem:$0x3FD9]  }
0x89: {  	s3 =	sld [smem:$0x3FFE];
	_ =	sdelay $0x1  }
0x8a: {  	s1 =	srdreg.scid  }
0x8b: {  	s0 =	sand.u32 $0x1, s1  }
0x8c: {  	s17 =	sshll.u32 s0, $0xA;
	s2 =	sadd.s32 s3, s2  }
0x8d: {  	s2 =	sadd.s32 s2, s17  }
0x8e: {  	[smem:$0x3FC2] =	sst s2  }
0x8f: {  	_ = 	snop  }
0x90: {  	s2 =	sld [smem:$0x3FD0];
	(tm) =	ssettm $0x1  }
0x91: {  	s18 =	sld [smem:$0x3FFB];
	_ =	sdelay $0x3  }
0x92: {  	_ =	strace s18  }
0x93: {  	s3 =	sld [smem:$0x3FFC];
	_ =	sdelay $0x3  }
0x94: {  	_ =	strace s3  }
0x95: {  	s3 =	sld [smem:$0x3FFD];
	_ =	sdelay $0x3  }
0x96: {  	_ =	strace s3  }
0x97: {  	_ =	strace $0x8FFFFFFF  }
0x98: {  	s19 =	sld [smem:$0x3FDB];
	_ =	sdelay $0x1  }
0x99: {  	s4 =	simm.s32 $_scs_section_size  }
0x9a: {  	s5 =	simm.s32 $_size__tile_overlayer_lowered;
	s6 =	simm.s32 $_tile_overlayer_lowered  }
0x9b: {  	s22 =	simm.s32 $0x1BFF;
	s21 =	sshll.u32 s6, $0x1;
	s3 =	sadd.s32 s4, s19  }
0x9c: {  	s7 =	simm.s32 $0x0;
	s20 =	sshll.u32 s5, $0x1;
	s5 =	sadd.s32 s21, s3  }
0x9d: {  	[timem:s7], [sflag:s22] =	dma.local [hbm:s5], s20  }
0x9e: {  	_ =	swait.ge [sflag:s22], s20  }
0x9f: {  	s4 =	ssub.s32 $0x0, s20;
	[sflag:s22] =	ssyncset.done $0x0  }
0xa0: {  	[sflag:s22] =	ssyncadd.s32 s4;
	_ =	sdelay $0x1  }
0xa1: {  	s23 =	simm.s32 $0x1B8B  }
0xa2: {  	_ =	swait.ge [sflag:s23], $0x1  }
0xa3: {  	[sflag:s23] =	ssyncset.done $0x0  }
0xa4: {  	s25 =	simm.s32 $0x1B8E;
	s24 =	sld [smem:$0x3FFE];
	[sflag:s23] =	ssyncadd.s32 $0xFFFFFFFF  }
0xa5: {  	s26 =	simm.s32 $execute0_lowered;
	[smem:$0x3FD2] =	sst s25  }
0xa6: {  	s5 =	sshll.u32 s26, $0x1;
	_ =	strace $0x80000046;
	[dreg:$0x1] =	wrdreg $0xFFFFFFFF  }
0xa7: {  	s28 =	simm.s32 $_size_execute0_lowered;
	s3 =	sadd.s32 s3, s5;
	[dreg:$0x0] =	wrdreg $0x0  }
0xa8: {  	s5 =	sshll.u32 s28, $0x1;
	[dreg:$0x2] =	wrdreg s3  }
0xa9: {  	[dreg:$0x3] =	wrdreg s5  }
0xaa: {  	[dreg:$0x4] =	wrdreg $0xC0  }
0xab: {  	_ =	task [dreg:s7], $0x5FFFF  }
0xac: {  	[dreg:$0x1] =	wrdreg $0xFFFFFFFF  }
0xad: {  	[dreg:$0x0] =	wrdreg $0x60  }
0xae: {  	[dreg:$0x2] =	wrdreg s2  }
0xaf: {  	[dreg:$0x3] =	wrdreg s24  }
0xb0: {  	[dreg:$0x4] =	wrdreg $0xF000  }
0xb1: {  	[dreg:$0x5] =	wrdreg $0x9  }
0xb2: {  	_ =	task.clear_ibuf [dreg:s7], $0x6FFFF;
	_ =	strace $0x90000046  }
0xb3: {  	s29 =	simm.s32 $0x9;
	_ =	strace $0x80000048  }
0xb4: {  	_ =	swait.ge [sflag:s29], $0x1  }
0xb5: {  	[sflag:s29] =	ssyncadd.s32 $0xFFFFFFFF  }
0xb6: {  	_ =	strace $0x90000048  }
0xb7: {  	_ =	sfence  }
0xb8: {  	s30 =	sld [smem:$0x0];
	_ =	sdelay $0x2  }
0xb9: {  	s31 =	sshll.u32 s1, $0xD;
	s1 =	sshrl.u32 s1, $0x2  }
0xba: {  	s3 =	sand.u32 $0x4000, s31;
	s1 =	sadd.s32 s1, s30  }
0xbb: {  	s0 =	sor.u32 s3, s0;
	s1 =	sshll.u32 s1, $0x11  }
0xbc: {  	s0 =	sor.u32 s1, s0  }
0xbd: {  	s0 =	sadd.s32 $0x8F2B, s0  }
0xbe: {  	[sflag:s0] =	ssyncadd.remote.s32 $0x1  }
0xbf: {  	_ =	sfence.sel $0xFFFF  }
0xc0: {  	[dreg:$0x0] =	wrdreg $0xFFFFFFFF;
	(pc) =	sbr.abs _section_cstart, $3  }
0xc1: {  	[dreg:$0x1] =	wrdreg $0xFFFFFFFF  }
0xc2: {  	_ =	task.clear_ibuf [dreg:s7], $0x2FFFF;
	_ =	strace $0x9FFFFFFF  }
0xc3: {  	(tm) =	ssettm $0x7FFFFFFF  }
tec
execute0_lowered:
.L_overlay_start_1:
0x0: {  	(tag) =	ssettag $0x1  }
0x1: {  	s0 =	rddreg [dreg:$0x0]  }
0x2: {  	s1 =	rddreg [dreg:$0x1]  }
0x3: {  	s2 =	rddreg [dreg:$0x2];
	s3 =	srdreg.scid  }
0x4: {  	s8 =	stileid.u32;
	s9 =	simm.s32 $0x3;
	s10 =	simm.s32 $0x64  }
0x5: {  	s11 =	simm.s32 $0xC00;
	s12 =	simm.s32 $0x80;
	s13 =	simm.s32 $0x1  }
0x6: {  	s14 =	simm.s32 $0x100;
	s15 =	simm.s32 $0x2;
	s16 =	simm.s32 $0x180  }
0x7: {  	s17 =	simm.s32 $0x200;
	s18 =	simm.s32 $0x280;
	s19 =	simm.s32 $0x300  }
0x8: {  	s20 =	simm.s32 $0x380;
	s21 =	simm.s32 $0x400;
	s28 =	simm.s32 $0x700  }
0x9: {  	s29 =	simm.s32 $0x780;
	s30 =	simm.s32 $0x800;
	s5 =	smul.u32 $0x500, s8  }
0xa: {  	s31 =	simm.s32 $0x880;
	s4 =	sand.u32 $0x1, s3;
	s7 =	smul.u32 $0xA00, s8  }
0xb: {  	s3 =	simm.s32 $0x0;
	s22 =	smul.u32 $0x7800, s8;
	s8 =	simm.s32 $0x980  }
0xc: {  	s6 =	sshll.u32 s4, $0x7;
	[smem:$0x7FF] =	sst s3;
	s23 =	ssub.s32 $0x2, s4  }
0xd: {  	s4 =	smul.u32 $0x3C00, s4;
	s5 =	sor.u32 s6, s5;
	_ =	strace $0x80000047  }
0xe: {  	s24 =	sshrl.u32 s23, $0x1;
	s7 =	sshrl.u32 s7, $0x2;
	s5 =	sshrl.u32 s5, $0x3  }
0xf: {  	s4 =	sadd.s32 s4, s22;
	s6 =	sadd.s32 s7, s2;
	s22 =	simm.s32 $0x480  }
0x10: {  	s1 =	sadd.s32 s5, s1;
	s5 =	ssub.s32 s23, s24;
	s25 =	sshrl.u32 s4, $0x3  }
0x11: {  	s23 =	simm.s32 $0x500;
	s24 =	simm.s32 $0x580;
	s4 =	simm.s32 $0x0  }
0x12: {  	[dreg:$0x4] =	wrdreg s6;
	s1 =	sadd.s32 $0x2200, s1;
	s26 =	smax.u32 s5, $0x1  }
0x13: {  	s7 =	sadd.s32 s25, s0;
	s25 =	simm.s32 $0x600;
	[dreg:$0x5] =	wrdreg s1  }
0x14: {  	v0 =	vimm.f32 $1.000000000e+00;
	v1 =	vimm.f32 $0.0e+00;
	s0 =	simm.s32 $0x900;
	[dreg:$0x6] =	wrdreg s26;
	s26 =	simm.s32 $0x680  }
.LBB2_1:
0x15: {  	[tilespmem:$0xC00] =	vst v0  }
0x16: {  	[tilespmem:$0xC10] =	vst v0  }
0x17: {  	[tilespmem:$0xC20] =	vst v0  }
0x18: {  	[tilespmem:$0xC30] =	vst v0  }
0x19: {  	[tilespmem:$0xC40] =	vst v0  }
0x1a: {  	[tilespmem:$0xC50] =	vst v0  }
0x1b: {  	[tilespmem:$0xC60] =	vst v0  }
0x1c: {  	[tilespmem:$0xC70] =	vst v0  }
0x1d: {  	[tilespmem:$0xC80] =	vst v1  }
0x1e: {  	[tilespmem:$0xC90] =	vst v1  }
0x1f: {  	[tilespmem:$0xCA0] =	vst v1  }
0x20: {  	[tilespmem:$0xCB0] =	vst v1  }
0x21: {  	[tilespmem:$0xCC0] =	vst v1  }
0x22: {  	[tilespmem:$0xCD0] =	vst v1  }
0x23: {  	[tilespmem:$0xCE0] =	vst v1  }
0x24: {  	[tilespmem:$0xCF0] =	vst v1  }
0x25: {  	[tilespmem:$0xD00] =	vst v1  }
0x26: {  	[tilespmem:$0xD10] =	vst v1  }
0x27: {  	[tilespmem:$0xD20] =	vst v1  }
0x28: {  	[tilespmem:$0xD30] =	vst v1  }
0x29: {  	[tilespmem:$0xD40] =	vst v1  }
0x2a: {  	[tilespmem:$0xD50] =	vst v1  }
0x2b: {  	[tilespmem:$0xD60] =	vst v1  }
0x2c: {  	[tilespmem:$0xD70] =	vst v1  }
0x2d: {  	[tilespmem:$0xD80] =	vst v1  }
0x2e: {  	[tilespmem:$0xD90] =	vst v1  }
0x2f: {  	[tilespmem:$0xDA0] =	vst v1  }
0x30: {  	[tilespmem:$0xDB0] =	vst v1  }
0x31: {  	[tilespmem:$0xDC0] =	vst v1  }
0x32: {  	[tilespmem:$0xDD0] =	vst v1  }
0x33: {  	[tilespmem:$0xDE0] =	vst v1  }
0x34: {  	[tilespmem:$0xDF0] =	vst v1  }
0x35: {  	[tilespmem:$0xE00] =	vst v1  }
0x36: {  	[tilespmem:$0xE10] =	vst v1  }
0x37: {  	[tilespmem:$0xE20] =	vst v1  }
0x38: {  	[tilespmem:$0xE30] =	vst v1  }
0x39: {  	[tilespmem:$0xE40] =	vst v1  }
0x3a: {  	[tilespmem:$0xE50] =	vst v1  }
0x3b: {  	[tilespmem:$0xE60] =	vst v1  }
0x3c: {  	[tilespmem:$0xE70] =	vst v1  }
0x3d: {  	[tilespmem:$0xE80] =	vst v1  }
0x3e: {  	[tilespmem:$0xE90] =	vst v1  }
0x3f: {  	[tilespmem:$0xEA0] =	vst v1  }
0x40: {  	[tilespmem:$0xEB0] =	vst v1  }
0x41: {  	[tilespmem:$0xEC0] =	vst v1  }
0x42: {  	[tilespmem:$0xED0] =	vst v1  }
0x43: {  	[tilespmem:$0xEE0] =	vst v1  }
0x44: {  	[dreg:$0x7] =	wrdreg s4;
	[tilespmem:$0xEF0] =	vst v1;
	s1 =	simm.s32 $0xC80  }
0x45: {  	[spmem:s6] =	stream.linear.scatter [tilespmem:s1], [sflag:$0x3], $0x280, $0x38;
	[tilespmem:$0x1180] =	vst v63  }
0x46: {  	_ =	swait.ge [sflag:s9], $0x280  }
0x47: {  	[sflag:s9] =	ssyncset.done $0x0  }
0x48: {  	[sflag:s9] =	ssyncadd.s32 $0xFFFFFD80  }
0x49: {  	s6 =	sadd.s32 $0x0, s7;
	[bflag:$0x0] =	sbarrier.arrive $0xFFFF  }
0x4a: {  	[tilespmem:s3], [sflag:$0x3] =	stream.linear.gather [hbm4b:s6+s3], $0xA00, $0x38;
	[tilespmem:$0x1180] =	vst v63  }
0x4b: {  	_ =	swait.ge [sflag:s9], $0xA00  }
0x4c: {  	[sflag:s9] =	ssyncset.done $0x0  }
0x4d: {  	[sflag:s9] =	ssyncadd.s32 $0xFFFFF600  }
0x4e: {  	[spmem:s2] =	stream.indirect.scatter.add.f32 [tilespmem:s11], [sflag:$0x1], $0x1, s3, s10, $0xb8;
	[tilespmem:$0x1180] =	vst v63  }
0x4f: {  	_ = 	snop  }
0x50: {  	[spmem:s2] =	stream.indirect.scatter.add.f32 [tilespmem:s11], [sflag:$0x2], $0x1, s12, s10, $0xb8;
	[tilespmem:$0x1180] =	vst v63  }
0x51: {  	_ =	swait.ge [sflag:s13], $0x64  }
0x52: {  	[sflag:s13] =	ssyncset.done $0x0  }
0x53: {  	[sflag:s13] =	ssyncadd.s32 $0xFFFFFF9C  }
0x54: {  	[spmem:s2] =	stream.indirect.scatter.add.f32 [tilespmem:s11], [sflag:$0x1], $0x1, s14, s10, $0xb8;
	[tilespmem:$0x1180] =	vst v63  }
0x55: {  	_ =	swait.ge [sflag:s15], $0x64  }
0x56: {  	[sflag:s15] =	ssyncset.done $0x0  }
0x57: {  	[sflag:s15] =	ssyncadd.s32 $0xFFFFFF9C  }
0x58: {  	[spmem:s2] =	stream.indirect.scatter.add.f32 [tilespmem:s11], [sflag:$0x2], $0x1, s16, s10, $0xb8;
	[tilespmem:$0x1180] =	vst v63  }
0x59: {  	_ =	swait.ge [sflag:s13], $0x64  }
0x5a: {  	[sflag:s13] =	ssyncset.done $0x0  }
0x5b: {  	[sflag:s13] =	ssyncadd.s32 $0xFFFFFF9C  }
0x5c: {  	[spmem:s2] =	stream.indirect.scatter.add.f32 [tilespmem:s11], [sflag:$0x1], $0x1, s17, s10, $0xb8;
	[tilespmem:$0x1180] =	vst v63  }
0x5d: {  	_ =	swait.ge [sflag:s15], $0x64  }
0x5e: {  	[sflag:s15] =	ssyncset.done $0x0  }
0x5f: {  	[sflag:s15] =	ssyncadd.s32 $0xFFFFFF9C  }
0x60: {  	[spmem:s2] =	stream.indirect.scatter.add.f32 [tilespmem:s11], [sflag:$0x2], $0x1, s18, s10, $0xb8;
	[tilespmem:$0x1180] =	vst v63  }
0x61: {  	_ =	swait.ge [sflag:s13], $0x64  }
0x62: {  	[sflag:s13] =	ssyncset.done $0x0  }
0x63: {  	[sflag:s13] =	ssyncadd.s32 $0xFFFFFF9C  }
0x64: {  	[spmem:s2] =	stream.indirect.scatter.add.f32 [tilespmem:s11], [sflag:$0x1], $0x1, s19, s10, $0xb8;
	[tilespmem:$0x1180] =	vst v63  }
0x65: {  	_ =	swait.ge [sflag:s15], $0x64  }
0x66: {  	[sflag:s15] =	ssyncset.done $0x0  }
0x67: {  	[sflag:s15] =	ssyncadd.s32 $0xFFFFFF9C  }
0x68: {  	[spmem:s2] =	stream.indirect.scatter.add.f32 [tilespmem:s11], [sflag:$0x2], $0x1, s20, s10, $0xb8;
	[tilespmem:$0x1180] =	vst v63  }
0x69: {  	_ =	swait.ge [sflag:s13], $0x64  }
0x6a: {  	[sflag:s13] =	ssyncset.done $0x0  }
0x6b: {  	[sflag:s13] =	ssyncadd.s32 $0xFFFFFF9C  }
0x6c: {  	[spmem:s2] =	stream.indirect.scatter.add.f32 [tilespmem:s11], [sflag:$0x1], $0x1, s21, s10, $0xb8;
	[tilespmem:$0x1180] =	vst v63  }
0x6d: {  	_ =	swait.ge [sflag:s15], $0x64  }
0x6e: {  	[sflag:s15] =	ssyncset.done $0x0  }
0x6f: {  	[sflag:s15] =	ssyncadd.s32 $0xFFFFFF9C  }
0x70: {  	[spmem:s2] =	stream.indirect.scatter.add.f32 [tilespmem:s11], [sflag:$0x2], $0x1, s22, s10, $0xb8;
	[tilespmem:$0x1180] =	vst v63  }
0x71: {  	_ =	swait.ge [sflag:s13], $0x64  }
0x72: {  	[sflag:s13] =	ssyncset.done $0x0  }
0x73: {  	[sflag:s13] =	ssyncadd.s32 $0xFFFFFF9C  }
0x74: {  	[spmem:s2] =	stream.indirect.scatter.add.f32 [tilespmem:s11], [sflag:$0x1], $0x1, s23, s10, $0xb8;
	[tilespmem:$0x1180] =	vst v63  }
0x75: {  	_ =	swait.ge [sflag:s15], $0x64  }
0x76: {  	[sflag:s15] =	ssyncset.done $0x0  }
0x77: {  	[sflag:s15] =	ssyncadd.s32 $0xFFFFFF9C  }
0x78: {  	[spmem:s2] =	stream.indirect.scatter.add.f32 [tilespmem:s11], [sflag:$0x2], $0x1, s24, s10, $0xb8;
	[tilespmem:$0x1180] =	vst v63  }
0x79: {  	_ =	swait.ge [sflag:s13], $0x64  }
0x7a: {  	[sflag:s13] =	ssyncset.done $0x0  }
0x7b: {  	[sflag:s13] =	ssyncadd.s32 $0xFFFFFF9C  }
0x7c: {  	[spmem:s2] =	stream.indirect.scatter.add.f32 [tilespmem:s11], [sflag:$0x1], $0x1, s25, s10, $0xb8;
	[tilespmem:$0x1180] =	vst v63  }
0x7d: {  	_ =	swait.ge [sflag:s15], $0x64  }
0x7e: {  	[sflag:s15] =	ssyncset.done $0x0  }
0x7f: {  	[sflag:s15] =	ssyncadd.s32 $0xFFFFFF9C  }
0x80: {  	[spmem:s2] =	stream.indirect.scatter.add.f32 [tilespmem:s11], [sflag:$0x2], $0x1, s26, s10, $0xb8;
	[tilespmem:$0x1180] =	vst v63  }
0x81: {  	_ =	swait.ge [sflag:s13], $0x64  }
0x82: {  	[sflag:s13] =	ssyncset.done $0x0  }
0x83: {  	[sflag:s13] =	ssyncadd.s32 $0xFFFFFF9C  }
0x84: {  	[spmem:s2] =	stream.indirect.scatter.add.f32 [tilespmem:s11], [sflag:$0x1], $0x1, s28, s10, $0xb8;
	[tilespmem:$0x1180] =	vst v63  }
0x85: {  	_ =	swait.ge [sflag:s15], $0x64  }
0x86: {  	[sflag:s15] =	ssyncset.done $0x0  }
0x87: {  	[sflag:s15] =	ssyncadd.s32 $0xFFFFFF9C  }
0x88: {  	[spmem:s2] =	stream.indirect.scatter.add.f32 [tilespmem:s11], [sflag:$0x2], $0x1, s29, s10, $0xb8;
	[tilespmem:$0x1180] =	vst v63  }
0x89: {  	_ =	swait.ge [sflag:s13], $0x64  }
0x8a: {  	[sflag:s13] =	ssyncset.done $0x0  }
0x8b: {  	[sflag:s13] =	ssyncadd.s32 $0xFFFFFF9C  }
0x8c: {  	[spmem:s2] =	stream.indirect.scatter.add.f32 [tilespmem:s11], [sflag:$0x1], $0x1, s30, s10, $0xb8;
	[tilespmem:$0x1180] =	vst v63  }
0x8d: {  	_ =	swait.ge [sflag:s15], $0x64  }
0x8e: {  	[sflag:s15] =	ssyncset.done $0x0  }
0x8f: {  	[sflag:s15] =	ssyncadd.s32 $0xFFFFFF9C  }
0x90: {  	[spmem:s2] =	stream.indirect.scatter.add.f32 [tilespmem:s11], [sflag:$0x2], $0x1, s31, s10, $0xb8;
	[tilespmem:$0x1180] =	vst v63  }
0x91: {  	_ =	swait.ge [sflag:s13], $0x64  }
0x92: {  	[sflag:s13] =	ssyncset.done $0x0  }
0x93: {  	[sflag:s13] =	ssyncadd.s32 $0xFFFFFF9C  }
0x94: {  	[spmem:s2] =	stream.indirect.scatter.add.f32 [tilespmem:s11], [sflag:$0x1], $0x1, s0, s10, $0xb8;
	[tilespmem:$0x1180] =	vst v63  }
0x95: {  	_ =	swait.ge [sflag:s15], $0x64  }
0x96: {  	[sflag:s15] =	ssyncset.done $0x0  }
0x97: {  	[sflag:s15] =	ssyncadd.s32 $0xFFFFFF9C  }
0x98: {  	[spmem:s2] =	stream.indirect.scatter.add.f32 [tilespmem:s11], [sflag:$0x2], $0x1, s8, s10, $0xb8;
	[tilespmem:$0x1180] =	vst v63  }
0x99: {  	_ =	swait.ge [sflag:s13], $0x64  }
0x9a: {  	[sflag:s13] =	ssyncset.done $0x0  }
0x9b: {  	[sflag:s13] =	ssyncadd.s32 $0xFFFFFF9C  }
0x9c: {  	_ =	swait.ge [sflag:s15], $0x64  }
0x9d: {  	s5 =	simm.s32 $0x180;
	s6 =	simm.s32 $0x300;
	[sflag:s15] =	ssyncset.done $0x0  }
.LBB2_2:
0x9e: {  	s1 =	sadd.s32 s5, s7  }
0x9f: {  	[sflag:s15] =	ssyncadd.s32 $0xFFFFFF9C;
	s5 =	smov.u32 s6;
	s4 =	sadd.s32 $0x180, s6  }
0xa0: {  	[tilespmem:s3], [sflag:$0x3] =	stream.linear.gather [hbm4b:s1+s3], $0xA00, $0x38;
	[tilespmem:$0x1180] =	vst v63  }
0xa1: {  	p0 =	sne.s32 s6, $0x600;
	_ =	swait.ge [sflag:s9], $0xA00  }
0xa2: {  	[sflag:s9] =	ssyncset.done $0x0  }
0xa3: {  	[sflag:s9] =	ssyncadd.s32 $0xFFFFF600  }
0xa4: {  	[spmem:s2] =	stream.indirect.scatter.add.f32 [tilespmem:s11], [sflag:$0x1], $0x1, s3, s10, $0xb8;
	[tilespmem:$0x1180] =	vst v63  }
0xa5: {  	_ = 	snop  }
0xa6: {  	[spmem:s2] =	stream.indirect.scatter.add.f32 [tilespmem:s11], [sflag:$0x2], $0x1, s12, s10, $0xb8;
	[tilespmem:$0x1180] =	vst v63  }
0xa7: {  	_ =	swait.ge [sflag:s13], $0x64  }
0xa8: {  	[sflag:s13] =	ssyncset.done $0x0  }
0xa9: {  	[sflag:s13] =	ssyncadd.s32 $0xFFFFFF9C  }
0xaa: {  	[spmem:s2] =	stream.indirect.scatter.add.f32 [tilespmem:s11], [sflag:$0x1], $0x1, s14, s10, $0xb8;
	[tilespmem:$0x1180] =	vst v63  }
0xab: {  	_ =	swait.ge [sflag:s15], $0x64  }
0xac: {  	[sflag:s15] =	ssyncset.done $0x0  }
0xad: {  	[sflag:s15] =	ssyncadd.s32 $0xFFFFFF9C  }
0xae: {  	[spmem:s2] =	stream.indirect.scatter.add.f32 [tilespmem:s11], [sflag:$0x2], $0x1, s16, s10, $0xb8;
	[tilespmem:$0x1180] =	vst v63  }
0xaf: {  	_ =	swait.ge [sflag:s13], $0x64  }
0xb0: {  	[sflag:s13] =	ssyncset.done $0x0  }
0xb1: {  	[sflag:s13] =	ssyncadd.s32 $0xFFFFFF9C  }
0xb2: {  	[spmem:s2] =	stream.indirect.scatter.add.f32 [tilespmem:s11], [sflag:$0x1], $0x1, s17, s10, $0xb8;
	[tilespmem:$0x1180] =	vst v63  }
0xb3: {  	_ =	swait.ge [sflag:s15], $0x64  }
0xb4: {  	[sflag:s15] =	ssyncset.done $0x0  }
0xb5: {  	[sflag:s15] =	ssyncadd.s32 $0xFFFFFF9C  }
0xb6: {  	[spmem:s2] =	stream.indirect.scatter.add.f32 [tilespmem:s11], [sflag:$0x2], $0x1, s18, s10, $0xb8;
	[tilespmem:$0x1180] =	vst v63  }
0xb7: {  	_ =	swait.ge [sflag:s13], $0x64  }
0xb8: {  	[sflag:s13] =	ssyncset.done $0x0  }
0xb9: {  	[sflag:s13] =	ssyncadd.s32 $0xFFFFFF9C  }
0xba: {  	[spmem:s2] =	stream.indirect.scatter.add.f32 [tilespmem:s11], [sflag:$0x1], $0x1, s19, s10, $0xb8;
	[tilespmem:$0x1180] =	vst v63  }
0xbb: {  	_ =	swait.ge [sflag:s15], $0x64  }
0xbc: {  	[sflag:s15] =	ssyncset.done $0x0  }
0xbd: {  	[sflag:s15] =	ssyncadd.s32 $0xFFFFFF9C  }
0xbe: {  	[spmem:s2] =	stream.indirect.scatter.add.f32 [tilespmem:s11], [sflag:$0x2], $0x1, s20, s10, $0xb8;
	[tilespmem:$0x1180] =	vst v63  }
0xbf: {  	_ =	swait.ge [sflag:s13], $0x64  }
0xc0: {  	[sflag:s13] =	ssyncset.done $0x0  }
0xc1: {  	[sflag:s13] =	ssyncadd.s32 $0xFFFFFF9C  }
0xc2: {  	[spmem:s2] =	stream.indirect.scatter.add.f32 [tilespmem:s11], [sflag:$0x1], $0x1, s21, s10, $0xb8;
	[tilespmem:$0x1180] =	vst v63  }
0xc3: {  	_ =	swait.ge [sflag:s15], $0x64  }
0xc4: {  	[sflag:s15] =	ssyncset.done $0x0  }
0xc5: {  	[sflag:s15] =	ssyncadd.s32 $0xFFFFFF9C  }
0xc6: {  	[spmem:s2] =	stream.indirect.scatter.add.f32 [tilespmem:s11], [sflag:$0x2], $0x1, s22, s10, $0xb8;
	[tilespmem:$0x1180] =	vst v63  }
0xc7: {  	_ =	swait.ge [sflag:s13], $0x64  }
0xc8: {  	[sflag:s13] =	ssyncset.done $0x0  }
0xc9: {  	[sflag:s13] =	ssyncadd.s32 $0xFFFFFF9C  }
0xca: {  	[spmem:s2] =	stream.indirect.scatter.add.f32 [tilespmem:s11], [sflag:$0x1], $0x1, s23, s10, $0xb8;
	[tilespmem:$0x1180] =	vst v63  }
0xcb: {  	_ =	swait.ge [sflag:s15], $0x64  }
0xcc: {  	[sflag:s15] =	ssyncset.done $0x0  }
0xcd: {  	[sflag:s15] =	ssyncadd.s32 $0xFFFFFF9C  }
0xce: {  	[spmem:s2] =	stream.indirect.scatter.add.f32 [tilespmem:s11], [sflag:$0x2], $0x1, s24, s10, $0xb8;
	[tilespmem:$0x1180] =	vst v63  }
0xcf: {  	_ =	swait.ge [sflag:s13], $0x64  }
0xd0: {  	[sflag:s13] =	ssyncset.done $0x0  }
0xd1: {  	[sflag:s13] =	ssyncadd.s32 $0xFFFFFF9C  }
0xd2: {  	[spmem:s2] =	stream.indirect.scatter.add.f32 [tilespmem:s11], [sflag:$0x1], $0x1, s25, s10, $0xb8;
	[tilespmem:$0x1180] =	vst v63  }
0xd3: {  	_ =	swait.ge [sflag:s15], $0x64  }
0xd4: {  	[sflag:s15] =	ssyncset.done $0x0  }
0xd5: {  	[sflag:s15] =	ssyncadd.s32 $0xFFFFFF9C  }
0xd6: {  	[spmem:s2] =	stream.indirect.scatter.add.f32 [tilespmem:s11], [sflag:$0x2], $0x1, s26, s10, $0xb8;
	[tilespmem:$0x1180] =	vst v63  }
0xd7: {  	_ =	swait.ge [sflag:s13], $0x64  }
0xd8: {  	[sflag:s13] =	ssyncset.done $0x0  }
0xd9: {  	[sflag:s13] =	ssyncadd.s32 $0xFFFFFF9C  }
0xda: {  	[spmem:s2] =	stream.indirect.scatter.add.f32 [tilespmem:s11], [sflag:$0x1], $0x1, s28, s10, $0xb8;
	[tilespmem:$0x1180] =	vst v63  }
0xdb: {  	_ =	swait.ge [sflag:s15], $0x64  }
0xdc: {  	[sflag:s15] =	ssyncset.done $0x0  }
0xdd: {  	[sflag:s15] =	ssyncadd.s32 $0xFFFFFF9C  }
0xde: {  	[spmem:s2] =	stream.indirect.scatter.add.f32 [tilespmem:s11], [sflag:$0x2], $0x1, s29, s10, $0xb8;
	[tilespmem:$0x1180] =	vst v63  }
0xdf: {  	_ =	swait.ge [sflag:s13], $0x64  }
0xe0: {  	[sflag:s13] =	ssyncset.done $0x0  }
0xe1: {  	[sflag:s13] =	ssyncadd.s32 $0xFFFFFF9C  }
0xe2: {  	[spmem:s2] =	stream.indirect.scatter.add.f32 [tilespmem:s11], [sflag:$0x1], $0x1, s30, s10, $0xb8;
	[tilespmem:$0x1180] =	vst v63  }
0xe3: {  	_ =	swait.ge [sflag:s15], $0x64  }
0xe4: {  	[sflag:s15] =	ssyncset.done $0x0  }
0xe5: {  	[sflag:s15] =	ssyncadd.s32 $0xFFFFFF9C  }
0xe6: {  	[spmem:s2] =	stream.indirect.scatter.add.f32 [tilespmem:s11], [sflag:$0x2], $0x1, s31, s10, $0xb8;
	[tilespmem:$0x1180] =	vst v63  }
0xe7: {  	_ =	swait.ge [sflag:s13], $0x64  }
0xe8: {  	[sflag:s13] =	ssyncset.done $0x0  }
0xe9: {  	[sflag:s13] =	ssyncadd.s32 $0xFFFFFF9C  }
0xea: {  	[spmem:s2] =	stream.indirect.scatter.add.f32 [tilespmem:s11], [sflag:$0x1], $0x1, s0, s10, $0xb8;
	[tilespmem:$0x1180] =	vst v63  }
0xeb: {  	_ =	swait.ge [sflag:s15], $0x64  }
0xec: {  	[sflag:s15] =	ssyncset.done $0x0  }
0xed: {  	[sflag:s15] =	ssyncadd.s32 $0xFFFFFF9C  }
0xee: {  	[spmem:s2] =	stream.indirect.scatter.add.f32 [tilespmem:s11], [sflag:$0x2], $0x1, s8, s10, $0xb8;
	[tilespmem:$0x1180] =	vst v63  }
.Ltmp0:
0xef: {  	_ =	swait.ge [sflag:s13], $0x64;
	(pc) =	sbr.rel @p0 .LBB2_2-.Ltmp0, $4  }
0xf0: {  	[sflag:s13] =	ssyncset.done $0x0  }
0xf1: {  	[sflag:s13] =	ssyncadd.s32 $0xFFFFFF9C  }
0xf2: {  	_ =	swait.ge [sflag:s15], $0x64  }
0xf3: {  	s6 =	smov.u32 s4;
	[sflag:s15] =	ssyncset.done $0x0  }
0xf4: {  	s1 =	sadd.s32 s5, s7;
	[sflag:s15] =	ssyncadd.s32 $0xFFFFFF9C  }
0xf5: {  	[tilespmem:s3], [sflag:$0x3] =	stream.linear.gather [hbm4b:s1+s3], $0xA00, $0x38;
	[tilespmem:$0x1180] =	vst v63  }
0xf6: {  	_ =	swait.ge [sflag:s9], $0xA00  }
0xf7: {  	[sflag:s9] =	ssyncset.done $0x0  }
0xf8: {  	[sflag:s9] =	ssyncadd.s32 $0xFFFFF600  }
0xf9: {  	[spmem:s2] =	stream.indirect.scatter.add.f32 [tilespmem:s11], [sflag:$0x1], $0x1, s3, s10, $0xb8;
	[tilespmem:$0x1180] =	vst v63  }
0xfa: {  	_ = 	snop  }
0xfb: {  	[spmem:s2] =	stream.indirect.scatter.add.f32 [tilespmem:s11], [sflag:$0x2], $0x1, s12, s10, $0xb8;
	[tilespmem:$0x1180] =	vst v63  }
0xfc: {  	_ =	swait.ge [sflag:s13], $0x64  }
0xfd: {  	[sflag:s13] =	ssyncset.done $0x0  }
0xfe: {  	[sflag:s13] =	ssyncadd.s32 $0xFFFFFF9C  }
0xff: {  	[spmem:s2] =	stream.indirect.scatter.add.f32 [tilespmem:s11], [sflag:$0x1], $0x1, s14, s10, $0xb8;
	[tilespmem:$0x1180] =	vst v63  }
0x100: {  	_ =	swait.ge [sflag:s15], $0x64  }
0x101: {  	[sflag:s15] =	ssyncset.done $0x0  }
0x102: {  	[sflag:s15] =	ssyncadd.s32 $0xFFFFFF9C  }
0x103: {  	[spmem:s2] =	stream.indirect.scatter.add.f32 [tilespmem:s11], [sflag:$0x2], $0x1, s16, s10, $0xb8;
	[tilespmem:$0x1180] =	vst v63  }
0x104: {  	_ =	swait.ge [sflag:s13], $0x64  }
0x105: {  	[sflag:s13] =	ssyncset.done $0x0  }
0x106: {  	[sflag:s13] =	ssyncadd.s32 $0xFFFFFF9C  }
0x107: {  	[spmem:s2] =	stream.indirect.scatter.add.f32 [tilespmem:s11], [sflag:$0x1], $0x1, s17, s10, $0xb8;
	[tilespmem:$0x1180] =	vst v63  }
0x108: {  	_ =	swait.ge [sflag:s15], $0x64  }
0x109: {  	[sflag:s15] =	ssyncset.done $0x0  }
0x10a: {  	[sflag:s15] =	ssyncadd.s32 $0xFFFFFF9C  }
0x10b: {  	[spmem:s2] =	stream.indirect.scatter.add.f32 [tilespmem:s11], [sflag:$0x2], $0x1, s18, s10, $0xb8;
	[tilespmem:$0x1180] =	vst v63  }
0x10c: {  	_ =	swait.ge [sflag:s13], $0x64  }
0x10d: {  	[sflag:s13] =	ssyncset.done $0x0  }
0x10e: {  	[sflag:s13] =	ssyncadd.s32 $0xFFFFFF9C  }
0x10f: {  	[spmem:s2] =	stream.indirect.scatter.add.f32 [tilespmem:s11], [sflag:$0x1], $0x1, s19, s10, $0xb8;
	[tilespmem:$0x1180] =	vst v63  }
0x110: {  	_ =	swait.ge [sflag:s15], $0x64  }
0x111: {  	[sflag:s15] =	ssyncset.done $0x0  }
0x112: {  	[sflag:s15] =	ssyncadd.s32 $0xFFFFFF9C  }
0x113: {  	[spmem:s2] =	stream.indirect.scatter.add.f32 [tilespmem:s11], [sflag:$0x2], $0x1, s20, s10, $0xb8;
	[tilespmem:$0x1180] =	vst v63  }
0x114: {  	_ =	swait.ge [sflag:s13], $0x64  }
0x115: {  	[sflag:s13] =	ssyncset.done $0x0  }
0x116: {  	[sflag:s13] =	ssyncadd.s32 $0xFFFFFF9C  }
0x117: {  	[spmem:s2] =	stream.indirect.scatter.add.f32 [tilespmem:s11], [sflag:$0x1], $0x1, s21, s10, $0xb8;
	[tilespmem:$0x1180] =	vst v63  }
0x118: {  	_ =	swait.ge [sflag:s15], $0x64  }
0x119: {  	[sflag:s15] =	ssyncset.done $0x0  }
0x11a: {  	[sflag:s15] =	ssyncadd.s32 $0xFFFFFF9C  }
0x11b: {  	[spmem:s2] =	stream.indirect.scatter.add.f32 [tilespmem:s11], [sflag:$0x2], $0x1, s22, s10, $0xb8;
	[tilespmem:$0x1180] =	vst v63  }
0x11c: {  	_ =	swait.ge [sflag:s13], $0x64  }
0x11d: {  	[sflag:s13] =	ssyncset.done $0x0  }
0x11e: {  	[sflag:s13] =	ssyncadd.s32 $0xFFFFFF9C  }
0x11f: {  	[spmem:s2] =	stream.indirect.scatter.add.f32 [tilespmem:s11], [sflag:$0x1], $0x1, s23, s10, $0xb8;
	[tilespmem:$0x1180] =	vst v63  }
0x120: {  	_ =	swait.ge [sflag:s15], $0x64  }
0x121: {  	[sflag:s15] =	ssyncset.done $0x0  }
0x122: {  	[sflag:s15] =	ssyncadd.s32 $0xFFFFFF9C  }
0x123: {  	[spmem:s2] =	stream.indirect.scatter.add.f32 [tilespmem:s11], [sflag:$0x2], $0x1, s24, s10, $0xb8;
	[tilespmem:$0x1180] =	vst v63  }
0x124: {  	_ =	swait.ge [sflag:s13], $0x64  }
0x125: {  	[sflag:s13] =	ssyncset.done $0x0  }
0x126: {  	[sflag:s13] =	ssyncadd.s32 $0xFFFFFF9C  }
0x127: {  	[spmem:s2] =	stream.indirect.scatter.add.f32 [tilespmem:s11], [sflag:$0x1], $0x1, s25, s10, $0xb8;
	[tilespmem:$0x1180] =	vst v63  }
0x128: {  	_ =	swait.ge [sflag:s15], $0x64  }
0x129: {  	[sflag:s15] =	ssyncset.done $0x0  }
0x12a: {  	[sflag:s15] =	ssyncadd.s32 $0xFFFFFF9C  }
0x12b: {  	[spmem:s2] =	stream.indirect.scatter.add.f32 [tilespmem:s11], [sflag:$0x2], $0x1, s26, s10, $0xb8;
	[tilespmem:$0x1180] =	vst v63  }
0x12c: {  	_ =	swait.ge [sflag:s13], $0x64  }
0x12d: {  	[sflag:s13] =	ssyncset.done $0x0  }
0x12e: {  	[sflag:s13] =	ssyncadd.s32 $0xFFFFFF9C  }
0x12f: {  	[spmem:s2] =	stream.indirect.scatter.add.f32 [tilespmem:s11], [sflag:$0x1], $0x1, s28, s10, $0xb8;
	[tilespmem:$0x1180] =	vst v63  }
0x130: {  	_ =	swait.ge [sflag:s15], $0x64  }
0x131: {  	[sflag:s15] =	ssyncset.done $0x0  }
0x132: {  	[sflag:s15] =	ssyncadd.s32 $0xFFFFFF9C  }
0x133: {  	[spmem:s2] =	stream.indirect.scatter.add.f32 [tilespmem:s11], [sflag:$0x2], $0x1, s29, s10, $0xb8;
	[tilespmem:$0x1180] =	vst v63  }
0x134: {  	_ =	swait.ge [sflag:s13], $0x64  }
0x135: {  	[sflag:s13] =	ssyncset.done $0x0  }
0x136: {  	[sflag:s13] =	ssyncadd.s32 $0xFFFFFF9C  }
0x137: {  	[spmem:s2] =	stream.indirect.scatter.add.f32 [tilespmem:s11], [sflag:$0x1], $0x1, s30, s10, $0xb8;
	[tilespmem:$0x1180] =	vst v63  }
0x138: {  	_ =	swait.ge [sflag:s15], $0x64  }
0x139: {  	[sflag:s15] =	ssyncset.done $0x0  }
0x13a: {  	[sflag:s15] =	ssyncadd.s32 $0xFFFFFF9C  }
0x13b: {  	[spmem:s2] =	stream.indirect.scatter.add.f32 [tilespmem:s11], [sflag:$0x2], $0x1, s31, s10, $0xb8;
	[tilespmem:$0x1180] =	vst v63  }
0x13c: {  	_ =	swait.ge [sflag:s13], $0x64  }
0x13d: {  	[sflag:s13] =	ssyncset.done $0x0  }
0x13e: {  	[sflag:s13] =	ssyncadd.s32 $0xFFFFFF9C  }
0x13f: {  	[spmem:s2] =	stream.indirect.scatter.add.f32 [tilespmem:s11], [sflag:$0x1], $0x1, s0, s10, $0xb8;
	[tilespmem:$0x1180] =	vst v63  }
0x140: {  	_ =	swait.ge [sflag:s15], $0x64  }
0x141: {  	[sflag:s15] =	ssyncset.done $0x0  }
0x142: {  	[sflag:s15] =	ssyncadd.s32 $0xFFFFFF9C  }
0x143: {  	[spmem:s2] =	stream.indirect.scatter.add.f32 [tilespmem:s11], [sflag:$0x2], $0x1, s8, s10, $0xb8;
	[tilespmem:$0x1180] =	vst v63  }
0x144: {  	_ =	swait.ge [sflag:s13], $0x64  }
0x145: {  	[sflag:s13] =	ssyncset.done $0x0  }
0x146: {  	[sflag:s13] =	ssyncadd.s32 $0xFFFFFF9C  }
0x147: {  	_ =	swait.ge [sflag:s15], $0x64  }
0x148: {  	s6 =	stileid.u32;
	[sflag:s15] =	ssyncset.done $0x0  }
0x149: {  	s1 =	sshll.u32 s6, $0x6;
	[sflag:s15] =	ssyncadd.s32 $0xFFFFFF9C  }
0x14a: {  	s1 =	sor.u32 $0x1C03, s1;
	[bflag:$0x0] =	sbarrier.arrive $0xFFFF  }
0x14b: {  	[dreg:$0x8] =	wrdreg s1  }
0x14c: {  	s12 =	rddreg [dreg:$0x4]  }
0x14d: {  	s6 =	simm.s32 $0x20;
	s5 =	rddreg [dreg:$0x5]  }
0x14e: {  	s1 =	simm.s32 $0x10;
	s4 =	sshrl.u32 s12, $0x3;
	s12 =	rddreg [dreg:$0x8]  }
0x14f: {  	[hbm:s5@s6], [sflag:s12] =	dma.strided [spmem:s4@s1], $0x50, s13, $0x10   }
0x150: {  	s6 =	rddreg [dreg:$0x4];
	_ =	swait.ge [sflag:s9], $0x50  }
0x151: {  	s1 =	rddreg [dreg:$0x7]  }
0x152: {  	s5 =	rddreg [dreg:$0x6];
	s4 =	sadd.s32 $0x1, s1  }
0x153: {  	p0 =	sne.s32 s4, s5  }
.Ltmp1:
0x154: {  	_ = 	snop;
	(pc) =	sbr.rel @p0 .LBB2_1-.Ltmp1, $3  }
0x155: {  	_ =	sdelay $0x1  }
0x156: {  	[sflag:s9] =	ssyncset.done $0x0  }
0x157: {  	s12 =	simm.s32 $0x80;
	[sflag:s9] =	ssyncadd.s32 $0xFFFFFFB0  }
0x158: {  	_ =	sfence.sel $0x180000  }
0x159: {  	[bflag:$0x0] =	sbarrier.arrive $0xFFFF  }
0x15a: {  	_ =	strace $0x90000047  }
0x15b: {  	s0 =	stileid.u32;
	[bflag:$0x2] =	sbarrier.arrive $0xFFFF  }
0x15c: {  	p0 =	sne.s32 s0, $0x0;
	s0 =	rddreg [dreg:$0x3]  }
0x15d: {  	s0 =	sadd.s32 @!p0 $0x100000, s0  }
0x15e: {  	[sflag:s0] =	ssyncadd.tile.s32 @!p0 $0x1;
	_ =	shalt  }
.Lfunc_end2:
_tile_overlayer_lowered:
.L_overlay_start_2:
0x15f: {  	(tag) =	ssettag $0x2  }
0x160: {  	s0 =	rddreg [dreg:$0x0];
	s2 =	stileid.u32  }
0x161: {  	s1 =	rddreg [dreg:$0x1];
	p0 =	sne.s32 s2, $0x0  }
0x162: {  	s3 =	rddreg [dreg:$0x2];
	[bflag:$0x3] =	sbarrier.arrive $0xFFFF;
	s2 =	simm.s32 @!p0 $0x1C03  }
0x163: {  	[timem:s3], [sflag:s2] =	dma.local @!p0 [hbm:s0], s1  }
0x164: {  	s0 =	simm.s32 @!p0 $0x3  }
0x165: {  	_ =	swait.ge @!p0 [sflag:s0], s1  }
0x166: {  	s1 =	ssub.s32 @!p0 $0x0, s1;
	[sflag:s0] =	ssyncset.done @!p0 $0x0  }
0x167: {  	[sflag:s0] =	ssyncadd.s32 @!p0 s1  }
0x168: {  	[bflag:$0x3] =	sbarrier.arrive $0xFFFF  }
0x169: {  	_ =	shalt  }

</sc_bundles>
